<compile_context>
chip_gen: v7x
topology: tpu7x:2x2x1
jax: 0.10.2.dev20260603
libtpu: 0.0.44.dev20260713+nightly
codegen_flags: <defaults>
</compile_context>

<pallas_src>
import functools

import jax
import jax.numpy as jnp
from jax import lax
from jax.experimental import pallas as pl
from jax.experimental.pallas import tpu as pltpu
from jax.experimental.pallas import tpu_sc as plsc

BATCH = 4096
SEQ = 200
D = 32
NC, NS = 2, 16
NW = NC * NS
BPW = BATCH // NW
CB = 8
NCHUNK = BPW // CB
GW = 40
NB = 2

_mesh = plsc.VectorSubcoreMesh(core_axis_name="c", subcore_axis_name="s")


@functools.partial(
    pl.kernel,
    mesh=_mesh,
    out_type=jax.ShapeDtypeStruct((BATCH, SEQ, D), jnp.float32),
    scratch_types=[
        pltpu.VMEM((NB, CB, SEQ), jnp.int32),
        pltpu.VMEM((NB, CB, SEQ, D), jnp.float32),
        pltpu.VMEM((SEQ, D), jnp.float32),
        pltpu.SemaphoreType.DMA,
        pltpu.SemaphoreType.DMA,
        pltpu.SemaphoreType.DMA,
    ],
    compiler_params=pltpu.CompilerParams(use_tc_tiling_on_sc=False),
)
def _emb_lookup(x_hbm, item_hbm, pos_hbm, out_hbm, idx_v, rows_v, pos_v,
                gsem, osem0, osem1):
    osems = (osem0, osem1)
    wid = lax.axis_index("s") * NC + lax.axis_index("c")
    pltpu.sync_copy(pos_hbm, pos_v)
    base_b = wid * BPW

    def chunk_b0(c):
        return pl.multiple_of(base_b + c * CB, CB)

    def fire_gathers(c, s):
        pltpu.sync_copy(x_hbm.at[pl.ds(chunk_b0(c), CB)], idx_v.at[s])
        for b in range(CB):
            for h in range(SEQ // GW):
                pltpu.async_copy(
                    item_hbm.at[idx_v.at[s, b, pl.ds(h * GW, GW)]],
                    rows_v.at[s, b, pl.ds(h * GW, GW)], gsem)

    def wait_gathers(s):
        for b in range(CB):
            for h in range(SEQ // GW):
                pltpu.make_async_copy(
                    item_hbm.at[idx_v.at[s, b, pl.ds(h * GW, GW)]],
                    rows_v.at[s, b, pl.ds(h * GW, GW)], gsem).wait()

    def out_copy(c, s, start=True):
        mk = pltpu.async_copy if start else pltpu.make_async_copy
        return mk(rows_v.at[s], out_hbm.at[pl.ds(chunk_b0(c), CB)],
                  osems[s])

    def pos_add(s):
        def row_body(r, rcarry):
            p0 = pos_v[r, pl.ds(0, 16)]
            p1 = pos_v[r, pl.ds(16, 16)]
            for b in range(CB):
                plsc.addupdate(rows_v.at[s, b, r, pl.ds(0, 16)], p0)
                plsc.addupdate(rows_v.at[s, b, r, pl.ds(16, 16)], p1)
            return rcarry
        lax.fori_loop(0, SEQ, row_body, 0)

    fire_gathers(0, 0)

    def outer_body(c0, carry):
        for b in range(NB):
            c = c0 + b
            s, sn = b, 1 - b
            @pl.when((c >= 1) & (c + 1 < NCHUNK))
            def _():
                out_copy(c - 1, sn, start=False).wait()
            @pl.when(c + 1 < NCHUNK)
            def _():
                fire_gathers(c + 1, sn)
            wait_gathers(s)
            pos_add(s)
            out_copy(c, s)
        return carry

    lax.fori_loop(0, NCHUNK // NB, lambda i, c: outer_body(i * NB, c), 0)
    for s in range(NB):
        pltpu.make_async_copy(rows_v.at[s],
                              out_hbm.at[pl.ds(chunk_b0(s), CB)],
                              osems[s]).wait()


def kernel(x, item_emb, pos_emb):
    return _emb_lookup(x, item_emb, pos_emb)

# --- scband reference (transcript-rebuilt; emitter-appended) ---
"""Pipeline reference for scband-embedding-layer-1065151890044 (READ-ONLY COPY).

The authoritative reference and input builder live on the scoring server;
editing this copy changes nothing except your own understanding.
"""

import jax, jax.numpy as jnp
import numpy as np

NUM_ITEMS = 1000000
HIDDEN_DIM = 32
MAX_SEQ_LEN = 200
BATCH = 4096

def setup_inputs(seed: int = 0) -> dict:
    key = jax.random.key(seed)
    k1, k2, k3 = jax.random.split(key, 3)
    x = jax.random.randint(k1, (BATCH, MAX_SEQ_LEN), 0, NUM_ITEMS, dtype=jnp.int32)
    item_emb = jax.random.normal(k2, (NUM_ITEMS + 1, HIDDEN_DIM), dtype=jnp.float32) * 0.02
    pos_emb = jax.random.normal(k3, (MAX_SEQ_LEN, HIDDEN_DIM), dtype=jnp.float32) * 0.02
    return {"x": x, "item_emb": item_emb, "pos_emb": pos_emb}

def reference(x, item_emb, pos_emb):
    # item embedding lookup
    h = jnp.take(item_emb, x, axis=0)  # [B, L, D]
    # positional embeddings: positions 0..max_seq_len-1 tiled over batch
    positions = jnp.tile(jnp.arange(MAX_SEQ_LEN, dtype=jnp.int32)[None, :], (x.shape[0], 1))  # [B, L]
    p = jnp.take(pos_emb, positions, axis=0)  # [B, L, D]
    return h + p

if __name__ == "__main__":
    import jax
    _d = setup_inputs()
    print(jax.jit(kernel)(*tuple(_d.values())))

</pallas_src>

<mosaic_0001>
#map = affine_map<(d0, d1) -> (0, 0)>
#map1 = affine_map<(d0, d1) -> (0, 0, 0)>
module attributes {stable_mosaic.version = 14 : i64} {
  func.func @_emb_lookup(%arg0: i32, %arg1: i32, %arg2: memref<4096x200xi32, #tpu.memory_space<hbm>>, %arg3: memref<1000001x32xf32, #tpu.memory_space<hbm>>, %arg4: memref<200x32xf32, #tpu.memory_space<hbm>>, %arg5: memref<4096x200x32xf32, #tpu.memory_space<hbm>>, %arg6: memref<2x8x200xi32, #tpu.memory_space<vmem>>, %arg7: memref<2x8x200x32xf32, #tpu.memory_space<vmem>>, %arg8: memref<200x32xf32, #tpu.memory_space<vmem>>, %arg9: memref<!tpu.dma_semaphore, #tpu.memory_space<semaphore_mem>>, %arg10: memref<!tpu.dma_semaphore, #tpu.memory_space<semaphore_mem>>, %arg11: memref<!tpu.dma_semaphore, #tpu.memory_space<semaphore_mem>>) attributes {dimension_semantics = [#tpu.dimension_semantics<core_parallel>, #tpu.dimension_semantics<subcore_parallel>], iteration_bounds = array<i64: 2, 16>, scalar_prefetch = 0 : i64, scratch_operands = 6 : i64, tpu.core_type = #tpu.core_type<sc_vector_subcore>, window_params = [{transform_indices = #map}, {transform_indices = #map}, {transform_indices = #map}, {transform_indices = #map1}]} {
    %mul3A = arith.constant 2 : i32
    %mul3A_0 = arith.muli %arg1, %mul3A : i32
    %add3A = arith.addi %mul3A_0, %arg0 : i32
    "tpu.region"() ({
      %run_scoped3A_608 = tpu.sem_alloc : memref<!tpu.dma_semaphore, #tpu.memory_space<semaphore_mem>>
      tpu.enqueue_dma source(%arg4 : memref<200x32xf32, #tpu.memory_space<hbm>>) target(%arg8 : memref<200x32xf32, #tpu.memory_space<vmem>>) target_semaphore(%run_scoped3A_608 : memref<!tpu.dma_semaphore, #tpu.memory_space<semaphore_mem>>)
      tpu.wait_dma2 semaphore(%run_scoped3A_608 : memref<!tpu.dma_semaphore, #tpu.memory_space<semaphore_mem>>) src(%arg4 : memref<200x32xf32, #tpu.memory_space<hbm>>) dst(%arg8 : memref<200x32xf32, #tpu.memory_space<vmem>>)
      tpu.yield
    }) : () -> ()
    %mul3A_1 = arith.constant 128 : i32
    %mul3A_2 = arith.muli %add3A, %mul3A_1 : i32
    %add3A_3 = arith.constant 0 : i32
    %add3A_4 = arith.addi %mul3A_2, %add3A_3 : i32
    %multiple_of3A = tpu.assume_multiple %add3A_4, 8 : i32
    %run_scoped3A = arith.constant 0 : i32
    "tpu.region"() ({
      %run_scoped3A_608 = tpu.sem_alloc : memref<!tpu.dma_semaphore, #tpu.memory_space<semaphore_mem>>
      %dma_start3A_609 = arith.constant 0 : i32
      %dma_start3A_610 = arith.constant 0 : i32
      %dma_start3A_611 = tpu.memref_slice %arg6[%run_scoped3A, %dma_start3A_609, %dma_start3A_610] : memref<2x8x200xi32, #tpu.memory_space<vmem>> -> memref<1x8x200xi32, #tpu.memory_space<vmem>>
      %dma_start3A_612 = tpu.memref_squeeze %dma_start3A_611 : memref<1x8x200xi32, #tpu.memory_space<vmem>> -> memref<8x200xi32, #tpu.memory_space<vmem>>
      %dma_start3A_613 = arith.constant 0 : i32
      %dma_start3A_614 = tpu.memref_slice %arg2[%multiple_of3A, %dma_start3A_613] : memref<4096x200xi32, #tpu.memory_space<hbm>> -> memref<8x200xi32, #tpu.memory_space<hbm>>
      %dma_start3A_615 = arith.constant 0 : i32
      %dma_start3A_616 = arith.constant 0 : i32
      %dma_start3A_617 = tpu.memref_slice %arg6[%run_scoped3A, %dma_start3A_615, %dma_start3A_616] : memref<2x8x200xi32, #tpu.memory_space<vmem>> -> memref<1x8x200xi32, #tpu.memory_space<vmem>>
      %dma_start3A_618 = tpu.memref_squeeze %dma_start3A_617 : memref<1x8x200xi32, #tpu.memory_space<vmem>> -> memref<8x200xi32, #tpu.memory_space<vmem>>
      %dma_start3A_619 = arith.constant 0 : i32
      %dma_start3A_620 = tpu.memref_slice %arg2[%multiple_of3A, %dma_start3A_619] : memref<4096x200xi32, #tpu.memory_space<hbm>> -> memref<8x200xi32, #tpu.memory_space<hbm>>
      tpu.enqueue_dma source(%dma_start3A_620 : memref<8x200xi32, #tpu.memory_space<hbm>>) target(%dma_start3A_618 : memref<8x200xi32, #tpu.memory_space<vmem>>) target_semaphore(%run_scoped3A_608 : memref<!tpu.dma_semaphore, #tpu.memory_space<semaphore_mem>>)
      %dma_wait3A_621 = arith.constant 0 : i32
      %dma_wait3A_622 = arith.constant 0 : i32
      %dma_wait3A_623 = tpu.memref_slice %arg6[%run_scoped3A, %dma_wait3A_621, %dma_wait3A_622] : memref<2x8x200xi32, #tpu.memory_space<vmem>> -> memref<1x8x200xi32, #tpu.memory_space<vmem>>
      %dma_wait3A_624 = tpu.memref_squeeze %dma_wait3A_623 : memref<1x8x200xi32, #tpu.memory_space<vmem>> -> memref<8x200xi32, #tpu.memory_space<vmem>>
      %dma_wait3A_625 = arith.constant 0 : i32
      %dma_wait3A_626 = tpu.memref_slice %arg2[%multiple_of3A, %dma_wait3A_625] : memref<4096x200xi32, #tpu.memory_space<hbm>> -> memref<8x200xi32, #tpu.memory_space<hbm>>
      %dma_wait3A_627 = arith.constant 0 : i32
      %dma_wait3A_628 = arith.constant 0 : i32
      %dma_wait3A_629 = tpu.memref_slice %arg6[%run_scoped3A, %dma_wait3A_627, %dma_wait3A_628] : memref<2x8x200xi32, #tpu.memory_space<vmem>> -> memref<1x8x200xi32, #tpu.memory_space<vmem>>
      %dma_wait3A_630 = tpu.memref_squeeze %dma_wait3A_629 : memref<1x8x200xi32, #tpu.memory_space<vmem>> -> memref<8x200xi32, #tpu.memory_space<vmem>>
      %dma_wait3A_631 = arith.constant 0 : i32
      %dma_wait3A_632 = tpu.memref_slice %arg2[%multiple_of3A, %dma_wait3A_631] : memref<4096x200xi32, #tpu.memory_space<hbm>> -> memref<8x200xi32, #tpu.memory_space<hbm>>
      tpu.wait_dma2 semaphore(%run_scoped3A_608 : memref<!tpu.dma_semaphore, #tpu.memory_space<semaphore_mem>>) src(%dma_wait3A_632 : memref<8x200xi32, #tpu.memory_space<hbm>>) dst(%dma_wait3A_630 : memref<8x200xi32, #tpu.memory_space<vmem>>)
      tpu.yield
    }) : () -> ()
    %dma_start3A = arith.constant 0 : i32
    %dma_start3A_5 = arith.constant 0 : i32
    %dma_start3A_6 = arith.constant 0 : i32
    %dma_start3A_7 = arith.constant 0 : i32
    %dma_start3A_8 = arith.constant 0 : i32
    %dma_start3A_9 = arith.constant 0 : i32
    %dma_start3A_10 = tpu.memref_slice %arg7[%dma_start3A_6, %dma_start3A_7, %dma_start3A_8, %dma_start3A_9] : memref<2x8x200x32xf32, #tpu.memory_space<vmem>> -> memref<1x1x40x32xf32, #tpu.memory_space<vmem>>
    %dma_start3A_11 = tpu.memref_squeeze %dma_start3A_10 : memref<1x1x40x32xf32, #tpu.memory_space<vmem>> -> memref<40x32xf32, #tpu.memory_space<vmem>>
    %dma_start3A_12 = arith.constant 0 : i32
    %dma_start3A_13 = tpu.memref_slice %arg6[%dma_start3A, %dma_start3A_5, %dma_start3A_12] : memref<2x8x200xi32, #tpu.memory_space<vmem>> -> memref<1x1x40xi32, #tpu.memory_space<vmem>>
    %dma_start3A_14 = tpu.memref_squeeze %dma_start3A_13 : memref<1x1x40xi32, #tpu.memory_space<vmem>> -> memref<40xi32, #tpu.memory_space<vmem>>
    %dma_start3A_15 = arith.constant 0 : i32
    %dma_start3A_16 = arith.constant 0 : i32
    %dma_start3A_17 = tpu.memref_slice %arg3[%dma_start3A_15, %dma_start3A_16] : memref<1000001x32xf32, #tpu.memory_space<hbm>> -> memref<1000001x32xf32, #tpu.memory_space<hbm>>
    tpu.enqueue_indirect_dma source(%dma_start3A_17 : memref<1000001x32xf32, #tpu.memory_space<hbm>>) target(%dma_start3A_11 : memref<40x32xf32, #tpu.memory_space<vmem>>) offsets(%dma_start3A_14 : memref<40xi32, #tpu.memory_space<vmem>>) semaphore(%arg9 : memref<!tpu.dma_semaphore, #tpu.memory_space<semaphore_mem>>)
    %dma_start3A_18 = arith.constant 0 : i32
    %dma_start3A_19 = arith.constant 0 : i32
    %dma_start3A_20 = arith.constant 0 : i32
    %dma_start3A_21 = arith.constant 0 : i32
    %dma_start3A_22 = arith.constant 40 : i32
    %dma_start3A_23 = arith.constant 0 : i32
    %dma_start3A_24 = tpu.memref_slice %arg7[%dma_start3A_20, %dma_start3A_21, %dma_start3A_22, %dma_start3A_23] : memref<2x8x200x32xf32, #tpu.memory_space<vmem>> -> memref<1x1x40x32xf32, #tpu.memory_space<vmem>>
    %dma_start3A_25 = tpu.memref_squeeze %dma_start3A_24 : memref<1x1x40x32xf32, #tpu.memory_space<vmem>> -> memref<40x32xf32, #tpu.memory_space<vmem>>
    %dma_start3A_26 = arith.constant 40 : i32
    %dma_start3A_27 = tpu.memref_slice %arg6[%dma_start3A_18, %dma_start3A_19, %dma_start3A_26] : memref<2x8x200xi32, #tpu.memory_space<vmem>> -> memref<1x1x40xi32, #tpu.memory_space<vmem>>
    %dma_start3A_28 = tpu.memref_squeeze %dma_start3A_27 : memref<1x1x40xi32, #tpu.memory_space<vmem>> -> memref<40xi32, #tpu.memory_space<vmem>>
    %dma_start3A_29 = arith.constant 0 : i32
    %dma_start3A_30 = arith.constant 0 : i32
    %dma_start3A_31 = tpu.memref_slice %arg3[%dma_start3A_29, %dma_start3A_30] : memref<1000001x32xf32, #tpu.memory_space<hbm>> -> memref<1000001x32xf32, #tpu.memory_space<hbm>>
    tpu.enqueue_indirect_dma source(%dma_start3A_31 : memref<1000001x32xf32, #tpu.memory_space<hbm>>) target(%dma_start3A_25 : memref<40x32xf32, #tpu.memory_space<vmem>>) offsets(%dma_start3A_28 : memref<40xi32, #tpu.memory_space<vmem>>) semaphore(%arg9 : memref<!tpu.dma_semaphore, #tpu.memory_space<semaphore_mem>>)
    %dma_start3A_32 = arith.constant 0 : i32
    %dma_start3A_33 = arith.constant 0 : i32
    %dma_start3A_34 = arith.constant 0 : i32
    %dma_start3A_35 = arith.constant 0 : i32
    %dma_start3A_36 = arith.constant 80 : i32
    %dma_start3A_37 = arith.constant 0 : i32
    %dma_start3A_38 = tpu.memref_slice %arg7[%dma_start3A_34, %dma_start3A_35, %dma_start3A_36, %dma_start3A_37] : memref<2x8x200x32xf32, #tpu.memory_space<vmem>> -> memref<1x1x40x32xf32, #tpu.memory_space<vmem>>
    %dma_start3A_39 = tpu.memref_squeeze %dma_start3A_38 : memref<1x1x40x32xf32, #tpu.memory_space<vmem>> -> memref<40x32xf32, #tpu.memory_space<vmem>>
    %dma_start3A_40 = arith.constant 80 : i32
    %dma_start3A_41 = tpu.memref_slice %arg6[%dma_start3A_32, %dma_start3A_33, %dma_start3A_40] : memref<2x8x200xi32, #tpu.memory_space<vmem>> -> memref<1x1x40xi32, #tpu.memory_space<vmem>>
    %dma_start3A_42 = tpu.memref_squeeze %dma_start3A_41 : memref<1x1x40xi32, #tpu.memory_space<vmem>> -> memref<40xi32, #tpu.memory_space<vmem>>
    %dma_start3A_43 = arith.constant 0 : i32
    %dma_start3A_44 = arith.constant 0 : i32
    %dma_start3A_45 = tpu.memref_slice %arg3[%dma_start3A_43, %dma_start3A_44] : memref<1000001x32xf32, #tpu.memory_space<hbm>> -> memref<1000001x32xf32, #tpu.memory_space<hbm>>
    tpu.enqueue_indirect_dma source(%dma_start3A_45 : memref<1000001x32xf32, #tpu.memory_space<hbm>>) target(%dma_start3A_39 : memref<40x32xf32, #tpu.memory_space<vmem>>) offsets(%dma_start3A_42 : memref<40xi32, #tpu.memory_space<vmem>>) semaphore(%arg9 : memref<!tpu.dma_semaphore, #tpu.memory_space<semaphore_mem>>)
    %dma_start3A_46 = arith.constant 0 : i32
    %dma_start3A_47 = arith.constant 0 : i32
    %dma_start3A_48 = arith.constant 0 : i32
    %dma_start3A_49 = arith.constant 0 : i32
    %dma_start3A_50 = arith.constant 120 : i32
    %dma_start3A_51 = arith.constant 0 : i32
    %dma_start3A_52 = tpu.memref_slice %arg7[%dma_start3A_48, %dma_start3A_49, %dma_start3A_50, %dma_start3A_51] : memref<2x8x200x32xf32, #tpu.memory_space<vmem>> -> memref<1x1x40x32xf32, #tpu.memory_space<vmem>>
    %dma_start3A_53 = tpu.memref_squeeze %dma_start3A_52 : memref<1x1x40x32xf32, #tpu.memory_space<vmem>> -> memref<40x32xf32, #tpu.memory_space<vmem>>
    %dma_start3A_54 = arith.constant 120 : i32
    %dma_start3A_55 = tpu.memref_slice %arg6[%dma_start3A_46, %dma_start3A_47, %dma_start3A_54] : memref<2x8x200xi32, #tpu.memory_space<vmem>> -> memref<1x1x40xi32, #tpu.memory_space<vmem>>
    %dma_start3A_56 = tpu.memref_squeeze %dma_start3A_55 : memref<1x1x40xi32, #tpu.memory_space<vmem>> -> memref<40xi32, #tpu.memory_space<vmem>>
    %dma_start3A_57 = arith.constant 0 : i32
    %dma_start3A_58 = arith.constant 0 : i32
    %dma_start3A_59 = tpu.memref_slice %arg3[%dma_start3A_57, %dma_start3A_58] : memref<1000001x32xf32, #tpu.memory_space<hbm>> -> memref<1000001x32xf32, #tpu.memory_space<hbm>>
    tpu.enqueue_indirect_dma source(%dma_start3A_59 : memref<1000001x32xf32, #tpu.memory_space<hbm>>) target(%dma_start3A_53 : memref<40x32xf32, #tpu.memory_space<vmem>>) offsets(%dma_start3A_56 : memref<40xi32, #tpu.memory_space<vmem>>) semaphore(%arg9 : memref<!tpu.dma_semaphore, #tpu.memory_space<semaphore_mem>>)
    %dma_start3A_60 = arith.constant 0 : i32
    %dma_start3A_61 = arith.constant 0 : i32
    %dma_start3A_62 = arith.constant 0 : i32
    %dma_start3A_63 = arith.constant 0 : i32
    %dma_start3A_64 = arith.constant 160 : i32
    %dma_start3A_65 = arith.constant 0 : i32
    %dma_start3A_66 = tpu.memref_slice %arg7[%dma_start3A_62, %dma_start3A_63, %dma_start3A_64, %dma_start3A_65] : memref<2x8x200x32xf32, #tpu.memory_space<vmem>> -> memref<1x1x40x32xf32, #tpu.memory_space<vmem>>
    %dma_start3A_67 = tpu.memref_squeeze %dma_start3A_66 : memref<1x1x40x32xf32, #tpu.memory_space<vmem>> -> memref<40x32xf32, #tpu.memory_space<vmem>>
    %dma_start3A_68 = arith.constant 160 : i32
    %dma_start3A_69 = tpu.memref_slice %arg6[%dma_start3A_60, %dma_start3A_61, %dma_start3A_68] : memref<2x8x200xi32, #tpu.memory_space<vmem>> -> memref<1x1x40xi32, #tpu.memory_space<vmem>>
    %dma_start3A_70 = tpu.memref_squeeze %dma_start3A_69 : memref<1x1x40xi32, #tpu.memory_space<vmem>> -> memref<40xi32, #tpu.memory_space<vmem>>
    %dma_start3A_71 = arith.constant 0 : i32
    %dma_start3A_72 = arith.constant 0 : i32
    %dma_start3A_73 = tpu.memref_slice %arg3[%dma_start3A_71, %dma_start3A_72] : memref<1000001x32xf32, #tpu.memory_space<hbm>> -> memref<1000001x32xf32, #tpu.memory_space<hbm>>
    tpu.enqueue_indirect_dma source(%dma_start3A_73 : memref<1000001x32xf32, #tpu.memory_space<hbm>>) target(%dma_start3A_67 : memref<40x32xf32, #tpu.memory_space<vmem>>) offsets(%dma_start3A_70 : memref<40xi32, #tpu.memory_space<vmem>>) semaphore(%arg9 : memref<!tpu.dma_semaphore, #tpu.memory_space<semaphore_mem>>)
    %dma_start3A_74 = arith.constant 0 : i32
    %dma_start3A_75 = arith.constant 1 : i32
    %dma_start3A_76 = arith.constant 0 : i32
    %dma_start3A_77 = arith.constant 1 : i32
    %dma_start3A_78 = arith.constant 0 : i32
    %dma_start3A_79 = arith.constant 0 : i32
    %dma_start3A_80 = tpu.memref_slice %arg7[%dma_start3A_76, %dma_start3A_77, %dma_start3A_78, %dma_start3A_79] : memref<2x8x200x32xf32, #tpu.memory_space<vmem>> -> memref<1x1x40x32xf32, #tpu.memory_space<vmem>>
    %dma_start3A_81 = tpu.memref_squeeze %dma_start3A_80 : memref<1x1x40x32xf32, #tpu.memory_space<vmem>> -> memref<40x32xf32, #tpu.memory_space<vmem>>
    %dma_start3A_82 = arith.constant 0 : i32
    %dma_start3A_83 = tpu.memref_slice %arg6[%dma_start3A_74, %dma_start3A_75, %dma_start3A_82] : memref<2x8x200xi32, #tpu.memory_space<vmem>> -> memref<1x1x40xi32, #tpu.memory_space<vmem>>
    %dma_start3A_84 = tpu.memref_squeeze %dma_start3A_83 : memref<1x1x40xi32, #tpu.memory_space<vmem>> -> memref<40xi32, #tpu.memory_space<vmem>>
    %dma_start3A_85 = arith.constant 0 : i32
    %dma_start3A_86 = arith.constant 0 : i32
    %dma_start3A_87 = tpu.memref_slice %arg3[%dma_start3A_85, %dma_start3A_86] : memref<1000001x32xf32, #tpu.memory_space<hbm>> -> memref<1000001x32xf32, #tpu.memory_space<hbm>>
    tpu.enqueue_indirect_dma source(%dma_start3A_87 : memref<1000001x32xf32, #tpu.memory_space<hbm>>) target(%dma_start3A_81 : memref<40x32xf32, #tpu.memory_space<vmem>>) offsets(%dma_start3A_84 : memref<40xi32, #tpu.memory_space<vmem>>) semaphore(%arg9 : memref<!tpu.dma_semaphore, #tpu.memory_space<semaphore_mem>>)
    %dma_start3A_88 = arith.constant 0 : i32
    %dma_start3A_89 = arith.constant 1 : i32
    %dma_start3A_90 = arith.constant 0 : i32
    %dma_start3A_91 = arith.constant 1 : i32
    %dma_start3A_92 = arith.constant 40 : i32
    %dma_start3A_93 = arith.constant 0 : i32
    %dma_start3A_94 = tpu.memref_slice %arg7[%dma_start3A_90, %dma_start3A_91, %dma_start3A_92, %dma_start3A_93] : memref<2x8x200x32xf32, #tpu.memory_space<vmem>> -> memref<1x1x40x32xf32, #tpu.memory_space<vmem>>
    %dma_start3A_95 = tpu.memref_squeeze %dma_start3A_94 : memref<1x1x40x32xf32, #tpu.memory_space<vmem>> -> memref<40x32xf32, #tpu.memory_space<vmem>>
    %dma_start3A_96 = arith.constant 40 : i32
    %dma_start3A_97 = tpu.memref_slice %arg6[%dma_start3A_88, %dma_start3A_89, %dma_start3A_96] : memref<2x8x200xi32, #tpu.memory_space<vmem>> -> memref<1x1x40xi32, #tpu.memory_space<vmem>>
    %dma_start3A_98 = tpu.memref_squeeze %dma_start3A_97 : memref<1x1x40xi32, #tpu.memory_space<vmem>> -> memref<40xi32, #tpu.memory_space<vmem>>
    %dma_start3A_99 = arith.constant 0 : i32
    %dma_start3A_100 = arith.constant 0 : i32
    %dma_start3A_101 = tpu.memref_slice %arg3[%dma_start3A_99, %dma_start3A_100] : memref<1000001x32xf32, #tpu.memory_space<hbm>> -> memref<1000001x32xf32, #tpu.memory_space<hbm>>
    tpu.enqueue_indirect_dma source(%dma_start3A_101 : memref<1000001x32xf32, #tpu.memory_space<hbm>>) target(%dma_start3A_95 : memref<40x32xf32, #tpu.memory_space<vmem>>) offsets(%dma_start3A_98 : memref<40xi32, #tpu.memory_space<vmem>>) semaphore(%arg9 : memref<!tpu.dma_semaphore, #tpu.memory_space<semaphore_mem>>)
    %dma_start3A_102 = arith.constant 0 : i32
    %dma_start3A_103 = arith.constant 1 : i32
    %dma_start3A_104 = arith.constant 0 : i32
    %dma_start3A_105 = arith.constant 1 : i32
    %dma_start3A_106 = arith.constant 80 : i32
    %dma_start3A_107 = arith.constant 0 : i32
    %dma_start3A_108 = tpu.memref_slice %arg7[%dma_start3A_104, %dma_start3A_105, %dma_start3A_106, %dma_start3A_107] : memref<2x8x200x32xf32, #tpu.memory_space<vmem>> -> memref<1x1x40x32xf32, #tpu.memory_space<vmem>>
    %dma_start3A_109 = tpu.memref_squeeze %dma_start3A_108 : memref<1x1x40x32xf32, #tpu.memory_space<vmem>> -> memref<40x32xf32, #tpu.memory_space<vmem>>
    %dma_start3A_110 = arith.constant 80 : i32
    %dma_start3A_111 = tpu.memref_slice %arg6[%dma_start3A_102, %dma_start3A_103, %dma_start3A_110] : memref<2x8x200xi32, #tpu.memory_space<vmem>> -> memref<1x1x40xi32, #tpu.memory_space<vmem>>
    %dma_start3A_112 = tpu.memref_squeeze %dma_start3A_111 : memref<1x1x40xi32, #tpu.memory_space<vmem>> -> memref<40xi32, #tpu.memory_space<vmem>>
    %dma_start3A_113 = arith.constant 0 : i32
    %dma_start3A_114 = arith.constant 0 : i32
    %dma_start3A_115 = tpu.memref_slice %arg3[%dma_start3A_113, %dma_start3A_114] : memref<1000001x32xf32, #tpu.memory_space<hbm>> -> memref<1000001x32xf32, #tpu.memory_space<hbm>>
    tpu.enqueue_indirect_dma source(%dma_start3A_115 : memref<1000001x32xf32, #tpu.memory_space<hbm>>) target(%dma_start3A_109 : memref<40x32xf32, #tpu.memory_space<vmem>>) offsets(%dma_start3A_112 : memref<40xi32, #tpu.memory_space<vmem>>) semaphore(%arg9 : memref<!tpu.dma_semaphore, #tpu.memory_space<semaphore_mem>>)
    %dma_start3A_116 = arith.constant 0 : i32
    %dma_start3A_117 = arith.constant 1 : i32
    %dma_start3A_118 = arith.constant 0 : i32
    %dma_start3A_119 = arith.constant 1 : i32
    %dma_start3A_120 = arith.constant 120 : i32
    %dma_start3A_121 = arith.constant 0 : i32
    %dma_start3A_122 = tpu.memref_slice %arg7[%dma_start3A_118, %dma_start3A_119, %dma_start3A_120, %dma_start3A_121] : memref<2x8x200x32xf32, #tpu.memory_space<vmem>> -> memref<1x1x40x32xf32, #tpu.memory_space<vmem>>
    %dma_start3A_123 = tpu.memref_squeeze %dma_start3A_122 : memref<1x1x40x32xf32, #tpu.memory_space<vmem>> -> memref<40x32xf32, #tpu.memory_space<vmem>>
    %dma_start3A_124 = arith.constant 120 : i32
    %dma_start3A_125 = tpu.memref_slice %arg6[%dma_start3A_116, %dma_start3A_117, %dma_start3A_124] : memref<2x8x200xi32, #tpu.memory_space<vmem>> -> memref<1x1x40xi32, #tpu.memory_space<vmem>>
    %dma_start3A_126 = tpu.memref_squeeze %dma_start3A_125 : memref<1x1x40xi32, #tpu.memory_space<vmem>> -> memref<40xi32, #tpu.memory_space<vmem>>
    %dma_start3A_127 = arith.constant 0 : i32
    %dma_start3A_128 = arith.constant 0 : i32
    %dma_start3A_129 = tpu.memref_slice %arg3[%dma_start3A_127, %dma_start3A_128] : memref<1000001x32xf32, #tpu.memory_space<hbm>> -> memref<1000001x32xf32, #tpu.memory_space<hbm>>
    tpu.enqueue_indirect_dma source(%dma_start3A_129 : memref<1000001x32xf32, #tpu.memory_space<hbm>>) target(%dma_start3A_123 : memref<40x32xf32, #tpu.memory_space<vmem>>) offsets(%dma_start3A_126 : memref<40xi32, #tpu.memory_space<vmem>>) semaphore(%arg9 : memref<!tpu.dma_semaphore, #tpu.memory_space<semaphore_mem>>)
    %dma_start3A_130 = arith.constant 0 : i32
    %dma_start3A_131 = arith.constant 1 : i32
    %dma_start3A_132 = arith.constant 0 : i32
    %dma_start3A_133 = arith.constant 1 : i32
    %dma_start3A_134 = arith.constant 160 : i32
    %dma_start3A_135 = arith.constant 0 : i32
    %dma_start3A_136 = tpu.memref_slice %arg7[%dma_start3A_132, %dma_start3A_133, %dma_start3A_134, %dma_start3A_135] : memref<2x8x200x32xf32, #tpu.memory_space<vmem>> -> memref<1x1x40x32xf32, #tpu.memory_space<vmem>>
    %dma_start3A_137 = tpu.memref_squeeze %dma_start3A_136 : memref<1x1x40x32xf32, #tpu.memory_space<vmem>> -> memref<40x32xf32, #tpu.memory_space<vmem>>
    %dma_start3A_138 = arith.constant 160 : i32
    %dma_start3A_139 = tpu.memref_slice %arg6[%dma_start3A_130, %dma_start3A_131, %dma_start3A_138] : memref<2x8x200xi32, #tpu.memory_space<vmem>> -> memref<1x1x40xi32, #tpu.memory_space<vmem>>
    %dma_start3A_140 = tpu.memref_squeeze %dma_start3A_139 : memref<1x1x40xi32, #tpu.memory_space<vmem>> -> memref<40xi32, #tpu.memory_space<vmem>>
    %dma_start3A_141 = arith.constant 0 : i32
    %dma_start3A_142 = arith.constant 0 : i32
    %dma_start3A_143 = tpu.memref_slice %arg3[%dma_start3A_141, %dma_start3A_142] : memref<1000001x32xf32, #tpu.memory_space<hbm>> -> memref<1000001x32xf32, #tpu.memory_space<hbm>>
    tpu.enqueue_indirect_dma source(%dma_start3A_143 : memref<1000001x32xf32, #tpu.memory_space<hbm>>) target(%dma_start3A_137 : memref<40x32xf32, #tpu.memory_space<vmem>>) offsets(%dma_start3A_140 : memref<40xi32, #tpu.memory_space<vmem>>) semaphore(%arg9 : memref<!tpu.dma_semaphore, #tpu.memory_space<semaphore_mem>>)
    %dma_start3A_144 = arith.constant 0 : i32
    %dma_start3A_145 = arith.constant 2 : i32
    %dma_start3A_146 = arith.constant 0 : i32
    %dma_start3A_147 = arith.constant 2 : i32
    %dma_start3A_148 = arith.constant 0 : i32
    %dma_start3A_149 = arith.constant 0 : i32
    %dma_start3A_150 = tpu.memref_slice %arg7[%dma_start3A_146, %dma_start3A_147, %dma_start3A_148, %dma_start3A_149] : memref<2x8x200x32xf32, #tpu.memory_space<vmem>> -> memref<1x1x40x32xf32, #tpu.memory_space<vmem>>
    %dma_start3A_151 = tpu.memref_squeeze %dma_start3A_150 : memref<1x1x40x32xf32, #tpu.memory_space<vmem>> -> memref<40x32xf32, #tpu.memory_space<vmem>>
    %dma_start3A_152 = arith.constant 0 : i32
    %dma_start3A_153 = tpu.memref_slice %arg6[%dma_start3A_144, %dma_start3A_145, %dma_start3A_152] : memref<2x8x200xi32, #tpu.memory_space<vmem>> -> memref<1x1x40xi32, #tpu.memory_space<vmem>>
    %dma_start3A_154 = tpu.memref_squeeze %dma_start3A_153 : memref<1x1x40xi32, #tpu.memory_space<vmem>> -> memref<40xi32, #tpu.memory_space<vmem>>
    %dma_start3A_155 = arith.constant 0 : i32
    %dma_start3A_156 = arith.constant 0 : i32
    %dma_start3A_157 = tpu.memref_slice %arg3[%dma_start3A_155, %dma_start3A_156] : memref<1000001x32xf32, #tpu.memory_space<hbm>> -> memref<1000001x32xf32, #tpu.memory_space<hbm>>
    tpu.enqueue_indirect_dma source(%dma_start3A_157 : memref<1000001x32xf32, #tpu.memory_space<hbm>>) target(%dma_start3A_151 : memref<40x32xf32, #tpu.memory_space<vmem>>) offsets(%dma_start3A_154 : memref<40xi32, #tpu.memory_space<vmem>>) semaphore(%arg9 : memref<!tpu.dma_semaphore, #tpu.memory_space<semaphore_mem>>)
    %dma_start3A_158 = arith.constant 0 : i32
    %dma_start3A_159 = arith.constant 2 : i32
    %dma_start3A_160 = arith.constant 0 : i32
    %dma_start3A_161 = arith.constant 2 : i32
    %dma_start3A_162 = arith.constant 40 : i32
    %dma_start3A_163 = arith.constant 0 : i32
    %dma_start3A_164 = tpu.memref_slice %arg7[%dma_start3A_160, %dma_start3A_161, %dma_start3A_162, %dma_start3A_163] : memref<2x8x200x32xf32, #tpu.memory_space<vmem>> -> memref<1x1x40x32xf32, #tpu.memory_space<vmem>>
    %dma_start3A_165 = tpu.memref_squeeze %dma_start3A_164 : memref<1x1x40x32xf32, #tpu.memory_space<vmem>> -> memref<40x32xf32, #tpu.memory_space<vmem>>
    %dma_start3A_166 = arith.constant 40 : i32
    %dma_start3A_167 = tpu.memref_slice %arg6[%dma_start3A_158, %dma_start3A_159, %dma_start3A_166] : memref<2x8x200xi32, #tpu.memory_space<vmem>> -> memref<1x1x40xi32, #tpu.memory_space<vmem>>
    %dma_start3A_168 = tpu.memref_squeeze %dma_start3A_167 : memref<1x1x40xi32, #tpu.memory_space<vmem>> -> memref<40xi32, #tpu.memory_space<vmem>>
    %dma_start3A_169 = arith.constant 0 : i32
    %dma_start3A_170 = arith.constant 0 : i32
    %dma_start3A_171 = tpu.memref_slice %arg3[%dma_start3A_169, %dma_start3A_170] : memref<1000001x32xf32, #tpu.memory_space<hbm>> -> memref<1000001x32xf32, #tpu.memory_space<hbm>>
    tpu.enqueue_indirect_dma source(%dma_start3A_171 : memref<1000001x32xf32, #tpu.memory_space<hbm>>) target(%dma_start3A_165 : memref<40x32xf32, #tpu.memory_space<vmem>>) offsets(%dma_start3A_168 : memref<40xi32, #tpu.memory_space<vmem>>) semaphore(%arg9 : memref<!tpu.dma_semaphore, #tpu.memory_space<semaphore_mem>>)
    %dma_start3A_172 = arith.constant 0 : i32
    %dma_start3A_173 = arith.constant 2 : i32
    %dma_start3A_174 = arith.constant 0 : i32
    %dma_start3A_175 = arith.constant 2 : i32
    %dma_start3A_176 = arith.constant 80 : i32
    %dma_start3A_177 = arith.constant 0 : i32
    %dma_start3A_178 = tpu.memref_slice %arg7[%dma_start3A_174, %dma_start3A_175, %dma_start3A_176, %dma_start3A_177] : memref<2x8x200x32xf32, #tpu.memory_space<vmem>> -> memref<1x1x40x32xf32, #tpu.memory_space<vmem>>
    %dma_start3A_179 = tpu.memref_squeeze %dma_start3A_178 : memref<1x1x40x32xf32, #tpu.memory_space<vmem>> -> memref<40x32xf32, #tpu.memory_space<vmem>>
    %dma_start3A_180 = arith.constant 80 : i32
    %dma_start3A_181 = tpu.memref_slice %arg6[%dma_start3A_172, %dma_start3A_173, %dma_start3A_180] : memref<2x8x200xi32, #tpu.memory_space<vmem>> -> memref<1x1x40xi32, #tpu.memory_space<vmem>>
    %dma_start3A_182 = tpu.memref_squeeze %dma_start3A_181 : memref<1x1x40xi32, #tpu.memory_space<vmem>> -> memref<40xi32, #tpu.memory_space<vmem>>
    %dma_start3A_183 = arith.constant 0 : i32
    %dma_start3A_184 = arith.constant 0 : i32
    %dma_start3A_185 = tpu.memref_slice %arg3[%dma_start3A_183, %dma_start3A_184] : memref<1000001x32xf32, #tpu.memory_space<hbm>> -> memref<1000001x32xf32, #tpu.memory_space<hbm>>
    tpu.enqueue_indirect_dma source(%dma_start3A_185 : memref<1000001x32xf32, #tpu.memory_space<hbm>>) target(%dma_start3A_179 : memref<40x32xf32, #tpu.memory_space<vmem>>) offsets(%dma_start3A_182 : memref<40xi32, #tpu.memory_space<vmem>>) semaphore(%arg9 : memref<!tpu.dma_semaphore, #tpu.memory_space<semaphore_mem>>)
    %dma_start3A_186 = arith.constant 0 : i32
    %dma_start3A_187 = arith.constant 2 : i32
    %dma_start3A_188 = arith.constant 0 : i32
    %dma_start3A_189 = arith.constant 2 : i32
    %dma_start3A_190 = arith.constant 120 : i32
    %dma_start3A_191 = arith.constant 0 : i32
    %dma_start3A_192 = tpu.memref_slice %arg7[%dma_start3A_188, %dma_start3A_189, %dma_start3A_190, %dma_start3A_191] : memref<2x8x200x32xf32, #tpu.memory_space<vmem>> -> memref<1x1x40x32xf32, #tpu.memory_space<vmem>>
    %dma_start3A_193 = tpu.memref_squeeze %dma_start3A_192 : memref<1x1x40x32xf32, #tpu.memory_space<vmem>> -> memref<40x32xf32, #tpu.memory_space<vmem>>
    %dma_start3A_194 = arith.constant 120 : i32
    %dma_start3A_195 = tpu.memref_slice %arg6[%dma_start3A_186, %dma_start3A_187, %dma_start3A_194] : memref<2x8x200xi32, #tpu.memory_space<vmem>> -> memref<1x1x40xi32, #tpu.memory_space<vmem>>
    %dma_start3A_196 = tpu.memref_squeeze %dma_start3A_195 : memref<1x1x40xi32, #tpu.memory_space<vmem>> -> memref<40xi32, #tpu.memory_space<vmem>>
    %dma_start3A_197 = arith.constant 0 : i32
    %dma_start3A_198 = arith.constant 0 : i32
    %dma_start3A_199 = tpu.memref_slice %arg3[%dma_start3A_197, %dma_start3A_198] : memref<1000001x32xf32, #tpu.memory_space<hbm>> -> memref<1000001x32xf32, #tpu.memory_space<hbm>>
    tpu.enqueue_indirect_dma source(%dma_start3A_199 : memref<1000001x32xf32, #tpu.memory_space<hbm>>) target(%dma_start3A_193 : memref<40x32xf32, #tpu.memory_space<vmem>>) offsets(%dma_start3A_196 : memref<40xi32, #tpu.memory_space<vmem>>) semaphore(%arg9 : memref<!tpu.dma_semaphore, #tpu.memory_space<semaphore_mem>>)
    %dma_start3A_200 = arith.constant 0 : i32
    %dma_start3A_201 = arith.constant 2 : i32
    %dma_start3A_202 = arith.constant 0 : i32
    %dma_start3A_203 = arith.constant 2 : i32
    %dma_start3A_204 = arith.constant 160 : i32
    %dma_start3A_205 = arith.constant 0 : i32
    %dma_start3A_206 = tpu.memref_slice %arg7[%dma_start3A_202, %dma_start3A_203, %dma_start3A_204, %dma_start3A_205] : memref<2x8x200x32xf32, #tpu.memory_space<vmem>> -> memref<1x1x40x32xf32, #tpu.memory_space<vmem>>
    %dma_start3A_207 = tpu.memref_squeeze %dma_start3A_206 : memref<1x1x40x32xf32, #tpu.memory_space<vmem>> -> memref<40x32xf32, #tpu.memory_space<vmem>>
    %dma_start3A_208 = arith.constant 160 : i32
    %dma_start3A_209 = tpu.memref_slice %arg6[%dma_start3A_200, %dma_start3A_201, %dma_start3A_208] : memref<2x8x200xi32, #tpu.memory_space<vmem>> -> memref<1x1x40xi32, #tpu.memory_space<vmem>>
    %dma_start3A_210 = tpu.memref_squeeze %dma_start3A_209 : memref<1x1x40xi32, #tpu.memory_space<vmem>> -> memref<40xi32, #tpu.memory_space<vmem>>
    %dma_start3A_211 = arith.constant 0 : i32
    %dma_start3A_212 = arith.constant 0 : i32
    %dma_start3A_213 = tpu.memref_slice %arg3[%dma_start3A_211, %dma_start3A_212] : memref<1000001x32xf32, #tpu.memory_space<hbm>> -> memref<1000001x32xf32, #tpu.memory_space<hbm>>
    tpu.enqueue_indirect_dma source(%dma_start3A_213 : memref<1000001x32xf32, #tpu.memory_space<hbm>>) target(%dma_start3A_207 : memref<40x32xf32, #tpu.memory_space<vmem>>) offsets(%dma_start3A_210 : memref<40xi32, #tpu.memory_space<vmem>>) semaphore(%arg9 : memref<!tpu.dma_semaphore, #tpu.memory_space<semaphore_mem>>)
    %dma_start3A_214 = arith.constant 0 : i32
    %dma_start3A_215 = arith.constant 3 : i32
    %dma_start3A_216 = arith.constant 0 : i32
    %dma_start3A_217 = arith.constant 3 : i32
    %dma_start3A_218 = arith.constant 0 : i32
    %dma_start3A_219 = arith.constant 0 : i32
    %dma_start3A_220 = tpu.memref_slice %arg7[%dma_start3A_216, %dma_start3A_217, %dma_start3A_218, %dma_start3A_219] : memref<2x8x200x32xf32, #tpu.memory_space<vmem>> -> memref<1x1x40x32xf32, #tpu.memory_space<vmem>>
    %dma_start3A_221 = tpu.memref_squeeze %dma_start3A_220 : memref<1x1x40x32xf32, #tpu.memory_space<vmem>> -> memref<40x32xf32, #tpu.memory_space<vmem>>
    %dma_start3A_222 = arith.constant 0 : i32
    %dma_start3A_223 = tpu.memref_slice %arg6[%dma_start3A_214, %dma_start3A_215, %dma_start3A_222] : memref<2x8x200xi32, #tpu.memory_space<vmem>> -> memref<1x1x40xi32, #tpu.memory_space<vmem>>
    %dma_start3A_224 = tpu.memref_squeeze %dma_start3A_223 : memref<1x1x40xi32, #tpu.memory_space<vmem>> -> memref<40xi32, #tpu.memory_space<vmem>>
    %dma_start3A_225 = arith.constant 0 : i32
    %dma_start3A_226 = arith.constant 0 : i32
    %dma_start3A_227 = tpu.memref_slice %arg3[%dma_start3A_225, %dma_start3A_226] : memref<1000001x32xf32, #tpu.memory_space<hbm>> -> memref<1000001x32xf32, #tpu.memory_space<hbm>>
    tpu.enqueue_indirect_dma source(%dma_start3A_227 : memref<1000001x32xf32, #tpu.memory_space<hbm>>) target(%dma_start3A_221 : memref<40x32xf32, #tpu.memory_space<vmem>>) offsets(%dma_start3A_224 : memref<40xi32, #tpu.memory_space<vmem>>) semaphore(%arg9 : memref<!tpu.dma_semaphore, #tpu.memory_space<semaphore_mem>>)
    %dma_start3A_228 = arith.constant 0 : i32
    %dma_start3A_229 = arith.constant 3 : i32
    %dma_start3A_230 = arith.constant 0 : i32
    %dma_start3A_231 = arith.constant 3 : i32
    %dma_start3A_232 = arith.constant 40 : i32
    %dma_start3A_233 = arith.constant 0 : i32
    %dma_start3A_234 = tpu.memref_slice %arg7[%dma_start3A_230, %dma_start3A_231, %dma_start3A_232, %dma_start3A_233] : memref<2x8x200x32xf32, #tpu.memory_space<vmem>> -> memref<1x1x40x32xf32, #tpu.memory_space<vmem>>
    %dma_start3A_235 = tpu.memref_squeeze %dma_start3A_234 : memref<1x1x40x32xf32, #tpu.memory_space<vmem>> -> memref<40x32xf32, #tpu.memory_space<vmem>>
    %dma_start3A_236 = arith.constant 40 : i32
    %dma_start3A_237 = tpu.memref_slice %arg6[%dma_start3A_228, %dma_start3A_229, %dma_start3A_236] : memref<2x8x200xi32, #tpu.memory_space<vmem>> -> memref<1x1x40xi32, #tpu.memory_space<vmem>>
    %dma_start3A_238 = tpu.memref_squeeze %dma_start3A_237 : memref<1x1x40xi32, #tpu.memory_space<vmem>> -> memref<40xi32, #tpu.memory_space<vmem>>
    %dma_start3A_239 = arith.constant 0 : i32
    %dma_start3A_240 = arith.constant 0 : i32
    %dma_start3A_241 = tpu.memref_slice %arg3[%dma_start3A_239, %dma_start3A_240] : memref<1000001x32xf32, #tpu.memory_space<hbm>> -> memref<1000001x32xf32, #tpu.memory_space<hbm>>
    tpu.enqueue_indirect_dma source(%dma_start3A_241 : memref<1000001x32xf32, #tpu.memory_space<hbm>>) target(%dma_start3A_235 : memref<40x32xf32, #tpu.memory_space<vmem>>) offsets(%dma_start3A_238 : memref<40xi32, #tpu.memory_space<vmem>>) semaphore(%arg9 : memref<!tpu.dma_semaphore, #tpu.memory_space<semaphore_mem>>)
    %dma_start3A_242 = arith.constant 0 : i32
    %dma_start3A_243 = arith.constant 3 : i32
    %dma_start3A_244 = arith.constant 0 : i32
    %dma_start3A_245 = arith.constant 3 : i32
    %dma_start3A_246 = arith.constant 80 : i32
    %dma_start3A_247 = arith.constant 0 : i32
    %dma_start3A_248 = tpu.memref_slice %arg7[%dma_start3A_244, %dma_start3A_245, %dma_start3A_246, %dma_start3A_247] : memref<2x8x200x32xf32, #tpu.memory_space<vmem>> -> memref<1x1x40x32xf32, #tpu.memory_space<vmem>>
    %dma_start3A_249 = tpu.memref_squeeze %dma_start3A_248 : memref<1x1x40x32xf32, #tpu.memory_space<vmem>> -> memref<40x32xf32, #tpu.memory_space<vmem>>
    %dma_start3A_250 = arith.constant 80 : i32
    %dma_start3A_251 = tpu.memref_slice %arg6[%dma_start3A_242, %dma_start3A_243, %dma_start3A_250] : memref<2x8x200xi32, #tpu.memory_space<vmem>> -> memref<1x1x40xi32, #tpu.memory_space<vmem>>
    %dma_start3A_252 = tpu.memref_squeeze %dma_start3A_251 : memref<1x1x40xi32, #tpu.memory_space<vmem>> -> memref<40xi32, #tpu.memory_space<vmem>>
    %dma_start3A_253 = arith.constant 0 : i32
    %dma_start3A_254 = arith.constant 0 : i32
    %dma_start3A_255 = tpu.memref_slice %arg3[%dma_start3A_253, %dma_start3A_254] : memref<1000001x32xf32, #tpu.memory_space<hbm>> -> memref<1000001x32xf32, #tpu.memory_space<hbm>>
    tpu.enqueue_indirect_dma source(%dma_start3A_255 : memref<1000001x32xf32, #tpu.memory_space<hbm>>) target(%dma_start3A_249 : memref<40x32xf32, #tpu.memory_space<vmem>>) offsets(%dma_start3A_252 : memref<40xi32, #tpu.memory_space<vmem>>) semaphore(%arg9 : memref<!tpu.dma_semaphore, #tpu.memory_space<semaphore_mem>>)
    %dma_start3A_256 = arith.constant 0 : i32
    %dma_start3A_257 = arith.constant 3 : i32
    %dma_start3A_258 = arith.constant 0 : i32
    %dma_start3A_259 = arith.constant 3 : i32
    %dma_start3A_260 = arith.constant 120 : i32
    %dma_start3A_261 = arith.constant 0 : i32
    %dma_start3A_262 = tpu.memref_slice %arg7[%dma_start3A_258, %dma_start3A_259, %dma_start3A_260, %dma_start3A_261] : memref<2x8x200x32xf32, #tpu.memory_space<vmem>> -> memref<1x1x40x32xf32, #tpu.memory_space<vmem>>
    %dma_start3A_263 = tpu.memref_squeeze %dma_start3A_262 : memref<1x1x40x32xf32, #tpu.memory_space<vmem>> -> memref<40x32xf32, #tpu.memory_space<vmem>>
    %dma_start3A_264 = arith.constant 120 : i32
    %dma_start3A_265 = tpu.memref_slice %arg6[%dma_start3A_256, %dma_start3A_257, %dma_start3A_264] : memref<2x8x200xi32, #tpu.memory_space<vmem>> -> memref<1x1x40xi32, #tpu.memory_space<vmem>>
    %dma_start3A_266 = tpu.memref_squeeze %dma_start3A_265 : memref<1x1x40xi32, #tpu.memory_space<vmem>> -> memref<40xi32, #tpu.memory_space<vmem>>
    %dma_start3A_267 = arith.constant 0 : i32
    %dma_start3A_268 = arith.constant 0 : i32
    %dma_start3A_269 = tpu.memref_slice %arg3[%dma_start3A_267, %dma_start3A_268] : memref<1000001x32xf32, #tpu.memory_space<hbm>> -> memref<1000001x32xf32, #tpu.memory_space<hbm>>
    tpu.enqueue_indirect_dma source(%dma_start3A_269 : memref<1000001x32xf32, #tpu.memory_space<hbm>>) target(%dma_start3A_263 : memref<40x32xf32, #tpu.memory_space<vmem>>) offsets(%dma_start3A_266 : memref<40xi32, #tpu.memory_space<vmem>>) semaphore(%arg9 : memref<!tpu.dma_semaphore, #tpu.memory_space<semaphore_mem>>)
    %dma_start3A_270 = arith.constant 0 : i32
    %dma_start3A_271 = arith.constant 3 : i32
    %dma_start3A_272 = arith.constant 0 : i32
    %dma_start3A_273 = arith.constant 3 : i32
    %dma_start3A_274 = arith.constant 160 : i32
    %dma_start3A_275 = arith.constant 0 : i32
    %dma_start3A_276 = tpu.memref_slice %arg7[%dma_start3A_272, %dma_start3A_273, %dma_start3A_274, %dma_start3A_275] : memref<2x8x200x32xf32, #tpu.memory_space<vmem>> -> memref<1x1x40x32xf32, #tpu.memory_space<vmem>>
    %dma_start3A_277 = tpu.memref_squeeze %dma_start3A_276 : memref<1x1x40x32xf32, #tpu.memory_space<vmem>> -> memref<40x32xf32, #tpu.memory_space<vmem>>
    %dma_start3A_278 = arith.constant 160 : i32
    %dma_start3A_279 = tpu.memref_slice %arg6[%dma_start3A_270, %dma_start3A_271, %dma_start3A_278] : memref<2x8x200xi32, #tpu.memory_space<vmem>> -> memref<1x1x40xi32, #tpu.memory_space<vmem>>
    %dma_start3A_280 = tpu.memref_squeeze %dma_start3A_279 : memref<1x1x40xi32, #tpu.memory_space<vmem>> -> memref<40xi32, #tpu.memory_space<vmem>>
    %dma_start3A_281 = arith.constant 0 : i32
    %dma_start3A_282 = arith.constant 0 : i32
    %dma_start3A_283 = tpu.memref_slice %arg3[%dma_start3A_281, %dma_start3A_282] : memref<1000001x32xf32, #tpu.memory_space<hbm>> -> memref<1000001x32xf32, #tpu.memory_space<hbm>>
    tpu.enqueue_indirect_dma source(%dma_start3A_283 : memref<1000001x32xf32, #tpu.memory_space<hbm>>) target(%dma_start3A_277 : memref<40x32xf32, #tpu.memory_space<vmem>>) offsets(%dma_start3A_280 : memref<40xi32, #tpu.memory_space<vmem>>) semaphore(%arg9 : memref<!tpu.dma_semaphore, #tpu.memory_space<semaphore_mem>>)
    %dma_start3A_284 = arith.constant 0 : i32
    %dma_start3A_285 = arith.constant 4 : i32
    %dma_start3A_286 = arith.constant 0 : i32
    %dma_start3A_287 = arith.constant 4 : i32
    %dma_start3A_288 = arith.constant 0 : i32
    %dma_start3A_289 = arith.constant 0 : i32
    %dma_start3A_290 = tpu.memref_slice %arg7[%dma_start3A_286, %dma_start3A_287, %dma_start3A_288, %dma_start3A_289] : memref<2x8x200x32xf32, #tpu.memory_space<vmem>> -> memref<1x1x40x32xf32, #tpu.memory_space<vmem>>
    %dma_start3A_291 = tpu.memref_squeeze %dma_start3A_290 : memref<1x1x40x32xf32, #tpu.memory_space<vmem>> -> memref<40x32xf32, #tpu.memory_space<vmem>>
    %dma_start3A_292 = arith.constant 0 : i32
    %dma_start3A_293 = tpu.memref_slice %arg6[%dma_start3A_284, %dma_start3A_285, %dma_start3A_292] : memref<2x8x200xi32, #tpu.memory_space<vmem>> -> memref<1x1x40xi32, #tpu.memory_space<vmem>>
    %dma_start3A_294 = tpu.memref_squeeze %dma_start3A_293 : memref<1x1x40xi32, #tpu.memory_space<vmem>> -> memref<40xi32, #tpu.memory_space<vmem>>
    %dma_start3A_295 = arith.constant 0 : i32
    %dma_start3A_296 = arith.constant 0 : i32
    %dma_start3A_297 = tpu.memref_slice %arg3[%dma_start3A_295, %dma_start3A_296] : memref<1000001x32xf32, #tpu.memory_space<hbm>> -> memref<1000001x32xf32, #tpu.memory_space<hbm>>
    tpu.enqueue_indirect_dma source(%dma_start3A_297 : memref<1000001x32xf32, #tpu.memory_space<hbm>>) target(%dma_start3A_291 : memref<40x32xf32, #tpu.memory_space<vmem>>) offsets(%dma_start3A_294 : memref<40xi32, #tpu.memory_space<vmem>>) semaphore(%arg9 : memref<!tpu.dma_semaphore, #tpu.memory_space<semaphore_mem>>)
    %dma_start3A_298 = arith.constant 0 : i32
    %dma_start3A_299 = arith.constant 4 : i32
    %dma_start3A_300 = arith.constant 0 : i32
    %dma_start3A_301 = arith.constant 4 : i32
    %dma_start3A_302 = arith.constant 40 : i32
    %dma_start3A_303 = arith.constant 0 : i32
    %dma_start3A_304 = tpu.memref_slice %arg7[%dma_start3A_300, %dma_start3A_301, %dma_start3A_302, %dma_start3A_303] : memref<2x8x200x32xf32, #tpu.memory_space<vmem>> -> memref<1x1x40x32xf32, #tpu.memory_space<vmem>>
    %dma_start3A_305 = tpu.memref_squeeze %dma_start3A_304 : memref<1x1x40x32xf32, #tpu.memory_space<vmem>> -> memref<40x32xf32, #tpu.memory_space<vmem>>
    %dma_start3A_306 = arith.constant 40 : i32
    %dma_start3A_307 = tpu.memref_slice %arg6[%dma_start3A_298, %dma_start3A_299, %dma_start3A_306] : memref<2x8x200xi32, #tpu.memory_space<vmem>> -> memref<1x1x40xi32, #tpu.memory_space<vmem>>
    %dma_start3A_308 = tpu.memref_squeeze %dma_start3A_307 : memref<1x1x40xi32, #tpu.memory_space<vmem>> -> memref<40xi32, #tpu.memory_space<vmem>>
    %dma_start3A_309 = arith.constant 0 : i32
    %dma_start3A_310 = arith.constant 0 : i32
    %dma_start3A_311 = tpu.memref_slice %arg3[%dma_start3A_309, %dma_start3A_310] : memref<1000001x32xf32, #tpu.memory_space<hbm>> -> memref<1000001x32xf32, #tpu.memory_space<hbm>>
    tpu.enqueue_indirect_dma source(%dma_start3A_311 : memref<1000001x32xf32, #tpu.memory_space<hbm>>) target(%dma_start3A_305 : memref<40x32xf32, #tpu.memory_space<vmem>>) offsets(%dma_start3A_308 : memref<40xi32, #tpu.memory_space<vmem>>) semaphore(%arg9 : memref<!tpu.dma_semaphore, #tpu.memory_space<semaphore_mem>>)
    %dma_start3A_312 = arith.constant 0 : i32
    %dma_start3A_313 = arith.constant 4 : i32
    %dma_start3A_314 = arith.constant 0 : i32
    %dma_start3A_315 = arith.constant 4 : i32
    %dma_start3A_316 = arith.constant 80 : i32
    %dma_start3A_317 = arith.constant 0 : i32
    %dma_start3A_318 = tpu.memref_slice %arg7[%dma_start3A_314, %dma_start3A_315, %dma_start3A_316, %dma_start3A_317] : memref<2x8x200x32xf32, #tpu.memory_space<vmem>> -> memref<1x1x40x32xf32, #tpu.memory_space<vmem>>
    %dma_start3A_319 = tpu.memref_squeeze %dma_start3A_318 : memref<1x1x40x32xf32, #tpu.memory_space<vmem>> -> memref<40x32xf32, #tpu.memory_space<vmem>>
    %dma_start3A_320 = arith.constant 80 : i32
    %dma_start3A_321 = tpu.memref_slice %arg6[%dma_start3A_312, %dma_start3A_313, %dma_start3A_320] : memref<2x8x200xi32, #tpu.memory_space<vmem>> -> memref<1x1x40xi32, #tpu.memory_space<vmem>>
    %dma_start3A_322 = tpu.memref_squeeze %dma_start3A_321 : memref<1x1x40xi32, #tpu.memory_space<vmem>> -> memref<40xi32, #tpu.memory_space<vmem>>
    %dma_start3A_323 = arith.constant 0 : i32
    %dma_start3A_324 = arith.constant 0 : i32
    %dma_start3A_325 = tpu.memref_slice %arg3[%dma_start3A_323, %dma_start3A_324] : memref<1000001x32xf32, #tpu.memory_space<hbm>> -> memref<1000001x32xf32, #tpu.memory_space<hbm>>
    tpu.enqueue_indirect_dma source(%dma_start3A_325 : memref<1000001x32xf32, #tpu.memory_space<hbm>>) target(%dma_start3A_319 : memref<40x32xf32, #tpu.memory_space<vmem>>) offsets(%dma_start3A_322 : memref<40xi32, #tpu.memory_space<vmem>>) semaphore(%arg9 : memref<!tpu.dma_semaphore, #tpu.memory_space<semaphore_mem>>)
    %dma_start3A_326 = arith.constant 0 : i32
    %dma_start3A_327 = arith.constant 4 : i32
    %dma_start3A_328 = arith.constant 0 : i32
    %dma_start3A_329 = arith.constant 4 : i32
    %dma_start3A_330 = arith.constant 120 : i32
    %dma_start3A_331 = arith.constant 0 : i32
    %dma_start3A_332 = tpu.memref_slice %arg7[%dma_start3A_328, %dma_start3A_329, %dma_start3A_330, %dma_start3A_331] : memref<2x8x200x32xf32, #tpu.memory_space<vmem>> -> memref<1x1x40x32xf32, #tpu.memory_space<vmem>>
    %dma_start3A_333 = tpu.memref_squeeze %dma_start3A_332 : memref<1x1x40x32xf32, #tpu.memory_space<vmem>> -> memref<40x32xf32, #tpu.memory_space<vmem>>
    %dma_start3A_334 = arith.constant 120 : i32
    %dma_start3A_335 = tpu.memref_slice %arg6[%dma_start3A_326, %dma_start3A_327, %dma_start3A_334] : memref<2x8x200xi32, #tpu.memory_space<vmem>> -> memref<1x1x40xi32, #tpu.memory_space<vmem>>
    %dma_start3A_336 = tpu.memref_squeeze %dma_start3A_335 : memref<1x1x40xi32, #tpu.memory_space<vmem>> -> memref<40xi32, #tpu.memory_space<vmem>>
    %dma_start3A_337 = arith.constant 0 : i32
    %dma_start3A_338 = arith.constant 0 : i32
    %dma_start3A_339 = tpu.memref_slice %arg3[%dma_start3A_337, %dma_start3A_338] : memref<1000001x32xf32, #tpu.memory_space<hbm>> -> memref<1000001x32xf32, #tpu.memory_space<hbm>>
    tpu.enqueue_indirect_dma source(%dma_start3A_339 : memref<1000001x32xf32, #tpu.memory_space<hbm>>) target(%dma_start3A_333 : memref<40x32xf32, #tpu.memory_space<vmem>>) offsets(%dma_start3A_336 : memref<40xi32, #tpu.memory_space<vmem>>) semaphore(%arg9 : memref<!tpu.dma_semaphore, #tpu.memory_space<semaphore_mem>>)
    %dma_start3A_340 = arith.constant 0 : i32
    %dma_start3A_341 = arith.constant 4 : i32
    %dma_start3A_342 = arith.constant 0 : i32
    %dma_start3A_343 = arith.constant 4 : i32
    %dma_start3A_344 = arith.constant 160 : i32
    %dma_start3A_345 = arith.constant 0 : i32
    %dma_start3A_346 = tpu.memref_slice %arg7[%dma_start3A_342, %dma_start3A_343, %dma_start3A_344, %dma_start3A_345] : memref<2x8x200x32xf32, #tpu.memory_space<vmem>> -> memref<1x1x40x32xf32, #tpu.memory_space<vmem>>
    %dma_start3A_347 = tpu.memref_squeeze %dma_start3A_346 : memref<1x1x40x32xf32, #tpu.memory_space<vmem>> -> memref<40x32xf32, #tpu.memory_space<vmem>>
    %dma_start3A_348 = arith.constant 160 : i32
    %dma_start3A_349 = tpu.memref_slice %arg6[%dma_start3A_340, %dma_start3A_341, %dma_start3A_348] : memref<2x8x200xi32, #tpu.memory_space<vmem>> -> memref<1x1x40xi32, #tpu.memory_space<vmem>>
    %dma_start3A_350 = tpu.memref_squeeze %dma_start3A_349 : memref<1x1x40xi32, #tpu.memory_space<vmem>> -> memref<40xi32, #tpu.memory_space<vmem>>
    %dma_start3A_351 = arith.constant 0 : i32
    %dma_start3A_352 = arith.constant 0 : i32
    %dma_start3A_353 = tpu.memref_slice %arg3[%dma_start3A_351, %dma_start3A_352] : memref<1000001x32xf32, #tpu.memory_space<hbm>> -> memref<1000001x32xf32, #tpu.memory_space<hbm>>
    tpu.enqueue_indirect_dma source(%dma_start3A_353 : memref<1000001x32xf32, #tpu.memory_space<hbm>>) target(%dma_start3A_347 : memref<40x32xf32, #tpu.memory_space<vmem>>) offsets(%dma_start3A_350 : memref<40xi32, #tpu.memory_space<vmem>>) semaphore(%arg9 : memref<!tpu.dma_semaphore, #tpu.memory_space<semaphore_mem>>)
    %dma_start3A_354 = arith.constant 0 : i32
    %dma_start3A_355 = arith.constant 5 : i32
    %dma_start3A_356 = arith.constant 0 : i32
    %dma_start3A_357 = arith.constant 5 : i32
    %dma_start3A_358 = arith.constant 0 : i32
    %dma_start3A_359 = arith.constant 0 : i32
    %dma_start3A_360 = tpu.memref_slice %arg7[%dma_start3A_356, %dma_start3A_357, %dma_start3A_358, %dma_start3A_359] : memref<2x8x200x32xf32, #tpu.memory_space<vmem>> -> memref<1x1x40x32xf32, #tpu.memory_space<vmem>>
    %dma_start3A_361 = tpu.memref_squeeze %dma_start3A_360 : memref<1x1x40x32xf32, #tpu.memory_space<vmem>> -> memref<40x32xf32, #tpu.memory_space<vmem>>
    %dma_start3A_362 = arith.constant 0 : i32
    %dma_start3A_363 = tpu.memref_slice %arg6[%dma_start3A_354, %dma_start3A_355, %dma_start3A_362] : memref<2x8x200xi32, #tpu.memory_space<vmem>> -> memref<1x1x40xi32, #tpu.memory_space<vmem>>
    %dma_start3A_364 = tpu.memref_squeeze %dma_start3A_363 : memref<1x1x40xi32, #tpu.memory_space<vmem>> -> memref<40xi32, #tpu.memory_space<vmem>>
    %dma_start3A_365 = arith.constant 0 : i32
    %dma_start3A_366 = arith.constant 0 : i32
    %dma_start3A_367 = tpu.memref_slice %arg3[%dma_start3A_365, %dma_start3A_366] : memref<1000001x32xf32, #tpu.memory_space<hbm>> -> memref<1000001x32xf32, #tpu.memory_space<hbm>>
    tpu.enqueue_indirect_dma source(%dma_start3A_367 : memref<1000001x32xf32, #tpu.memory_space<hbm>>) target(%dma_start3A_361 : memref<40x32xf32, #tpu.memory_space<vmem>>) offsets(%dma_start3A_364 : memref<40xi32, #tpu.memory_space<vmem>>) semaphore(%arg9 : memref<!tpu.dma_semaphore, #tpu.memory_space<semaphore_mem>>)
    %dma_start3A_368 = arith.constant 0 : i32
    %dma_start3A_369 = arith.constant 5 : i32
    %dma_start3A_370 = arith.constant 0 : i32
    %dma_start3A_371 = arith.constant 5 : i32
    %dma_start3A_372 = arith.constant 40 : i32
    %dma_start3A_373 = arith.constant 0 : i32
    %dma_start3A_374 = tpu.memref_slice %arg7[%dma_start3A_370, %dma_start3A_371, %dma_start3A_372, %dma_start3A_373] : memref<2x8x200x32xf32, #tpu.memory_space<vmem>> -> memref<1x1x40x32xf32, #tpu.memory_space<vmem>>
    %dma_start3A_375 = tpu.memref_squeeze %dma_start3A_374 : memref<1x1x40x32xf32, #tpu.memory_space<vmem>> -> memref<40x32xf32, #tpu.memory_space<vmem>>
    %dma_start3A_376 = arith.constant 40 : i32
    %dma_start3A_377 = tpu.memref_slice %arg6[%dma_start3A_368, %dma_start3A_369, %dma_start3A_376] : memref<2x8x200xi32, #tpu.memory_space<vmem>> -> memref<1x1x40xi32, #tpu.memory_space<vmem>>
    %dma_start3A_378 = tpu.memref_squeeze %dma_start3A_377 : memref<1x1x40xi32, #tpu.memory_space<vmem>> -> memref<40xi32, #tpu.memory_space<vmem>>
    %dma_start3A_379 = arith.constant 0 : i32
    %dma_start3A_380 = arith.constant 0 : i32
    %dma_start3A_381 = tpu.memref_slice %arg3[%dma_start3A_379, %dma_start3A_380] : memref<1000001x32xf32, #tpu.memory_space<hbm>> -> memref<1000001x32xf32, #tpu.memory_space<hbm>>
    tpu.enqueue_indirect_dma source(%dma_start3A_381 : memref<1000001x32xf32, #tpu.memory_space<hbm>>) target(%dma_start3A_375 : memref<40x32xf32, #tpu.memory_space<vmem>>) offsets(%dma_start3A_378 : memref<40xi32, #tpu.memory_space<vmem>>) semaphore(%arg9 : memref<!tpu.dma_semaphore, #tpu.memory_space<semaphore_mem>>)
    %dma_start3A_382 = arith.constant 0 : i32
    %dma_start3A_383 = arith.constant 5 : i32
    %dma_start3A_384 = arith.constant 0 : i32
    %dma_start3A_385 = arith.constant 5 : i32
    %dma_start3A_386 = arith.constant 80 : i32
    %dma_start3A_387 = arith.constant 0 : i32
    %dma_start3A_388 = tpu.memref_slice %arg7[%dma_start3A_384, %dma_start3A_385, %dma_start3A_386, %dma_start3A_387] : memref<2x8x200x32xf32, #tpu.memory_space<vmem>> -> memref<1x1x40x32xf32, #tpu.memory_space<vmem>>
    %dma_start3A_389 = tpu.memref_squeeze %dma_start3A_388 : memref<1x1x40x32xf32, #tpu.memory_space<vmem>> -> memref<40x32xf32, #tpu.memory_space<vmem>>
    %dma_start3A_390 = arith.constant 80 : i32
    %dma_start3A_391 = tpu.memref_slice %arg6[%dma_start3A_382, %dma_start3A_383, %dma_start3A_390] : memref<2x8x200xi32, #tpu.memory_space<vmem>> -> memref<1x1x40xi32, #tpu.memory_space<vmem>>
    %dma_start3A_392 = tpu.memref_squeeze %dma_start3A_391 : memref<1x1x40xi32, #tpu.memory_space<vmem>> -> memref<40xi32, #tpu.memory_space<vmem>>
    %dma_start3A_393 = arith.constant 0 : i32
    %dma_start3A_394 = arith.constant 0 : i32
    %dma_start3A_395 = tpu.memref_slice %arg3[%dma_start3A_393, %dma_start3A_394] : memref<1000001x32xf32, #tpu.memory_space<hbm>> -> memref<1000001x32xf32, #tpu.memory_space<hbm>>
    tpu.enqueue_indirect_dma source(%dma_start3A_395 : memref<1000001x32xf32, #tpu.memory_space<hbm>>) target(%dma_start3A_389 : memref<40x32xf32, #tpu.memory_space<vmem>>) offsets(%dma_start3A_392 : memref<40xi32, #tpu.memory_space<vmem>>) semaphore(%arg9 : memref<!tpu.dma_semaphore, #tpu.memory_space<semaphore_mem>>)
    %dma_start3A_396 = arith.constant 0 : i32
    %dma_start3A_397 = arith.constant 5 : i32
    %dma_start3A_398 = arith.constant 0 : i32
    %dma_start3A_399 = arith.constant 5 : i32
    %dma_start3A_400 = arith.constant 120 : i32
    %dma_start3A_401 = arith.constant 0 : i32
    %dma_start3A_402 = tpu.memref_slice %arg7[%dma_start3A_398, %dma_start3A_399, %dma_start3A_400, %dma_start3A_401] : memref<2x8x200x32xf32, #tpu.memory_space<vmem>> -> memref<1x1x40x32xf32, #tpu.memory_space<vmem>>
    %dma_start3A_403 = tpu.memref_squeeze %dma_start3A_402 : memref<1x1x40x32xf32, #tpu.memory_space<vmem>> -> memref<40x32xf32, #tpu.memory_space<vmem>>
    %dma_start3A_404 = arith.constant 120 : i32
    %dma_start3A_405 = tpu.memref_slice %arg6[%dma_start3A_396, %dma_start3A_397, %dma_start3A_404] : memref<2x8x200xi32, #tpu.memory_space<vmem>> -> memref<1x1x40xi32, #tpu.memory_space<vmem>>
    %dma_start3A_406 = tpu.memref_squeeze %dma_start3A_405 : memref<1x1x40xi32, #tpu.memory_space<vmem>> -> memref<40xi32, #tpu.memory_space<vmem>>
    %dma_start3A_407 = arith.constant 0 : i32
    %dma_start3A_408 = arith.constant 0 : i32
    %dma_start3A_409 = tpu.memref_slice %arg3[%dma_start3A_407, %dma_start3A_408] : memref<1000001x32xf32, #tpu.memory_space<hbm>> -> memref<1000001x32xf32, #tpu.memory_space<hbm>>
    tpu.enqueue_indirect_dma source(%dma_start3A_409 : memref<1000001x32xf32, #tpu.memory_space<hbm>>) target(%dma_start3A_403 : memref<40x32xf32, #tpu.memory_space<vmem>>) offsets(%dma_start3A_406 : memref<40xi32, #tpu.memory_space<vmem>>) semaphore(%arg9 : memref<!tpu.dma_semaphore, #tpu.memory_space<semaphore_mem>>)
    %dma_start3A_410 = arith.constant 0 : i32
    %dma_start3A_411 = arith.constant 5 : i32
    %dma_start3A_412 = arith.constant 0 : i32
    %dma_start3A_413 = arith.constant 5 : i32
    %dma_start3A_414 = arith.constant 160 : i32
    %dma_start3A_415 = arith.constant 0 : i32
    %dma_start3A_416 = tpu.memref_slice %arg7[%dma_start3A_412, %dma_start3A_413, %dma_start3A_414, %dma_start3A_415] : memref<2x8x200x32xf32, #tpu.memory_space<vmem>> -> memref<1x1x40x32xf32, #tpu.memory_space<vmem>>
    %dma_start3A_417 = tpu.memref_squeeze %dma_start3A_416 : memref<1x1x40x32xf32, #tpu.memory_space<vmem>> -> memref<40x32xf32, #tpu.memory_space<vmem>>
    %dma_start3A_418 = arith.constant 160 : i32
    %dma_start3A_419 = tpu.memref_slice %arg6[%dma_start3A_410, %dma_start3A_411, %dma_start3A_418] : memref<2x8x200xi32, #tpu.memory_space<vmem>> -> memref<1x1x40xi32, #tpu.memory_space<vmem>>
    %dma_start3A_420 = tpu.memref_squeeze %dma_start3A_419 : memref<1x1x40xi32, #tpu.memory_space<vmem>> -> memref<40xi32, #tpu.memory_space<vmem>>
    %dma_start3A_421 = arith.constant 0 : i32
    %dma_start3A_422 = arith.constant 0 : i32
    %dma_start3A_423 = tpu.memref_slice %arg3[%dma_start3A_421, %dma_start3A_422] : memref<1000001x32xf32, #tpu.memory_space<hbm>> -> memref<1000001x32xf32, #tpu.memory_space<hbm>>
    tpu.enqueue_indirect_dma source(%dma_start3A_423 : memref<1000001x32xf32, #tpu.memory_space<hbm>>) target(%dma_start3A_417 : memref<40x32xf32, #tpu.memory_space<vmem>>) offsets(%dma_start3A_420 : memref<40xi32, #tpu.memory_space<vmem>>) semaphore(%arg9 : memref<!tpu.dma_semaphore, #tpu.memory_space<semaphore_mem>>)
    %dma_start3A_424 = arith.constant 0 : i32
    %dma_start3A_425 = arith.constant 6 : i32
    %dma_start3A_426 = arith.constant 0 : i32
    %dma_start3A_427 = arith.constant 6 : i32
    %dma_start3A_428 = arith.constant 0 : i32
    %dma_start3A_429 = arith.constant 0 : i32
    %dma_start3A_430 = tpu.memref_slice %arg7[%dma_start3A_426, %dma_start3A_427, %dma_start3A_428, %dma_start3A_429] : memref<2x8x200x32xf32, #tpu.memory_space<vmem>> -> memref<1x1x40x32xf32, #tpu.memory_space<vmem>>
    %dma_start3A_431 = tpu.memref_squeeze %dma_start3A_430 : memref<1x1x40x32xf32, #tpu.memory_space<vmem>> -> memref<40x32xf32, #tpu.memory_space<vmem>>
    %dma_start3A_432 = arith.constant 0 : i32
    %dma_start3A_433 = tpu.memref_slice %arg6[%dma_start3A_424, %dma_start3A_425, %dma_start3A_432] : memref<2x8x200xi32, #tpu.memory_space<vmem>> -> memref<1x1x40xi32, #tpu.memory_space<vmem>>
    %dma_start3A_434 = tpu.memref_squeeze %dma_start3A_433 : memref<1x1x40xi32, #tpu.memory_space<vmem>> -> memref<40xi32, #tpu.memory_space<vmem>>
    %dma_start3A_435 = arith.constant 0 : i32
    %dma_start3A_436 = arith.constant 0 : i32
    %dma_start3A_437 = tpu.memref_slice %arg3[%dma_start3A_435, %dma_start3A_436] : memref<1000001x32xf32, #tpu.memory_space<hbm>> -> memref<1000001x32xf32, #tpu.memory_space<hbm>>
    tpu.enqueue_indirect_dma source(%dma_start3A_437 : memref<1000001x32xf32, #tpu.memory_space<hbm>>) target(%dma_start3A_431 : memref<40x32xf32, #tpu.memory_space<vmem>>) offsets(%dma_start3A_434 : memref<40xi32, #tpu.memory_space<vmem>>) semaphore(%arg9 : memref<!tpu.dma_semaphore, #tpu.memory_space<semaphore_mem>>)
    %dma_start3A_438 = arith.constant 0 : i32
    %dma_start3A_439 = arith.constant 6 : i32
    %dma_start3A_440 = arith.constant 0 : i32
    %dma_start3A_441 = arith.constant 6 : i32
    %dma_start3A_442 = arith.constant 40 : i32
    %dma_start3A_443 = arith.constant 0 : i32
    %dma_start3A_444 = tpu.memref_slice %arg7[%dma_start3A_440, %dma_start3A_441, %dma_start3A_442, %dma_start3A_443] : memref<2x8x200x32xf32, #tpu.memory_space<vmem>> -> memref<1x1x40x32xf32, #tpu.memory_space<vmem>>
    %dma_start3A_445 = tpu.memref_squeeze %dma_start3A_444 : memref<1x1x40x32xf32, #tpu.memory_space<vmem>> -> memref<40x32xf32, #tpu.memory_space<vmem>>
    %dma_start3A_446 = arith.constant 40 : i32
    %dma_start3A_447 = tpu.memref_slice %arg6[%dma_start3A_438, %dma_start3A_439, %dma_start3A_446] : memref<2x8x200xi32, #tpu.memory_space<vmem>> -> memref<1x1x40xi32, #tpu.memory_space<vmem>>
    %dma_start3A_448 = tpu.memref_squeeze %dma_start3A_447 : memref<1x1x40xi32, #tpu.memory_space<vmem>> -> memref<40xi32, #tpu.memory_space<vmem>>
    %dma_start3A_449 = arith.constant 0 : i32
    %dma_start3A_450 = arith.constant 0 : i32
    %dma_start3A_451 = tpu.memref_slice %arg3[%dma_start3A_449, %dma_start3A_450] : memref<1000001x32xf32, #tpu.memory_space<hbm>> -> memref<1000001x32xf32, #tpu.memory_space<hbm>>
    tpu.enqueue_indirect_dma source(%dma_start3A_451 : memref<1000001x32xf32, #tpu.memory_space<hbm>>) target(%dma_start3A_445 : memref<40x32xf32, #tpu.memory_space<vmem>>) offsets(%dma_start3A_448 : memref<40xi32, #tpu.memory_space<vmem>>) semaphore(%arg9 : memref<!tpu.dma_semaphore, #tpu.memory_space<semaphore_mem>>)
    %dma_start3A_452 = arith.constant 0 : i32
    %dma_start3A_453 = arith.constant 6 : i32
    %dma_start3A_454 = arith.constant 0 : i32
    %dma_start3A_455 = arith.constant 6 : i32
    %dma_start3A_456 = arith.constant 80 : i32
    %dma_start3A_457 = arith.constant 0 : i32
    %dma_start3A_458 = tpu.memref_slice %arg7[%dma_start3A_454, %dma_start3A_455, %dma_start3A_456, %dma_start3A_457] : memref<2x8x200x32xf32, #tpu.memory_space<vmem>> -> memref<1x1x40x32xf32, #tpu.memory_space<vmem>>
    %dma_start3A_459 = tpu.memref_squeeze %dma_start3A_458 : memref<1x1x40x32xf32, #tpu.memory_space<vmem>> -> memref<40x32xf32, #tpu.memory_space<vmem>>
    %dma_start3A_460 = arith.constant 80 : i32
    %dma_start3A_461 = tpu.memref_slice %arg6[%dma_start3A_452, %dma_start3A_453, %dma_start3A_460] : memref<2x8x200xi32, #tpu.memory_space<vmem>> -> memref<1x1x40xi32, #tpu.memory_space<vmem>>
    %dma_start3A_462 = tpu.memref_squeeze %dma_start3A_461 : memref<1x1x40xi32, #tpu.memory_space<vmem>> -> memref<40xi32, #tpu.memory_space<vmem>>
    %dma_start3A_463 = arith.constant 0 : i32
    %dma_start3A_464 = arith.constant 0 : i32
    %dma_start3A_465 = tpu.memref_slice %arg3[%dma_start3A_463, %dma_start3A_464] : memref<1000001x32xf32, #tpu.memory_space<hbm>> -> memref<1000001x32xf32, #tpu.memory_space<hbm>>
    tpu.enqueue_indirect_dma source(%dma_start3A_465 : memref<1000001x32xf32, #tpu.memory_space<hbm>>) target(%dma_start3A_459 : memref<40x32xf32, #tpu.memory_space<vmem>>) offsets(%dma_start3A_462 : memref<40xi32, #tpu.memory_space<vmem>>) semaphore(%arg9 : memref<!tpu.dma_semaphore, #tpu.memory_space<semaphore_mem>>)
    %dma_start3A_466 = arith.constant 0 : i32
    %dma_start3A_467 = arith.constant 6 : i32
    %dma_start3A_468 = arith.constant 0 : i32
    %dma_start3A_469 = arith.constant 6 : i32
    %dma_start3A_470 = arith.constant 120 : i32
    %dma_start3A_471 = arith.constant 0 : i32
    %dma_start3A_472 = tpu.memref_slice %arg7[%dma_start3A_468, %dma_start3A_469, %dma_start3A_470, %dma_start3A_471] : memref<2x8x200x32xf32, #tpu.memory_space<vmem>> -> memref<1x1x40x32xf32, #tpu.memory_space<vmem>>
    %dma_start3A_473 = tpu.memref_squeeze %dma_start3A_472 : memref<1x1x40x32xf32, #tpu.memory_space<vmem>> -> memref<40x32xf32, #tpu.memory_space<vmem>>
    %dma_start3A_474 = arith.constant 120 : i32
    %dma_start3A_475 = tpu.memref_slice %arg6[%dma_start3A_466, %dma_start3A_467, %dma_start3A_474] : memref<2x8x200xi32, #tpu.memory_space<vmem>> -> memref<1x1x40xi32, #tpu.memory_space<vmem>>
    %dma_start3A_476 = tpu.memref_squeeze %dma_start3A_475 : memref<1x1x40xi32, #tpu.memory_space<vmem>> -> memref<40xi32, #tpu.memory_space<vmem>>
    %dma_start3A_477 = arith.constant 0 : i32
    %dma_start3A_478 = arith.constant 0 : i32
    %dma_start3A_479 = tpu.memref_slice %arg3[%dma_start3A_477, %dma_start3A_478] : memref<1000001x32xf32, #tpu.memory_space<hbm>> -> memref<1000001x32xf32, #tpu.memory_space<hbm>>
    tpu.enqueue_indirect_dma source(%dma_start3A_479 : memref<1000001x32xf32, #tpu.memory_space<hbm>>) target(%dma_start3A_473 : memref<40x32xf32, #tpu.memory_space<vmem>>) offsets(%dma_start3A_476 : memref<40xi32, #tpu.memory_space<vmem>>) semaphore(%arg9 : memref<!tpu.dma_semaphore, #tpu.memory_space<semaphore_mem>>)
    %dma_start3A_480 = arith.constant 0 : i32
    %dma_start3A_481 = arith.constant 6 : i32
    %dma_start3A_482 = arith.constant 0 : i32
    %dma_start3A_483 = arith.constant 6 : i32
    %dma_start3A_484 = arith.constant 160 : i32
    %dma_start3A_485 = arith.constant 0 : i32
    %dma_start3A_486 = tpu.memref_slice %arg7[%dma_start3A_482, %dma_start3A_483, %dma_start3A_484, %dma_start3A_485] : memref<2x8x200x32xf32, #tpu.memory_space<vmem>> -> memref<1x1x40x32xf32, #tpu.memory_space<vmem>>
    %dma_start3A_487 = tpu.memref_squeeze %dma_start3A_486 : memref<1x1x40x32xf32, #tpu.memory_space<vmem>> -> memref<40x32xf32, #tpu.memory_space<vmem>>
    %dma_start3A_488 = arith.constant 160 : i32
    %dma_start3A_489 = tpu.memref_slice %arg6[%dma_start3A_480, %dma_start3A_481, %dma_start3A_488] : memref<2x8x200xi32, #tpu.memory_space<vmem>> -> memref<1x1x40xi32, #tpu.memory_space<vmem>>
    %dma_start3A_490 = tpu.memref_squeeze %dma_start3A_489 : memref<1x1x40xi32, #tpu.memory_space<vmem>> -> memref<40xi32, #tpu.memory_space<vmem>>
    %dma_start3A_491 = arith.constant 0 : i32
    %dma_start3A_492 = arith.constant 0 : i32
    %dma_start3A_493 = tpu.memref_slice %arg3[%dma_start3A_491, %dma_start3A_492] : memref<1000001x32xf32, #tpu.memory_space<hbm>> -> memref<1000001x32xf32, #tpu.memory_space<hbm>>
    tpu.enqueue_indirect_dma source(%dma_start3A_493 : memref<1000001x32xf32, #tpu.memory_space<hbm>>) target(%dma_start3A_487 : memref<40x32xf32, #tpu.memory_space<vmem>>) offsets(%dma_start3A_490 : memref<40xi32, #tpu.memory_space<vmem>>) semaphore(%arg9 : memref<!tpu.dma_semaphore, #tpu.memory_space<semaphore_mem>>)
    %dma_start3A_494 = arith.constant 0 : i32
    %dma_start3A_495 = arith.constant 7 : i32
    %dma_start3A_496 = arith.constant 0 : i32
    %dma_start3A_497 = arith.constant 7 : i32
    %dma_start3A_498 = arith.constant 0 : i32
    %dma_start3A_499 = arith.constant 0 : i32
    %dma_start3A_500 = tpu.memref_slice %arg7[%dma_start3A_496, %dma_start3A_497, %dma_start3A_498, %dma_start3A_499] : memref<2x8x200x32xf32, #tpu.memory_space<vmem>> -> memref<1x1x40x32xf32, #tpu.memory_space<vmem>>
    %dma_start3A_501 = tpu.memref_squeeze %dma_start3A_500 : memref<1x1x40x32xf32, #tpu.memory_space<vmem>> -> memref<40x32xf32, #tpu.memory_space<vmem>>
    %dma_start3A_502 = arith.constant 0 : i32
    %dma_start3A_503 = tpu.memref_slice %arg6[%dma_start3A_494, %dma_start3A_495, %dma_start3A_502] : memref<2x8x200xi32, #tpu.memory_space<vmem>> -> memref<1x1x40xi32, #tpu.memory_space<vmem>>
    %dma_start3A_504 = tpu.memref_squeeze %dma_start3A_503 : memref<1x1x40xi32, #tpu.memory_space<vmem>> -> memref<40xi32, #tpu.memory_space<vmem>>
    %dma_start3A_505 = arith.constant 0 : i32
    %dma_start3A_506 = arith.constant 0 : i32
    %dma_start3A_507 = tpu.memref_slice %arg3[%dma_start3A_505, %dma_start3A_506] : memref<1000001x32xf32, #tpu.memory_space<hbm>> -> memref<1000001x32xf32, #tpu.memory_space<hbm>>
    tpu.enqueue_indirect_dma source(%dma_start3A_507 : memref<1000001x32xf32, #tpu.memory_space<hbm>>) target(%dma_start3A_501 : memref<40x32xf32, #tpu.memory_space<vmem>>) offsets(%dma_start3A_504 : memref<40xi32, #tpu.memory_space<vmem>>) semaphore(%arg9 : memref<!tpu.dma_semaphore, #tpu.memory_space<semaphore_mem>>)
    %dma_start3A_508 = arith.constant 0 : i32
    %dma_start3A_509 = arith.constant 7 : i32
    %dma_start3A_510 = arith.constant 0 : i32
    %dma_start3A_511 = arith.constant 7 : i32
    %dma_start3A_512 = arith.constant 40 : i32
    %dma_start3A_513 = arith.constant 0 : i32
    %dma_start3A_514 = tpu.memref_slice %arg7[%dma_start3A_510, %dma_start3A_511, %dma_start3A_512, %dma_start3A_513] : memref<2x8x200x32xf32, #tpu.memory_space<vmem>> -> memref<1x1x40x32xf32, #tpu.memory_space<vmem>>
    %dma_start3A_515 = tpu.memref_squeeze %dma_start3A_514 : memref<1x1x40x32xf32, #tpu.memory_space<vmem>> -> memref<40x32xf32, #tpu.memory_space<vmem>>
    %dma_start3A_516 = arith.constant 40 : i32
    %dma_start3A_517 = tpu.memref_slice %arg6[%dma_start3A_508, %dma_start3A_509, %dma_start3A_516] : memref<2x8x200xi32, #tpu.memory_space<vmem>> -> memref<1x1x40xi32, #tpu.memory_space<vmem>>
    %dma_start3A_518 = tpu.memref_squeeze %dma_start3A_517 : memref<1x1x40xi32, #tpu.memory_space<vmem>> -> memref<40xi32, #tpu.memory_space<vmem>>
    %dma_start3A_519 = arith.constant 0 : i32
    %dma_start3A_520 = arith.constant 0 : i32
    %dma_start3A_521 = tpu.memref_slice %arg3[%dma_start3A_519, %dma_start3A_520] : memref<1000001x32xf32, #tpu.memory_space<hbm>> -> memref<1000001x32xf32, #tpu.memory_space<hbm>>
    tpu.enqueue_indirect_dma source(%dma_start3A_521 : memref<1000001x32xf32, #tpu.memory_space<hbm>>) target(%dma_start3A_515 : memref<40x32xf32, #tpu.memory_space<vmem>>) offsets(%dma_start3A_518 : memref<40xi32, #tpu.memory_space<vmem>>) semaphore(%arg9 : memref<!tpu.dma_semaphore, #tpu.memory_space<semaphore_mem>>)
    %dma_start3A_522 = arith.constant 0 : i32
    %dma_start3A_523 = arith.constant 7 : i32
    %dma_start3A_524 = arith.constant 0 : i32
    %dma_start3A_525 = arith.constant 7 : i32
    %dma_start3A_526 = arith.constant 80 : i32
    %dma_start3A_527 = arith.constant 0 : i32
    %dma_start3A_528 = tpu.memref_slice %arg7[%dma_start3A_524, %dma_start3A_525, %dma_start3A_526, %dma_start3A_527] : memref<2x8x200x32xf32, #tpu.memory_space<vmem>> -> memref<1x1x40x32xf32, #tpu.memory_space<vmem>>
    %dma_start3A_529 = tpu.memref_squeeze %dma_start3A_528 : memref<1x1x40x32xf32, #tpu.memory_space<vmem>> -> memref<40x32xf32, #tpu.memory_space<vmem>>
    %dma_start3A_530 = arith.constant 80 : i32
    %dma_start3A_531 = tpu.memref_slice %arg6[%dma_start3A_522, %dma_start3A_523, %dma_start3A_530] : memref<2x8x200xi32, #tpu.memory_space<vmem>> -> memref<1x1x40xi32, #tpu.memory_space<vmem>>
    %dma_start3A_532 = tpu.memref_squeeze %dma_start3A_531 : memref<1x1x40xi32, #tpu.memory_space<vmem>> -> memref<40xi32, #tpu.memory_space<vmem>>
    %dma_start3A_533 = arith.constant 0 : i32
    %dma_start3A_534 = arith.constant 0 : i32
    %dma_start3A_535 = tpu.memref_slice %arg3[%dma_start3A_533, %dma_start3A_534] : memref<1000001x32xf32, #tpu.memory_space<hbm>> -> memref<1000001x32xf32, #tpu.memory_space<hbm>>
    tpu.enqueue_indirect_dma source(%dma_start3A_535 : memref<1000001x32xf32, #tpu.memory_space<hbm>>) target(%dma_start3A_529 : memref<40x32xf32, #tpu.memory_space<vmem>>) offsets(%dma_start3A_532 : memref<40xi32, #tpu.memory_space<vmem>>) semaphore(%arg9 : memref<!tpu.dma_semaphore, #tpu.memory_space<semaphore_mem>>)
    %dma_start3A_536 = arith.constant 0 : i32
    %dma_start3A_537 = arith.constant 7 : i32
    %dma_start3A_538 = arith.constant 0 : i32
    %dma_start3A_539 = arith.constant 7 : i32
    %dma_start3A_540 = arith.constant 120 : i32
    %dma_start3A_541 = arith.constant 0 : i32
    %dma_start3A_542 = tpu.memref_slice %arg7[%dma_start3A_538, %dma_start3A_539, %dma_start3A_540, %dma_start3A_541] : memref<2x8x200x32xf32, #tpu.memory_space<vmem>> -> memref<1x1x40x32xf32, #tpu.memory_space<vmem>>
    %dma_start3A_543 = tpu.memref_squeeze %dma_start3A_542 : memref<1x1x40x32xf32, #tpu.memory_space<vmem>> -> memref<40x32xf32, #tpu.memory_space<vmem>>
    %dma_start3A_544 = arith.constant 120 : i32
    %dma_start3A_545 = tpu.memref_slice %arg6[%dma_start3A_536, %dma_start3A_537, %dma_start3A_544] : memref<2x8x200xi32, #tpu.memory_space<vmem>> -> memref<1x1x40xi32, #tpu.memory_space<vmem>>
    %dma_start3A_546 = tpu.memref_squeeze %dma_start3A_545 : memref<1x1x40xi32, #tpu.memory_space<vmem>> -> memref<40xi32, #tpu.memory_space<vmem>>
    %dma_start3A_547 = arith.constant 0 : i32
    %dma_start3A_548 = arith.constant 0 : i32
    %dma_start3A_549 = tpu.memref_slice %arg3[%dma_start3A_547, %dma_start3A_548] : memref<1000001x32xf32, #tpu.memory_space<hbm>> -> memref<1000001x32xf32, #tpu.memory_space<hbm>>
    tpu.enqueue_indirect_dma source(%dma_start3A_549 : memref<1000001x32xf32, #tpu.memory_space<hbm>>) target(%dma_start3A_543 : memref<40x32xf32, #tpu.memory_space<vmem>>) offsets(%dma_start3A_546 : memref<40xi32, #tpu.memory_space<vmem>>) semaphore(%arg9 : memref<!tpu.dma_semaphore, #tpu.memory_space<semaphore_mem>>)
    %dma_start3A_550 = arith.constant 0 : i32
    %dma_start3A_551 = arith.constant 7 : i32
    %dma_start3A_552 = arith.constant 0 : i32
    %dma_start3A_553 = arith.constant 7 : i32
    %dma_start3A_554 = arith.constant 160 : i32
    %dma_start3A_555 = arith.constant 0 : i32
    %dma_start3A_556 = tpu.memref_slice %arg7[%dma_start3A_552, %dma_start3A_553, %dma_start3A_554, %dma_start3A_555] : memref<2x8x200x32xf32, #tpu.memory_space<vmem>> -> memref<1x1x40x32xf32, #tpu.memory_space<vmem>>
    %dma_start3A_557 = tpu.memref_squeeze %dma_start3A_556 : memref<1x1x40x32xf32, #tpu.memory_space<vmem>> -> memref<40x32xf32, #tpu.memory_space<vmem>>
    %dma_start3A_558 = arith.constant 160 : i32
    %dma_start3A_559 = tpu.memref_slice %arg6[%dma_start3A_550, %dma_start3A_551, %dma_start3A_558] : memref<2x8x200xi32, #tpu.memory_space<vmem>> -> memref<1x1x40xi32, #tpu.memory_space<vmem>>
    %dma_start3A_560 = tpu.memref_squeeze %dma_start3A_559 : memref<1x1x40xi32, #tpu.memory_space<vmem>> -> memref<40xi32, #tpu.memory_space<vmem>>
    %dma_start3A_561 = arith.constant 0 : i32
    %dma_start3A_562 = arith.constant 0 : i32
    %dma_start3A_563 = tpu.memref_slice %arg3[%dma_start3A_561, %dma_start3A_562] : memref<1000001x32xf32, #tpu.memory_space<hbm>> -> memref<1000001x32xf32, #tpu.memory_space<hbm>>
    tpu.enqueue_indirect_dma source(%dma_start3A_563 : memref<1000001x32xf32, #tpu.memory_space<hbm>>) target(%dma_start3A_557 : memref<40x32xf32, #tpu.memory_space<vmem>>) offsets(%dma_start3A_560 : memref<40xi32, #tpu.memory_space<vmem>>) semaphore(%arg9 : memref<!tpu.dma_semaphore, #tpu.memory_space<semaphore_mem>>)
    %scan3A = arith.constant 0 : i32
    %scan3A_564 = arith.constant 0 : i32
    %scan3A_565 = arith.constant 8 : i32
    %scan3A_566 = arith.addi %scan3A_564, %scan3A_565 : i32
    %scan3A_567 = arith.constant 1 : i32
    scf.for %scan3A_608 = %scan3A_564 to %scan3A_566 step %scan3A_567  : i32 {
      %mul3A_609 = arith.constant 2 : i32
      %mul3A_610 = arith.muli %scan3A_608, %mul3A_609 : i32
      %add3A_611 = arith.constant 0 : i32
      %add3A_612 = arith.addi %mul3A_610, %add3A_611 : i32
      %ge3A = arith.constant 1 : i32
      %ge3A_613 = arith.cmpi sge, %add3A_612, %ge3A : i32
      %add3A_614 = arith.constant 1 : i32
      %add3A_615 = arith.addi %add3A_612, %add3A_614 : i32
      %lt3A = arith.constant 16 : i32
      %lt3A_616 = arith.cmpi slt, %add3A_615, %lt3A : i32
      %and3A = arith.andi %ge3A_613, %lt3A_616 : i1
      %convert_element_type3A = arith.extui %and3A : i1 to i32
      %cond3A = arith.constant 0 : i32
      %cond3A_617 = arith.cmpi ne, %convert_element_type3A, %cond3A : i32
      scf.if %cond3A_617 {
        %sub3A = arith.constant 1 : i32
        %sub3A_1818 = arith.subi %add3A_612, %sub3A : i32
        %mul3A_1819 = arith.constant 8 : i32
        %mul3A_1820 = arith.muli %sub3A_1818, %mul3A_1819 : i32
        %add3A_1821 = arith.addi %mul3A_2, %mul3A_1820 : i32
        %multiple_of3A_1822 = tpu.assume_multiple %add3A_1821, 8 : i32
        %dma_wait3A_1823 = arith.constant 1 : i32
        %dma_wait3A_1824 = arith.constant 0 : i32
        %dma_wait3A_1825 = arith.constant 0 : i32
        %dma_wait3A_1826 = arith.constant 0 : i32
        %dma_wait3A_1827 = tpu.memref_slice %arg7[%dma_wait3A_1823, %dma_wait3A_1824, %dma_wait3A_1825, %dma_wait3A_1826] : memref<2x8x200x32xf32, #tpu.memory_space<vmem>> -> memref<1x8x200x32xf32, #tpu.memory_space<vmem>>
        %dma_wait3A_1828 = tpu.memref_squeeze %dma_wait3A_1827 : memref<1x8x200x32xf32, #tpu.memory_space<vmem>> -> memref<8x200x32xf32, #tpu.memory_space<vmem>>
        %dma_wait3A_1829 = arith.constant 0 : i32
        %dma_wait3A_1830 = arith.constant 0 : i32
        %dma_wait3A_1831 = tpu.memref_slice %arg5[%multiple_of3A_1822, %dma_wait3A_1829, %dma_wait3A_1830] : memref<4096x200x32xf32, #tpu.memory_space<hbm>> -> memref<8x200x32xf32, #tpu.memory_space<hbm>>
        %dma_wait3A_1832 = arith.constant 0 : i32
        %dma_wait3A_1833 = arith.constant 0 : i32
        %dma_wait3A_1834 = tpu.memref_slice %arg5[%multiple_of3A_1822, %dma_wait3A_1832, %dma_wait3A_1833] : memref<4096x200x32xf32, #tpu.memory_space<hbm>> -> memref<8x200x32xf32, #tpu.memory_space<hbm>>
        %dma_wait3A_1835 = arith.constant 0 : i32
        %dma_wait3A_1836 = arith.constant 0 : i32
        %dma_wait3A_1837 = arith.constant 0 : i32
        %dma_wait3A_1838 = tpu.memref_slice %arg7[%dma_wait3A_1823, %dma_wait3A_1835, %dma_wait3A_1836, %dma_wait3A_1837] : memref<2x8x200x32xf32, #tpu.memory_space<vmem>> -> memref<1x8x200x32xf32, #tpu.memory_space<vmem>>
        %dma_wait3A_1839 = tpu.memref_squeeze %dma_wait3A_1838 : memref<1x8x200x32xf32, #tpu.memory_space<vmem>> -> memref<8x200x32xf32, #tpu.memory_space<vmem>>
        tpu.wait_dma2 semaphore(%arg11 : memref<!tpu.dma_semaphore, #tpu.memory_space<semaphore_mem>>) src(%dma_wait3A_1839 : memref<8x200x32xf32, #tpu.memory_space<vmem>>) dst(%dma_wait3A_1834 : memref<8x200x32xf32, #tpu.memory_space<hbm>>)
      } else {
      }
      %add3A_618 = arith.constant 1 : i32
      %add3A_619 = arith.addi %add3A_612, %add3A_618 : i32
      %lt3A_620 = arith.constant 16 : i32
      %lt3A_621 = arith.cmpi slt, %add3A_619, %lt3A_620 : i32
      %convert_element_type3A_622 = arith.extui %lt3A_621 : i1 to i32
      %cond3A_623 = arith.constant 0 : i32
      %cond3A_624 = arith.cmpi ne, %convert_element_type3A_622, %cond3A_623 : i32
      scf.if %cond3A_624 {
        %add3A_1818 = arith.constant 1 : i32
        %add3A_1819 = arith.addi %add3A_612, %add3A_1818 : i32
        %mul3A_1820 = arith.constant 8 : i32
        %mul3A_1821 = arith.muli %add3A_1819, %mul3A_1820 : i32
        %add3A_1822 = arith.addi %mul3A_2, %mul3A_1821 : i32
        %multiple_of3A_1823 = tpu.assume_multiple %add3A_1822, 8 : i32
        %run_scoped3A_1824 = arith.constant 1 : i32
        "tpu.region"() ({
          %run_scoped3A_2385 = tpu.sem_alloc : memref<!tpu.dma_semaphore, #tpu.memory_space<semaphore_mem>>
          %dma_start3A_2386 = arith.constant 0 : i32
          %dma_start3A_2387 = arith.constant 0 : i32
          %dma_start3A_2388 = tpu.memref_slice %arg6[%run_scoped3A_1824, %dma_start3A_2386, %dma_start3A_2387] : memref<2x8x200xi32, #tpu.memory_space<vmem>> -> memref<1x8x200xi32, #tpu.memory_space<vmem>>
          %dma_start3A_2389 = tpu.memref_squeeze %dma_start3A_2388 : memref<1x8x200xi32, #tpu.memory_space<vmem>> -> memref<8x200xi32, #tpu.memory_space<vmem>>
          %dma_start3A_2390 = arith.constant 0 : i32
          %dma_start3A_2391 = tpu.memref_slice %arg2[%multiple_of3A_1823, %dma_start3A_2390] : memref<4096x200xi32, #tpu.memory_space<hbm>> -> memref<8x200xi32, #tpu.memory_space<hbm>>
          %dma_start3A_2392 = arith.constant 0 : i32
          %dma_start3A_2393 = arith.constant 0 : i32
          %dma_start3A_2394 = tpu.memref_slice %arg6[%run_scoped3A_1824, %dma_start3A_2392, %dma_start3A_2393] : memref<2x8x200xi32, #tpu.memory_space<vmem>> -> memref<1x8x200xi32, #tpu.memory_space<vmem>>
          %dma_start3A_2395 = tpu.memref_squeeze %dma_start3A_2394 : memref<1x8x200xi32, #tpu.memory_space<vmem>> -> memref<8x200xi32, #tpu.memory_space<vmem>>
          %dma_start3A_2396 = arith.constant 0 : i32
          %dma_start3A_2397 = tpu.memref_slice %arg2[%multiple_of3A_1823, %dma_start3A_2396] : memref<4096x200xi32, #tpu.memory_space<hbm>> -> memref<8x200xi32, #tpu.memory_space<hbm>>
          tpu.enqueue_dma source(%dma_start3A_2397 : memref<8x200xi32, #tpu.memory_space<hbm>>) target(%dma_start3A_2395 : memref<8x200xi32, #tpu.memory_space<vmem>>) target_semaphore(%run_scoped3A_2385 : memref<!tpu.dma_semaphore, #tpu.memory_space<semaphore_mem>>)
          %dma_wait3A_2398 = arith.constant 0 : i32
          %dma_wait3A_2399 = arith.constant 0 : i32
          %dma_wait3A_2400 = tpu.memref_slice %arg6[%run_scoped3A_1824, %dma_wait3A_2398, %dma_wait3A_2399] : memref<2x8x200xi32, #tpu.memory_space<vmem>> -> memref<1x8x200xi32, #tpu.memory_space<vmem>>
          %dma_wait3A_2401 = tpu.memref_squeeze %dma_wait3A_2400 : memref<1x8x200xi32, #tpu.memory_space<vmem>> -> memref<8x200xi32, #tpu.memory_space<vmem>>
          %dma_wait3A_2402 = arith.constant 0 : i32
          %dma_wait3A_2403 = tpu.memref_slice %arg2[%multiple_of3A_1823, %dma_wait3A_2402] : memref<4096x200xi32, #tpu.memory_space<hbm>> -> memref<8x200xi32, #tpu.memory_space<hbm>>
          %dma_wait3A_2404 = arith.constant 0 : i32
          %dma_wait3A_2405 = arith.constant 0 : i32
          %dma_wait3A_2406 = tpu.memref_slice %arg6[%run_scoped3A_1824, %dma_wait3A_2404, %dma_wait3A_2405] : memref<2x8x200xi32, #tpu.memory_space<vmem>> -> memref<1x8x200xi32, #tpu.memory_space<vmem>>
          %dma_wait3A_2407 = tpu.memref_squeeze %dma_wait3A_2406 : memref<1x8x200xi32, #tpu.memory_space<vmem>> -> memref<8x200xi32, #tpu.memory_space<vmem>>
          %dma_wait3A_2408 = arith.constant 0 : i32
          %dma_wait3A_2409 = tpu.memref_slice %arg2[%multiple_of3A_1823, %dma_wait3A_2408] : memref<4096x200xi32, #tpu.memory_space<hbm>> -> memref<8x200xi32, #tpu.memory_space<hbm>>
          tpu.wait_dma2 semaphore(%run_scoped3A_2385 : memref<!tpu.dma_semaphore, #tpu.memory_space<semaphore_mem>>) src(%dma_wait3A_2409 : memref<8x200xi32, #tpu.memory_space<hbm>>) dst(%dma_wait3A_2407 : memref<8x200xi32, #tpu.memory_space<vmem>>)
          tpu.yield
        }) : () -> ()
        %dma_start3A_1825 = arith.constant 1 : i32
        %dma_start3A_1826 = arith.constant 0 : i32
        %dma_start3A_1827 = arith.constant 1 : i32
        %dma_start3A_1828 = arith.constant 0 : i32
        %dma_start3A_1829 = arith.constant 0 : i32
        %dma_start3A_1830 = arith.constant 0 : i32
        %dma_start3A_1831 = tpu.memref_slice %arg7[%dma_start3A_1827, %dma_start3A_1828, %dma_start3A_1829, %dma_start3A_1830] : memref<2x8x200x32xf32, #tpu.memory_space<vmem>> -> memref<1x1x40x32xf32, #tpu.memory_space<vmem>>
        %dma_start3A_1832 = tpu.memref_squeeze %dma_start3A_1831 : memref<1x1x40x32xf32, #tpu.memory_space<vmem>> -> memref<40x32xf32, #tpu.memory_space<vmem>>
        %dma_start3A_1833 = arith.constant 0 : i32
        %dma_start3A_1834 = tpu.memref_slice %arg6[%dma_start3A_1825, %dma_start3A_1826, %dma_start3A_1833] : memref<2x8x200xi32, #tpu.memory_space<vmem>> -> memref<1x1x40xi32, #tpu.memory_space<vmem>>
        %dma_start3A_1835 = tpu.memref_squeeze %dma_start3A_1834 : memref<1x1x40xi32, #tpu.memory_space<vmem>> -> memref<40xi32, #tpu.memory_space<vmem>>
        %dma_start3A_1836 = arith.constant 0 : i32
        %dma_start3A_1837 = arith.constant 0 : i32
        %dma_start3A_1838 = tpu.memref_slice %arg3[%dma_start3A_1836, %dma_start3A_1837] : memref<1000001x32xf32, #tpu.memory_space<hbm>> -> memref<1000001x32xf32, #tpu.memory_space<hbm>>
        tpu.enqueue_indirect_dma source(%dma_start3A_1838 : memref<1000001x32xf32, #tpu.memory_space<hbm>>) target(%dma_start3A_1832 : memref<40x32xf32, #tpu.memory_space<vmem>>) offsets(%dma_start3A_1835 : memref<40xi32, #tpu.memory_space<vmem>>) semaphore(%arg9 : memref<!tpu.dma_semaphore, #tpu.memory_space<semaphore_mem>>)
        %dma_start3A_1839 = arith.constant 1 : i32
        %dma_start3A_1840 = arith.constant 0 : i32
        %dma_start3A_1841 = arith.constant 1 : i32
        %dma_start3A_1842 = arith.constant 0 : i32
        %dma_start3A_1843 = arith.constant 40 : i32
        %dma_start3A_1844 = arith.constant 0 : i32
        %dma_start3A_1845 = tpu.memref_slice %arg7[%dma_start3A_1841, %dma_start3A_1842, %dma_start3A_1843, %dma_start3A_1844] : memref<2x8x200x32xf32, #tpu.memory_space<vmem>> -> memref<1x1x40x32xf32, #tpu.memory_space<vmem>>
        %dma_start3A_1846 = tpu.memref_squeeze %dma_start3A_1845 : memref<1x1x40x32xf32, #tpu.memory_space<vmem>> -> memref<40x32xf32, #tpu.memory_space<vmem>>
        %dma_start3A_1847 = arith.constant 40 : i32
        %dma_start3A_1848 = tpu.memref_slice %arg6[%dma_start3A_1839, %dma_start3A_1840, %dma_start3A_1847] : memref<2x8x200xi32, #tpu.memory_space<vmem>> -> memref<1x1x40xi32, #tpu.memory_space<vmem>>
        %dma_start3A_1849 = tpu.memref_squeeze %dma_start3A_1848 : memref<1x1x40xi32, #tpu.memory_space<vmem>> -> memref<40xi32, #tpu.memory_space<vmem>>
        %dma_start3A_1850 = arith.constant 0 : i32
        %dma_start3A_1851 = arith.constant 0 : i32
        %dma_start3A_1852 = tpu.memref_slice %arg3[%dma_start3A_1850, %dma_start3A_1851] : memref<1000001x32xf32, #tpu.memory_space<hbm>> -> memref<1000001x32xf32, #tpu.memory_space<hbm>>
        tpu.enqueue_indirect_dma source(%dma_start3A_1852 : memref<1000001x32xf32, #tpu.memory_space<hbm>>) target(%dma_start3A_1846 : memref<40x32xf32, #tpu.memory_space<vmem>>) offsets(%dma_start3A_1849 : memref<40xi32, #tpu.memory_space<vmem>>) semaphore(%arg9 : memref<!tpu.dma_semaphore, #tpu.memory_space<semaphore_mem>>)
        %dma_start3A_1853 = arith.constant 1 : i32
        %dma_start3A_1854 = arith.constant 0 : i32
        %dma_start3A_1855 = arith.constant 1 : i32
        %dma_start3A_1856 = arith.constant 0 : i32
        %dma_start3A_1857 = arith.constant 80 : i32
        %dma_start3A_1858 = arith.constant 0 : i32
        %dma_start3A_1859 = tpu.memref_slice %arg7[%dma_start3A_1855, %dma_start3A_1856, %dma_start3A_1857, %dma_start3A_1858] : memref<2x8x200x32xf32, #tpu.memory_space<vmem>> -> memref<1x1x40x32xf32, #tpu.memory_space<vmem>>
        %dma_start3A_1860 = tpu.memref_squeeze %dma_start3A_1859 : memref<1x1x40x32xf32, #tpu.memory_space<vmem>> -> memref<40x32xf32, #tpu.memory_space<vmem>>
        %dma_start3A_1861 = arith.constant 80 : i32
        %dma_start3A_1862 = tpu.memref_slice %arg6[%dma_start3A_1853, %dma_start3A_1854, %dma_start3A_1861] : memref<2x8x200xi32, #tpu.memory_space<vmem>> -> memref<1x1x40xi32, #tpu.memory_space<vmem>>
        %dma_start3A_1863 = tpu.memref_squeeze %dma_start3A_1862 : memref<1x1x40xi32, #tpu.memory_space<vmem>> -> memref<40xi32, #tpu.memory_space<vmem>>
        %dma_start3A_1864 = arith.constant 0 : i32
        %dma_start3A_1865 = arith.constant 0 : i32
        %dma_start3A_1866 = tpu.memref_slice %arg3[%dma_start3A_1864, %dma_start3A_1865] : memref<1000001x32xf32, #tpu.memory_space<hbm>> -> memref<1000001x32xf32, #tpu.memory_space<hbm>>
        tpu.enqueue_indirect_dma source(%dma_start3A_1866 : memref<1000001x32xf32, #tpu.memory_space<hbm>>) target(%dma_start3A_1860 : memref<40x32xf32, #tpu.memory_space<vmem>>) offsets(%dma_start3A_1863 : memref<40xi32, #tpu.memory_space<vmem>>) semaphore(%arg9 : memref<!tpu.dma_semaphore, #tpu.memory_space<semaphore_mem>>)
        %dma_start3A_1867 = arith.constant 1 : i32
        %dma_start3A_1868 = arith.constant 0 : i32
        %dma_start3A_1869 = arith.constant 1 : i32
        %dma_start3A_1870 = arith.constant 0 : i32
        %dma_start3A_1871 = arith.constant 120 : i32
        %dma_start3A_1872 = arith.constant 0 : i32
        %dma_start3A_1873 = tpu.memref_slice %arg7[%dma_start3A_1869, %dma_start3A_1870, %dma_start3A_1871, %dma_start3A_1872] : memref<2x8x200x32xf32, #tpu.memory_space<vmem>> -> memref<1x1x40x32xf32, #tpu.memory_space<vmem>>
        %dma_start3A_1874 = tpu.memref_squeeze %dma_start3A_1873 : memref<1x1x40x32xf32, #tpu.memory_space<vmem>> -> memref<40x32xf32, #tpu.memory_space<vmem>>
        %dma_start3A_1875 = arith.constant 120 : i32
        %dma_start3A_1876 = tpu.memref_slice %arg6[%dma_start3A_1867, %dma_start3A_1868, %dma_start3A_1875] : memref<2x8x200xi32, #tpu.memory_space<vmem>> -> memref<1x1x40xi32, #tpu.memory_space<vmem>>
        %dma_start3A_1877 = tpu.memref_squeeze %dma_start3A_1876 : memref<1x1x40xi32, #tpu.memory_space<vmem>> -> memref<40xi32, #tpu.memory_space<vmem>>
        %dma_start3A_1878 = arith.constant 0 : i32
        %dma_start3A_1879 = arith.constant 0 : i32
        %dma_start3A_1880 = tpu.memref_slice %arg3[%dma_start3A_1878, %dma_start3A_1879] : memref<1000001x32xf32, #tpu.memory_space<hbm>> -> memref<1000001x32xf32, #tpu.memory_space<hbm>>
        tpu.enqueue_indirect_dma source(%dma_start3A_1880 : memref<1000001x32xf32, #tpu.memory_space<hbm>>) target(%dma_start3A_1874 : memref<40x32xf32, #tpu.memory_space<vmem>>) offsets(%dma_start3A_1877 : memref<40xi32, #tpu.memory_space<vmem>>) semaphore(%arg9 : memref<!tpu.dma_semaphore, #tpu.memory_space<semaphore_mem>>)
        %dma_start3A_1881 = arith.constant 1 : i32
        %dma_start3A_1882 = arith.constant 0 : i32
        %dma_start3A_1883 = arith.constant 1 : i32
        %dma_start3A_1884 = arith.constant 0 : i32
        %dma_start3A_1885 = arith.constant 160 : i32
        %dma_start3A_1886 = arith.constant 0 : i32
        %dma_start3A_1887 = tpu.memref_slice %arg7[%dma_start3A_1883, %dma_start3A_1884, %dma_start3A_1885, %dma_start3A_1886] : memref<2x8x200x32xf32, #tpu.memory_space<vmem>> -> memref<1x1x40x32xf32, #tpu.memory_space<vmem>>
        %dma_start3A_1888 = tpu.memref_squeeze %dma_start3A_1887 : memref<1x1x40x32xf32, #tpu.memory_space<vmem>> -> memref<40x32xf32, #tpu.memory_space<vmem>>
        %dma_start3A_1889 = arith.constant 160 : i32
        %dma_start3A_1890 = tpu.memref_slice %arg6[%dma_start3A_1881, %dma_start3A_1882, %dma_start3A_1889] : memref<2x8x200xi32, #tpu.memory_space<vmem>> -> memref<1x1x40xi32, #tpu.memory_space<vmem>>
        %dma_start3A_1891 = tpu.memref_squeeze %dma_start3A_1890 : memref<1x1x40xi32, #tpu.memory_space<vmem>> -> memref<40xi32, #tpu.memory_space<vmem>>
        %dma_start3A_1892 = arith.constant 0 : i32
        %dma_start3A_1893 = arith.constant 0 : i32
        %dma_start3A_1894 = tpu.memref_slice %arg3[%dma_start3A_1892, %dma_start3A_1893] : memref<1000001x32xf32, #tpu.memory_space<hbm>> -> memref<1000001x32xf32, #tpu.memory_space<hbm>>
        tpu.enqueue_indirect_dma source(%dma_start3A_1894 : memref<1000001x32xf32, #tpu.memory_space<hbm>>) target(%dma_start3A_1888 : memref<40x32xf32, #tpu.memory_space<vmem>>) offsets(%dma_start3A_1891 : memref<40xi32, #tpu.memory_space<vmem>>) semaphore(%arg9 : memref<!tpu.dma_semaphore, #tpu.memory_space<semaphore_mem>>)
        %dma_start3A_1895 = arith.constant 1 : i32
        %dma_start3A_1896 = arith.constant 1 : i32
        %dma_start3A_1897 = arith.constant 1 : i32
        %dma_start3A_1898 = arith.constant 1 : i32
        %dma_start3A_1899 = arith.constant 0 : i32
        %dma_start3A_1900 = arith.constant 0 : i32
        %dma_start3A_1901 = tpu.memref_slice %arg7[%dma_start3A_1897, %dma_start3A_1898, %dma_start3A_1899, %dma_start3A_1900] : memref<2x8x200x32xf32, #tpu.memory_space<vmem>> -> memref<1x1x40x32xf32, #tpu.memory_space<vmem>>
        %dma_start3A_1902 = tpu.memref_squeeze %dma_start3A_1901 : memref<1x1x40x32xf32, #tpu.memory_space<vmem>> -> memref<40x32xf32, #tpu.memory_space<vmem>>
        %dma_start3A_1903 = arith.constant 0 : i32
        %dma_start3A_1904 = tpu.memref_slice %arg6[%dma_start3A_1895, %dma_start3A_1896, %dma_start3A_1903] : memref<2x8x200xi32, #tpu.memory_space<vmem>> -> memref<1x1x40xi32, #tpu.memory_space<vmem>>
        %dma_start3A_1905 = tpu.memref_squeeze %dma_start3A_1904 : memref<1x1x40xi32, #tpu.memory_space<vmem>> -> memref<40xi32, #tpu.memory_space<vmem>>
        %dma_start3A_1906 = arith.constant 0 : i32
        %dma_start3A_1907 = arith.constant 0 : i32
        %dma_start3A_1908 = tpu.memref_slice %arg3[%dma_start3A_1906, %dma_start3A_1907] : memref<1000001x32xf32, #tpu.memory_space<hbm>> -> memref<1000001x32xf32, #tpu.memory_space<hbm>>
        tpu.enqueue_indirect_dma source(%dma_start3A_1908 : memref<1000001x32xf32, #tpu.memory_space<hbm>>) target(%dma_start3A_1902 : memref<40x32xf32, #tpu.memory_space<vmem>>) offsets(%dma_start3A_1905 : memref<40xi32, #tpu.memory_space<vmem>>) semaphore(%arg9 : memref<!tpu.dma_semaphore, #tpu.memory_space<semaphore_mem>>)
        %dma_start3A_1909 = arith.constant 1 : i32
        %dma_start3A_1910 = arith.constant 1 : i32
        %dma_start3A_1911 = arith.constant 1 : i32
        %dma_start3A_1912 = arith.constant 1 : i32
        %dma_start3A_1913 = arith.constant 40 : i32
        %dma_start3A_1914 = arith.constant 0 : i32
        %dma_start3A_1915 = tpu.memref_slice %arg7[%dma_start3A_1911, %dma_start3A_1912, %dma_start3A_1913, %dma_start3A_1914] : memref<2x8x200x32xf32, #tpu.memory_space<vmem>> -> memref<1x1x40x32xf32, #tpu.memory_space<vmem>>
        %dma_start3A_1916 = tpu.memref_squeeze %dma_start3A_1915 : memref<1x1x40x32xf32, #tpu.memory_space<vmem>> -> memref<40x32xf32, #tpu.memory_space<vmem>>
        %dma_start3A_1917 = arith.constant 40 : i32
        %dma_start3A_1918 = tpu.memref_slice %arg6[%dma_start3A_1909, %dma_start3A_1910, %dma_start3A_1917] : memref<2x8x200xi32, #tpu.memory_space<vmem>> -> memref<1x1x40xi32, #tpu.memory_space<vmem>>
        %dma_start3A_1919 = tpu.memref_squeeze %dma_start3A_1918 : memref<1x1x40xi32, #tpu.memory_space<vmem>> -> memref<40xi32, #tpu.memory_space<vmem>>
        %dma_start3A_1920 = arith.constant 0 : i32
        %dma_start3A_1921 = arith.constant 0 : i32
        %dma_start3A_1922 = tpu.memref_slice %arg3[%dma_start3A_1920, %dma_start3A_1921] : memref<1000001x32xf32, #tpu.memory_space<hbm>> -> memref<1000001x32xf32, #tpu.memory_space<hbm>>
        tpu.enqueue_indirect_dma source(%dma_start3A_1922 : memref<1000001x32xf32, #tpu.memory_space<hbm>>) target(%dma_start3A_1916 : memref<40x32xf32, #tpu.memory_space<vmem>>) offsets(%dma_start3A_1919 : memref<40xi32, #tpu.memory_space<vmem>>) semaphore(%arg9 : memref<!tpu.dma_semaphore, #tpu.memory_space<semaphore_mem>>)
        %dma_start3A_1923 = arith.constant 1 : i32
        %dma_start3A_1924 = arith.constant 1 : i32
        %dma_start3A_1925 = arith.constant 1 : i32
        %dma_start3A_1926 = arith.constant 1 : i32
        %dma_start3A_1927 = arith.constant 80 : i32
        %dma_start3A_1928 = arith.constant 0 : i32
        %dma_start3A_1929 = tpu.memref_slice %arg7[%dma_start3A_1925, %dma_start3A_1926, %dma_start3A_1927, %dma_start3A_1928] : memref<2x8x200x32xf32, #tpu.memory_space<vmem>> -> memref<1x1x40x32xf32, #tpu.memory_space<vmem>>
        %dma_start3A_1930 = tpu.memref_squeeze %dma_start3A_1929 : memref<1x1x40x32xf32, #tpu.memory_space<vmem>> -> memref<40x32xf32, #tpu.memory_space<vmem>>
        %dma_start3A_1931 = arith.constant 80 : i32
        %dma_start3A_1932 = tpu.memref_slice %arg6[%dma_start3A_1923, %dma_start3A_1924, %dma_start3A_1931] : memref<2x8x200xi32, #tpu.memory_space<vmem>> -> memref<1x1x40xi32, #tpu.memory_space<vmem>>
        %dma_start3A_1933 = tpu.memref_squeeze %dma_start3A_1932 : memref<1x1x40xi32, #tpu.memory_space<vmem>> -> memref<40xi32, #tpu.memory_space<vmem>>
        %dma_start3A_1934 = arith.constant 0 : i32
        %dma_start3A_1935 = arith.constant 0 : i32
        %dma_start3A_1936 = tpu.memref_slice %arg3[%dma_start3A_1934, %dma_start3A_1935] : memref<1000001x32xf32, #tpu.memory_space<hbm>> -> memref<1000001x32xf32, #tpu.memory_space<hbm>>
        tpu.enqueue_indirect_dma source(%dma_start3A_1936 : memref<1000001x32xf32, #tpu.memory_space<hbm>>) target(%dma_start3A_1930 : memref<40x32xf32, #tpu.memory_space<vmem>>) offsets(%dma_start3A_1933 : memref<40xi32, #tpu.memory_space<vmem>>) semaphore(%arg9 : memref<!tpu.dma_semaphore, #tpu.memory_space<semaphore_mem>>)
        %dma_start3A_1937 = arith.constant 1 : i32
        %dma_start3A_1938 = arith.constant 1 : i32
        %dma_start3A_1939 = arith.constant 1 : i32
        %dma_start3A_1940 = arith.constant 1 : i32
        %dma_start3A_1941 = arith.constant 120 : i32
        %dma_start3A_1942 = arith.constant 0 : i32
        %dma_start3A_1943 = tpu.memref_slice %arg7[%dma_start3A_1939, %dma_start3A_1940, %dma_start3A_1941, %dma_start3A_1942] : memref<2x8x200x32xf32, #tpu.memory_space<vmem>> -> memref<1x1x40x32xf32, #tpu.memory_space<vmem>>
        %dma_start3A_1944 = tpu.memref_squeeze %dma_start3A_1943 : memref<1x1x40x32xf32, #tpu.memory_space<vmem>> -> memref<40x32xf32, #tpu.memory_space<vmem>>
        %dma_start3A_1945 = arith.constant 120 : i32
        %dma_start3A_1946 = tpu.memref_slice %arg6[%dma_start3A_1937, %dma_start3A_1938, %dma_start3A_1945] : memref<2x8x200xi32, #tpu.memory_space<vmem>> -> memref<1x1x40xi32, #tpu.memory_space<vmem>>
        %dma_start3A_1947 = tpu.memref_squeeze %dma_start3A_1946 : memref<1x1x40xi32, #tpu.memory_space<vmem>> -> memref<40xi32, #tpu.memory_space<vmem>>
        %dma_start3A_1948 = arith.constant 0 : i32
        %dma_start3A_1949 = arith.constant 0 : i32
        %dma_start3A_1950 = tpu.memref_slice %arg3[%dma_start3A_1948, %dma_start3A_1949] : memref<1000001x32xf32, #tpu.memory_space<hbm>> -> memref<1000001x32xf32, #tpu.memory_space<hbm>>
        tpu.enqueue_indirect_dma source(%dma_start3A_1950 : memref<1000001x32xf32, #tpu.memory_space<hbm>>) target(%dma_start3A_1944 : memref<40x32xf32, #tpu.memory_space<vmem>>) offsets(%dma_start3A_1947 : memref<40xi32, #tpu.memory_space<vmem>>) semaphore(%arg9 : memref<!tpu.dma_semaphore, #tpu.memory_space<semaphore_mem>>)
        %dma_start3A_1951 = arith.constant 1 : i32
        %dma_start3A_1952 = arith.constant 1 : i32
        %dma_start3A_1953 = arith.constant 1 : i32
        %dma_start3A_1954 = arith.constant 1 : i32
        %dma_start3A_1955 = arith.constant 160 : i32
        %dma_start3A_1956 = arith.constant 0 : i32
        %dma_start3A_1957 = tpu.memref_slice %arg7[%dma_start3A_1953, %dma_start3A_1954, %dma_start3A_1955, %dma_start3A_1956] : memref<2x8x200x32xf32, #tpu.memory_space<vmem>> -> memref<1x1x40x32xf32, #tpu.memory_space<vmem>>
        %dma_start3A_1958 = tpu.memref_squeeze %dma_start3A_1957 : memref<1x1x40x32xf32, #tpu.memory_space<vmem>> -> memref<40x32xf32, #tpu.memory_space<vmem>>
        %dma_start3A_1959 = arith.constant 160 : i32
        %dma_start3A_1960 = tpu.memref_slice %arg6[%dma_start3A_1951, %dma_start3A_1952, %dma_start3A_1959] : memref<2x8x200xi32, #tpu.memory_space<vmem>> -> memref<1x1x40xi32, #tpu.memory_space<vmem>>
        %dma_start3A_1961 = tpu.memref_squeeze %dma_start3A_1960 : memref<1x1x40xi32, #tpu.memory_space<vmem>> -> memref<40xi32, #tpu.memory_space<vmem>>
        %dma_start3A_1962 = arith.constant 0 : i32
        %dma_start3A_1963 = arith.constant 0 : i32
        %dma_start3A_1964 = tpu.memref_slice %arg3[%dma_start3A_1962, %dma_start3A_1963] : memref<1000001x32xf32, #tpu.memory_space<hbm>> -> memref<1000001x32xf32, #tpu.memory_space<hbm>>
        tpu.enqueue_indirect_dma source(%dma_start3A_1964 : memref<1000001x32xf32, #tpu.memory_space<hbm>>) target(%dma_start3A_1958 : memref<40x32xf32, #tpu.memory_space<vmem>>) offsets(%dma_start3A_1961 : memref<40xi32, #tpu.memory_space<vmem>>) semaphore(%arg9 : memref<!tpu.dma_semaphore, #tpu.memory_space<semaphore_mem>>)
        %dma_start3A_1965 = arith.constant 1 : i32
        %dma_start3A_1966 = arith.constant 2 : i32
        %dma_start3A_1967 = arith.constant 1 : i32
        %dma_start3A_1968 = arith.constant 2 : i32
        %dma_start3A_1969 = arith.constant 0 : i32
        %dma_start3A_1970 = arith.constant 0 : i32
        %dma_start3A_1971 = tpu.memref_slice %arg7[%dma_start3A_1967, %dma_start3A_1968, %dma_start3A_1969, %dma_start3A_1970] : memref<2x8x200x32xf32, #tpu.memory_space<vmem>> -> memref<1x1x40x32xf32, #tpu.memory_space<vmem>>
        %dma_start3A_1972 = tpu.memref_squeeze %dma_start3A_1971 : memref<1x1x40x32xf32, #tpu.memory_space<vmem>> -> memref<40x32xf32, #tpu.memory_space<vmem>>
        %dma_start3A_1973 = arith.constant 0 : i32
        %dma_start3A_1974 = tpu.memref_slice %arg6[%dma_start3A_1965, %dma_start3A_1966, %dma_start3A_1973] : memref<2x8x200xi32, #tpu.memory_space<vmem>> -> memref<1x1x40xi32, #tpu.memory_space<vmem>>
        %dma_start3A_1975 = tpu.memref_squeeze %dma_start3A_1974 : memref<1x1x40xi32, #tpu.memory_space<vmem>> -> memref<40xi32, #tpu.memory_space<vmem>>
        %dma_start3A_1976 = arith.constant 0 : i32
        %dma_start3A_1977 = arith.constant 0 : i32
        %dma_start3A_1978 = tpu.memref_slice %arg3[%dma_start3A_1976, %dma_start3A_1977] : memref<1000001x32xf32, #tpu.memory_space<hbm>> -> memref<1000001x32xf32, #tpu.memory_space<hbm>>
        tpu.enqueue_indirect_dma source(%dma_start3A_1978 : memref<1000001x32xf32, #tpu.memory_space<hbm>>) target(%dma_start3A_1972 : memref<40x32xf32, #tpu.memory_space<vmem>>) offsets(%dma_start3A_1975 : memref<40xi32, #tpu.memory_space<vmem>>) semaphore(%arg9 : memref<!tpu.dma_semaphore, #tpu.memory_space<semaphore_mem>>)
        %dma_start3A_1979 = arith.constant 1 : i32
        %dma_start3A_1980 = arith.constant 2 : i32
        %dma_start3A_1981 = arith.constant 1 : i32
        %dma_start3A_1982 = arith.constant 2 : i32
        %dma_start3A_1983 = arith.constant 40 : i32
        %dma_start3A_1984 = arith.constant 0 : i32
        %dma_start3A_1985 = tpu.memref_slice %arg7[%dma_start3A_1981, %dma_start3A_1982, %dma_start3A_1983, %dma_start3A_1984] : memref<2x8x200x32xf32, #tpu.memory_space<vmem>> -> memref<1x1x40x32xf32, #tpu.memory_space<vmem>>
        %dma_start3A_1986 = tpu.memref_squeeze %dma_start3A_1985 : memref<1x1x40x32xf32, #tpu.memory_space<vmem>> -> memref<40x32xf32, #tpu.memory_space<vmem>>
        %dma_start3A_1987 = arith.constant 40 : i32
        %dma_start3A_1988 = tpu.memref_slice %arg6[%dma_start3A_1979, %dma_start3A_1980, %dma_start3A_1987] : memref<2x8x200xi32, #tpu.memory_space<vmem>> -> memref<1x1x40xi32, #tpu.memory_space<vmem>>
        %dma_start3A_1989 = tpu.memref_squeeze %dma_start3A_1988 : memref<1x1x40xi32, #tpu.memory_space<vmem>> -> memref<40xi32, #tpu.memory_space<vmem>>
        %dma_start3A_1990 = arith.constant 0 : i32
        %dma_start3A_1991 = arith.constant 0 : i32
        %dma_start3A_1992 = tpu.memref_slice %arg3[%dma_start3A_1990, %dma_start3A_1991] : memref<1000001x32xf32, #tpu.memory_space<hbm>> -> memref<1000001x32xf32, #tpu.memory_space<hbm>>
        tpu.enqueue_indirect_dma source(%dma_start3A_1992 : memref<1000001x32xf32, #tpu.memory_space<hbm>>) target(%dma_start3A_1986 : memref<40x32xf32, #tpu.memory_space<vmem>>) offsets(%dma_start3A_1989 : memref<40xi32, #tpu.memory_space<vmem>>) semaphore(%arg9 : memref<!tpu.dma_semaphore, #tpu.memory_space<semaphore_mem>>)
        %dma_start3A_1993 = arith.constant 1 : i32
        %dma_start3A_1994 = arith.constant 2 : i32
        %dma_start3A_1995 = arith.constant 1 : i32
        %dma_start3A_1996 = arith.constant 2 : i32
        %dma_start3A_1997 = arith.constant 80 : i32
        %dma_start3A_1998 = arith.constant 0 : i32
        %dma_start3A_1999 = tpu.memref_slice %arg7[%dma_start3A_1995, %dma_start3A_1996, %dma_start3A_1997, %dma_start3A_1998] : memref<2x8x200x32xf32, #tpu.memory_space<vmem>> -> memref<1x1x40x32xf32, #tpu.memory_space<vmem>>
        %dma_start3A_2000 = tpu.memref_squeeze %dma_start3A_1999 : memref<1x1x40x32xf32, #tpu.memory_space<vmem>> -> memref<40x32xf32, #tpu.memory_space<vmem>>
        %dma_start3A_2001 = arith.constant 80 : i32
        %dma_start3A_2002 = tpu.memref_slice %arg6[%dma_start3A_1993, %dma_start3A_1994, %dma_start3A_2001] : memref<2x8x200xi32, #tpu.memory_space<vmem>> -> memref<1x1x40xi32, #tpu.memory_space<vmem>>
        %dma_start3A_2003 = tpu.memref_squeeze %dma_start3A_2002 : memref<1x1x40xi32, #tpu.memory_space<vmem>> -> memref<40xi32, #tpu.memory_space<vmem>>
        %dma_start3A_2004 = arith.constant 0 : i32
        %dma_start3A_2005 = arith.constant 0 : i32
        %dma_start3A_2006 = tpu.memref_slice %arg3[%dma_start3A_2004, %dma_start3A_2005] : memref<1000001x32xf32, #tpu.memory_space<hbm>> -> memref<1000001x32xf32, #tpu.memory_space<hbm>>
        tpu.enqueue_indirect_dma source(%dma_start3A_2006 : memref<1000001x32xf32, #tpu.memory_space<hbm>>) target(%dma_start3A_2000 : memref<40x32xf32, #tpu.memory_space<vmem>>) offsets(%dma_start3A_2003 : memref<40xi32, #tpu.memory_space<vmem>>) semaphore(%arg9 : memref<!tpu.dma_semaphore, #tpu.memory_space<semaphore_mem>>)
        %dma_start3A_2007 = arith.constant 1 : i32
        %dma_start3A_2008 = arith.constant 2 : i32
        %dma_start3A_2009 = arith.constant 1 : i32
        %dma_start3A_2010 = arith.constant 2 : i32
        %dma_start3A_2011 = arith.constant 120 : i32
        %dma_start3A_2012 = arith.constant 0 : i32
        %dma_start3A_2013 = tpu.memref_slice %arg7[%dma_start3A_2009, %dma_start3A_2010, %dma_start3A_2011, %dma_start3A_2012] : memref<2x8x200x32xf32, #tpu.memory_space<vmem>> -> memref<1x1x40x32xf32, #tpu.memory_space<vmem>>
        %dma_start3A_2014 = tpu.memref_squeeze %dma_start3A_2013 : memref<1x1x40x32xf32, #tpu.memory_space<vmem>> -> memref<40x32xf32, #tpu.memory_space<vmem>>
        %dma_start3A_2015 = arith.constant 120 : i32
        %dma_start3A_2016 = tpu.memref_slice %arg6[%dma_start3A_2007, %dma_start3A_2008, %dma_start3A_2015] : memref<2x8x200xi32, #tpu.memory_space<vmem>> -> memref<1x1x40xi32, #tpu.memory_space<vmem>>
        %dma_start3A_2017 = tpu.memref_squeeze %dma_start3A_2016 : memref<1x1x40xi32, #tpu.memory_space<vmem>> -> memref<40xi32, #tpu.memory_space<vmem>>
        %dma_start3A_2018 = arith.constant 0 : i32
        %dma_start3A_2019 = arith.constant 0 : i32
        %dma_start3A_2020 = tpu.memref_slice %arg3[%dma_start3A_2018, %dma_start3A_2019] : memref<1000001x32xf32, #tpu.memory_space<hbm>> -> memref<1000001x32xf32, #tpu.memory_space<hbm>>
        tpu.enqueue_indirect_dma source(%dma_start3A_2020 : memref<1000001x32xf32, #tpu.memory_space<hbm>>) target(%dma_start3A_2014 : memref<40x32xf32, #tpu.memory_space<vmem>>) offsets(%dma_start3A_2017 : memref<40xi32, #tpu.memory_space<vmem>>) semaphore(%arg9 : memref<!tpu.dma_semaphore, #tpu.memory_space<semaphore_mem>>)
        %dma_start3A_2021 = arith.constant 1 : i32
        %dma_start3A_2022 = arith.constant 2 : i32
        %dma_start3A_2023 = arith.constant 1 : i32
        %dma_start3A_2024 = arith.constant 2 : i32
        %dma_start3A_2025 = arith.constant 160 : i32
        %dma_start3A_2026 = arith.constant 0 : i32
        %dma_start3A_2027 = tpu.memref_slice %arg7[%dma_start3A_2023, %dma_start3A_2024, %dma_start3A_2025, %dma_start3A_2026] : memref<2x8x200x32xf32, #tpu.memory_space<vmem>> -> memref<1x1x40x32xf32, #tpu.memory_space<vmem>>
        %dma_start3A_2028 = tpu.memref_squeeze %dma_start3A_2027 : memref<1x1x40x32xf32, #tpu.memory_space<vmem>> -> memref<40x32xf32, #tpu.memory_space<vmem>>
        %dma_start3A_2029 = arith.constant 160 : i32
        %dma_start3A_2030 = tpu.memref_slice %arg6[%dma_start3A_2021, %dma_start3A_2022, %dma_start3A_2029] : memref<2x8x200xi32, #tpu.memory_space<vmem>> -> memref<1x1x40xi32, #tpu.memory_space<vmem>>
        %dma_start3A_2031 = tpu.memref_squeeze %dma_start3A_2030 : memref<1x1x40xi32, #tpu.memory_space<vmem>> -> memref<40xi32, #tpu.memory_space<vmem>>
        %dma_start3A_2032 = arith.constant 0 : i32
        %dma_start3A_2033 = arith.constant 0 : i32
        %dma_start3A_2034 = tpu.memref_slice %arg3[%dma_start3A_2032, %dma_start3A_2033] : memref<1000001x32xf32, #tpu.memory_space<hbm>> -> memref<1000001x32xf32, #tpu.memory_space<hbm>>
        tpu.enqueue_indirect_dma source(%dma_start3A_2034 : memref<1000001x32xf32, #tpu.memory_space<hbm>>) target(%dma_start3A_2028 : memref<40x32xf32, #tpu.memory_space<vmem>>) offsets(%dma_start3A_2031 : memref<40xi32, #tpu.memory_space<vmem>>) semaphore(%arg9 : memref<!tpu.dma_semaphore, #tpu.memory_space<semaphore_mem>>)
        %dma_start3A_2035 = arith.constant 1 : i32
        %dma_start3A_2036 = arith.constant 3 : i32
        %dma_start3A_2037 = arith.constant 1 : i32
        %dma_start3A_2038 = arith.constant 3 : i32
        %dma_start3A_2039 = arith.constant 0 : i32
        %dma_start3A_2040 = arith.constant 0 : i32
        %dma_start3A_2041 = tpu.memref_slice %arg7[%dma_start3A_2037, %dma_start3A_2038, %dma_start3A_2039, %dma_start3A_2040] : memref<2x8x200x32xf32, #tpu.memory_space<vmem>> -> memref<1x1x40x32xf32, #tpu.memory_space<vmem>>
        %dma_start3A_2042 = tpu.memref_squeeze %dma_start3A_2041 : memref<1x1x40x32xf32, #tpu.memory_space<vmem>> -> memref<40x32xf32, #tpu.memory_space<vmem>>
        %dma_start3A_2043 = arith.constant 0 : i32
        %dma_start3A_2044 = tpu.memref_slice %arg6[%dma_start3A_2035, %dma_start3A_2036, %dma_start3A_2043] : memref<2x8x200xi32, #tpu.memory_space<vmem>> -> memref<1x1x40xi32, #tpu.memory_space<vmem>>
        %dma_start3A_2045 = tpu.memref_squeeze %dma_start3A_2044 : memref<1x1x40xi32, #tpu.memory_space<vmem>> -> memref<40xi32, #tpu.memory_space<vmem>>
        %dma_start3A_2046 = arith.constant 0 : i32
        %dma_start3A_2047 = arith.constant 0 : i32
        %dma_start3A_2048 = tpu.memref_slice %arg3[%dma_start3A_2046, %dma_start3A_2047] : memref<1000001x32xf32, #tpu.memory_space<hbm>> -> memref<1000001x32xf32, #tpu.memory_space<hbm>>
        tpu.enqueue_indirect_dma source(%dma_start3A_2048 : memref<1000001x32xf32, #tpu.memory_space<hbm>>) target(%dma_start3A_2042 : memref<40x32xf32, #tpu.memory_space<vmem>>) offsets(%dma_start3A_2045 : memref<40xi32, #tpu.memory_space<vmem>>) semaphore(%arg9 : memref<!tpu.dma_semaphore, #tpu.memory_space<semaphore_mem>>)
        %dma_start3A_2049 = arith.constant 1 : i32
        %dma_start3A_2050 = arith.constant 3 : i32
        %dma_start3A_2051 = arith.constant 1 : i32
        %dma_start3A_2052 = arith.constant 3 : i32
        %dma_start3A_2053 = arith.constant 40 : i32
        %dma_start3A_2054 = arith.constant 0 : i32
        %dma_start3A_2055 = tpu.memref_slice %arg7[%dma_start3A_2051, %dma_start3A_2052, %dma_start3A_2053, %dma_start3A_2054] : memref<2x8x200x32xf32, #tpu.memory_space<vmem>> -> memref<1x1x40x32xf32, #tpu.memory_space<vmem>>
        %dma_start3A_2056 = tpu.memref_squeeze %dma_start3A_2055 : memref<1x1x40x32xf32, #tpu.memory_space<vmem>> -> memref<40x32xf32, #tpu.memory_space<vmem>>
        %dma_start3A_2057 = arith.constant 40 : i32
        %dma_start3A_2058 = tpu.memref_slice %arg6[%dma_start3A_2049, %dma_start3A_2050, %dma_start3A_2057] : memref<2x8x200xi32, #tpu.memory_space<vmem>> -> memref<1x1x40xi32, #tpu.memory_space<vmem>>
        %dma_start3A_2059 = tpu.memref_squeeze %dma_start3A_2058 : memref<1x1x40xi32, #tpu.memory_space<vmem>> -> memref<40xi32, #tpu.memory_space<vmem>>
        %dma_start3A_2060 = arith.constant 0 : i32
        %dma_start3A_2061 = arith.constant 0 : i32
        %dma_start3A_2062 = tpu.memref_slice %arg3[%dma_start3A_2060, %dma_start3A_2061] : memref<1000001x32xf32, #tpu.memory_space<hbm>> -> memref<1000001x32xf32, #tpu.memory_space<hbm>>
        tpu.enqueue_indirect_dma source(%dma_start3A_2062 : memref<1000001x32xf32, #tpu.memory_space<hbm>>) target(%dma_start3A_2056 : memref<40x32xf32, #tpu.memory_space<vmem>>) offsets(%dma_start3A_2059 : memref<40xi32, #tpu.memory_space<vmem>>) semaphore(%arg9 : memref<!tpu.dma_semaphore, #tpu.memory_space<semaphore_mem>>)
        %dma_start3A_2063 = arith.constant 1 : i32
        %dma_start3A_2064 = arith.constant 3 : i32
        %dma_start3A_2065 = arith.constant 1 : i32
        %dma_start3A_2066 = arith.constant 3 : i32
        %dma_start3A_2067 = arith.constant 80 : i32
        %dma_start3A_2068 = arith.constant 0 : i32
        %dma_start3A_2069 = tpu.memref_slice %arg7[%dma_start3A_2065, %dma_start3A_2066, %dma_start3A_2067, %dma_start3A_2068] : memref<2x8x200x32xf32, #tpu.memory_space<vmem>> -> memref<1x1x40x32xf32, #tpu.memory_space<vmem>>
        %dma_start3A_2070 = tpu.memref_squeeze %dma_start3A_2069 : memref<1x1x40x32xf32, #tpu.memory_space<vmem>> -> memref<40x32xf32, #tpu.memory_space<vmem>>
        %dma_start3A_2071 = arith.constant 80 : i32
        %dma_start3A_2072 = tpu.memref_slice %arg6[%dma_start3A_2063, %dma_start3A_2064, %dma_start3A_2071] : memref<2x8x200xi32, #tpu.memory_space<vmem>> -> memref<1x1x40xi32, #tpu.memory_space<vmem>>
        %dma_start3A_2073 = tpu.memref_squeeze %dma_start3A_2072 : memref<1x1x40xi32, #tpu.memory_space<vmem>> -> memref<40xi32, #tpu.memory_space<vmem>>
        %dma_start3A_2074 = arith.constant 0 : i32
        %dma_start3A_2075 = arith.constant 0 : i32
        %dma_start3A_2076 = tpu.memref_slice %arg3[%dma_start3A_2074, %dma_start3A_2075] : memref<1000001x32xf32, #tpu.memory_space<hbm>> -> memref<1000001x32xf32, #tpu.memory_space<hbm>>
        tpu.enqueue_indirect_dma source(%dma_start3A_2076 : memref<1000001x32xf32, #tpu.memory_space<hbm>>) target(%dma_start3A_2070 : memref<40x32xf32, #tpu.memory_space<vmem>>) offsets(%dma_start3A_2073 : memref<40xi32, #tpu.memory_space<vmem>>) semaphore(%arg9 : memref<!tpu.dma_semaphore, #tpu.memory_space<semaphore_mem>>)
        %dma_start3A_2077 = arith.constant 1 : i32
        %dma_start3A_2078 = arith.constant 3 : i32
        %dma_start3A_2079 = arith.constant 1 : i32
        %dma_start3A_2080 = arith.constant 3 : i32
        %dma_start3A_2081 = arith.constant 120 : i32
        %dma_start3A_2082 = arith.constant 0 : i32
        %dma_start3A_2083 = tpu.memref_slice %arg7[%dma_start3A_2079, %dma_start3A_2080, %dma_start3A_2081, %dma_start3A_2082] : memref<2x8x200x32xf32, #tpu.memory_space<vmem>> -> memref<1x1x40x32xf32, #tpu.memory_space<vmem>>
        %dma_start3A_2084 = tpu.memref_squeeze %dma_start3A_2083 : memref<1x1x40x32xf32, #tpu.memory_space<vmem>> -> memref<40x32xf32, #tpu.memory_space<vmem>>
        %dma_start3A_2085 = arith.constant 120 : i32
        %dma_start3A_2086 = tpu.memref_slice %arg6[%dma_start3A_2077, %dma_start3A_2078, %dma_start3A_2085] : memref<2x8x200xi32, #tpu.memory_space<vmem>> -> memref<1x1x40xi32, #tpu.memory_space<vmem>>
        %dma_start3A_2087 = tpu.memref_squeeze %dma_start3A_2086 : memref<1x1x40xi32, #tpu.memory_space<vmem>> -> memref<40xi32, #tpu.memory_space<vmem>>
        %dma_start3A_2088 = arith.constant 0 : i32
        %dma_start3A_2089 = arith.constant 0 : i32
        %dma_start3A_2090 = tpu.memref_slice %arg3[%dma_start3A_2088, %dma_start3A_2089] : memref<1000001x32xf32, #tpu.memory_space<hbm>> -> memref<1000001x32xf32, #tpu.memory_space<hbm>>
        tpu.enqueue_indirect_dma source(%dma_start3A_2090 : memref<1000001x32xf32, #tpu.memory_space<hbm>>) target(%dma_start3A_2084 : memref<40x32xf32, #tpu.memory_space<vmem>>) offsets(%dma_start3A_2087 : memref<40xi32, #tpu.memory_space<vmem>>) semaphore(%arg9 : memref<!tpu.dma_semaphore, #tpu.memory_space<semaphore_mem>>)
        %dma_start3A_2091 = arith.constant 1 : i32
        %dma_start3A_2092 = arith.constant 3 : i32
        %dma_start3A_2093 = arith.constant 1 : i32
        %dma_start3A_2094 = arith.constant 3 : i32
        %dma_start3A_2095 = arith.constant 160 : i32
        %dma_start3A_2096 = arith.constant 0 : i32
        %dma_start3A_2097 = tpu.memref_slice %arg7[%dma_start3A_2093, %dma_start3A_2094, %dma_start3A_2095, %dma_start3A_2096] : memref<2x8x200x32xf32, #tpu.memory_space<vmem>> -> memref<1x1x40x32xf32, #tpu.memory_space<vmem>>
        %dma_start3A_2098 = tpu.memref_squeeze %dma_start3A_2097 : memref<1x1x40x32xf32, #tpu.memory_space<vmem>> -> memref<40x32xf32, #tpu.memory_space<vmem>>
        %dma_start3A_2099 = arith.constant 160 : i32
        %dma_start3A_2100 = tpu.memref_slice %arg6[%dma_start3A_2091, %dma_start3A_2092, %dma_start3A_2099] : memref<2x8x200xi32, #tpu.memory_space<vmem>> -> memref<1x1x40xi32, #tpu.memory_space<vmem>>
        %dma_start3A_2101 = tpu.memref_squeeze %dma_start3A_2100 : memref<1x1x40xi32, #tpu.memory_space<vmem>> -> memref<40xi32, #tpu.memory_space<vmem>>
        %dma_start3A_2102 = arith.constant 0 : i32
        %dma_start3A_2103 = arith.constant 0 : i32
        %dma_start3A_2104 = tpu.memref_slice %arg3[%dma_start3A_2102, %dma_start3A_2103] : memref<1000001x32xf32, #tpu.memory_space<hbm>> -> memref<1000001x32xf32, #tpu.memory_space<hbm>>
        tpu.enqueue_indirect_dma source(%dma_start3A_2104 : memref<1000001x32xf32, #tpu.memory_space<hbm>>) target(%dma_start3A_2098 : memref<40x32xf32, #tpu.memory_space<vmem>>) offsets(%dma_start3A_2101 : memref<40xi32, #tpu.memory_space<vmem>>) semaphore(%arg9 : memref<!tpu.dma_semaphore, #tpu.memory_space<semaphore_mem>>)
        %dma_start3A_2105 = arith.constant 1 : i32
        %dma_start3A_2106 = arith.constant 4 : i32
        %dma_start3A_2107 = arith.constant 1 : i32
        %dma_start3A_2108 = arith.constant 4 : i32
        %dma_start3A_2109 = arith.constant 0 : i32
        %dma_start3A_2110 = arith.constant 0 : i32
        %dma_start3A_2111 = tpu.memref_slice %arg7[%dma_start3A_2107, %dma_start3A_2108, %dma_start3A_2109, %dma_start3A_2110] : memref<2x8x200x32xf32, #tpu.memory_space<vmem>> -> memref<1x1x40x32xf32, #tpu.memory_space<vmem>>
        %dma_start3A_2112 = tpu.memref_squeeze %dma_start3A_2111 : memref<1x1x40x32xf32, #tpu.memory_space<vmem>> -> memref<40x32xf32, #tpu.memory_space<vmem>>
        %dma_start3A_2113 = arith.constant 0 : i32
        %dma_start3A_2114 = tpu.memref_slice %arg6[%dma_start3A_2105, %dma_start3A_2106, %dma_start3A_2113] : memref<2x8x200xi32, #tpu.memory_space<vmem>> -> memref<1x1x40xi32, #tpu.memory_space<vmem>>
        %dma_start3A_2115 = tpu.memref_squeeze %dma_start3A_2114 : memref<1x1x40xi32, #tpu.memory_space<vmem>> -> memref<40xi32, #tpu.memory_space<vmem>>
        %dma_start3A_2116 = arith.constant 0 : i32
        %dma_start3A_2117 = arith.constant 0 : i32
        %dma_start3A_2118 = tpu.memref_slice %arg3[%dma_start3A_2116, %dma_start3A_2117] : memref<1000001x32xf32, #tpu.memory_space<hbm>> -> memref<1000001x32xf32, #tpu.memory_space<hbm>>
        tpu.enqueue_indirect_dma source(%dma_start3A_2118 : memref<1000001x32xf32, #tpu.memory_space<hbm>>) target(%dma_start3A_2112 : memref<40x32xf32, #tpu.memory_space<vmem>>) offsets(%dma_start3A_2115 : memref<40xi32, #tpu.memory_space<vmem>>) semaphore(%arg9 : memref<!tpu.dma_semaphore, #tpu.memory_space<semaphore_mem>>)
        %dma_start3A_2119 = arith.constant 1 : i32
        %dma_start3A_2120 = arith.constant 4 : i32
        %dma_start3A_2121 = arith.constant 1 : i32
        %dma_start3A_2122 = arith.constant 4 : i32
        %dma_start3A_2123 = arith.constant 40 : i32
        %dma_start3A_2124 = arith.constant 0 : i32
        %dma_start3A_2125 = tpu.memref_slice %arg7[%dma_start3A_2121, %dma_start3A_2122, %dma_start3A_2123, %dma_start3A_2124] : memref<2x8x200x32xf32, #tpu.memory_space<vmem>> -> memref<1x1x40x32xf32, #tpu.memory_space<vmem>>
        %dma_start3A_2126 = tpu.memref_squeeze %dma_start3A_2125 : memref<1x1x40x32xf32, #tpu.memory_space<vmem>> -> memref<40x32xf32, #tpu.memory_space<vmem>>
        %dma_start3A_2127 = arith.constant 40 : i32
        %dma_start3A_2128 = tpu.memref_slice %arg6[%dma_start3A_2119, %dma_start3A_2120, %dma_start3A_2127] : memref<2x8x200xi32, #tpu.memory_space<vmem>> -> memref<1x1x40xi32, #tpu.memory_space<vmem>>
        %dma_start3A_2129 = tpu.memref_squeeze %dma_start3A_2128 : memref<1x1x40xi32, #tpu.memory_space<vmem>> -> memref<40xi32, #tpu.memory_space<vmem>>
        %dma_start3A_2130 = arith.constant 0 : i32
        %dma_start3A_2131 = arith.constant 0 : i32
        %dma_start3A_2132 = tpu.memref_slice %arg3[%dma_start3A_2130, %dma_start3A_2131] : memref<1000001x32xf32, #tpu.memory_space<hbm>> -> memref<1000001x32xf32, #tpu.memory_space<hbm>>
        tpu.enqueue_indirect_dma source(%dma_start3A_2132 : memref<1000001x32xf32, #tpu.memory_space<hbm>>) target(%dma_start3A_2126 : memref<40x32xf32, #tpu.memory_space<vmem>>) offsets(%dma_start3A_2129 : memref<40xi32, #tpu.memory_space<vmem>>) semaphore(%arg9 : memref<!tpu.dma_semaphore, #tpu.memory_space<semaphore_mem>>)
        %dma_start3A_2133 = arith.constant 1 : i32
        %dma_start3A_2134 = arith.constant 4 : i32
        %dma_start3A_2135 = arith.constant 1 : i32
        %dma_start3A_2136 = arith.constant 4 : i32
        %dma_start3A_2137 = arith.constant 80 : i32
        %dma_start3A_2138 = arith.constant 0 : i32
        %dma_start3A_2139 = tpu.memref_slice %arg7[%dma_start3A_2135, %dma_start3A_2136, %dma_start3A_2137, %dma_start3A_2138] : memref<2x8x200x32xf32, #tpu.memory_space<vmem>> -> memref<1x1x40x32xf32, #tpu.memory_space<vmem>>
        %dma_start3A_2140 = tpu.memref_squeeze %dma_start3A_2139 : memref<1x1x40x32xf32, #tpu.memory_space<vmem>> -> memref<40x32xf32, #tpu.memory_space<vmem>>
        %dma_start3A_2141 = arith.constant 80 : i32
        %dma_start3A_2142 = tpu.memref_slice %arg6[%dma_start3A_2133, %dma_start3A_2134, %dma_start3A_2141] : memref<2x8x200xi32, #tpu.memory_space<vmem>> -> memref<1x1x40xi32, #tpu.memory_space<vmem>>
        %dma_start3A_2143 = tpu.memref_squeeze %dma_start3A_2142 : memref<1x1x40xi32, #tpu.memory_space<vmem>> -> memref<40xi32, #tpu.memory_space<vmem>>
        %dma_start3A_2144 = arith.constant 0 : i32
        %dma_start3A_2145 = arith.constant 0 : i32
        %dma_start3A_2146 = tpu.memref_slice %arg3[%dma_start3A_2144, %dma_start3A_2145] : memref<1000001x32xf32, #tpu.memory_space<hbm>> -> memref<1000001x32xf32, #tpu.memory_space<hbm>>
        tpu.enqueue_indirect_dma source(%dma_start3A_2146 : memref<1000001x32xf32, #tpu.memory_space<hbm>>) target(%dma_start3A_2140 : memref<40x32xf32, #tpu.memory_space<vmem>>) offsets(%dma_start3A_2143 : memref<40xi32, #tpu.memory_space<vmem>>) semaphore(%arg9 : memref<!tpu.dma_semaphore, #tpu.memory_space<semaphore_mem>>)
        %dma_start3A_2147 = arith.constant 1 : i32
        %dma_start3A_2148 = arith.constant 4 : i32
        %dma_start3A_2149 = arith.constant 1 : i32
        %dma_start3A_2150 = arith.constant 4 : i32
        %dma_start3A_2151 = arith.constant 120 : i32
        %dma_start3A_2152 = arith.constant 0 : i32
        %dma_start3A_2153 = tpu.memref_slice %arg7[%dma_start3A_2149, %dma_start3A_2150, %dma_start3A_2151, %dma_start3A_2152] : memref<2x8x200x32xf32, #tpu.memory_space<vmem>> -> memref<1x1x40x32xf32, #tpu.memory_space<vmem>>
        %dma_start3A_2154 = tpu.memref_squeeze %dma_start3A_2153 : memref<1x1x40x32xf32, #tpu.memory_space<vmem>> -> memref<40x32xf32, #tpu.memory_space<vmem>>
        %dma_start3A_2155 = arith.constant 120 : i32
        %dma_start3A_2156 = tpu.memref_slice %arg6[%dma_start3A_2147, %dma_start3A_2148, %dma_start3A_2155] : memref<2x8x200xi32, #tpu.memory_space<vmem>> -> memref<1x1x40xi32, #tpu.memory_space<vmem>>
        %dma_start3A_2157 = tpu.memref_squeeze %dma_start3A_2156 : memref<1x1x40xi32, #tpu.memory_space<vmem>> -> memref<40xi32, #tpu.memory_space<vmem>>
        %dma_start3A_2158 = arith.constant 0 : i32
        %dma_start3A_2159 = arith.constant 0 : i32
        %dma_start3A_2160 = tpu.memref_slice %arg3[%dma_start3A_2158, %dma_start3A_2159] : memref<1000001x32xf32, #tpu.memory_space<hbm>> -> memref<1000001x32xf32, #tpu.memory_space<hbm>>
        tpu.enqueue_indirect_dma source(%dma_start3A_2160 : memref<1000001x32xf32, #tpu.memory_space<hbm>>) target(%dma_start3A_2154 : memref<40x32xf32, #tpu.memory_space<vmem>>) offsets(%dma_start3A_2157 : memref<40xi32, #tpu.memory_space<vmem>>) semaphore(%arg9 : memref<!tpu.dma_semaphore, #tpu.memory_space<semaphore_mem>>)
        %dma_start3A_2161 = arith.constant 1 : i32
        %dma_start3A_2162 = arith.constant 4 : i32
        %dma_start3A_2163 = arith.constant 1 : i32
        %dma_start3A_2164 = arith.constant 4 : i32
        %dma_start3A_2165 = arith.constant 160 : i32
        %dma_start3A_2166 = arith.constant 0 : i32
        %dma_start3A_2167 = tpu.memref_slice %arg7[%dma_start3A_2163, %dma_start3A_2164, %dma_start3A_2165, %dma_start3A_2166] : memref<2x8x200x32xf32, #tpu.memory_space<vmem>> -> memref<1x1x40x32xf32, #tpu.memory_space<vmem>>
        %dma_start3A_2168 = tpu.memref_squeeze %dma_start3A_2167 : memref<1x1x40x32xf32, #tpu.memory_space<vmem>> -> memref<40x32xf32, #tpu.memory_space<vmem>>
        %dma_start3A_2169 = arith.constant 160 : i32
        %dma_start3A_2170 = tpu.memref_slice %arg6[%dma_start3A_2161, %dma_start3A_2162, %dma_start3A_2169] : memref<2x8x200xi32, #tpu.memory_space<vmem>> -> memref<1x1x40xi32, #tpu.memory_space<vmem>>
        %dma_start3A_2171 = tpu.memref_squeeze %dma_start3A_2170 : memref<1x1x40xi32, #tpu.memory_space<vmem>> -> memref<40xi32, #tpu.memory_space<vmem>>
        %dma_start3A_2172 = arith.constant 0 : i32
        %dma_start3A_2173 = arith.constant 0 : i32
        %dma_start3A_2174 = tpu.memref_slice %arg3[%dma_start3A_2172, %dma_start3A_2173] : memref<1000001x32xf32, #tpu.memory_space<hbm>> -> memref<1000001x32xf32, #tpu.memory_space<hbm>>
        tpu.enqueue_indirect_dma source(%dma_start3A_2174 : memref<1000001x32xf32, #tpu.memory_space<hbm>>) target(%dma_start3A_2168 : memref<40x32xf32, #tpu.memory_space<vmem>>) offsets(%dma_start3A_2171 : memref<40xi32, #tpu.memory_space<vmem>>) semaphore(%arg9 : memref<!tpu.dma_semaphore, #tpu.memory_space<semaphore_mem>>)
        %dma_start3A_2175 = arith.constant 1 : i32
        %dma_start3A_2176 = arith.constant 5 : i32
        %dma_start3A_2177 = arith.constant 1 : i32
        %dma_start3A_2178 = arith.constant 5 : i32
        %dma_start3A_2179 = arith.constant 0 : i32
        %dma_start3A_2180 = arith.constant 0 : i32
        %dma_start3A_2181 = tpu.memref_slice %arg7[%dma_start3A_2177, %dma_start3A_2178, %dma_start3A_2179, %dma_start3A_2180] : memref<2x8x200x32xf32, #tpu.memory_space<vmem>> -> memref<1x1x40x32xf32, #tpu.memory_space<vmem>>
        %dma_start3A_2182 = tpu.memref_squeeze %dma_start3A_2181 : memref<1x1x40x32xf32, #tpu.memory_space<vmem>> -> memref<40x32xf32, #tpu.memory_space<vmem>>
        %dma_start3A_2183 = arith.constant 0 : i32
        %dma_start3A_2184 = tpu.memref_slice %arg6[%dma_start3A_2175, %dma_start3A_2176, %dma_start3A_2183] : memref<2x8x200xi32, #tpu.memory_space<vmem>> -> memref<1x1x40xi32, #tpu.memory_space<vmem>>
        %dma_start3A_2185 = tpu.memref_squeeze %dma_start3A_2184 : memref<1x1x40xi32, #tpu.memory_space<vmem>> -> memref<40xi32, #tpu.memory_space<vmem>>
        %dma_start3A_2186 = arith.constant 0 : i32
        %dma_start3A_2187 = arith.constant 0 : i32
        %dma_start3A_2188 = tpu.memref_slice %arg3[%dma_start3A_2186, %dma_start3A_2187] : memref<1000001x32xf32, #tpu.memory_space<hbm>> -> memref<1000001x32xf32, #tpu.memory_space<hbm>>
        tpu.enqueue_indirect_dma source(%dma_start3A_2188 : memref<1000001x32xf32, #tpu.memory_space<hbm>>) target(%dma_start3A_2182 : memref<40x32xf32, #tpu.memory_space<vmem>>) offsets(%dma_start3A_2185 : memref<40xi32, #tpu.memory_space<vmem>>) semaphore(%arg9 : memref<!tpu.dma_semaphore, #tpu.memory_space<semaphore_mem>>)
        %dma_start3A_2189 = arith.constant 1 : i32
        %dma_start3A_2190 = arith.constant 5 : i32
        %dma_start3A_2191 = arith.constant 1 : i32
        %dma_start3A_2192 = arith.constant 5 : i32
        %dma_start3A_2193 = arith.constant 40 : i32
        %dma_start3A_2194 = arith.constant 0 : i32
        %dma_start3A_2195 = tpu.memref_slice %arg7[%dma_start3A_2191, %dma_start3A_2192, %dma_start3A_2193, %dma_start3A_2194] : memref<2x8x200x32xf32, #tpu.memory_space<vmem>> -> memref<1x1x40x32xf32, #tpu.memory_space<vmem>>
        %dma_start3A_2196 = tpu.memref_squeeze %dma_start3A_2195 : memref<1x1x40x32xf32, #tpu.memory_space<vmem>> -> memref<40x32xf32, #tpu.memory_space<vmem>>
        %dma_start3A_2197 = arith.constant 40 : i32
        %dma_start3A_2198 = tpu.memref_slice %arg6[%dma_start3A_2189, %dma_start3A_2190, %dma_start3A_2197] : memref<2x8x200xi32, #tpu.memory_space<vmem>> -> memref<1x1x40xi32, #tpu.memory_space<vmem>>
        %dma_start3A_2199 = tpu.memref_squeeze %dma_start3A_2198 : memref<1x1x40xi32, #tpu.memory_space<vmem>> -> memref<40xi32, #tpu.memory_space<vmem>>
        %dma_start3A_2200 = arith.constant 0 : i32
        %dma_start3A_2201 = arith.constant 0 : i32
        %dma_start3A_2202 = tpu.memref_slice %arg3[%dma_start3A_2200, %dma_start3A_2201] : memref<1000001x32xf32, #tpu.memory_space<hbm>> -> memref<1000001x32xf32, #tpu.memory_space<hbm>>
        tpu.enqueue_indirect_dma source(%dma_start3A_2202 : memref<1000001x32xf32, #tpu.memory_space<hbm>>) target(%dma_start3A_2196 : memref<40x32xf32, #tpu.memory_space<vmem>>) offsets(%dma_start3A_2199 : memref<40xi32, #tpu.memory_space<vmem>>) semaphore(%arg9 : memref<!tpu.dma_semaphore, #tpu.memory_space<semaphore_mem>>)
        %dma_start3A_2203 = arith.constant 1 : i32
        %dma_start3A_2204 = arith.constant 5 : i32
        %dma_start3A_2205 = arith.constant 1 : i32
        %dma_start3A_2206 = arith.constant 5 : i32
        %dma_start3A_2207 = arith.constant 80 : i32
        %dma_start3A_2208 = arith.constant 0 : i32
        %dma_start3A_2209 = tpu.memref_slice %arg7[%dma_start3A_2205, %dma_start3A_2206, %dma_start3A_2207, %dma_start3A_2208] : memref<2x8x200x32xf32, #tpu.memory_space<vmem>> -> memref<1x1x40x32xf32, #tpu.memory_space<vmem>>
        %dma_start3A_2210 = tpu.memref_squeeze %dma_start3A_2209 : memref<1x1x40x32xf32, #tpu.memory_space<vmem>> -> memref<40x32xf32, #tpu.memory_space<vmem>>
        %dma_start3A_2211 = arith.constant 80 : i32
        %dma_start3A_2212 = tpu.memref_slice %arg6[%dma_start3A_2203, %dma_start3A_2204, %dma_start3A_2211] : memref<2x8x200xi32, #tpu.memory_space<vmem>> -> memref<1x1x40xi32, #tpu.memory_space<vmem>>
        %dma_start3A_2213 = tpu.memref_squeeze %dma_start3A_2212 : memref<1x1x40xi32, #tpu.memory_space<vmem>> -> memref<40xi32, #tpu.memory_space<vmem>>
        %dma_start3A_2214 = arith.constant 0 : i32
        %dma_start3A_2215 = arith.constant 0 : i32
        %dma_start3A_2216 = tpu.memref_slice %arg3[%dma_start3A_2214, %dma_start3A_2215] : memref<1000001x32xf32, #tpu.memory_space<hbm>> -> memref<1000001x32xf32, #tpu.memory_space<hbm>>
        tpu.enqueue_indirect_dma source(%dma_start3A_2216 : memref<1000001x32xf32, #tpu.memory_space<hbm>>) target(%dma_start3A_2210 : memref<40x32xf32, #tpu.memory_space<vmem>>) offsets(%dma_start3A_2213 : memref<40xi32, #tpu.memory_space<vmem>>) semaphore(%arg9 : memref<!tpu.dma_semaphore, #tpu.memory_space<semaphore_mem>>)
        %dma_start3A_2217 = arith.constant 1 : i32
        %dma_start3A_2218 = arith.constant 5 : i32
        %dma_start3A_2219 = arith.constant 1 : i32
        %dma_start3A_2220 = arith.constant 5 : i32
        %dma_start3A_2221 = arith.constant 120 : i32
        %dma_start3A_2222 = arith.constant 0 : i32
        %dma_start3A_2223 = tpu.memref_slice %arg7[%dma_start3A_2219, %dma_start3A_2220, %dma_start3A_2221, %dma_start3A_2222] : memref<2x8x200x32xf32, #tpu.memory_space<vmem>> -> memref<1x1x40x32xf32, #tpu.memory_space<vmem>>
        %dma_start3A_2224 = tpu.memref_squeeze %dma_start3A_2223 : memref<1x1x40x32xf32, #tpu.memory_space<vmem>> -> memref<40x32xf32, #tpu.memory_space<vmem>>
        %dma_start3A_2225 = arith.constant 120 : i32
        %dma_start3A_2226 = tpu.memref_slice %arg6[%dma_start3A_2217, %dma_start3A_2218, %dma_start3A_2225] : memref<2x8x200xi32, #tpu.memory_space<vmem>> -> memref<1x1x40xi32, #tpu.memory_space<vmem>>
        %dma_start3A_2227 = tpu.memref_squeeze %dma_start3A_2226 : memref<1x1x40xi32, #tpu.memory_space<vmem>> -> memref<40xi32, #tpu.memory_space<vmem>>
        %dma_start3A_2228 = arith.constant 0 : i32
        %dma_start3A_2229 = arith.constant 0 : i32
        %dma_start3A_2230 = tpu.memref_slice %arg3[%dma_start3A_2228, %dma_start3A_2229] : memref<1000001x32xf32, #tpu.memory_space<hbm>> -> memref<1000001x32xf32, #tpu.memory_space<hbm>>
        tpu.enqueue_indirect_dma source(%dma_start3A_2230 : memref<1000001x32xf32, #tpu.memory_space<hbm>>) target(%dma_start3A_2224 : memref<40x32xf32, #tpu.memory_space<vmem>>) offsets(%dma_start3A_2227 : memref<40xi32, #tpu.memory_space<vmem>>) semaphore(%arg9 : memref<!tpu.dma_semaphore, #tpu.memory_space<semaphore_mem>>)
        %dma_start3A_2231 = arith.constant 1 : i32
        %dma_start3A_2232 = arith.constant 5 : i32
        %dma_start3A_2233 = arith.constant 1 : i32
        %dma_start3A_2234 = arith.constant 5 : i32
        %dma_start3A_2235 = arith.constant 160 : i32
        %dma_start3A_2236 = arith.constant 0 : i32
        %dma_start3A_2237 = tpu.memref_slice %arg7[%dma_start3A_2233, %dma_start3A_2234, %dma_start3A_2235, %dma_start3A_2236] : memref<2x8x200x32xf32, #tpu.memory_space<vmem>> -> memref<1x1x40x32xf32, #tpu.memory_space<vmem>>
        %dma_start3A_2238 = tpu.memref_squeeze %dma_start3A_2237 : memref<1x1x40x32xf32, #tpu.memory_space<vmem>> -> memref<40x32xf32, #tpu.memory_space<vmem>>
        %dma_start3A_2239 = arith.constant 160 : i32
        %dma_start3A_2240 = tpu.memref_slice %arg6[%dma_start3A_2231, %dma_start3A_2232, %dma_start3A_2239] : memref<2x8x200xi32, #tpu.memory_space<vmem>> -> memref<1x1x40xi32, #tpu.memory_space<vmem>>
        %dma_start3A_2241 = tpu.memref_squeeze %dma_start3A_2240 : memref<1x1x40xi32, #tpu.memory_space<vmem>> -> memref<40xi32, #tpu.memory_space<vmem>>
        %dma_start3A_2242 = arith.constant 0 : i32
        %dma_start3A_2243 = arith.constant 0 : i32
        %dma_start3A_2244 = tpu.memref_slice %arg3[%dma_start3A_2242, %dma_start3A_2243] : memref<1000001x32xf32, #tpu.memory_space<hbm>> -> memref<1000001x32xf32, #tpu.memory_space<hbm>>
        tpu.enqueue_indirect_dma source(%dma_start3A_2244 : memref<1000001x32xf32, #tpu.memory_space<hbm>>) target(%dma_start3A_2238 : memref<40x32xf32, #tpu.memory_space<vmem>>) offsets(%dma_start3A_2241 : memref<40xi32, #tpu.memory_space<vmem>>) semaphore(%arg9 : memref<!tpu.dma_semaphore, #tpu.memory_space<semaphore_mem>>)
        %dma_start3A_2245 = arith.constant 1 : i32
        %dma_start3A_2246 = arith.constant 6 : i32
        %dma_start3A_2247 = arith.constant 1 : i32
        %dma_start3A_2248 = arith.constant 6 : i32
        %dma_start3A_2249 = arith.constant 0 : i32
        %dma_start3A_2250 = arith.constant 0 : i32
        %dma_start3A_2251 = tpu.memref_slice %arg7[%dma_start3A_2247, %dma_start3A_2248, %dma_start3A_2249, %dma_start3A_2250] : memref<2x8x200x32xf32, #tpu.memory_space<vmem>> -> memref<1x1x40x32xf32, #tpu.memory_space<vmem>>
        %dma_start3A_2252 = tpu.memref_squeeze %dma_start3A_2251 : memref<1x1x40x32xf32, #tpu.memory_space<vmem>> -> memref<40x32xf32, #tpu.memory_space<vmem>>
        %dma_start3A_2253 = arith.constant 0 : i32
        %dma_start3A_2254 = tpu.memref_slice %arg6[%dma_start3A_2245, %dma_start3A_2246, %dma_start3A_2253] : memref<2x8x200xi32, #tpu.memory_space<vmem>> -> memref<1x1x40xi32, #tpu.memory_space<vmem>>
        %dma_start3A_2255 = tpu.memref_squeeze %dma_start3A_2254 : memref<1x1x40xi32, #tpu.memory_space<vmem>> -> memref<40xi32, #tpu.memory_space<vmem>>
        %dma_start3A_2256 = arith.constant 0 : i32
        %dma_start3A_2257 = arith.constant 0 : i32
        %dma_start3A_2258 = tpu.memref_slice %arg3[%dma_start3A_2256, %dma_start3A_2257] : memref<1000001x32xf32, #tpu.memory_space<hbm>> -> memref<1000001x32xf32, #tpu.memory_space<hbm>>
        tpu.enqueue_indirect_dma source(%dma_start3A_2258 : memref<1000001x32xf32, #tpu.memory_space<hbm>>) target(%dma_start3A_2252 : memref<40x32xf32, #tpu.memory_space<vmem>>) offsets(%dma_start3A_2255 : memref<40xi32, #tpu.memory_space<vmem>>) semaphore(%arg9 : memref<!tpu.dma_semaphore, #tpu.memory_space<semaphore_mem>>)
        %dma_start3A_2259 = arith.constant 1 : i32
        %dma_start3A_2260 = arith.constant 6 : i32
        %dma_start3A_2261 = arith.constant 1 : i32
        %dma_start3A_2262 = arith.constant 6 : i32
        %dma_start3A_2263 = arith.constant 40 : i32
        %dma_start3A_2264 = arith.constant 0 : i32
        %dma_start3A_2265 = tpu.memref_slice %arg7[%dma_start3A_2261, %dma_start3A_2262, %dma_start3A_2263, %dma_start3A_2264] : memref<2x8x200x32xf32, #tpu.memory_space<vmem>> -> memref<1x1x40x32xf32, #tpu.memory_space<vmem>>
        %dma_start3A_2266 = tpu.memref_squeeze %dma_start3A_2265 : memref<1x1x40x32xf32, #tpu.memory_space<vmem>> -> memref<40x32xf32, #tpu.memory_space<vmem>>
        %dma_start3A_2267 = arith.constant 40 : i32
        %dma_start3A_2268 = tpu.memref_slice %arg6[%dma_start3A_2259, %dma_start3A_2260, %dma_start3A_2267] : memref<2x8x200xi32, #tpu.memory_space<vmem>> -> memref<1x1x40xi32, #tpu.memory_space<vmem>>
        %dma_start3A_2269 = tpu.memref_squeeze %dma_start3A_2268 : memref<1x1x40xi32, #tpu.memory_space<vmem>> -> memref<40xi32, #tpu.memory_space<vmem>>
        %dma_start3A_2270 = arith.constant 0 : i32
        %dma_start3A_2271 = arith.constant 0 : i32
        %dma_start3A_2272 = tpu.memref_slice %arg3[%dma_start3A_2270, %dma_start3A_2271] : memref<1000001x32xf32, #tpu.memory_space<hbm>> -> memref<1000001x32xf32, #tpu.memory_space<hbm>>
        tpu.enqueue_indirect_dma source(%dma_start3A_2272 : memref<1000001x32xf32, #tpu.memory_space<hbm>>) target(%dma_start3A_2266 : memref<40x32xf32, #tpu.memory_space<vmem>>) offsets(%dma_start3A_2269 : memref<40xi32, #tpu.memory_space<vmem>>) semaphore(%arg9 : memref<!tpu.dma_semaphore, #tpu.memory_space<semaphore_mem>>)
        %dma_start3A_2273 = arith.constant 1 : i32
        %dma_start3A_2274 = arith.constant 6 : i32
        %dma_start3A_2275 = arith.constant 1 : i32
        %dma_start3A_2276 = arith.constant 6 : i32
        %dma_start3A_2277 = arith.constant 80 : i32
        %dma_start3A_2278 = arith.constant 0 : i32
        %dma_start3A_2279 = tpu.memref_slice %arg7[%dma_start3A_2275, %dma_start3A_2276, %dma_start3A_2277, %dma_start3A_2278] : memref<2x8x200x32xf32, #tpu.memory_space<vmem>> -> memref<1x1x40x32xf32, #tpu.memory_space<vmem>>
        %dma_start3A_2280 = tpu.memref_squeeze %dma_start3A_2279 : memref<1x1x40x32xf32, #tpu.memory_space<vmem>> -> memref<40x32xf32, #tpu.memory_space<vmem>>
        %dma_start3A_2281 = arith.constant 80 : i32
        %dma_start3A_2282 = tpu.memref_slice %arg6[%dma_start3A_2273, %dma_start3A_2274, %dma_start3A_2281] : memref<2x8x200xi32, #tpu.memory_space<vmem>> -> memref<1x1x40xi32, #tpu.memory_space<vmem>>
        %dma_start3A_2283 = tpu.memref_squeeze %dma_start3A_2282 : memref<1x1x40xi32, #tpu.memory_space<vmem>> -> memref<40xi32, #tpu.memory_space<vmem>>
        %dma_start3A_2284 = arith.constant 0 : i32
        %dma_start3A_2285 = arith.constant 0 : i32
        %dma_start3A_2286 = tpu.memref_slice %arg3[%dma_start3A_2284, %dma_start3A_2285] : memref<1000001x32xf32, #tpu.memory_space<hbm>> -> memref<1000001x32xf32, #tpu.memory_space<hbm>>
        tpu.enqueue_indirect_dma source(%dma_start3A_2286 : memref<1000001x32xf32, #tpu.memory_space<hbm>>) target(%dma_start3A_2280 : memref<40x32xf32, #tpu.memory_space<vmem>>) offsets(%dma_start3A_2283 : memref<40xi32, #tpu.memory_space<vmem>>) semaphore(%arg9 : memref<!tpu.dma_semaphore, #tpu.memory_space<semaphore_mem>>)
        %dma_start3A_2287 = arith.constant 1 : i32
        %dma_start3A_2288 = arith.constant 6 : i32
        %dma_start3A_2289 = arith.constant 1 : i32
        %dma_start3A_2290 = arith.constant 6 : i32
        %dma_start3A_2291 = arith.constant 120 : i32
        %dma_start3A_2292 = arith.constant 0 : i32
        %dma_start3A_2293 = tpu.memref_slice %arg7[%dma_start3A_2289, %dma_start3A_2290, %dma_start3A_2291, %dma_start3A_2292] : memref<2x8x200x32xf32, #tpu.memory_space<vmem>> -> memref<1x1x40x32xf32, #tpu.memory_space<vmem>>
        %dma_start3A_2294 = tpu.memref_squeeze %dma_start3A_2293 : memref<1x1x40x32xf32, #tpu.memory_space<vmem>> -> memref<40x32xf32, #tpu.memory_space<vmem>>
        %dma_start3A_2295 = arith.constant 120 : i32
        %dma_start3A_2296 = tpu.memref_slice %arg6[%dma_start3A_2287, %dma_start3A_2288, %dma_start3A_2295] : memref<2x8x200xi32, #tpu.memory_space<vmem>> -> memref<1x1x40xi32, #tpu.memory_space<vmem>>
        %dma_start3A_2297 = tpu.memref_squeeze %dma_start3A_2296 : memref<1x1x40xi32, #tpu.memory_space<vmem>> -> memref<40xi32, #tpu.memory_space<vmem>>
        %dma_start3A_2298 = arith.constant 0 : i32
        %dma_start3A_2299 = arith.constant 0 : i32
        %dma_start3A_2300 = tpu.memref_slice %arg3[%dma_start3A_2298, %dma_start3A_2299] : memref<1000001x32xf32, #tpu.memory_space<hbm>> -> memref<1000001x32xf32, #tpu.memory_space<hbm>>
        tpu.enqueue_indirect_dma source(%dma_start3A_2300 : memref<1000001x32xf32, #tpu.memory_space<hbm>>) target(%dma_start3A_2294 : memref<40x32xf32, #tpu.memory_space<vmem>>) offsets(%dma_start3A_2297 : memref<40xi32, #tpu.memory_space<vmem>>) semaphore(%arg9 : memref<!tpu.dma_semaphore, #tpu.memory_space<semaphore_mem>>)
        %dma_start3A_2301 = arith.constant 1 : i32
        %dma_start3A_2302 = arith.constant 6 : i32
        %dma_start3A_2303 = arith.constant 1 : i32
        %dma_start3A_2304 = arith.constant 6 : i32
        %dma_start3A_2305 = arith.constant 160 : i32
        %dma_start3A_2306 = arith.constant 0 : i32
        %dma_start3A_2307 = tpu.memref_slice %arg7[%dma_start3A_2303, %dma_start3A_2304, %dma_start3A_2305, %dma_start3A_2306] : memref<2x8x200x32xf32, #tpu.memory_space<vmem>> -> memref<1x1x40x32xf32, #tpu.memory_space<vmem>>
        %dma_start3A_2308 = tpu.memref_squeeze %dma_start3A_2307 : memref<1x1x40x32xf32, #tpu.memory_space<vmem>> -> memref<40x32xf32, #tpu.memory_space<vmem>>
        %dma_start3A_2309 = arith.constant 160 : i32
        %dma_start3A_2310 = tpu.memref_slice %arg6[%dma_start3A_2301, %dma_start3A_2302, %dma_start3A_2309] : memref<2x8x200xi32, #tpu.memory_space<vmem>> -> memref<1x1x40xi32, #tpu.memory_space<vmem>>
        %dma_start3A_2311 = tpu.memref_squeeze %dma_start3A_2310 : memref<1x1x40xi32, #tpu.memory_space<vmem>> -> memref<40xi32, #tpu.memory_space<vmem>>
        %dma_start3A_2312 = arith.constant 0 : i32
        %dma_start3A_2313 = arith.constant 0 : i32
        %dma_start3A_2314 = tpu.memref_slice %arg3[%dma_start3A_2312, %dma_start3A_2313] : memref<1000001x32xf32, #tpu.memory_space<hbm>> -> memref<1000001x32xf32, #tpu.memory_space<hbm>>
        tpu.enqueue_indirect_dma source(%dma_start3A_2314 : memref<1000001x32xf32, #tpu.memory_space<hbm>>) target(%dma_start3A_2308 : memref<40x32xf32, #tpu.memory_space<vmem>>) offsets(%dma_start3A_2311 : memref<40xi32, #tpu.memory_space<vmem>>) semaphore(%arg9 : memref<!tpu.dma_semaphore, #tpu.memory_space<semaphore_mem>>)
        %dma_start3A_2315 = arith.constant 1 : i32
        %dma_start3A_2316 = arith.constant 7 : i32
        %dma_start3A_2317 = arith.constant 1 : i32
        %dma_start3A_2318 = arith.constant 7 : i32
        %dma_start3A_2319 = arith.constant 0 : i32
        %dma_start3A_2320 = arith.constant 0 : i32
        %dma_start3A_2321 = tpu.memref_slice %arg7[%dma_start3A_2317, %dma_start3A_2318, %dma_start3A_2319, %dma_start3A_2320] : memref<2x8x200x32xf32, #tpu.memory_space<vmem>> -> memref<1x1x40x32xf32, #tpu.memory_space<vmem>>
        %dma_start3A_2322 = tpu.memref_squeeze %dma_start3A_2321 : memref<1x1x40x32xf32, #tpu.memory_space<vmem>> -> memref<40x32xf32, #tpu.memory_space<vmem>>
        %dma_start3A_2323 = arith.constant 0 : i32
        %dma_start3A_2324 = tpu.memref_slice %arg6[%dma_start3A_2315, %dma_start3A_2316, %dma_start3A_2323] : memref<2x8x200xi32, #tpu.memory_space<vmem>> -> memref<1x1x40xi32, #tpu.memory_space<vmem>>
        %dma_start3A_2325 = tpu.memref_squeeze %dma_start3A_2324 : memref<1x1x40xi32, #tpu.memory_space<vmem>> -> memref<40xi32, #tpu.memory_space<vmem>>
        %dma_start3A_2326 = arith.constant 0 : i32
        %dma_start3A_2327 = arith.constant 0 : i32
        %dma_start3A_2328 = tpu.memref_slice %arg3[%dma_start3A_2326, %dma_start3A_2327] : memref<1000001x32xf32, #tpu.memory_space<hbm>> -> memref<1000001x32xf32, #tpu.memory_space<hbm>>
        tpu.enqueue_indirect_dma source(%dma_start3A_2328 : memref<1000001x32xf32, #tpu.memory_space<hbm>>) target(%dma_start3A_2322 : memref<40x32xf32, #tpu.memory_space<vmem>>) offsets(%dma_start3A_2325 : memref<40xi32, #tpu.memory_space<vmem>>) semaphore(%arg9 : memref<!tpu.dma_semaphore, #tpu.memory_space<semaphore_mem>>)
        %dma_start3A_2329 = arith.constant 1 : i32
        %dma_start3A_2330 = arith.constant 7 : i32
        %dma_start3A_2331 = arith.constant 1 : i32
        %dma_start3A_2332 = arith.constant 7 : i32
        %dma_start3A_2333 = arith.constant 40 : i32
        %dma_start3A_2334 = arith.constant 0 : i32
        %dma_start3A_2335 = tpu.memref_slice %arg7[%dma_start3A_2331, %dma_start3A_2332, %dma_start3A_2333, %dma_start3A_2334] : memref<2x8x200x32xf32, #tpu.memory_space<vmem>> -> memref<1x1x40x32xf32, #tpu.memory_space<vmem>>
        %dma_start3A_2336 = tpu.memref_squeeze %dma_start3A_2335 : memref<1x1x40x32xf32, #tpu.memory_space<vmem>> -> memref<40x32xf32, #tpu.memory_space<vmem>>
        %dma_start3A_2337 = arith.constant 40 : i32
        %dma_start3A_2338 = tpu.memref_slice %arg6[%dma_start3A_2329, %dma_start3A_2330, %dma_start3A_2337] : memref<2x8x200xi32, #tpu.memory_space<vmem>> -> memref<1x1x40xi32, #tpu.memory_space<vmem>>
        %dma_start3A_2339 = tpu.memref_squeeze %dma_start3A_2338 : memref<1x1x40xi32, #tpu.memory_space<vmem>> -> memref<40xi32, #tpu.memory_space<vmem>>
        %dma_start3A_2340 = arith.constant 0 : i32
        %dma_start3A_2341 = arith.constant 0 : i32
        %dma_start3A_2342 = tpu.memref_slice %arg3[%dma_start3A_2340, %dma_start3A_2341] : memref<1000001x32xf32, #tpu.memory_space<hbm>> -> memref<1000001x32xf32, #tpu.memory_space<hbm>>
        tpu.enqueue_indirect_dma source(%dma_start3A_2342 : memref<1000001x32xf32, #tpu.memory_space<hbm>>) target(%dma_start3A_2336 : memref<40x32xf32, #tpu.memory_space<vmem>>) offsets(%dma_start3A_2339 : memref<40xi32, #tpu.memory_space<vmem>>) semaphore(%arg9 : memref<!tpu.dma_semaphore, #tpu.memory_space<semaphore_mem>>)
        %dma_start3A_2343 = arith.constant 1 : i32
        %dma_start3A_2344 = arith.constant 7 : i32
        %dma_start3A_2345 = arith.constant 1 : i32
        %dma_start3A_2346 = arith.constant 7 : i32
        %dma_start3A_2347 = arith.constant 80 : i32
        %dma_start3A_2348 = arith.constant 0 : i32
        %dma_start3A_2349 = tpu.memref_slice %arg7[%dma_start3A_2345, %dma_start3A_2346, %dma_start3A_2347, %dma_start3A_2348] : memref<2x8x200x32xf32, #tpu.memory_space<vmem>> -> memref<1x1x40x32xf32, #tpu.memory_space<vmem>>
        %dma_start3A_2350 = tpu.memref_squeeze %dma_start3A_2349 : memref<1x1x40x32xf32, #tpu.memory_space<vmem>> -> memref<40x32xf32, #tpu.memory_space<vmem>>
        %dma_start3A_2351 = arith.constant 80 : i32
        %dma_start3A_2352 = tpu.memref_slice %arg6[%dma_start3A_2343, %dma_start3A_2344, %dma_start3A_2351] : memref<2x8x200xi32, #tpu.memory_space<vmem>> -> memref<1x1x40xi32, #tpu.memory_space<vmem>>
        %dma_start3A_2353 = tpu.memref_squeeze %dma_start3A_2352 : memref<1x1x40xi32, #tpu.memory_space<vmem>> -> memref<40xi32, #tpu.memory_space<vmem>>
        %dma_start3A_2354 = arith.constant 0 : i32
        %dma_start3A_2355 = arith.constant 0 : i32
        %dma_start3A_2356 = tpu.memref_slice %arg3[%dma_start3A_2354, %dma_start3A_2355] : memref<1000001x32xf32, #tpu.memory_space<hbm>> -> memref<1000001x32xf32, #tpu.memory_space<hbm>>
        tpu.enqueue_indirect_dma source(%dma_start3A_2356 : memref<1000001x32xf32, #tpu.memory_space<hbm>>) target(%dma_start3A_2350 : memref<40x32xf32, #tpu.memory_space<vmem>>) offsets(%dma_start3A_2353 : memref<40xi32, #tpu.memory_space<vmem>>) semaphore(%arg9 : memref<!tpu.dma_semaphore, #tpu.memory_space<semaphore_mem>>)
        %dma_start3A_2357 = arith.constant 1 : i32
        %dma_start3A_2358 = arith.constant 7 : i32
        %dma_start3A_2359 = arith.constant 1 : i32
        %dma_start3A_2360 = arith.constant 7 : i32
        %dma_start3A_2361 = arith.constant 120 : i32
        %dma_start3A_2362 = arith.constant 0 : i32
        %dma_start3A_2363 = tpu.memref_slice %arg7[%dma_start3A_2359, %dma_start3A_2360, %dma_start3A_2361, %dma_start3A_2362] : memref<2x8x200x32xf32, #tpu.memory_space<vmem>> -> memref<1x1x40x32xf32, #tpu.memory_space<vmem>>
        %dma_start3A_2364 = tpu.memref_squeeze %dma_start3A_2363 : memref<1x1x40x32xf32, #tpu.memory_space<vmem>> -> memref<40x32xf32, #tpu.memory_space<vmem>>
        %dma_start3A_2365 = arith.constant 120 : i32
        %dma_start3A_2366 = tpu.memref_slice %arg6[%dma_start3A_2357, %dma_start3A_2358, %dma_start3A_2365] : memref<2x8x200xi32, #tpu.memory_space<vmem>> -> memref<1x1x40xi32, #tpu.memory_space<vmem>>
        %dma_start3A_2367 = tpu.memref_squeeze %dma_start3A_2366 : memref<1x1x40xi32, #tpu.memory_space<vmem>> -> memref<40xi32, #tpu.memory_space<vmem>>
        %dma_start3A_2368 = arith.constant 0 : i32
        %dma_start3A_2369 = arith.constant 0 : i32
        %dma_start3A_2370 = tpu.memref_slice %arg3[%dma_start3A_2368, %dma_start3A_2369] : memref<1000001x32xf32, #tpu.memory_space<hbm>> -> memref<1000001x32xf32, #tpu.memory_space<hbm>>
        tpu.enqueue_indirect_dma source(%dma_start3A_2370 : memref<1000001x32xf32, #tpu.memory_space<hbm>>) target(%dma_start3A_2364 : memref<40x32xf32, #tpu.memory_space<vmem>>) offsets(%dma_start3A_2367 : memref<40xi32, #tpu.memory_space<vmem>>) semaphore(%arg9 : memref<!tpu.dma_semaphore, #tpu.memory_space<semaphore_mem>>)
        %dma_start3A_2371 = arith.constant 1 : i32
        %dma_start3A_2372 = arith.constant 7 : i32
        %dma_start3A_2373 = arith.constant 1 : i32
        %dma_start3A_2374 = arith.constant 7 : i32
        %dma_start3A_2375 = arith.constant 160 : i32
        %dma_start3A_2376 = arith.constant 0 : i32
        %dma_start3A_2377 = tpu.memref_slice %arg7[%dma_start3A_2373, %dma_start3A_2374, %dma_start3A_2375, %dma_start3A_2376] : memref<2x8x200x32xf32, #tpu.memory_space<vmem>> -> memref<1x1x40x32xf32, #tpu.memory_space<vmem>>
        %dma_start3A_2378 = tpu.memref_squeeze %dma_start3A_2377 : memref<1x1x40x32xf32, #tpu.memory_space<vmem>> -> memref<40x32xf32, #tpu.memory_space<vmem>>
        %dma_start3A_2379 = arith.constant 160 : i32
        %dma_start3A_2380 = tpu.memref_slice %arg6[%dma_start3A_2371, %dma_start3A_2372, %dma_start3A_2379] : memref<2x8x200xi32, #tpu.memory_space<vmem>> -> memref<1x1x40xi32, #tpu.memory_space<vmem>>
        %dma_start3A_2381 = tpu.memref_squeeze %dma_start3A_2380 : memref<1x1x40xi32, #tpu.memory_space<vmem>> -> memref<40xi32, #tpu.memory_space<vmem>>
        %dma_start3A_2382 = arith.constant 0 : i32
        %dma_start3A_2383 = arith.constant 0 : i32
        %dma_start3A_2384 = tpu.memref_slice %arg3[%dma_start3A_2382, %dma_start3A_2383] : memref<1000001x32xf32, #tpu.memory_space<hbm>> -> memref<1000001x32xf32, #tpu.memory_space<hbm>>
        tpu.enqueue_indirect_dma source(%dma_start3A_2384 : memref<1000001x32xf32, #tpu.memory_space<hbm>>) target(%dma_start3A_2378 : memref<40x32xf32, #tpu.memory_space<vmem>>) offsets(%dma_start3A_2381 : memref<40xi32, #tpu.memory_space<vmem>>) semaphore(%arg9 : memref<!tpu.dma_semaphore, #tpu.memory_space<semaphore_mem>>)
      } else {
      }
      %dma_wait3A_625 = arith.constant 0 : i32
      %dma_wait3A_626 = arith.constant 0 : i32
      %dma_wait3A_627 = arith.constant 0 : i32
      %dma_wait3A_628 = arith.constant 0 : i32
      %dma_wait3A_629 = arith.constant 0 : i32
      %dma_wait3A_630 = arith.constant 0 : i32
      %dma_wait3A_631 = tpu.memref_slice %arg7[%dma_wait3A_627, %dma_wait3A_628, %dma_wait3A_629, %dma_wait3A_630] : memref<2x8x200x32xf32, #tpu.memory_space<vmem>> -> memref<1x1x40x32xf32, #tpu.memory_space<vmem>>
      %dma_wait3A_632 = tpu.memref_squeeze %dma_wait3A_631 : memref<1x1x40x32xf32, #tpu.memory_space<vmem>> -> memref<40x32xf32, #tpu.memory_space<vmem>>
      %dma_wait3A_633 = arith.constant 0 : i32
      %dma_wait3A_634 = tpu.memref_slice %arg6[%dma_wait3A_625, %dma_wait3A_626, %dma_wait3A_633] : memref<2x8x200xi32, #tpu.memory_space<vmem>> -> memref<1x1x40xi32, #tpu.memory_space<vmem>>
      %dma_wait3A_635 = tpu.memref_squeeze %dma_wait3A_634 : memref<1x1x40xi32, #tpu.memory_space<vmem>> -> memref<40xi32, #tpu.memory_space<vmem>>
      %dma_wait3A_636 = arith.constant 0 : i32
      %dma_wait3A_637 = arith.constant 0 : i32
      %dma_wait3A_638 = tpu.memref_slice %arg3[%dma_wait3A_636, %dma_wait3A_637] : memref<1000001x32xf32, #tpu.memory_space<hbm>> -> memref<1000001x32xf32, #tpu.memory_space<hbm>>
      tpu.wait_indirect_dma semaphore(%arg9 : memref<!tpu.dma_semaphore, #tpu.memory_space<semaphore_mem>>) src(%dma_wait3A_638 : memref<1000001x32xf32, #tpu.memory_space<hbm>>) dst(%dma_wait3A_632 : memref<40x32xf32, #tpu.memory_space<vmem>>)
      %dma_wait3A_639 = arith.constant 0 : i32
      %dma_wait3A_640 = arith.constant 0 : i32
      %dma_wait3A_641 = arith.constant 0 : i32
      %dma_wait3A_642 = arith.constant 0 : i32
      %dma_wait3A_643 = arith.constant 40 : i32
      %dma_wait3A_644 = arith.constant 0 : i32
      %dma_wait3A_645 = tpu.memref_slice %arg7[%dma_wait3A_641, %dma_wait3A_642, %dma_wait3A_643, %dma_wait3A_644] : memref<2x8x200x32xf32, #tpu.memory_space<vmem>> -> memref<1x1x40x32xf32, #tpu.memory_space<vmem>>
      %dma_wait3A_646 = tpu.memref_squeeze %dma_wait3A_645 : memref<1x1x40x32xf32, #tpu.memory_space<vmem>> -> memref<40x32xf32, #tpu.memory_space<vmem>>
      %dma_wait3A_647 = arith.constant 40 : i32
      %dma_wait3A_648 = tpu.memref_slice %arg6[%dma_wait3A_639, %dma_wait3A_640, %dma_wait3A_647] : memref<2x8x200xi32, #tpu.memory_space<vmem>> -> memref<1x1x40xi32, #tpu.memory_space<vmem>>
      %dma_wait3A_649 = tpu.memref_squeeze %dma_wait3A_648 : memref<1x1x40xi32, #tpu.memory_space<vmem>> -> memref<40xi32, #tpu.memory_space<vmem>>
      %dma_wait3A_650 = arith.constant 0 : i32
      %dma_wait3A_651 = arith.constant 0 : i32
      %dma_wait3A_652 = tpu.memref_slice %arg3[%dma_wait3A_650, %dma_wait3A_651] : memref<1000001x32xf32, #tpu.memory_space<hbm>> -> memref<1000001x32xf32, #tpu.memory_space<hbm>>
      tpu.wait_indirect_dma semaphore(%arg9 : memref<!tpu.dma_semaphore, #tpu.memory_space<semaphore_mem>>) src(%dma_wait3A_652 : memref<1000001x32xf32, #tpu.memory_space<hbm>>) dst(%dma_wait3A_646 : memref<40x32xf32, #tpu.memory_space<vmem>>)
      %dma_wait3A_653 = arith.constant 0 : i32
      %dma_wait3A_654 = arith.constant 0 : i32
      %dma_wait3A_655 = arith.constant 0 : i32
      %dma_wait3A_656 = arith.constant 0 : i32
      %dma_wait3A_657 = arith.constant 80 : i32
      %dma_wait3A_658 = arith.constant 0 : i32
      %dma_wait3A_659 = tpu.memref_slice %arg7[%dma_wait3A_655, %dma_wait3A_656, %dma_wait3A_657, %dma_wait3A_658] : memref<2x8x200x32xf32, #tpu.memory_space<vmem>> -> memref<1x1x40x32xf32, #tpu.memory_space<vmem>>
      %dma_wait3A_660 = tpu.memref_squeeze %dma_wait3A_659 : memref<1x1x40x32xf32, #tpu.memory_space<vmem>> -> memref<40x32xf32, #tpu.memory_space<vmem>>
      %dma_wait3A_661 = arith.constant 80 : i32
      %dma_wait3A_662 = tpu.memref_slice %arg6[%dma_wait3A_653, %dma_wait3A_654, %dma_wait3A_661] : memref<2x8x200xi32, #tpu.memory_space<vmem>> -> memref<1x1x40xi32, #tpu.memory_space<vmem>>
      %dma_wait3A_663 = tpu.memref_squeeze %dma_wait3A_662 : memref<1x1x40xi32, #tpu.memory_space<vmem>> -> memref<40xi32, #tpu.memory_space<vmem>>
      %dma_wait3A_664 = arith.constant 0 : i32
      %dma_wait3A_665 = arith.constant 0 : i32
      %dma_wait3A_666 = tpu.memref_slice %arg3[%dma_wait3A_664, %dma_wait3A_665] : memref<1000001x32xf32, #tpu.memory_space<hbm>> -> memref<1000001x32xf32, #tpu.memory_space<hbm>>
      tpu.wait_indirect_dma semaphore(%arg9 : memref<!tpu.dma_semaphore, #tpu.memory_space<semaphore_mem>>) src(%dma_wait3A_666 : memref<1000001x32xf32, #tpu.memory_space<hbm>>) dst(%dma_wait3A_660 : memref<40x32xf32, #tpu.memory_space<vmem>>)
      %dma_wait3A_667 = arith.constant 0 : i32
      %dma_wait3A_668 = arith.constant 0 : i32
      %dma_wait3A_669 = arith.constant 0 : i32
      %dma_wait3A_670 = arith.constant 0 : i32
      %dma_wait3A_671 = arith.constant 120 : i32
      %dma_wait3A_672 = arith.constant 0 : i32
      %dma_wait3A_673 = tpu.memref_slice %arg7[%dma_wait3A_669, %dma_wait3A_670, %dma_wait3A_671, %dma_wait3A_672] : memref<2x8x200x32xf32, #tpu.memory_space<vmem>> -> memref<1x1x40x32xf32, #tpu.memory_space<vmem>>
      %dma_wait3A_674 = tpu.memref_squeeze %dma_wait3A_673 : memref<1x1x40x32xf32, #tpu.memory_space<vmem>> -> memref<40x32xf32, #tpu.memory_space<vmem>>
      %dma_wait3A_675 = arith.constant 120 : i32
      %dma_wait3A_676 = tpu.memref_slice %arg6[%dma_wait3A_667, %dma_wait3A_668, %dma_wait3A_675] : memref<2x8x200xi32, #tpu.memory_space<vmem>> -> memref<1x1x40xi32, #tpu.memory_space<vmem>>
      %dma_wait3A_677 = tpu.memref_squeeze %dma_wait3A_676 : memref<1x1x40xi32, #tpu.memory_space<vmem>> -> memref<40xi32, #tpu.memory_space<vmem>>
      %dma_wait3A_678 = arith.constant 0 : i32
      %dma_wait3A_679 = arith.constant 0 : i32
      %dma_wait3A_680 = tpu.memref_slice %arg3[%dma_wait3A_678, %dma_wait3A_679] : memref<1000001x32xf32, #tpu.memory_space<hbm>> -> memref<1000001x32xf32, #tpu.memory_space<hbm>>
      tpu.wait_indirect_dma semaphore(%arg9 : memref<!tpu.dma_semaphore, #tpu.memory_space<semaphore_mem>>) src(%dma_wait3A_680 : memref<1000001x32xf32, #tpu.memory_space<hbm>>) dst(%dma_wait3A_674 : memref<40x32xf32, #tpu.memory_space<vmem>>)
      %dma_wait3A_681 = arith.constant 0 : i32
      %dma_wait3A_682 = arith.constant 0 : i32
      %dma_wait3A_683 = arith.constant 0 : i32
      %dma_wait3A_684 = arith.constant 0 : i32
      %dma_wait3A_685 = arith.constant 160 : i32
      %dma_wait3A_686 = arith.constant 0 : i32
      %dma_wait3A_687 = tpu.memref_slice %arg7[%dma_wait3A_683, %dma_wait3A_684, %dma_wait3A_685, %dma_wait3A_686] : memref<2x8x200x32xf32, #tpu.memory_space<vmem>> -> memref<1x1x40x32xf32, #tpu.memory_space<vmem>>
      %dma_wait3A_688 = tpu.memref_squeeze %dma_wait3A_687 : memref<1x1x40x32xf32, #tpu.memory_space<vmem>> -> memref<40x32xf32, #tpu.memory_space<vmem>>
      %dma_wait3A_689 = arith.constant 160 : i32
      %dma_wait3A_690 = tpu.memref_slice %arg6[%dma_wait3A_681, %dma_wait3A_682, %dma_wait3A_689] : memref<2x8x200xi32, #tpu.memory_space<vmem>> -> memref<1x1x40xi32, #tpu.memory_space<vmem>>
      %dma_wait3A_691 = tpu.memref_squeeze %dma_wait3A_690 : memref<1x1x40xi32, #tpu.memory_space<vmem>> -> memref<40xi32, #tpu.memory_space<vmem>>
      %dma_wait3A_692 = arith.constant 0 : i32
      %dma_wait3A_693 = arith.constant 0 : i32
      %dma_wait3A_694 = tpu.memref_slice %arg3[%dma_wait3A_692, %dma_wait3A_693] : memref<1000001x32xf32, #tpu.memory_space<hbm>> -> memref<1000001x32xf32, #tpu.memory_space<hbm>>
      tpu.wait_indirect_dma semaphore(%arg9 : memref<!tpu.dma_semaphore, #tpu.memory_space<semaphore_mem>>) src(%dma_wait3A_694 : memref<1000001x32xf32, #tpu.memory_space<hbm>>) dst(%dma_wait3A_688 : memref<40x32xf32, #tpu.memory_space<vmem>>)
      %dma_wait3A_695 = arith.constant 0 : i32
      %dma_wait3A_696 = arith.constant 1 : i32
      %dma_wait3A_697 = arith.constant 0 : i32
      %dma_wait3A_698 = arith.constant 1 : i32
      %dma_wait3A_699 = arith.constant 0 : i32
      %dma_wait3A_700 = arith.constant 0 : i32
      %dma_wait3A_701 = tpu.memref_slice %arg7[%dma_wait3A_697, %dma_wait3A_698, %dma_wait3A_699, %dma_wait3A_700] : memref<2x8x200x32xf32, #tpu.memory_space<vmem>> -> memref<1x1x40x32xf32, #tpu.memory_space<vmem>>
      %dma_wait3A_702 = tpu.memref_squeeze %dma_wait3A_701 : memref<1x1x40x32xf32, #tpu.memory_space<vmem>> -> memref<40x32xf32, #tpu.memory_space<vmem>>
      %dma_wait3A_703 = arith.constant 0 : i32
      %dma_wait3A_704 = tpu.memref_slice %arg6[%dma_wait3A_695, %dma_wait3A_696, %dma_wait3A_703] : memref<2x8x200xi32, #tpu.memory_space<vmem>> -> memref<1x1x40xi32, #tpu.memory_space<vmem>>
      %dma_wait3A_705 = tpu.memref_squeeze %dma_wait3A_704 : memref<1x1x40xi32, #tpu.memory_space<vmem>> -> memref<40xi32, #tpu.memory_space<vmem>>
      %dma_wait3A_706 = arith.constant 0 : i32
      %dma_wait3A_707 = arith.constant 0 : i32
      %dma_wait3A_708 = tpu.memref_slice %arg3[%dma_wait3A_706, %dma_wait3A_707] : memref<1000001x32xf32, #tpu.memory_space<hbm>> -> memref<1000001x32xf32, #tpu.memory_space<hbm>>
      tpu.wait_indirect_dma semaphore(%arg9 : memref<!tpu.dma_semaphore, #tpu.memory_space<semaphore_mem>>) src(%dma_wait3A_708 : memref<1000001x32xf32, #tpu.memory_space<hbm>>) dst(%dma_wait3A_702 : memref<40x32xf32, #tpu.memory_space<vmem>>)
      %dma_wait3A_709 = arith.constant 0 : i32
      %dma_wait3A_710 = arith.constant 1 : i32
      %dma_wait3A_711 = arith.constant 0 : i32
      %dma_wait3A_712 = arith.constant 1 : i32
      %dma_wait3A_713 = arith.constant 40 : i32
      %dma_wait3A_714 = arith.constant 0 : i32
      %dma_wait3A_715 = tpu.memref_slice %arg7[%dma_wait3A_711, %dma_wait3A_712, %dma_wait3A_713, %dma_wait3A_714] : memref<2x8x200x32xf32, #tpu.memory_space<vmem>> -> memref<1x1x40x32xf32, #tpu.memory_space<vmem>>
      %dma_wait3A_716 = tpu.memref_squeeze %dma_wait3A_715 : memref<1x1x40x32xf32, #tpu.memory_space<vmem>> -> memref<40x32xf32, #tpu.memory_space<vmem>>
      %dma_wait3A_717 = arith.constant 40 : i32
      %dma_wait3A_718 = tpu.memref_slice %arg6[%dma_wait3A_709, %dma_wait3A_710, %dma_wait3A_717] : memref<2x8x200xi32, #tpu.memory_space<vmem>> -> memref<1x1x40xi32, #tpu.memory_space<vmem>>
      %dma_wait3A_719 = tpu.memref_squeeze %dma_wait3A_718 : memref<1x1x40xi32, #tpu.memory_space<vmem>> -> memref<40xi32, #tpu.memory_space<vmem>>
      %dma_wait3A_720 = arith.constant 0 : i32
      %dma_wait3A_721 = arith.constant 0 : i32
      %dma_wait3A_722 = tpu.memref_slice %arg3[%dma_wait3A_720, %dma_wait3A_721] : memref<1000001x32xf32, #tpu.memory_space<hbm>> -> memref<1000001x32xf32, #tpu.memory_space<hbm>>
      tpu.wait_indirect_dma semaphore(%arg9 : memref<!tpu.dma_semaphore, #tpu.memory_space<semaphore_mem>>) src(%dma_wait3A_722 : memref<1000001x32xf32, #tpu.memory_space<hbm>>) dst(%dma_wait3A_716 : memref<40x32xf32, #tpu.memory_space<vmem>>)
      %dma_wait3A_723 = arith.constant 0 : i32
      %dma_wait3A_724 = arith.constant 1 : i32
      %dma_wait3A_725 = arith.constant 0 : i32
      %dma_wait3A_726 = arith.constant 1 : i32
      %dma_wait3A_727 = arith.constant 80 : i32
      %dma_wait3A_728 = arith.constant 0 : i32
      %dma_wait3A_729 = tpu.memref_slice %arg7[%dma_wait3A_725, %dma_wait3A_726, %dma_wait3A_727, %dma_wait3A_728] : memref<2x8x200x32xf32, #tpu.memory_space<vmem>> -> memref<1x1x40x32xf32, #tpu.memory_space<vmem>>
      %dma_wait3A_730 = tpu.memref_squeeze %dma_wait3A_729 : memref<1x1x40x32xf32, #tpu.memory_space<vmem>> -> memref<40x32xf32, #tpu.memory_space<vmem>>
      %dma_wait3A_731 = arith.constant 80 : i32
      %dma_wait3A_732 = tpu.memref_slice %arg6[%dma_wait3A_723, %dma_wait3A_724, %dma_wait3A_731] : memref<2x8x200xi32, #tpu.memory_space<vmem>> -> memref<1x1x40xi32, #tpu.memory_space<vmem>>
      %dma_wait3A_733 = tpu.memref_squeeze %dma_wait3A_732 : memref<1x1x40xi32, #tpu.memory_space<vmem>> -> memref<40xi32, #tpu.memory_space<vmem>>
      %dma_wait3A_734 = arith.constant 0 : i32
      %dma_wait3A_735 = arith.constant 0 : i32
      %dma_wait3A_736 = tpu.memref_slice %arg3[%dma_wait3A_734, %dma_wait3A_735] : memref<1000001x32xf32, #tpu.memory_space<hbm>> -> memref<1000001x32xf32, #tpu.memory_space<hbm>>
      tpu.wait_indirect_dma semaphore(%arg9 : memref<!tpu.dma_semaphore, #tpu.memory_space<semaphore_mem>>) src(%dma_wait3A_736 : memref<1000001x32xf32, #tpu.memory_space<hbm>>) dst(%dma_wait3A_730 : memref<40x32xf32, #tpu.memory_space<vmem>>)
      %dma_wait3A_737 = arith.constant 0 : i32
      %dma_wait3A_738 = arith.constant 1 : i32
      %dma_wait3A_739 = arith.constant 0 : i32
      %dma_wait3A_740 = arith.constant 1 : i32
      %dma_wait3A_741 = arith.constant 120 : i32
      %dma_wait3A_742 = arith.constant 0 : i32
      %dma_wait3A_743 = tpu.memref_slice %arg7[%dma_wait3A_739, %dma_wait3A_740, %dma_wait3A_741, %dma_wait3A_742] : memref<2x8x200x32xf32, #tpu.memory_space<vmem>> -> memref<1x1x40x32xf32, #tpu.memory_space<vmem>>
      %dma_wait3A_744 = tpu.memref_squeeze %dma_wait3A_743 : memref<1x1x40x32xf32, #tpu.memory_space<vmem>> -> memref<40x32xf32, #tpu.memory_space<vmem>>
      %dma_wait3A_745 = arith.constant 120 : i32
      %dma_wait3A_746 = tpu.memref_slice %arg6[%dma_wait3A_737, %dma_wait3A_738, %dma_wait3A_745] : memref<2x8x200xi32, #tpu.memory_space<vmem>> -> memref<1x1x40xi32, #tpu.memory_space<vmem>>
      %dma_wait3A_747 = tpu.memref_squeeze %dma_wait3A_746 : memref<1x1x40xi32, #tpu.memory_space<vmem>> -> memref<40xi32, #tpu.memory_space<vmem>>
      %dma_wait3A_748 = arith.constant 0 : i32
      %dma_wait3A_749 = arith.constant 0 : i32
      %dma_wait3A_750 = tpu.memref_slice %arg3[%dma_wait3A_748, %dma_wait3A_749] : memref<1000001x32xf32, #tpu.memory_space<hbm>> -> memref<1000001x32xf32, #tpu.memory_space<hbm>>
      tpu.wait_indirect_dma semaphore(%arg9 : memref<!tpu.dma_semaphore, #tpu.memory_space<semaphore_mem>>) src(%dma_wait3A_750 : memref<1000001x32xf32, #tpu.memory_space<hbm>>) dst(%dma_wait3A_744 : memref<40x32xf32, #tpu.memory_space<vmem>>)
      %dma_wait3A_751 = arith.constant 0 : i32
      %dma_wait3A_752 = arith.constant 1 : i32
      %dma_wait3A_753 = arith.constant 0 : i32
      %dma_wait3A_754 = arith.constant 1 : i32
      %dma_wait3A_755 = arith.constant 160 : i32
      %dma_wait3A_756 = arith.constant 0 : i32
      %dma_wait3A_757 = tpu.memref_slice %arg7[%dma_wait3A_753, %dma_wait3A_754, %dma_wait3A_755, %dma_wait3A_756] : memref<2x8x200x32xf32, #tpu.memory_space<vmem>> -> memref<1x1x40x32xf32, #tpu.memory_space<vmem>>
      %dma_wait3A_758 = tpu.memref_squeeze %dma_wait3A_757 : memref<1x1x40x32xf32, #tpu.memory_space<vmem>> -> memref<40x32xf32, #tpu.memory_space<vmem>>
      %dma_wait3A_759 = arith.constant 160 : i32
      %dma_wait3A_760 = tpu.memref_slice %arg6[%dma_wait3A_751, %dma_wait3A_752, %dma_wait3A_759] : memref<2x8x200xi32, #tpu.memory_space<vmem>> -> memref<1x1x40xi32, #tpu.memory_space<vmem>>
      %dma_wait3A_761 = tpu.memref_squeeze %dma_wait3A_760 : memref<1x1x40xi32, #tpu.memory_space<vmem>> -> memref<40xi32, #tpu.memory_space<vmem>>
      %dma_wait3A_762 = arith.constant 0 : i32
      %dma_wait3A_763 = arith.constant 0 : i32
      %dma_wait3A_764 = tpu.memref_slice %arg3[%dma_wait3A_762, %dma_wait3A_763] : memref<1000001x32xf32, #tpu.memory_space<hbm>> -> memref<1000001x32xf32, #tpu.memory_space<hbm>>
      tpu.wait_indirect_dma semaphore(%arg9 : memref<!tpu.dma_semaphore, #tpu.memory_space<semaphore_mem>>) src(%dma_wait3A_764 : memref<1000001x32xf32, #tpu.memory_space<hbm>>) dst(%dma_wait3A_758 : memref<40x32xf32, #tpu.memory_space<vmem>>)
      %dma_wait3A_765 = arith.constant 0 : i32
      %dma_wait3A_766 = arith.constant 2 : i32
      %dma_wait3A_767 = arith.constant 0 : i32
      %dma_wait3A_768 = arith.constant 2 : i32
      %dma_wait3A_769 = arith.constant 0 : i32
      %dma_wait3A_770 = arith.constant 0 : i32
      %dma_wait3A_771 = tpu.memref_slice %arg7[%dma_wait3A_767, %dma_wait3A_768, %dma_wait3A_769, %dma_wait3A_770] : memref<2x8x200x32xf32, #tpu.memory_space<vmem>> -> memref<1x1x40x32xf32, #tpu.memory_space<vmem>>
      %dma_wait3A_772 = tpu.memref_squeeze %dma_wait3A_771 : memref<1x1x40x32xf32, #tpu.memory_space<vmem>> -> memref<40x32xf32, #tpu.memory_space<vmem>>
      %dma_wait3A_773 = arith.constant 0 : i32
      %dma_wait3A_774 = tpu.memref_slice %arg6[%dma_wait3A_765, %dma_wait3A_766, %dma_wait3A_773] : memref<2x8x200xi32, #tpu.memory_space<vmem>> -> memref<1x1x40xi32, #tpu.memory_space<vmem>>
      %dma_wait3A_775 = tpu.memref_squeeze %dma_wait3A_774 : memref<1x1x40xi32, #tpu.memory_space<vmem>> -> memref<40xi32, #tpu.memory_space<vmem>>
      %dma_wait3A_776 = arith.constant 0 : i32
      %dma_wait3A_777 = arith.constant 0 : i32
      %dma_wait3A_778 = tpu.memref_slice %arg3[%dma_wait3A_776, %dma_wait3A_777] : memref<1000001x32xf32, #tpu.memory_space<hbm>> -> memref<1000001x32xf32, #tpu.memory_space<hbm>>
      tpu.wait_indirect_dma semaphore(%arg9 : memref<!tpu.dma_semaphore, #tpu.memory_space<semaphore_mem>>) src(%dma_wait3A_778 : memref<1000001x32xf32, #tpu.memory_space<hbm>>) dst(%dma_wait3A_772 : memref<40x32xf32, #tpu.memory_space<vmem>>)
      %dma_wait3A_779 = arith.constant 0 : i32
      %dma_wait3A_780 = arith.constant 2 : i32
      %dma_wait3A_781 = arith.constant 0 : i32
      %dma_wait3A_782 = arith.constant 2 : i32
      %dma_wait3A_783 = arith.constant 40 : i32
      %dma_wait3A_784 = arith.constant 0 : i32
      %dma_wait3A_785 = tpu.memref_slice %arg7[%dma_wait3A_781, %dma_wait3A_782, %dma_wait3A_783, %dma_wait3A_784] : memref<2x8x200x32xf32, #tpu.memory_space<vmem>> -> memref<1x1x40x32xf32, #tpu.memory_space<vmem>>
      %dma_wait3A_786 = tpu.memref_squeeze %dma_wait3A_785 : memref<1x1x40x32xf32, #tpu.memory_space<vmem>> -> memref<40x32xf32, #tpu.memory_space<vmem>>
      %dma_wait3A_787 = arith.constant 40 : i32
      %dma_wait3A_788 = tpu.memref_slice %arg6[%dma_wait3A_779, %dma_wait3A_780, %dma_wait3A_787] : memref<2x8x200xi32, #tpu.memory_space<vmem>> -> memref<1x1x40xi32, #tpu.memory_space<vmem>>
      %dma_wait3A_789 = tpu.memref_squeeze %dma_wait3A_788 : memref<1x1x40xi32, #tpu.memory_space<vmem>> -> memref<40xi32, #tpu.memory_space<vmem>>
      %dma_wait3A_790 = arith.constant 0 : i32
      %dma_wait3A_791 = arith.constant 0 : i32
      %dma_wait3A_792 = tpu.memref_slice %arg3[%dma_wait3A_790, %dma_wait3A_791] : memref<1000001x32xf32, #tpu.memory_space<hbm>> -> memref<1000001x32xf32, #tpu.memory_space<hbm>>
      tpu.wait_indirect_dma semaphore(%arg9 : memref<!tpu.dma_semaphore, #tpu.memory_space<semaphore_mem>>) src(%dma_wait3A_792 : memref<1000001x32xf32, #tpu.memory_space<hbm>>) dst(%dma_wait3A_786 : memref<40x32xf32, #tpu.memory_space<vmem>>)
      %dma_wait3A_793 = arith.constant 0 : i32
      %dma_wait3A_794 = arith.constant 2 : i32
      %dma_wait3A_795 = arith.constant 0 : i32
      %dma_wait3A_796 = arith.constant 2 : i32
      %dma_wait3A_797 = arith.constant 80 : i32
      %dma_wait3A_798 = arith.constant 0 : i32
      %dma_wait3A_799 = tpu.memref_slice %arg7[%dma_wait3A_795, %dma_wait3A_796, %dma_wait3A_797, %dma_wait3A_798] : memref<2x8x200x32xf32, #tpu.memory_space<vmem>> -> memref<1x1x40x32xf32, #tpu.memory_space<vmem>>
      %dma_wait3A_800 = tpu.memref_squeeze %dma_wait3A_799 : memref<1x1x40x32xf32, #tpu.memory_space<vmem>> -> memref<40x32xf32, #tpu.memory_space<vmem>>
      %dma_wait3A_801 = arith.constant 80 : i32
      %dma_wait3A_802 = tpu.memref_slice %arg6[%dma_wait3A_793, %dma_wait3A_794, %dma_wait3A_801] : memref<2x8x200xi32, #tpu.memory_space<vmem>> -> memref<1x1x40xi32, #tpu.memory_space<vmem>>
      %dma_wait3A_803 = tpu.memref_squeeze %dma_wait3A_802 : memref<1x1x40xi32, #tpu.memory_space<vmem>> -> memref<40xi32, #tpu.memory_space<vmem>>
      %dma_wait3A_804 = arith.constant 0 : i32
      %dma_wait3A_805 = arith.constant 0 : i32
      %dma_wait3A_806 = tpu.memref_slice %arg3[%dma_wait3A_804, %dma_wait3A_805] : memref<1000001x32xf32, #tpu.memory_space<hbm>> -> memref<1000001x32xf32, #tpu.memory_space<hbm>>
      tpu.wait_indirect_dma semaphore(%arg9 : memref<!tpu.dma_semaphore, #tpu.memory_space<semaphore_mem>>) src(%dma_wait3A_806 : memref<1000001x32xf32, #tpu.memory_space<hbm>>) dst(%dma_wait3A_800 : memref<40x32xf32, #tpu.memory_space<vmem>>)
      %dma_wait3A_807 = arith.constant 0 : i32
      %dma_wait3A_808 = arith.constant 2 : i32
      %dma_wait3A_809 = arith.constant 0 : i32
      %dma_wait3A_810 = arith.constant 2 : i32
      %dma_wait3A_811 = arith.constant 120 : i32
      %dma_wait3A_812 = arith.constant 0 : i32
      %dma_wait3A_813 = tpu.memref_slice %arg7[%dma_wait3A_809, %dma_wait3A_810, %dma_wait3A_811, %dma_wait3A_812] : memref<2x8x200x32xf32, #tpu.memory_space<vmem>> -> memref<1x1x40x32xf32, #tpu.memory_space<vmem>>
      %dma_wait3A_814 = tpu.memref_squeeze %dma_wait3A_813 : memref<1x1x40x32xf32, #tpu.memory_space<vmem>> -> memref<40x32xf32, #tpu.memory_space<vmem>>
      %dma_wait3A_815 = arith.constant 120 : i32
      %dma_wait3A_816 = tpu.memref_slice %arg6[%dma_wait3A_807, %dma_wait3A_808, %dma_wait3A_815] : memref<2x8x200xi32, #tpu.memory_space<vmem>> -> memref<1x1x40xi32, #tpu.memory_space<vmem>>
      %dma_wait3A_817 = tpu.memref_squeeze %dma_wait3A_816 : memref<1x1x40xi32, #tpu.memory_space<vmem>> -> memref<40xi32, #tpu.memory_space<vmem>>
      %dma_wait3A_818 = arith.constant 0 : i32
      %dma_wait3A_819 = arith.constant 0 : i32
      %dma_wait3A_820 = tpu.memref_slice %arg3[%dma_wait3A_818, %dma_wait3A_819] : memref<1000001x32xf32, #tpu.memory_space<hbm>> -> memref<1000001x32xf32, #tpu.memory_space<hbm>>
      tpu.wait_indirect_dma semaphore(%arg9 : memref<!tpu.dma_semaphore, #tpu.memory_space<semaphore_mem>>) src(%dma_wait3A_820 : memref<1000001x32xf32, #tpu.memory_space<hbm>>) dst(%dma_wait3A_814 : memref<40x32xf32, #tpu.memory_space<vmem>>)
      %dma_wait3A_821 = arith.constant 0 : i32
      %dma_wait3A_822 = arith.constant 2 : i32
      %dma_wait3A_823 = arith.constant 0 : i32
      %dma_wait3A_824 = arith.constant 2 : i32
      %dma_wait3A_825 = arith.constant 160 : i32
      %dma_wait3A_826 = arith.constant 0 : i32
      %dma_wait3A_827 = tpu.memref_slice %arg7[%dma_wait3A_823, %dma_wait3A_824, %dma_wait3A_825, %dma_wait3A_826] : memref<2x8x200x32xf32, #tpu.memory_space<vmem>> -> memref<1x1x40x32xf32, #tpu.memory_space<vmem>>
      %dma_wait3A_828 = tpu.memref_squeeze %dma_wait3A_827 : memref<1x1x40x32xf32, #tpu.memory_space<vmem>> -> memref<40x32xf32, #tpu.memory_space<vmem>>
      %dma_wait3A_829 = arith.constant 160 : i32
      %dma_wait3A_830 = tpu.memref_slice %arg6[%dma_wait3A_821, %dma_wait3A_822, %dma_wait3A_829] : memref<2x8x200xi32, #tpu.memory_space<vmem>> -> memref<1x1x40xi32, #tpu.memory_space<vmem>>
      %dma_wait3A_831 = tpu.memref_squeeze %dma_wait3A_830 : memref<1x1x40xi32, #tpu.memory_space<vmem>> -> memref<40xi32, #tpu.memory_space<vmem>>
      %dma_wait3A_832 = arith.constant 0 : i32
      %dma_wait3A_833 = arith.constant 0 : i32
      %dma_wait3A_834 = tpu.memref_slice %arg3[%dma_wait3A_832, %dma_wait3A_833] : memref<1000001x32xf32, #tpu.memory_space<hbm>> -> memref<1000001x32xf32, #tpu.memory_space<hbm>>
      tpu.wait_indirect_dma semaphore(%arg9 : memref<!tpu.dma_semaphore, #tpu.memory_space<semaphore_mem>>) src(%dma_wait3A_834 : memref<1000001x32xf32, #tpu.memory_space<hbm>>) dst(%dma_wait3A_828 : memref<40x32xf32, #tpu.memory_space<vmem>>)
      %dma_wait3A_835 = arith.constant 0 : i32
      %dma_wait3A_836 = arith.constant 3 : i32
      %dma_wait3A_837 = arith.constant 0 : i32
      %dma_wait3A_838 = arith.constant 3 : i32
      %dma_wait3A_839 = arith.constant 0 : i32
      %dma_wait3A_840 = arith.constant 0 : i32
      %dma_wait3A_841 = tpu.memref_slice %arg7[%dma_wait3A_837, %dma_wait3A_838, %dma_wait3A_839, %dma_wait3A_840] : memref<2x8x200x32xf32, #tpu.memory_space<vmem>> -> memref<1x1x40x32xf32, #tpu.memory_space<vmem>>
      %dma_wait3A_842 = tpu.memref_squeeze %dma_wait3A_841 : memref<1x1x40x32xf32, #tpu.memory_space<vmem>> -> memref<40x32xf32, #tpu.memory_space<vmem>>
      %dma_wait3A_843 = arith.constant 0 : i32
      %dma_wait3A_844 = tpu.memref_slice %arg6[%dma_wait3A_835, %dma_wait3A_836, %dma_wait3A_843] : memref<2x8x200xi32, #tpu.memory_space<vmem>> -> memref<1x1x40xi32, #tpu.memory_space<vmem>>
      %dma_wait3A_845 = tpu.memref_squeeze %dma_wait3A_844 : memref<1x1x40xi32, #tpu.memory_space<vmem>> -> memref<40xi32, #tpu.memory_space<vmem>>
      %dma_wait3A_846 = arith.constant 0 : i32
      %dma_wait3A_847 = arith.constant 0 : i32
      %dma_wait3A_848 = tpu.memref_slice %arg3[%dma_wait3A_846, %dma_wait3A_847] : memref<1000001x32xf32, #tpu.memory_space<hbm>> -> memref<1000001x32xf32, #tpu.memory_space<hbm>>
      tpu.wait_indirect_dma semaphore(%arg9 : memref<!tpu.dma_semaphore, #tpu.memory_space<semaphore_mem>>) src(%dma_wait3A_848 : memref<1000001x32xf32, #tpu.memory_space<hbm>>) dst(%dma_wait3A_842 : memref<40x32xf32, #tpu.memory_space<vmem>>)
      %dma_wait3A_849 = arith.constant 0 : i32
      %dma_wait3A_850 = arith.constant 3 : i32
      %dma_wait3A_851 = arith.constant 0 : i32
      %dma_wait3A_852 = arith.constant 3 : i32
      %dma_wait3A_853 = arith.constant 40 : i32
      %dma_wait3A_854 = arith.constant 0 : i32
      %dma_wait3A_855 = tpu.memref_slice %arg7[%dma_wait3A_851, %dma_wait3A_852, %dma_wait3A_853, %dma_wait3A_854] : memref<2x8x200x32xf32, #tpu.memory_space<vmem>> -> memref<1x1x40x32xf32, #tpu.memory_space<vmem>>
      %dma_wait3A_856 = tpu.memref_squeeze %dma_wait3A_855 : memref<1x1x40x32xf32, #tpu.memory_space<vmem>> -> memref<40x32xf32, #tpu.memory_space<vmem>>
      %dma_wait3A_857 = arith.constant 40 : i32
      %dma_wait3A_858 = tpu.memref_slice %arg6[%dma_wait3A_849, %dma_wait3A_850, %dma_wait3A_857] : memref<2x8x200xi32, #tpu.memory_space<vmem>> -> memref<1x1x40xi32, #tpu.memory_space<vmem>>
      %dma_wait3A_859 = tpu.memref_squeeze %dma_wait3A_858 : memref<1x1x40xi32, #tpu.memory_space<vmem>> -> memref<40xi32, #tpu.memory_space<vmem>>
      %dma_wait3A_860 = arith.constant 0 : i32
      %dma_wait3A_861 = arith.constant 0 : i32
      %dma_wait3A_862 = tpu.memref_slice %arg3[%dma_wait3A_860, %dma_wait3A_861] : memref<1000001x32xf32, #tpu.memory_space<hbm>> -> memref<1000001x32xf32, #tpu.memory_space<hbm>>
      tpu.wait_indirect_dma semaphore(%arg9 : memref<!tpu.dma_semaphore, #tpu.memory_space<semaphore_mem>>) src(%dma_wait3A_862 : memref<1000001x32xf32, #tpu.memory_space<hbm>>) dst(%dma_wait3A_856 : memref<40x32xf32, #tpu.memory_space<vmem>>)
      %dma_wait3A_863 = arith.constant 0 : i32
      %dma_wait3A_864 = arith.constant 3 : i32
      %dma_wait3A_865 = arith.constant 0 : i32
      %dma_wait3A_866 = arith.constant 3 : i32
      %dma_wait3A_867 = arith.constant 80 : i32
      %dma_wait3A_868 = arith.constant 0 : i32
      %dma_wait3A_869 = tpu.memref_slice %arg7[%dma_wait3A_865, %dma_wait3A_866, %dma_wait3A_867, %dma_wait3A_868] : memref<2x8x200x32xf32, #tpu.memory_space<vmem>> -> memref<1x1x40x32xf32, #tpu.memory_space<vmem>>
      %dma_wait3A_870 = tpu.memref_squeeze %dma_wait3A_869 : memref<1x1x40x32xf32, #tpu.memory_space<vmem>> -> memref<40x32xf32, #tpu.memory_space<vmem>>
      %dma_wait3A_871 = arith.constant 80 : i32
      %dma_wait3A_872 = tpu.memref_slice %arg6[%dma_wait3A_863, %dma_wait3A_864, %dma_wait3A_871] : memref<2x8x200xi32, #tpu.memory_space<vmem>> -> memref<1x1x40xi32, #tpu.memory_space<vmem>>
      %dma_wait3A_873 = tpu.memref_squeeze %dma_wait3A_872 : memref<1x1x40xi32, #tpu.memory_space<vmem>> -> memref<40xi32, #tpu.memory_space<vmem>>
      %dma_wait3A_874 = arith.constant 0 : i32
      %dma_wait3A_875 = arith.constant 0 : i32
      %dma_wait3A_876 = tpu.memref_slice %arg3[%dma_wait3A_874, %dma_wait3A_875] : memref<1000001x32xf32, #tpu.memory_space<hbm>> -> memref<1000001x32xf32, #tpu.memory_space<hbm>>
      tpu.wait_indirect_dma semaphore(%arg9 : memref<!tpu.dma_semaphore, #tpu.memory_space<semaphore_mem>>) src(%dma_wait3A_876 : memref<1000001x32xf32, #tpu.memory_space<hbm>>) dst(%dma_wait3A_870 : memref<40x32xf32, #tpu.memory_space<vmem>>)
      %dma_wait3A_877 = arith.constant 0 : i32
      %dma_wait3A_878 = arith.constant 3 : i32
      %dma_wait3A_879 = arith.constant 0 : i32
      %dma_wait3A_880 = arith.constant 3 : i32
      %dma_wait3A_881 = arith.constant 120 : i32
      %dma_wait3A_882 = arith.constant 0 : i32
      %dma_wait3A_883 = tpu.memref_slice %arg7[%dma_wait3A_879, %dma_wait3A_880, %dma_wait3A_881, %dma_wait3A_882] : memref<2x8x200x32xf32, #tpu.memory_space<vmem>> -> memref<1x1x40x32xf32, #tpu.memory_space<vmem>>
      %dma_wait3A_884 = tpu.memref_squeeze %dma_wait3A_883 : memref<1x1x40x32xf32, #tpu.memory_space<vmem>> -> memref<40x32xf32, #tpu.memory_space<vmem>>
      %dma_wait3A_885 = arith.constant 120 : i32
      %dma_wait3A_886 = tpu.memref_slice %arg6[%dma_wait3A_877, %dma_wait3A_878, %dma_wait3A_885] : memref<2x8x200xi32, #tpu.memory_space<vmem>> -> memref<1x1x40xi32, #tpu.memory_space<vmem>>
      %dma_wait3A_887 = tpu.memref_squeeze %dma_wait3A_886 : memref<1x1x40xi32, #tpu.memory_space<vmem>> -> memref<40xi32, #tpu.memory_space<vmem>>
      %dma_wait3A_888 = arith.constant 0 : i32
      %dma_wait3A_889 = arith.constant 0 : i32
      %dma_wait3A_890 = tpu.memref_slice %arg3[%dma_wait3A_888, %dma_wait3A_889] : memref<1000001x32xf32, #tpu.memory_space<hbm>> -> memref<1000001x32xf32, #tpu.memory_space<hbm>>
      tpu.wait_indirect_dma semaphore(%arg9 : memref<!tpu.dma_semaphore, #tpu.memory_space<semaphore_mem>>) src(%dma_wait3A_890 : memref<1000001x32xf32, #tpu.memory_space<hbm>>) dst(%dma_wait3A_884 : memref<40x32xf32, #tpu.memory_space<vmem>>)
      %dma_wait3A_891 = arith.constant 0 : i32
      %dma_wait3A_892 = arith.constant 3 : i32
      %dma_wait3A_893 = arith.constant 0 : i32
      %dma_wait3A_894 = arith.constant 3 : i32
      %dma_wait3A_895 = arith.constant 160 : i32
      %dma_wait3A_896 = arith.constant 0 : i32
      %dma_wait3A_897 = tpu.memref_slice %arg7[%dma_wait3A_893, %dma_wait3A_894, %dma_wait3A_895, %dma_wait3A_896] : memref<2x8x200x32xf32, #tpu.memory_space<vmem>> -> memref<1x1x40x32xf32, #tpu.memory_space<vmem>>
      %dma_wait3A_898 = tpu.memref_squeeze %dma_wait3A_897 : memref<1x1x40x32xf32, #tpu.memory_space<vmem>> -> memref<40x32xf32, #tpu.memory_space<vmem>>
      %dma_wait3A_899 = arith.constant 160 : i32
      %dma_wait3A_900 = tpu.memref_slice %arg6[%dma_wait3A_891, %dma_wait3A_892, %dma_wait3A_899] : memref<2x8x200xi32, #tpu.memory_space<vmem>> -> memref<1x1x40xi32, #tpu.memory_space<vmem>>
      %dma_wait3A_901 = tpu.memref_squeeze %dma_wait3A_900 : memref<1x1x40xi32, #tpu.memory_space<vmem>> -> memref<40xi32, #tpu.memory_space<vmem>>
      %dma_wait3A_902 = arith.constant 0 : i32
      %dma_wait3A_903 = arith.constant 0 : i32
      %dma_wait3A_904 = tpu.memref_slice %arg3[%dma_wait3A_902, %dma_wait3A_903] : memref<1000001x32xf32, #tpu.memory_space<hbm>> -> memref<1000001x32xf32, #tpu.memory_space<hbm>>
      tpu.wait_indirect_dma semaphore(%arg9 : memref<!tpu.dma_semaphore, #tpu.memory_space<semaphore_mem>>) src(%dma_wait3A_904 : memref<1000001x32xf32, #tpu.memory_space<hbm>>) dst(%dma_wait3A_898 : memref<40x32xf32, #tpu.memory_space<vmem>>)
      %dma_wait3A_905 = arith.constant 0 : i32
      %dma_wait3A_906 = arith.constant 4 : i32
      %dma_wait3A_907 = arith.constant 0 : i32
      %dma_wait3A_908 = arith.constant 4 : i32
      %dma_wait3A_909 = arith.constant 0 : i32
      %dma_wait3A_910 = arith.constant 0 : i32
      %dma_wait3A_911 = tpu.memref_slice %arg7[%dma_wait3A_907, %dma_wait3A_908, %dma_wait3A_909, %dma_wait3A_910] : memref<2x8x200x32xf32, #tpu.memory_space<vmem>> -> memref<1x1x40x32xf32, #tpu.memory_space<vmem>>
      %dma_wait3A_912 = tpu.memref_squeeze %dma_wait3A_911 : memref<1x1x40x32xf32, #tpu.memory_space<vmem>> -> memref<40x32xf32, #tpu.memory_space<vmem>>
      %dma_wait3A_913 = arith.constant 0 : i32
      %dma_wait3A_914 = tpu.memref_slice %arg6[%dma_wait3A_905, %dma_wait3A_906, %dma_wait3A_913] : memref<2x8x200xi32, #tpu.memory_space<vmem>> -> memref<1x1x40xi32, #tpu.memory_space<vmem>>
      %dma_wait3A_915 = tpu.memref_squeeze %dma_wait3A_914 : memref<1x1x40xi32, #tpu.memory_space<vmem>> -> memref<40xi32, #tpu.memory_space<vmem>>
      %dma_wait3A_916 = arith.constant 0 : i32
      %dma_wait3A_917 = arith.constant 0 : i32
      %dma_wait3A_918 = tpu.memref_slice %arg3[%dma_wait3A_916, %dma_wait3A_917] : memref<1000001x32xf32, #tpu.memory_space<hbm>> -> memref<1000001x32xf32, #tpu.memory_space<hbm>>
      tpu.wait_indirect_dma semaphore(%arg9 : memref<!tpu.dma_semaphore, #tpu.memory_space<semaphore_mem>>) src(%dma_wait3A_918 : memref<1000001x32xf32, #tpu.memory_space<hbm>>) dst(%dma_wait3A_912 : memref<40x32xf32, #tpu.memory_space<vmem>>)
      %dma_wait3A_919 = arith.constant 0 : i32
      %dma_wait3A_920 = arith.constant 4 : i32
      %dma_wait3A_921 = arith.constant 0 : i32
      %dma_wait3A_922 = arith.constant 4 : i32
      %dma_wait3A_923 = arith.constant 40 : i32
      %dma_wait3A_924 = arith.constant 0 : i32
      %dma_wait3A_925 = tpu.memref_slice %arg7[%dma_wait3A_921, %dma_wait3A_922, %dma_wait3A_923, %dma_wait3A_924] : memref<2x8x200x32xf32, #tpu.memory_space<vmem>> -> memref<1x1x40x32xf32, #tpu.memory_space<vmem>>
      %dma_wait3A_926 = tpu.memref_squeeze %dma_wait3A_925 : memref<1x1x40x32xf32, #tpu.memory_space<vmem>> -> memref<40x32xf32, #tpu.memory_space<vmem>>
      %dma_wait3A_927 = arith.constant 40 : i32
      %dma_wait3A_928 = tpu.memref_slice %arg6[%dma_wait3A_919, %dma_wait3A_920, %dma_wait3A_927] : memref<2x8x200xi32, #tpu.memory_space<vmem>> -> memref<1x1x40xi32, #tpu.memory_space<vmem>>
      %dma_wait3A_929 = tpu.memref_squeeze %dma_wait3A_928 : memref<1x1x40xi32, #tpu.memory_space<vmem>> -> memref<40xi32, #tpu.memory_space<vmem>>
      %dma_wait3A_930 = arith.constant 0 : i32
      %dma_wait3A_931 = arith.constant 0 : i32
      %dma_wait3A_932 = tpu.memref_slice %arg3[%dma_wait3A_930, %dma_wait3A_931] : memref<1000001x32xf32, #tpu.memory_space<hbm>> -> memref<1000001x32xf32, #tpu.memory_space<hbm>>
      tpu.wait_indirect_dma semaphore(%arg9 : memref<!tpu.dma_semaphore, #tpu.memory_space<semaphore_mem>>) src(%dma_wait3A_932 : memref<1000001x32xf32, #tpu.memory_space<hbm>>) dst(%dma_wait3A_926 : memref<40x32xf32, #tpu.memory_space<vmem>>)
      %dma_wait3A_933 = arith.constant 0 : i32
      %dma_wait3A_934 = arith.constant 4 : i32
      %dma_wait3A_935 = arith.constant 0 : i32
      %dma_wait3A_936 = arith.constant 4 : i32
      %dma_wait3A_937 = arith.constant 80 : i32
      %dma_wait3A_938 = arith.constant 0 : i32
      %dma_wait3A_939 = tpu.memref_slice %arg7[%dma_wait3A_935, %dma_wait3A_936, %dma_wait3A_937, %dma_wait3A_938] : memref<2x8x200x32xf32, #tpu.memory_space<vmem>> -> memref<1x1x40x32xf32, #tpu.memory_space<vmem>>
      %dma_wait3A_940 = tpu.memref_squeeze %dma_wait3A_939 : memref<1x1x40x32xf32, #tpu.memory_space<vmem>> -> memref<40x32xf32, #tpu.memory_space<vmem>>
      %dma_wait3A_941 = arith.constant 80 : i32
      %dma_wait3A_942 = tpu.memref_slice %arg6[%dma_wait3A_933, %dma_wait3A_934, %dma_wait3A_941] : memref<2x8x200xi32, #tpu.memory_space<vmem>> -> memref<1x1x40xi32, #tpu.memory_space<vmem>>
      %dma_wait3A_943 = tpu.memref_squeeze %dma_wait3A_942 : memref<1x1x40xi32, #tpu.memory_space<vmem>> -> memref<40xi32, #tpu.memory_space<vmem>>
      %dma_wait3A_944 = arith.constant 0 : i32
      %dma_wait3A_945 = arith.constant 0 : i32
      %dma_wait3A_946 = tpu.memref_slice %arg3[%dma_wait3A_944, %dma_wait3A_945] : memref<1000001x32xf32, #tpu.memory_space<hbm>> -> memref<1000001x32xf32, #tpu.memory_space<hbm>>
      tpu.wait_indirect_dma semaphore(%arg9 : memref<!tpu.dma_semaphore, #tpu.memory_space<semaphore_mem>>) src(%dma_wait3A_946 : memref<1000001x32xf32, #tpu.memory_space<hbm>>) dst(%dma_wait3A_940 : memref<40x32xf32, #tpu.memory_space<vmem>>)
      %dma_wait3A_947 = arith.constant 0 : i32
      %dma_wait3A_948 = arith.constant 4 : i32
      %dma_wait3A_949 = arith.constant 0 : i32
      %dma_wait3A_950 = arith.constant 4 : i32
      %dma_wait3A_951 = arith.constant 120 : i32
      %dma_wait3A_952 = arith.constant 0 : i32
      %dma_wait3A_953 = tpu.memref_slice %arg7[%dma_wait3A_949, %dma_wait3A_950, %dma_wait3A_951, %dma_wait3A_952] : memref<2x8x200x32xf32, #tpu.memory_space<vmem>> -> memref<1x1x40x32xf32, #tpu.memory_space<vmem>>
      %dma_wait3A_954 = tpu.memref_squeeze %dma_wait3A_953 : memref<1x1x40x32xf32, #tpu.memory_space<vmem>> -> memref<40x32xf32, #tpu.memory_space<vmem>>
      %dma_wait3A_955 = arith.constant 120 : i32
      %dma_wait3A_956 = tpu.memref_slice %arg6[%dma_wait3A_947, %dma_wait3A_948, %dma_wait3A_955] : memref<2x8x200xi32, #tpu.memory_space<vmem>> -> memref<1x1x40xi32, #tpu.memory_space<vmem>>
      %dma_wait3A_957 = tpu.memref_squeeze %dma_wait3A_956 : memref<1x1x40xi32, #tpu.memory_space<vmem>> -> memref<40xi32, #tpu.memory_space<vmem>>
      %dma_wait3A_958 = arith.constant 0 : i32
      %dma_wait3A_959 = arith.constant 0 : i32
      %dma_wait3A_960 = tpu.memref_slice %arg3[%dma_wait3A_958, %dma_wait3A_959] : memref<1000001x32xf32, #tpu.memory_space<hbm>> -> memref<1000001x32xf32, #tpu.memory_space<hbm>>
      tpu.wait_indirect_dma semaphore(%arg9 : memref<!tpu.dma_semaphore, #tpu.memory_space<semaphore_mem>>) src(%dma_wait3A_960 : memref<1000001x32xf32, #tpu.memory_space<hbm>>) dst(%dma_wait3A_954 : memref<40x32xf32, #tpu.memory_space<vmem>>)
      %dma_wait3A_961 = arith.constant 0 : i32
      %dma_wait3A_962 = arith.constant 4 : i32
      %dma_wait3A_963 = arith.constant 0 : i32
      %dma_wait3A_964 = arith.constant 4 : i32
      %dma_wait3A_965 = arith.constant 160 : i32
      %dma_wait3A_966 = arith.constant 0 : i32
      %dma_wait3A_967 = tpu.memref_slice %arg7[%dma_wait3A_963, %dma_wait3A_964, %dma_wait3A_965, %dma_wait3A_966] : memref<2x8x200x32xf32, #tpu.memory_space<vmem>> -> memref<1x1x40x32xf32, #tpu.memory_space<vmem>>
      %dma_wait3A_968 = tpu.memref_squeeze %dma_wait3A_967 : memref<1x1x40x32xf32, #tpu.memory_space<vmem>> -> memref<40x32xf32, #tpu.memory_space<vmem>>
      %dma_wait3A_969 = arith.constant 160 : i32
      %dma_wait3A_970 = tpu.memref_slice %arg6[%dma_wait3A_961, %dma_wait3A_962, %dma_wait3A_969] : memref<2x8x200xi32, #tpu.memory_space<vmem>> -> memref<1x1x40xi32, #tpu.memory_space<vmem>>
      %dma_wait3A_971 = tpu.memref_squeeze %dma_wait3A_970 : memref<1x1x40xi32, #tpu.memory_space<vmem>> -> memref<40xi32, #tpu.memory_space<vmem>>
      %dma_wait3A_972 = arith.constant 0 : i32
      %dma_wait3A_973 = arith.constant 0 : i32
      %dma_wait3A_974 = tpu.memref_slice %arg3[%dma_wait3A_972, %dma_wait3A_973] : memref<1000001x32xf32, #tpu.memory_space<hbm>> -> memref<1000001x32xf32, #tpu.memory_space<hbm>>
      tpu.wait_indirect_dma semaphore(%arg9 : memref<!tpu.dma_semaphore, #tpu.memory_space<semaphore_mem>>) src(%dma_wait3A_974 : memref<1000001x32xf32, #tpu.memory_space<hbm>>) dst(%dma_wait3A_968 : memref<40x32xf32, #tpu.memory_space<vmem>>)
      %dma_wait3A_975 = arith.constant 0 : i32
      %dma_wait3A_976 = arith.constant 5 : i32
      %dma_wait3A_977 = arith.constant 0 : i32
      %dma_wait3A_978 = arith.constant 5 : i32
      %dma_wait3A_979 = arith.constant 0 : i32
      %dma_wait3A_980 = arith.constant 0 : i32
      %dma_wait3A_981 = tpu.memref_slice %arg7[%dma_wait3A_977, %dma_wait3A_978, %dma_wait3A_979, %dma_wait3A_980] : memref<2x8x200x32xf32, #tpu.memory_space<vmem>> -> memref<1x1x40x32xf32, #tpu.memory_space<vmem>>
      %dma_wait3A_982 = tpu.memref_squeeze %dma_wait3A_981 : memref<1x1x40x32xf32, #tpu.memory_space<vmem>> -> memref<40x32xf32, #tpu.memory_space<vmem>>
      %dma_wait3A_983 = arith.constant 0 : i32
      %dma_wait3A_984 = tpu.memref_slice %arg6[%dma_wait3A_975, %dma_wait3A_976, %dma_wait3A_983] : memref<2x8x200xi32, #tpu.memory_space<vmem>> -> memref<1x1x40xi32, #tpu.memory_space<vmem>>
      %dma_wait3A_985 = tpu.memref_squeeze %dma_wait3A_984 : memref<1x1x40xi32, #tpu.memory_space<vmem>> -> memref<40xi32, #tpu.memory_space<vmem>>
      %dma_wait3A_986 = arith.constant 0 : i32
      %dma_wait3A_987 = arith.constant 0 : i32
      %dma_wait3A_988 = tpu.memref_slice %arg3[%dma_wait3A_986, %dma_wait3A_987] : memref<1000001x32xf32, #tpu.memory_space<hbm>> -> memref<1000001x32xf32, #tpu.memory_space<hbm>>
      tpu.wait_indirect_dma semaphore(%arg9 : memref<!tpu.dma_semaphore, #tpu.memory_space<semaphore_mem>>) src(%dma_wait3A_988 : memref<1000001x32xf32, #tpu.memory_space<hbm>>) dst(%dma_wait3A_982 : memref<40x32xf32, #tpu.memory_space<vmem>>)
      %dma_wait3A_989 = arith.constant 0 : i32
      %dma_wait3A_990 = arith.constant 5 : i32
      %dma_wait3A_991 = arith.constant 0 : i32
      %dma_wait3A_992 = arith.constant 5 : i32
      %dma_wait3A_993 = arith.constant 40 : i32
      %dma_wait3A_994 = arith.constant 0 : i32
      %dma_wait3A_995 = tpu.memref_slice %arg7[%dma_wait3A_991, %dma_wait3A_992, %dma_wait3A_993, %dma_wait3A_994] : memref<2x8x200x32xf32, #tpu.memory_space<vmem>> -> memref<1x1x40x32xf32, #tpu.memory_space<vmem>>
      %dma_wait3A_996 = tpu.memref_squeeze %dma_wait3A_995 : memref<1x1x40x32xf32, #tpu.memory_space<vmem>> -> memref<40x32xf32, #tpu.memory_space<vmem>>
      %dma_wait3A_997 = arith.constant 40 : i32
      %dma_wait3A_998 = tpu.memref_slice %arg6[%dma_wait3A_989, %dma_wait3A_990, %dma_wait3A_997] : memref<2x8x200xi32, #tpu.memory_space<vmem>> -> memref<1x1x40xi32, #tpu.memory_space<vmem>>
      %dma_wait3A_999 = tpu.memref_squeeze %dma_wait3A_998 : memref<1x1x40xi32, #tpu.memory_space<vmem>> -> memref<40xi32, #tpu.memory_space<vmem>>
      %dma_wait3A_1000 = arith.constant 0 : i32
      %dma_wait3A_1001 = arith.constant 0 : i32
      %dma_wait3A_1002 = tpu.memref_slice %arg3[%dma_wait3A_1000, %dma_wait3A_1001] : memref<1000001x32xf32, #tpu.memory_space<hbm>> -> memref<1000001x32xf32, #tpu.memory_space<hbm>>
      tpu.wait_indirect_dma semaphore(%arg9 : memref<!tpu.dma_semaphore, #tpu.memory_space<semaphore_mem>>) src(%dma_wait3A_1002 : memref<1000001x32xf32, #tpu.memory_space<hbm>>) dst(%dma_wait3A_996 : memref<40x32xf32, #tpu.memory_space<vmem>>)
      %dma_wait3A_1003 = arith.constant 0 : i32
      %dma_wait3A_1004 = arith.constant 5 : i32
      %dma_wait3A_1005 = arith.constant 0 : i32
      %dma_wait3A_1006 = arith.constant 5 : i32
      %dma_wait3A_1007 = arith.constant 80 : i32
      %dma_wait3A_1008 = arith.constant 0 : i32
      %dma_wait3A_1009 = tpu.memref_slice %arg7[%dma_wait3A_1005, %dma_wait3A_1006, %dma_wait3A_1007, %dma_wait3A_1008] : memref<2x8x200x32xf32, #tpu.memory_space<vmem>> -> memref<1x1x40x32xf32, #tpu.memory_space<vmem>>
      %dma_wait3A_1010 = tpu.memref_squeeze %dma_wait3A_1009 : memref<1x1x40x32xf32, #tpu.memory_space<vmem>> -> memref<40x32xf32, #tpu.memory_space<vmem>>
      %dma_wait3A_1011 = arith.constant 80 : i32
      %dma_wait3A_1012 = tpu.memref_slice %arg6[%dma_wait3A_1003, %dma_wait3A_1004, %dma_wait3A_1011] : memref<2x8x200xi32, #tpu.memory_space<vmem>> -> memref<1x1x40xi32, #tpu.memory_space<vmem>>
      %dma_wait3A_1013 = tpu.memref_squeeze %dma_wait3A_1012 : memref<1x1x40xi32, #tpu.memory_space<vmem>> -> memref<40xi32, #tpu.memory_space<vmem>>
      %dma_wait3A_1014 = arith.constant 0 : i32
      %dma_wait3A_1015 = arith.constant 0 : i32
      %dma_wait3A_1016 = tpu.memref_slice %arg3[%dma_wait3A_1014, %dma_wait3A_1015] : memref<1000001x32xf32, #tpu.memory_space<hbm>> -> memref<1000001x32xf32, #tpu.memory_space<hbm>>
      tpu.wait_indirect_dma semaphore(%arg9 : memref<!tpu.dma_semaphore, #tpu.memory_space<semaphore_mem>>) src(%dma_wait3A_1016 : memref<1000001x32xf32, #tpu.memory_space<hbm>>) dst(%dma_wait3A_1010 : memref<40x32xf32, #tpu.memory_space<vmem>>)
      %dma_wait3A_1017 = arith.constant 0 : i32
      %dma_wait3A_1018 = arith.constant 5 : i32
      %dma_wait3A_1019 = arith.constant 0 : i32
      %dma_wait3A_1020 = arith.constant 5 : i32
      %dma_wait3A_1021 = arith.constant 120 : i32
      %dma_wait3A_1022 = arith.constant 0 : i32
      %dma_wait3A_1023 = tpu.memref_slice %arg7[%dma_wait3A_1019, %dma_wait3A_1020, %dma_wait3A_1021, %dma_wait3A_1022] : memref<2x8x200x32xf32, #tpu.memory_space<vmem>> -> memref<1x1x40x32xf32, #tpu.memory_space<vmem>>
      %dma_wait3A_1024 = tpu.memref_squeeze %dma_wait3A_1023 : memref<1x1x40x32xf32, #tpu.memory_space<vmem>> -> memref<40x32xf32, #tpu.memory_space<vmem>>
      %dma_wait3A_1025 = arith.constant 120 : i32
      %dma_wait3A_1026 = tpu.memref_slice %arg6[%dma_wait3A_1017, %dma_wait3A_1018, %dma_wait3A_1025] : memref<2x8x200xi32, #tpu.memory_space<vmem>> -> memref<1x1x40xi32, #tpu.memory_space<vmem>>
      %dma_wait3A_1027 = tpu.memref_squeeze %dma_wait3A_1026 : memref<1x1x40xi32, #tpu.memory_space<vmem>> -> memref<40xi32, #tpu.memory_space<vmem>>
      %dma_wait3A_1028 = arith.constant 0 : i32
      %dma_wait3A_1029 = arith.constant 0 : i32
      %dma_wait3A_1030 = tpu.memref_slice %arg3[%dma_wait3A_1028, %dma_wait3A_1029] : memref<1000001x32xf32, #tpu.memory_space<hbm>> -> memref<1000001x32xf32, #tpu.memory_space<hbm>>
      tpu.wait_indirect_dma semaphore(%arg9 : memref<!tpu.dma_semaphore, #tpu.memory_space<semaphore_mem>>) src(%dma_wait3A_1030 : memref<1000001x32xf32, #tpu.memory_space<hbm>>) dst(%dma_wait3A_1024 : memref<40x32xf32, #tpu.memory_space<vmem>>)
      %dma_wait3A_1031 = arith.constant 0 : i32
      %dma_wait3A_1032 = arith.constant 5 : i32
      %dma_wait3A_1033 = arith.constant 0 : i32
      %dma_wait3A_1034 = arith.constant 5 : i32
      %dma_wait3A_1035 = arith.constant 160 : i32
      %dma_wait3A_1036 = arith.constant 0 : i32
      %dma_wait3A_1037 = tpu.memref_slice %arg7[%dma_wait3A_1033, %dma_wait3A_1034, %dma_wait3A_1035, %dma_wait3A_1036] : memref<2x8x200x32xf32, #tpu.memory_space<vmem>> -> memref<1x1x40x32xf32, #tpu.memory_space<vmem>>
      %dma_wait3A_1038 = tpu.memref_squeeze %dma_wait3A_1037 : memref<1x1x40x32xf32, #tpu.memory_space<vmem>> -> memref<40x32xf32, #tpu.memory_space<vmem>>
      %dma_wait3A_1039 = arith.constant 160 : i32
      %dma_wait3A_1040 = tpu.memref_slice %arg6[%dma_wait3A_1031, %dma_wait3A_1032, %dma_wait3A_1039] : memref<2x8x200xi32, #tpu.memory_space<vmem>> -> memref<1x1x40xi32, #tpu.memory_space<vmem>>
      %dma_wait3A_1041 = tpu.memref_squeeze %dma_wait3A_1040 : memref<1x1x40xi32, #tpu.memory_space<vmem>> -> memref<40xi32, #tpu.memory_space<vmem>>
      %dma_wait3A_1042 = arith.constant 0 : i32
      %dma_wait3A_1043 = arith.constant 0 : i32
      %dma_wait3A_1044 = tpu.memref_slice %arg3[%dma_wait3A_1042, %dma_wait3A_1043] : memref<1000001x32xf32, #tpu.memory_space<hbm>> -> memref<1000001x32xf32, #tpu.memory_space<hbm>>
      tpu.wait_indirect_dma semaphore(%arg9 : memref<!tpu.dma_semaphore, #tpu.memory_space<semaphore_mem>>) src(%dma_wait3A_1044 : memref<1000001x32xf32, #tpu.memory_space<hbm>>) dst(%dma_wait3A_1038 : memref<40x32xf32, #tpu.memory_space<vmem>>)
      %dma_wait3A_1045 = arith.constant 0 : i32
      %dma_wait3A_1046 = arith.constant 6 : i32
      %dma_wait3A_1047 = arith.constant 0 : i32
      %dma_wait3A_1048 = arith.constant 6 : i32
      %dma_wait3A_1049 = arith.constant 0 : i32
      %dma_wait3A_1050 = arith.constant 0 : i32
      %dma_wait3A_1051 = tpu.memref_slice %arg7[%dma_wait3A_1047, %dma_wait3A_1048, %dma_wait3A_1049, %dma_wait3A_1050] : memref<2x8x200x32xf32, #tpu.memory_space<vmem>> -> memref<1x1x40x32xf32, #tpu.memory_space<vmem>>
      %dma_wait3A_1052 = tpu.memref_squeeze %dma_wait3A_1051 : memref<1x1x40x32xf32, #tpu.memory_space<vmem>> -> memref<40x32xf32, #tpu.memory_space<vmem>>
      %dma_wait3A_1053 = arith.constant 0 : i32
      %dma_wait3A_1054 = tpu.memref_slice %arg6[%dma_wait3A_1045, %dma_wait3A_1046, %dma_wait3A_1053] : memref<2x8x200xi32, #tpu.memory_space<vmem>> -> memref<1x1x40xi32, #tpu.memory_space<vmem>>
      %dma_wait3A_1055 = tpu.memref_squeeze %dma_wait3A_1054 : memref<1x1x40xi32, #tpu.memory_space<vmem>> -> memref<40xi32, #tpu.memory_space<vmem>>
      %dma_wait3A_1056 = arith.constant 0 : i32
      %dma_wait3A_1057 = arith.constant 0 : i32
      %dma_wait3A_1058 = tpu.memref_slice %arg3[%dma_wait3A_1056, %dma_wait3A_1057] : memref<1000001x32xf32, #tpu.memory_space<hbm>> -> memref<1000001x32xf32, #tpu.memory_space<hbm>>
      tpu.wait_indirect_dma semaphore(%arg9 : memref<!tpu.dma_semaphore, #tpu.memory_space<semaphore_mem>>) src(%dma_wait3A_1058 : memref<1000001x32xf32, #tpu.memory_space<hbm>>) dst(%dma_wait3A_1052 : memref<40x32xf32, #tpu.memory_space<vmem>>)
      %dma_wait3A_1059 = arith.constant 0 : i32
      %dma_wait3A_1060 = arith.constant 6 : i32
      %dma_wait3A_1061 = arith.constant 0 : i32
      %dma_wait3A_1062 = arith.constant 6 : i32
      %dma_wait3A_1063 = arith.constant 40 : i32
      %dma_wait3A_1064 = arith.constant 0 : i32
      %dma_wait3A_1065 = tpu.memref_slice %arg7[%dma_wait3A_1061, %dma_wait3A_1062, %dma_wait3A_1063, %dma_wait3A_1064] : memref<2x8x200x32xf32, #tpu.memory_space<vmem>> -> memref<1x1x40x32xf32, #tpu.memory_space<vmem>>
      %dma_wait3A_1066 = tpu.memref_squeeze %dma_wait3A_1065 : memref<1x1x40x32xf32, #tpu.memory_space<vmem>> -> memref<40x32xf32, #tpu.memory_space<vmem>>
      %dma_wait3A_1067 = arith.constant 40 : i32
      %dma_wait3A_1068 = tpu.memref_slice %arg6[%dma_wait3A_1059, %dma_wait3A_1060, %dma_wait3A_1067] : memref<2x8x200xi32, #tpu.memory_space<vmem>> -> memref<1x1x40xi32, #tpu.memory_space<vmem>>
      %dma_wait3A_1069 = tpu.memref_squeeze %dma_wait3A_1068 : memref<1x1x40xi32, #tpu.memory_space<vmem>> -> memref<40xi32, #tpu.memory_space<vmem>>
      %dma_wait3A_1070 = arith.constant 0 : i32
      %dma_wait3A_1071 = arith.constant 0 : i32
      %dma_wait3A_1072 = tpu.memref_slice %arg3[%dma_wait3A_1070, %dma_wait3A_1071] : memref<1000001x32xf32, #tpu.memory_space<hbm>> -> memref<1000001x32xf32, #tpu.memory_space<hbm>>
      tpu.wait_indirect_dma semaphore(%arg9 : memref<!tpu.dma_semaphore, #tpu.memory_space<semaphore_mem>>) src(%dma_wait3A_1072 : memref<1000001x32xf32, #tpu.memory_space<hbm>>) dst(%dma_wait3A_1066 : memref<40x32xf32, #tpu.memory_space<vmem>>)
      %dma_wait3A_1073 = arith.constant 0 : i32
      %dma_wait3A_1074 = arith.constant 6 : i32
      %dma_wait3A_1075 = arith.constant 0 : i32
      %dma_wait3A_1076 = arith.constant 6 : i32
      %dma_wait3A_1077 = arith.constant 80 : i32
      %dma_wait3A_1078 = arith.constant 0 : i32
      %dma_wait3A_1079 = tpu.memref_slice %arg7[%dma_wait3A_1075, %dma_wait3A_1076, %dma_wait3A_1077, %dma_wait3A_1078] : memref<2x8x200x32xf32, #tpu.memory_space<vmem>> -> memref<1x1x40x32xf32, #tpu.memory_space<vmem>>
      %dma_wait3A_1080 = tpu.memref_squeeze %dma_wait3A_1079 : memref<1x1x40x32xf32, #tpu.memory_space<vmem>> -> memref<40x32xf32, #tpu.memory_space<vmem>>
      %dma_wait3A_1081 = arith.constant 80 : i32
      %dma_wait3A_1082 = tpu.memref_slice %arg6[%dma_wait3A_1073, %dma_wait3A_1074, %dma_wait3A_1081] : memref<2x8x200xi32, #tpu.memory_space<vmem>> -> memref<1x1x40xi32, #tpu.memory_space<vmem>>
      %dma_wait3A_1083 = tpu.memref_squeeze %dma_wait3A_1082 : memref<1x1x40xi32, #tpu.memory_space<vmem>> -> memref<40xi32, #tpu.memory_space<vmem>>
      %dma_wait3A_1084 = arith.constant 0 : i32
      %dma_wait3A_1085 = arith.constant 0 : i32
      %dma_wait3A_1086 = tpu.memref_slice %arg3[%dma_wait3A_1084, %dma_wait3A_1085] : memref<1000001x32xf32, #tpu.memory_space<hbm>> -> memref<1000001x32xf32, #tpu.memory_space<hbm>>
      tpu.wait_indirect_dma semaphore(%arg9 : memref<!tpu.dma_semaphore, #tpu.memory_space<semaphore_mem>>) src(%dma_wait3A_1086 : memref<1000001x32xf32, #tpu.memory_space<hbm>>) dst(%dma_wait3A_1080 : memref<40x32xf32, #tpu.memory_space<vmem>>)
      %dma_wait3A_1087 = arith.constant 0 : i32
      %dma_wait3A_1088 = arith.constant 6 : i32
      %dma_wait3A_1089 = arith.constant 0 : i32
      %dma_wait3A_1090 = arith.constant 6 : i32
      %dma_wait3A_1091 = arith.constant 120 : i32
      %dma_wait3A_1092 = arith.constant 0 : i32
      %dma_wait3A_1093 = tpu.memref_slice %arg7[%dma_wait3A_1089, %dma_wait3A_1090, %dma_wait3A_1091, %dma_wait3A_1092] : memref<2x8x200x32xf32, #tpu.memory_space<vmem>> -> memref<1x1x40x32xf32, #tpu.memory_space<vmem>>
      %dma_wait3A_1094 = tpu.memref_squeeze %dma_wait3A_1093 : memref<1x1x40x32xf32, #tpu.memory_space<vmem>> -> memref<40x32xf32, #tpu.memory_space<vmem>>
      %dma_wait3A_1095 = arith.constant 120 : i32
      %dma_wait3A_1096 = tpu.memref_slice %arg6[%dma_wait3A_1087, %dma_wait3A_1088, %dma_wait3A_1095] : memref<2x8x200xi32, #tpu.memory_space<vmem>> -> memref<1x1x40xi32, #tpu.memory_space<vmem>>
      %dma_wait3A_1097 = tpu.memref_squeeze %dma_wait3A_1096 : memref<1x1x40xi32, #tpu.memory_space<vmem>> -> memref<40xi32, #tpu.memory_space<vmem>>
      %dma_wait3A_1098 = arith.constant 0 : i32
      %dma_wait3A_1099 = arith.constant 0 : i32
      %dma_wait3A_1100 = tpu.memref_slice %arg3[%dma_wait3A_1098, %dma_wait3A_1099] : memref<1000001x32xf32, #tpu.memory_space<hbm>> -> memref<1000001x32xf32, #tpu.memory_space<hbm>>
      tpu.wait_indirect_dma semaphore(%arg9 : memref<!tpu.dma_semaphore, #tpu.memory_space<semaphore_mem>>) src(%dma_wait3A_1100 : memref<1000001x32xf32, #tpu.memory_space<hbm>>) dst(%dma_wait3A_1094 : memref<40x32xf32, #tpu.memory_space<vmem>>)
      %dma_wait3A_1101 = arith.constant 0 : i32
      %dma_wait3A_1102 = arith.constant 6 : i32
      %dma_wait3A_1103 = arith.constant 0 : i32
      %dma_wait3A_1104 = arith.constant 6 : i32
      %dma_wait3A_1105 = arith.constant 160 : i32
      %dma_wait3A_1106 = arith.constant 0 : i32
      %dma_wait3A_1107 = tpu.memref_slice %arg7[%dma_wait3A_1103, %dma_wait3A_1104, %dma_wait3A_1105, %dma_wait3A_1106] : memref<2x8x200x32xf32, #tpu.memory_space<vmem>> -> memref<1x1x40x32xf32, #tpu.memory_space<vmem>>
      %dma_wait3A_1108 = tpu.memref_squeeze %dma_wait3A_1107 : memref<1x1x40x32xf32, #tpu.memory_space<vmem>> -> memref<40x32xf32, #tpu.memory_space<vmem>>
      %dma_wait3A_1109 = arith.constant 160 : i32
      %dma_wait3A_1110 = tpu.memref_slice %arg6[%dma_wait3A_1101, %dma_wait3A_1102, %dma_wait3A_1109] : memref<2x8x200xi32, #tpu.memory_space<vmem>> -> memref<1x1x40xi32, #tpu.memory_space<vmem>>
      %dma_wait3A_1111 = tpu.memref_squeeze %dma_wait3A_1110 : memref<1x1x40xi32, #tpu.memory_space<vmem>> -> memref<40xi32, #tpu.memory_space<vmem>>
      %dma_wait3A_1112 = arith.constant 0 : i32
      %dma_wait3A_1113 = arith.constant 0 : i32
      %dma_wait3A_1114 = tpu.memref_slice %arg3[%dma_wait3A_1112, %dma_wait3A_1113] : memref<1000001x32xf32, #tpu.memory_space<hbm>> -> memref<1000001x32xf32, #tpu.memory_space<hbm>>
      tpu.wait_indirect_dma semaphore(%arg9 : memref<!tpu.dma_semaphore, #tpu.memory_space<semaphore_mem>>) src(%dma_wait3A_1114 : memref<1000001x32xf32, #tpu.memory_space<hbm>>) dst(%dma_wait3A_1108 : memref<40x32xf32, #tpu.memory_space<vmem>>)
      %dma_wait3A_1115 = arith.constant 0 : i32
      %dma_wait3A_1116 = arith.constant 7 : i32
      %dma_wait3A_1117 = arith.constant 0 : i32
      %dma_wait3A_1118 = arith.constant 7 : i32
      %dma_wait3A_1119 = arith.constant 0 : i32
      %dma_wait3A_1120 = arith.constant 0 : i32
      %dma_wait3A_1121 = tpu.memref_slice %arg7[%dma_wait3A_1117, %dma_wait3A_1118, %dma_wait3A_1119, %dma_wait3A_1120] : memref<2x8x200x32xf32, #tpu.memory_space<vmem>> -> memref<1x1x40x32xf32, #tpu.memory_space<vmem>>
      %dma_wait3A_1122 = tpu.memref_squeeze %dma_wait3A_1121 : memref<1x1x40x32xf32, #tpu.memory_space<vmem>> -> memref<40x32xf32, #tpu.memory_space<vmem>>
      %dma_wait3A_1123 = arith.constant 0 : i32
      %dma_wait3A_1124 = tpu.memref_slice %arg6[%dma_wait3A_1115, %dma_wait3A_1116, %dma_wait3A_1123] : memref<2x8x200xi32, #tpu.memory_space<vmem>> -> memref<1x1x40xi32, #tpu.memory_space<vmem>>
      %dma_wait3A_1125 = tpu.memref_squeeze %dma_wait3A_1124 : memref<1x1x40xi32, #tpu.memory_space<vmem>> -> memref<40xi32, #tpu.memory_space<vmem>>
      %dma_wait3A_1126 = arith.constant 0 : i32
      %dma_wait3A_1127 = arith.constant 0 : i32
      %dma_wait3A_1128 = tpu.memref_slice %arg3[%dma_wait3A_1126, %dma_wait3A_1127] : memref<1000001x32xf32, #tpu.memory_space<hbm>> -> memref<1000001x32xf32, #tpu.memory_space<hbm>>
      tpu.wait_indirect_dma semaphore(%arg9 : memref<!tpu.dma_semaphore, #tpu.memory_space<semaphore_mem>>) src(%dma_wait3A_1128 : memref<1000001x32xf32, #tpu.memory_space<hbm>>) dst(%dma_wait3A_1122 : memref<40x32xf32, #tpu.memory_space<vmem>>)
      %dma_wait3A_1129 = arith.constant 0 : i32
      %dma_wait3A_1130 = arith.constant 7 : i32
      %dma_wait3A_1131 = arith.constant 0 : i32
      %dma_wait3A_1132 = arith.constant 7 : i32
      %dma_wait3A_1133 = arith.constant 40 : i32
      %dma_wait3A_1134 = arith.constant 0 : i32
      %dma_wait3A_1135 = tpu.memref_slice %arg7[%dma_wait3A_1131, %dma_wait3A_1132, %dma_wait3A_1133, %dma_wait3A_1134] : memref<2x8x200x32xf32, #tpu.memory_space<vmem>> -> memref<1x1x40x32xf32, #tpu.memory_space<vmem>>
      %dma_wait3A_1136 = tpu.memref_squeeze %dma_wait3A_1135 : memref<1x1x40x32xf32, #tpu.memory_space<vmem>> -> memref<40x32xf32, #tpu.memory_space<vmem>>
      %dma_wait3A_1137 = arith.constant 40 : i32
      %dma_wait3A_1138 = tpu.memref_slice %arg6[%dma_wait3A_1129, %dma_wait3A_1130, %dma_wait3A_1137] : memref<2x8x200xi32, #tpu.memory_space<vmem>> -> memref<1x1x40xi32, #tpu.memory_space<vmem>>
      %dma_wait3A_1139 = tpu.memref_squeeze %dma_wait3A_1138 : memref<1x1x40xi32, #tpu.memory_space<vmem>> -> memref<40xi32, #tpu.memory_space<vmem>>
      %dma_wait3A_1140 = arith.constant 0 : i32
      %dma_wait3A_1141 = arith.constant 0 : i32
      %dma_wait3A_1142 = tpu.memref_slice %arg3[%dma_wait3A_1140, %dma_wait3A_1141] : memref<1000001x32xf32, #tpu.memory_space<hbm>> -> memref<1000001x32xf32, #tpu.memory_space<hbm>>
      tpu.wait_indirect_dma semaphore(%arg9 : memref<!tpu.dma_semaphore, #tpu.memory_space<semaphore_mem>>) src(%dma_wait3A_1142 : memref<1000001x32xf32, #tpu.memory_space<hbm>>) dst(%dma_wait3A_1136 : memref<40x32xf32, #tpu.memory_space<vmem>>)
      %dma_wait3A_1143 = arith.constant 0 : i32
      %dma_wait3A_1144 = arith.constant 7 : i32
      %dma_wait3A_1145 = arith.constant 0 : i32
      %dma_wait3A_1146 = arith.constant 7 : i32
      %dma_wait3A_1147 = arith.constant 80 : i32
      %dma_wait3A_1148 = arith.constant 0 : i32
      %dma_wait3A_1149 = tpu.memref_slice %arg7[%dma_wait3A_1145, %dma_wait3A_1146, %dma_wait3A_1147, %dma_wait3A_1148] : memref<2x8x200x32xf32, #tpu.memory_space<vmem>> -> memref<1x1x40x32xf32, #tpu.memory_space<vmem>>
      %dma_wait3A_1150 = tpu.memref_squeeze %dma_wait3A_1149 : memref<1x1x40x32xf32, #tpu.memory_space<vmem>> -> memref<40x32xf32, #tpu.memory_space<vmem>>
      %dma_wait3A_1151 = arith.constant 80 : i32
      %dma_wait3A_1152 = tpu.memref_slice %arg6[%dma_wait3A_1143, %dma_wait3A_1144, %dma_wait3A_1151] : memref<2x8x200xi32, #tpu.memory_space<vmem>> -> memref<1x1x40xi32, #tpu.memory_space<vmem>>
      %dma_wait3A_1153 = tpu.memref_squeeze %dma_wait3A_1152 : memref<1x1x40xi32, #tpu.memory_space<vmem>> -> memref<40xi32, #tpu.memory_space<vmem>>
      %dma_wait3A_1154 = arith.constant 0 : i32
      %dma_wait3A_1155 = arith.constant 0 : i32
      %dma_wait3A_1156 = tpu.memref_slice %arg3[%dma_wait3A_1154, %dma_wait3A_1155] : memref<1000001x32xf32, #tpu.memory_space<hbm>> -> memref<1000001x32xf32, #tpu.memory_space<hbm>>
      tpu.wait_indirect_dma semaphore(%arg9 : memref<!tpu.dma_semaphore, #tpu.memory_space<semaphore_mem>>) src(%dma_wait3A_1156 : memref<1000001x32xf32, #tpu.memory_space<hbm>>) dst(%dma_wait3A_1150 : memref<40x32xf32, #tpu.memory_space<vmem>>)
      %dma_wait3A_1157 = arith.constant 0 : i32
      %dma_wait3A_1158 = arith.constant 7 : i32
      %dma_wait3A_1159 = arith.constant 0 : i32
      %dma_wait3A_1160 = arith.constant 7 : i32
      %dma_wait3A_1161 = arith.constant 120 : i32
      %dma_wait3A_1162 = arith.constant 0 : i32
      %dma_wait3A_1163 = tpu.memref_slice %arg7[%dma_wait3A_1159, %dma_wait3A_1160, %dma_wait3A_1161, %dma_wait3A_1162] : memref<2x8x200x32xf32, #tpu.memory_space<vmem>> -> memref<1x1x40x32xf32, #tpu.memory_space<vmem>>
      %dma_wait3A_1164 = tpu.memref_squeeze %dma_wait3A_1163 : memref<1x1x40x32xf32, #tpu.memory_space<vmem>> -> memref<40x32xf32, #tpu.memory_space<vmem>>
      %dma_wait3A_1165 = arith.constant 120 : i32
      %dma_wait3A_1166 = tpu.memref_slice %arg6[%dma_wait3A_1157, %dma_wait3A_1158, %dma_wait3A_1165] : memref<2x8x200xi32, #tpu.memory_space<vmem>> -> memref<1x1x40xi32, #tpu.memory_space<vmem>>
      %dma_wait3A_1167 = tpu.memref_squeeze %dma_wait3A_1166 : memref<1x1x40xi32, #tpu.memory_space<vmem>> -> memref<40xi32, #tpu.memory_space<vmem>>
      %dma_wait3A_1168 = arith.constant 0 : i32
      %dma_wait3A_1169 = arith.constant 0 : i32
      %dma_wait3A_1170 = tpu.memref_slice %arg3[%dma_wait3A_1168, %dma_wait3A_1169] : memref<1000001x32xf32, #tpu.memory_space<hbm>> -> memref<1000001x32xf32, #tpu.memory_space<hbm>>
      tpu.wait_indirect_dma semaphore(%arg9 : memref<!tpu.dma_semaphore, #tpu.memory_space<semaphore_mem>>) src(%dma_wait3A_1170 : memref<1000001x32xf32, #tpu.memory_space<hbm>>) dst(%dma_wait3A_1164 : memref<40x32xf32, #tpu.memory_space<vmem>>)
      %dma_wait3A_1171 = arith.constant 0 : i32
      %dma_wait3A_1172 = arith.constant 7 : i32
      %dma_wait3A_1173 = arith.constant 0 : i32
      %dma_wait3A_1174 = arith.constant 7 : i32
      %dma_wait3A_1175 = arith.constant 160 : i32
      %dma_wait3A_1176 = arith.constant 0 : i32
      %dma_wait3A_1177 = tpu.memref_slice %arg7[%dma_wait3A_1173, %dma_wait3A_1174, %dma_wait3A_1175, %dma_wait3A_1176] : memref<2x8x200x32xf32, #tpu.memory_space<vmem>> -> memref<1x1x40x32xf32, #tpu.memory_space<vmem>>
      %dma_wait3A_1178 = tpu.memref_squeeze %dma_wait3A_1177 : memref<1x1x40x32xf32, #tpu.memory_space<vmem>> -> memref<40x32xf32, #tpu.memory_space<vmem>>
      %dma_wait3A_1179 = arith.constant 160 : i32
      %dma_wait3A_1180 = tpu.memref_slice %arg6[%dma_wait3A_1171, %dma_wait3A_1172, %dma_wait3A_1179] : memref<2x8x200xi32, #tpu.memory_space<vmem>> -> memref<1x1x40xi32, #tpu.memory_space<vmem>>
      %dma_wait3A_1181 = tpu.memref_squeeze %dma_wait3A_1180 : memref<1x1x40xi32, #tpu.memory_space<vmem>> -> memref<40xi32, #tpu.memory_space<vmem>>
      %dma_wait3A_1182 = arith.constant 0 : i32
      %dma_wait3A_1183 = arith.constant 0 : i32
      %dma_wait3A_1184 = tpu.memref_slice %arg3[%dma_wait3A_1182, %dma_wait3A_1183] : memref<1000001x32xf32, #tpu.memory_space<hbm>> -> memref<1000001x32xf32, #tpu.memory_space<hbm>>
      tpu.wait_indirect_dma semaphore(%arg9 : memref<!tpu.dma_semaphore, #tpu.memory_space<semaphore_mem>>) src(%dma_wait3A_1184 : memref<1000001x32xf32, #tpu.memory_space<hbm>>) dst(%dma_wait3A_1178 : memref<40x32xf32, #tpu.memory_space<vmem>>)
      %scan3A_1185 = arith.constant 0 : i32
      %scan3A_1186 = arith.constant 0 : i32
      %scan3A_1187 = arith.constant 200 : i32
      %scan3A_1188 = arith.addi %scan3A_1186, %scan3A_1187 : i32
      %scan3A_1189 = arith.constant 1 : i32
      scf.for %scan3A_1818 = %scan3A_1186 to %scan3A_1188 step %scan3A_1189  : i32 {
        %get3A = arith.index_cast %scan3A_1818 : i32 to index
        %get3A_1819 = arith.constant 0 : index
        %get3A_1820 = tpu.vector_load %arg8[%get3A, %get3A_1819] {strides = array<i32>} : memref<200x32xf32, #tpu.memory_space<vmem>>, vector<1x16xf32>,
        %get3A_1821 = vector.shape_cast %get3A_1820 : vector<1x16xf32> to vector<16xf32>
        %get3A_1822 = arith.index_cast %scan3A_1818 : i32 to index
        %get3A_1823 = arith.constant 16 : index
        %get3A_1824 = tpu.vector_load %arg8[%get3A_1822, %get3A_1823] {strides = array<i32>} : memref<200x32xf32, #tpu.memory_space<vmem>>, vector<1x16xf32>,
        %get3A_1825 = vector.shape_cast %get3A_1824 : vector<1x16xf32> to vector<16xf32>
        %swap3A = arith.constant 0 : i32
        %swap3A_1826 = arith.constant 0 : i32
        %swap3A_1827 = arith.index_cast %swap3A : i32 to index
        %swap3A_1828 = arith.index_cast %swap3A_1826 : i32 to index
        %swap3A_1829 = arith.index_cast %scan3A_1818 : i32 to index
        %swap3A_1830 = arith.constant 0 : index
        %swap3A_1831 = tpu.vector_load %arg7[%swap3A_1827, %swap3A_1828, %swap3A_1829, %swap3A_1830] {strides = array<i32>} : memref<2x8x200x32xf32, #tpu.memory_space<vmem>>, vector<1x1x1x16xf32>,
        %swap3A_1832 = vector.shape_cast %swap3A_1831 : vector<1x1x1x16xf32> to vector<16xf32>
        %swap3A_1833 = vector.shape_cast %get3A_1821 : vector<16xf32> to vector<1x1x1x16xf32>
        tpu.vector_store %arg7[%swap3A_1827, %swap3A_1828, %swap3A_1829, %swap3A_1830], %swap3A_1833 {add = true, strides = array<i32>} : memref<2x8x200x32xf32, #tpu.memory_space<vmem>>, vector<1x1x1x16xf32>,
        %swap3A_1834 = arith.constant 0 : i32
        %swap3A_1835 = arith.constant 0 : i32
        %swap3A_1836 = arith.index_cast %swap3A_1834 : i32 to index
        %swap3A_1837 = arith.index_cast %swap3A_1835 : i32 to index
        %swap3A_1838 = arith.index_cast %scan3A_1818 : i32 to index
        %swap3A_1839 = arith.constant 16 : index
        %swap3A_1840 = tpu.vector_load %arg7[%swap3A_1836, %swap3A_1837, %swap3A_1838, %swap3A_1839] {strides = array<i32>} : memref<2x8x200x32xf32, #tpu.memory_space<vmem>>, vector<1x1x1x16xf32>,
        %swap3A_1841 = vector.shape_cast %swap3A_1840 : vector<1x1x1x16xf32> to vector<16xf32>
        %swap3A_1842 = vector.shape_cast %get3A_1825 : vector<16xf32> to vector<1x1x1x16xf32>
        tpu.vector_store %arg7[%swap3A_1836, %swap3A_1837, %swap3A_1838, %swap3A_1839], %swap3A_1842 {add = true, strides = array<i32>} : memref<2x8x200x32xf32, #tpu.memory_space<vmem>>, vector<1x1x1x16xf32>,
        %swap3A_1843 = arith.constant 0 : i32
        %swap3A_1844 = arith.constant 1 : i32
        %swap3A_1845 = arith.index_cast %swap3A_1843 : i32 to index
        %swap3A_1846 = arith.index_cast %swap3A_1844 : i32 to index
        %swap3A_1847 = arith.index_cast %scan3A_1818 : i32 to index
        %swap3A_1848 = arith.constant 0 : index
        %swap3A_1849 = tpu.vector_load %arg7[%swap3A_1845, %swap3A_1846, %swap3A_1847, %swap3A_1848] {strides = array<i32>} : memref<2x8x200x32xf32, #tpu.memory_space<vmem>>, vector<1x1x1x16xf32>,
        %swap3A_1850 = vector.shape_cast %swap3A_1849 : vector<1x1x1x16xf32> to vector<16xf32>
        %swap3A_1851 = vector.shape_cast %get3A_1821 : vector<16xf32> to vector<1x1x1x16xf32>
        tpu.vector_store %arg7[%swap3A_1845, %swap3A_1846, %swap3A_1847, %swap3A_1848], %swap3A_1851 {add = true, strides = array<i32>} : memref<2x8x200x32xf32, #tpu.memory_space<vmem>>, vector<1x1x1x16xf32>,
        %swap3A_1852 = arith.constant 0 : i32
        %swap3A_1853 = arith.constant 1 : i32
        %swap3A_1854 = arith.index_cast %swap3A_1852 : i32 to index
        %swap3A_1855 = arith.index_cast %swap3A_1853 : i32 to index
        %swap3A_1856 = arith.index_cast %scan3A_1818 : i32 to index
        %swap3A_1857 = arith.constant 16 : index
        %swap3A_1858 = tpu.vector_load %arg7[%swap3A_1854, %swap3A_1855, %swap3A_1856, %swap3A_1857] {strides = array<i32>} : memref<2x8x200x32xf32, #tpu.memory_space<vmem>>, vector<1x1x1x16xf32>,
        %swap3A_1859 = vector.shape_cast %swap3A_1858 : vector<1x1x1x16xf32> to vector<16xf32>
        %swap3A_1860 = vector.shape_cast %get3A_1825 : vector<16xf32> to vector<1x1x1x16xf32>
        tpu.vector_store %arg7[%swap3A_1854, %swap3A_1855, %swap3A_1856, %swap3A_1857], %swap3A_1860 {add = true, strides = array<i32>} : memref<2x8x200x32xf32, #tpu.memory_space<vmem>>, vector<1x1x1x16xf32>,
        %swap3A_1861 = arith.constant 0 : i32
        %swap3A_1862 = arith.constant 2 : i32
        %swap3A_1863 = arith.index_cast %swap3A_1861 : i32 to index
        %swap3A_1864 = arith.index_cast %swap3A_1862 : i32 to index
        %swap3A_1865 = arith.index_cast %scan3A_1818 : i32 to index
        %swap3A_1866 = arith.constant 0 : index
        %swap3A_1867 = tpu.vector_load %arg7[%swap3A_1863, %swap3A_1864, %swap3A_1865, %swap3A_1866] {strides = array<i32>} : memref<2x8x200x32xf32, #tpu.memory_space<vmem>>, vector<1x1x1x16xf32>,
        %swap3A_1868 = vector.shape_cast %swap3A_1867 : vector<1x1x1x16xf32> to vector<16xf32>
        %swap3A_1869 = vector.shape_cast %get3A_1821 : vector<16xf32> to vector<1x1x1x16xf32>
        tpu.vector_store %arg7[%swap3A_1863, %swap3A_1864, %swap3A_1865, %swap3A_1866], %swap3A_1869 {add = true, strides = array<i32>} : memref<2x8x200x32xf32, #tpu.memory_space<vmem>>, vector<1x1x1x16xf32>,
        %swap3A_1870 = arith.constant 0 : i32
        %swap3A_1871 = arith.constant 2 : i32
        %swap3A_1872 = arith.index_cast %swap3A_1870 : i32 to index
        %swap3A_1873 = arith.index_cast %swap3A_1871 : i32 to index
        %swap3A_1874 = arith.index_cast %scan3A_1818 : i32 to index
        %swap3A_1875 = arith.constant 16 : index
        %swap3A_1876 = tpu.vector_load %arg7[%swap3A_1872, %swap3A_1873, %swap3A_1874, %swap3A_1875] {strides = array<i32>} : memref<2x8x200x32xf32, #tpu.memory_space<vmem>>, vector<1x1x1x16xf32>,
        %swap3A_1877 = vector.shape_cast %swap3A_1876 : vector<1x1x1x16xf32> to vector<16xf32>
        %swap3A_1878 = vector.shape_cast %get3A_1825 : vector<16xf32> to vector<1x1x1x16xf32>
        tpu.vector_store %arg7[%swap3A_1872, %swap3A_1873, %swap3A_1874, %swap3A_1875], %swap3A_1878 {add = true, strides = array<i32>} : memref<2x8x200x32xf32, #tpu.memory_space<vmem>>, vector<1x1x1x16xf32>,
        %swap3A_1879 = arith.constant 0 : i32
        %swap3A_1880 = arith.constant 3 : i32
        %swap3A_1881 = arith.index_cast %swap3A_1879 : i32 to index
        %swap3A_1882 = arith.index_cast %swap3A_1880 : i32 to index
        %swap3A_1883 = arith.index_cast %scan3A_1818 : i32 to index
        %swap3A_1884 = arith.constant 0 : index
        %swap3A_1885 = tpu.vector_load %arg7[%swap3A_1881, %swap3A_1882, %swap3A_1883, %swap3A_1884] {strides = array<i32>} : memref<2x8x200x32xf32, #tpu.memory_space<vmem>>, vector<1x1x1x16xf32>,
        %swap3A_1886 = vector.shape_cast %swap3A_1885 : vector<1x1x1x16xf32> to vector<16xf32>
        %swap3A_1887 = vector.shape_cast %get3A_1821 : vector<16xf32> to vector<1x1x1x16xf32>
        tpu.vector_store %arg7[%swap3A_1881, %swap3A_1882, %swap3A_1883, %swap3A_1884], %swap3A_1887 {add = true, strides = array<i32>} : memref<2x8x200x32xf32, #tpu.memory_space<vmem>>, vector<1x1x1x16xf32>,
        %swap3A_1888 = arith.constant 0 : i32
        %swap3A_1889 = arith.constant 3 : i32
        %swap3A_1890 = arith.index_cast %swap3A_1888 : i32 to index
        %swap3A_1891 = arith.index_cast %swap3A_1889 : i32 to index
        %swap3A_1892 = arith.index_cast %scan3A_1818 : i32 to index
        %swap3A_1893 = arith.constant 16 : index
        %swap3A_1894 = tpu.vector_load %arg7[%swap3A_1890, %swap3A_1891, %swap3A_1892, %swap3A_1893] {strides = array<i32>} : memref<2x8x200x32xf32, #tpu.memory_space<vmem>>, vector<1x1x1x16xf32>,
        %swap3A_1895 = vector.shape_cast %swap3A_1894 : vector<1x1x1x16xf32> to vector<16xf32>
        %swap3A_1896 = vector.shape_cast %get3A_1825 : vector<16xf32> to vector<1x1x1x16xf32>
        tpu.vector_store %arg7[%swap3A_1890, %swap3A_1891, %swap3A_1892, %swap3A_1893], %swap3A_1896 {add = true, strides = array<i32>} : memref<2x8x200x32xf32, #tpu.memory_space<vmem>>, vector<1x1x1x16xf32>,
        %swap3A_1897 = arith.constant 0 : i32
        %swap3A_1898 = arith.constant 4 : i32
        %swap3A_1899 = arith.index_cast %swap3A_1897 : i32 to index
        %swap3A_1900 = arith.index_cast %swap3A_1898 : i32 to index
        %swap3A_1901 = arith.index_cast %scan3A_1818 : i32 to index
        %swap3A_1902 = arith.constant 0 : index
        %swap3A_1903 = tpu.vector_load %arg7[%swap3A_1899, %swap3A_1900, %swap3A_1901, %swap3A_1902] {strides = array<i32>} : memref<2x8x200x32xf32, #tpu.memory_space<vmem>>, vector<1x1x1x16xf32>,
        %swap3A_1904 = vector.shape_cast %swap3A_1903 : vector<1x1x1x16xf32> to vector<16xf32>
        %swap3A_1905 = vector.shape_cast %get3A_1821 : vector<16xf32> to vector<1x1x1x16xf32>
        tpu.vector_store %arg7[%swap3A_1899, %swap3A_1900, %swap3A_1901, %swap3A_1902], %swap3A_1905 {add = true, strides = array<i32>} : memref<2x8x200x32xf32, #tpu.memory_space<vmem>>, vector<1x1x1x16xf32>,
        %swap3A_1906 = arith.constant 0 : i32
        %swap3A_1907 = arith.constant 4 : i32
        %swap3A_1908 = arith.index_cast %swap3A_1906 : i32 to index
        %swap3A_1909 = arith.index_cast %swap3A_1907 : i32 to index
        %swap3A_1910 = arith.index_cast %scan3A_1818 : i32 to index
        %swap3A_1911 = arith.constant 16 : index
        %swap3A_1912 = tpu.vector_load %arg7[%swap3A_1908, %swap3A_1909, %swap3A_1910, %swap3A_1911] {strides = array<i32>} : memref<2x8x200x32xf32, #tpu.memory_space<vmem>>, vector<1x1x1x16xf32>,
        %swap3A_1913 = vector.shape_cast %swap3A_1912 : vector<1x1x1x16xf32> to vector<16xf32>
        %swap3A_1914 = vector.shape_cast %get3A_1825 : vector<16xf32> to vector<1x1x1x16xf32>
        tpu.vector_store %arg7[%swap3A_1908, %swap3A_1909, %swap3A_1910, %swap3A_1911], %swap3A_1914 {add = true, strides = array<i32>} : memref<2x8x200x32xf32, #tpu.memory_space<vmem>>, vector<1x1x1x16xf32>,
        %swap3A_1915 = arith.constant 0 : i32
        %swap3A_1916 = arith.constant 5 : i32
        %swap3A_1917 = arith.index_cast %swap3A_1915 : i32 to index
        %swap3A_1918 = arith.index_cast %swap3A_1916 : i32 to index
        %swap3A_1919 = arith.index_cast %scan3A_1818 : i32 to index
        %swap3A_1920 = arith.constant 0 : index
        %swap3A_1921 = tpu.vector_load %arg7[%swap3A_1917, %swap3A_1918, %swap3A_1919, %swap3A_1920] {strides = array<i32>} : memref<2x8x200x32xf32, #tpu.memory_space<vmem>>, vector<1x1x1x16xf32>,
        %swap3A_1922 = vector.shape_cast %swap3A_1921 : vector<1x1x1x16xf32> to vector<16xf32>
        %swap3A_1923 = vector.shape_cast %get3A_1821 : vector<16xf32> to vector<1x1x1x16xf32>
        tpu.vector_store %arg7[%swap3A_1917, %swap3A_1918, %swap3A_1919, %swap3A_1920], %swap3A_1923 {add = true, strides = array<i32>} : memref<2x8x200x32xf32, #tpu.memory_space<vmem>>, vector<1x1x1x16xf32>,
        %swap3A_1924 = arith.constant 0 : i32
        %swap3A_1925 = arith.constant 5 : i32
        %swap3A_1926 = arith.index_cast %swap3A_1924 : i32 to index
        %swap3A_1927 = arith.index_cast %swap3A_1925 : i32 to index
        %swap3A_1928 = arith.index_cast %scan3A_1818 : i32 to index
        %swap3A_1929 = arith.constant 16 : index
        %swap3A_1930 = tpu.vector_load %arg7[%swap3A_1926, %swap3A_1927, %swap3A_1928, %swap3A_1929] {strides = array<i32>} : memref<2x8x200x32xf32, #tpu.memory_space<vmem>>, vector<1x1x1x16xf32>,
        %swap3A_1931 = vector.shape_cast %swap3A_1930 : vector<1x1x1x16xf32> to vector<16xf32>
        %swap3A_1932 = vector.shape_cast %get3A_1825 : vector<16xf32> to vector<1x1x1x16xf32>
        tpu.vector_store %arg7[%swap3A_1926, %swap3A_1927, %swap3A_1928, %swap3A_1929], %swap3A_1932 {add = true, strides = array<i32>} : memref<2x8x200x32xf32, #tpu.memory_space<vmem>>, vector<1x1x1x16xf32>,
        %swap3A_1933 = arith.constant 0 : i32
        %swap3A_1934 = arith.constant 6 : i32
        %swap3A_1935 = arith.index_cast %swap3A_1933 : i32 to index
        %swap3A_1936 = arith.index_cast %swap3A_1934 : i32 to index
        %swap3A_1937 = arith.index_cast %scan3A_1818 : i32 to index
        %swap3A_1938 = arith.constant 0 : index
        %swap3A_1939 = tpu.vector_load %arg7[%swap3A_1935, %swap3A_1936, %swap3A_1937, %swap3A_1938] {strides = array<i32>} : memref<2x8x200x32xf32, #tpu.memory_space<vmem>>, vector<1x1x1x16xf32>,
        %swap3A_1940 = vector.shape_cast %swap3A_1939 : vector<1x1x1x16xf32> to vector<16xf32>
        %swap3A_1941 = vector.shape_cast %get3A_1821 : vector<16xf32> to vector<1x1x1x16xf32>
        tpu.vector_store %arg7[%swap3A_1935, %swap3A_1936, %swap3A_1937, %swap3A_1938], %swap3A_1941 {add = true, strides = array<i32>} : memref<2x8x200x32xf32, #tpu.memory_space<vmem>>, vector<1x1x1x16xf32>,
        %swap3A_1942 = arith.constant 0 : i32
        %swap3A_1943 = arith.constant 6 : i32
        %swap3A_1944 = arith.index_cast %swap3A_1942 : i32 to index
        %swap3A_1945 = arith.index_cast %swap3A_1943 : i32 to index
        %swap3A_1946 = arith.index_cast %scan3A_1818 : i32 to index
        %swap3A_1947 = arith.constant 16 : index
        %swap3A_1948 = tpu.vector_load %arg7[%swap3A_1944, %swap3A_1945, %swap3A_1946, %swap3A_1947] {strides = array<i32>} : memref<2x8x200x32xf32, #tpu.memory_space<vmem>>, vector<1x1x1x16xf32>,
        %swap3A_1949 = vector.shape_cast %swap3A_1948 : vector<1x1x1x16xf32> to vector<16xf32>
        %swap3A_1950 = vector.shape_cast %get3A_1825 : vector<16xf32> to vector<1x1x1x16xf32>
        tpu.vector_store %arg7[%swap3A_1944, %swap3A_1945, %swap3A_1946, %swap3A_1947], %swap3A_1950 {add = true, strides = array<i32>} : memref<2x8x200x32xf32, #tpu.memory_space<vmem>>, vector<1x1x1x16xf32>,
        %swap3A_1951 = arith.constant 0 : i32
        %swap3A_1952 = arith.constant 7 : i32
        %swap3A_1953 = arith.index_cast %swap3A_1951 : i32 to index
        %swap3A_1954 = arith.index_cast %swap3A_1952 : i32 to index
        %swap3A_1955 = arith.index_cast %scan3A_1818 : i32 to index
        %swap3A_1956 = arith.constant 0 : index
        %swap3A_1957 = tpu.vector_load %arg7[%swap3A_1953, %swap3A_1954, %swap3A_1955, %swap3A_1956] {strides = array<i32>} : memref<2x8x200x32xf32, #tpu.memory_space<vmem>>, vector<1x1x1x16xf32>,
        %swap3A_1958 = vector.shape_cast %swap3A_1957 : vector<1x1x1x16xf32> to vector<16xf32>
        %swap3A_1959 = vector.shape_cast %get3A_1821 : vector<16xf32> to vector<1x1x1x16xf32>
        tpu.vector_store %arg7[%swap3A_1953, %swap3A_1954, %swap3A_1955, %swap3A_1956], %swap3A_1959 {add = true, strides = array<i32>} : memref<2x8x200x32xf32, #tpu.memory_space<vmem>>, vector<1x1x1x16xf32>,
        %swap3A_1960 = arith.constant 0 : i32
        %swap3A_1961 = arith.constant 7 : i32
        %swap3A_1962 = arith.index_cast %swap3A_1960 : i32 to index
        %swap3A_1963 = arith.index_cast %swap3A_1961 : i32 to index
        %swap3A_1964 = arith.index_cast %scan3A_1818 : i32 to index
        %swap3A_1965 = arith.constant 16 : index
        %swap3A_1966 = tpu.vector_load %arg7[%swap3A_1962, %swap3A_1963, %swap3A_1964, %swap3A_1965] {strides = array<i32>} : memref<2x8x200x32xf32, #tpu.memory_space<vmem>>, vector<1x1x1x16xf32>,
        %swap3A_1967 = vector.shape_cast %swap3A_1966 : vector<1x1x1x16xf32> to vector<16xf32>
        %swap3A_1968 = vector.shape_cast %get3A_1825 : vector<16xf32> to vector<1x1x1x16xf32>
        tpu.vector_store %arg7[%swap3A_1962, %swap3A_1963, %swap3A_1964, %swap3A_1965], %swap3A_1968 {add = true, strides = array<i32>} : memref<2x8x200x32xf32, #tpu.memory_space<vmem>>, vector<1x1x1x16xf32>,
      }
      %scan3A_1190 = arith.constant 200 : i32
      %mul3A_1191 = arith.constant 8 : i32
      %mul3A_1192 = arith.muli %add3A_612, %mul3A_1191 : i32
      %add3A_1193 = arith.addi %mul3A_2, %mul3A_1192 : i32
      %multiple_of3A_1194 = tpu.assume_multiple %add3A_1193, 8 : i32
      %dma_start3A_1195 = arith.constant 0 : i32
      %dma_start3A_1196 = arith.constant 0 : i32
      %dma_start3A_1197 = arith.constant 0 : i32
      %dma_start3A_1198 = arith.constant 0 : i32
      %dma_start3A_1199 = tpu.memref_slice %arg7[%dma_start3A_1195, %dma_start3A_1196, %dma_start3A_1197, %dma_start3A_1198] : memref<2x8x200x32xf32, #tpu.memory_space<vmem>> -> memref<1x8x200x32xf32, #tpu.memory_space<vmem>>
      %dma_start3A_1200 = tpu.memref_squeeze %dma_start3A_1199 : memref<1x8x200x32xf32, #tpu.memory_space<vmem>> -> memref<8x200x32xf32, #tpu.memory_space<vmem>>
      %dma_start3A_1201 = arith.constant 0 : i32
      %dma_start3A_1202 = arith.constant 0 : i32
      %dma_start3A_1203 = tpu.memref_slice %arg5[%multiple_of3A_1194, %dma_start3A_1201, %dma_start3A_1202] : memref<4096x200x32xf32, #tpu.memory_space<hbm>> -> memref<8x200x32xf32, #tpu.memory_space<hbm>>
      %dma_start3A_1204 = arith.constant 0 : i32
      %dma_start3A_1205 = arith.constant 0 : i32
      %dma_start3A_1206 = tpu.memref_slice %arg5[%multiple_of3A_1194, %dma_start3A_1204, %dma_start3A_1205] : memref<4096x200x32xf32, #tpu.memory_space<hbm>> -> memref<8x200x32xf32, #tpu.memory_space<hbm>>
      %dma_start3A_1207 = arith.constant 0 : i32
      %dma_start3A_1208 = arith.constant 0 : i32
      %dma_start3A_1209 = arith.constant 0 : i32
      %dma_start3A_1210 = tpu.memref_slice %arg7[%dma_start3A_1195, %dma_start3A_1207, %dma_start3A_1208, %dma_start3A_1209] : memref<2x8x200x32xf32, #tpu.memory_space<vmem>> -> memref<1x8x200x32xf32, #tpu.memory_space<vmem>>
      %dma_start3A_1211 = tpu.memref_squeeze %dma_start3A_1210 : memref<1x8x200x32xf32, #tpu.memory_space<vmem>> -> memref<8x200x32xf32, #tpu.memory_space<vmem>>
      tpu.enqueue_dma source(%dma_start3A_1211 : memref<8x200x32xf32, #tpu.memory_space<vmem>>) target(%dma_start3A_1206 : memref<8x200x32xf32, #tpu.memory_space<hbm>>) target_semaphore(%arg10 : memref<!tpu.dma_semaphore, #tpu.memory_space<semaphore_mem>>)
      %add3A_1212 = arith.constant 1 : i32
      %add3A_1213 = arith.addi %mul3A_610, %add3A_1212 : i32
      %ge3A_1214 = arith.constant 1 : i32
      %ge3A_1215 = arith.cmpi sge, %add3A_1213, %ge3A_1214 : i32
      %add3A_1216 = arith.constant 1 : i32
      %add3A_1217 = arith.addi %add3A_1213, %add3A_1216 : i32
      %lt3A_1218 = arith.constant 16 : i32
      %lt3A_1219 = arith.cmpi slt, %add3A_1217, %lt3A_1218 : i32
      %and3A_1220 = arith.andi %ge3A_1215, %lt3A_1219 : i1
      %convert_element_type3A_1221 = arith.extui %and3A_1220 : i1 to i32
      %cond3A_1222 = arith.constant 0 : i32
      %cond3A_1223 = arith.cmpi ne, %convert_element_type3A_1221, %cond3A_1222 : i32
      scf.if %cond3A_1223 {
        %sub3A = arith.constant 1 : i32
        %sub3A_1818 = arith.subi %add3A_1213, %sub3A : i32
        %mul3A_1819 = arith.constant 8 : i32
        %mul3A_1820 = arith.muli %sub3A_1818, %mul3A_1819 : i32
        %add3A_1821 = arith.addi %mul3A_2, %mul3A_1820 : i32
        %multiple_of3A_1822 = tpu.assume_multiple %add3A_1821, 8 : i32
        %dma_wait3A_1823 = arith.constant 0 : i32
        %dma_wait3A_1824 = arith.constant 0 : i32
        %dma_wait3A_1825 = arith.constant 0 : i32
        %dma_wait3A_1826 = arith.constant 0 : i32
        %dma_wait3A_1827 = tpu.memref_slice %arg7[%dma_wait3A_1823, %dma_wait3A_1824, %dma_wait3A_1825, %dma_wait3A_1826] : memref<2x8x200x32xf32, #tpu.memory_space<vmem>> -> memref<1x8x200x32xf32, #tpu.memory_space<vmem>>
        %dma_wait3A_1828 = tpu.memref_squeeze %dma_wait3A_1827 : memref<1x8x200x32xf32, #tpu.memory_space<vmem>> -> memref<8x200x32xf32, #tpu.memory_space<vmem>>
        %dma_wait3A_1829 = arith.constant 0 : i32
        %dma_wait3A_1830 = arith.constant 0 : i32
        %dma_wait3A_1831 = tpu.memref_slice %arg5[%multiple_of3A_1822, %dma_wait3A_1829, %dma_wait3A_1830] : memref<4096x200x32xf32, #tpu.memory_space<hbm>> -> memref<8x200x32xf32, #tpu.memory_space<hbm>>
        %dma_wait3A_1832 = arith.constant 0 : i32
        %dma_wait3A_1833 = arith.constant 0 : i32
        %dma_wait3A_1834 = tpu.memref_slice %arg5[%multiple_of3A_1822, %dma_wait3A_1832, %dma_wait3A_1833] : memref<4096x200x32xf32, #tpu.memory_space<hbm>> -> memref<8x200x32xf32, #tpu.memory_space<hbm>>
        %dma_wait3A_1835 = arith.constant 0 : i32
        %dma_wait3A_1836 = arith.constant 0 : i32
        %dma_wait3A_1837 = arith.constant 0 : i32
        %dma_wait3A_1838 = tpu.memref_slice %arg7[%dma_wait3A_1823, %dma_wait3A_1835, %dma_wait3A_1836, %dma_wait3A_1837] : memref<2x8x200x32xf32, #tpu.memory_space<vmem>> -> memref<1x8x200x32xf32, #tpu.memory_space<vmem>>
        %dma_wait3A_1839 = tpu.memref_squeeze %dma_wait3A_1838 : memref<1x8x200x32xf32, #tpu.memory_space<vmem>> -> memref<8x200x32xf32, #tpu.memory_space<vmem>>
        tpu.wait_dma2 semaphore(%arg10 : memref<!tpu.dma_semaphore, #tpu.memory_space<semaphore_mem>>) src(%dma_wait3A_1839 : memref<8x200x32xf32, #tpu.memory_space<vmem>>) dst(%dma_wait3A_1834 : memref<8x200x32xf32, #tpu.memory_space<hbm>>)
      } else {
      }
      %add3A_1224 = arith.constant 1 : i32
      %add3A_1225 = arith.addi %add3A_1213, %add3A_1224 : i32
      %lt3A_1226 = arith.constant 16 : i32
      %lt3A_1227 = arith.cmpi slt, %add3A_1225, %lt3A_1226 : i32
      %convert_element_type3A_1228 = arith.extui %lt3A_1227 : i1 to i32
      %cond3A_1229 = arith.constant 0 : i32
      %cond3A_1230 = arith.cmpi ne, %convert_element_type3A_1228, %cond3A_1229 : i32
      scf.if %cond3A_1230 {
        %add3A_1818 = arith.constant 1 : i32
        %add3A_1819 = arith.addi %add3A_1213, %add3A_1818 : i32
        %mul3A_1820 = arith.constant 8 : i32
        %mul3A_1821 = arith.muli %add3A_1819, %mul3A_1820 : i32
        %add3A_1822 = arith.addi %mul3A_2, %mul3A_1821 : i32
        %multiple_of3A_1823 = tpu.assume_multiple %add3A_1822, 8 : i32
        %run_scoped3A_1824 = arith.constant 0 : i32
        "tpu.region"() ({
          %run_scoped3A_2385 = tpu.sem_alloc : memref<!tpu.dma_semaphore, #tpu.memory_space<semaphore_mem>>
          %dma_start3A_2386 = arith.constant 0 : i32
          %dma_start3A_2387 = arith.constant 0 : i32
          %dma_start3A_2388 = tpu.memref_slice %arg6[%run_scoped3A_1824, %dma_start3A_2386, %dma_start3A_2387] : memref<2x8x200xi32, #tpu.memory_space<vmem>> -> memref<1x8x200xi32, #tpu.memory_space<vmem>>
          %dma_start3A_2389 = tpu.memref_squeeze %dma_start3A_2388 : memref<1x8x200xi32, #tpu.memory_space<vmem>> -> memref<8x200xi32, #tpu.memory_space<vmem>>
          %dma_start3A_2390 = arith.constant 0 : i32
          %dma_start3A_2391 = tpu.memref_slice %arg2[%multiple_of3A_1823, %dma_start3A_2390] : memref<4096x200xi32, #tpu.memory_space<hbm>> -> memref<8x200xi32, #tpu.memory_space<hbm>>
          %dma_start3A_2392 = arith.constant 0 : i32
          %dma_start3A_2393 = arith.constant 0 : i32
          %dma_start3A_2394 = tpu.memref_slice %arg6[%run_scoped3A_1824, %dma_start3A_2392, %dma_start3A_2393] : memref<2x8x200xi32, #tpu.memory_space<vmem>> -> memref<1x8x200xi32, #tpu.memory_space<vmem>>
          %dma_start3A_2395 = tpu.memref_squeeze %dma_start3A_2394 : memref<1x8x200xi32, #tpu.memory_space<vmem>> -> memref<8x200xi32, #tpu.memory_space<vmem>>
          %dma_start3A_2396 = arith.constant 0 : i32
          %dma_start3A_2397 = tpu.memref_slice %arg2[%multiple_of3A_1823, %dma_start3A_2396] : memref<4096x200xi32, #tpu.memory_space<hbm>> -> memref<8x200xi32, #tpu.memory_space<hbm>>
          tpu.enqueue_dma source(%dma_start3A_2397 : memref<8x200xi32, #tpu.memory_space<hbm>>) target(%dma_start3A_2395 : memref<8x200xi32, #tpu.memory_space<vmem>>) target_semaphore(%run_scoped3A_2385 : memref<!tpu.dma_semaphore, #tpu.memory_space<semaphore_mem>>)
          %dma_wait3A_2398 = arith.constant 0 : i32
          %dma_wait3A_2399 = arith.constant 0 : i32
          %dma_wait3A_2400 = tpu.memref_slice %arg6[%run_scoped3A_1824, %dma_wait3A_2398, %dma_wait3A_2399] : memref<2x8x200xi32, #tpu.memory_space<vmem>> -> memref<1x8x200xi32, #tpu.memory_space<vmem>>
          %dma_wait3A_2401 = tpu.memref_squeeze %dma_wait3A_2400 : memref<1x8x200xi32, #tpu.memory_space<vmem>> -> memref<8x200xi32, #tpu.memory_space<vmem>>
          %dma_wait3A_2402 = arith.constant 0 : i32
          %dma_wait3A_2403 = tpu.memref_slice %arg2[%multiple_of3A_1823, %dma_wait3A_2402] : memref<4096x200xi32, #tpu.memory_space<hbm>> -> memref<8x200xi32, #tpu.memory_space<hbm>>
          %dma_wait3A_2404 = arith.constant 0 : i32
          %dma_wait3A_2405 = arith.constant 0 : i32
          %dma_wait3A_2406 = tpu.memref_slice %arg6[%run_scoped3A_1824, %dma_wait3A_2404, %dma_wait3A_2405] : memref<2x8x200xi32, #tpu.memory_space<vmem>> -> memref<1x8x200xi32, #tpu.memory_space<vmem>>
          %dma_wait3A_2407 = tpu.memref_squeeze %dma_wait3A_2406 : memref<1x8x200xi32, #tpu.memory_space<vmem>> -> memref<8x200xi32, #tpu.memory_space<vmem>>
          %dma_wait3A_2408 = arith.constant 0 : i32
          %dma_wait3A_2409 = tpu.memref_slice %arg2[%multiple_of3A_1823, %dma_wait3A_2408] : memref<4096x200xi32, #tpu.memory_space<hbm>> -> memref<8x200xi32, #tpu.memory_space<hbm>>
          tpu.wait_dma2 semaphore(%run_scoped3A_2385 : memref<!tpu.dma_semaphore, #tpu.memory_space<semaphore_mem>>) src(%dma_wait3A_2409 : memref<8x200xi32, #tpu.memory_space<hbm>>) dst(%dma_wait3A_2407 : memref<8x200xi32, #tpu.memory_space<vmem>>)
          tpu.yield
        }) : () -> ()
        %dma_start3A_1825 = arith.constant 0 : i32
        %dma_start3A_1826 = arith.constant 0 : i32
        %dma_start3A_1827 = arith.constant 0 : i32
        %dma_start3A_1828 = arith.constant 0 : i32
        %dma_start3A_1829 = arith.constant 0 : i32
        %dma_start3A_1830 = arith.constant 0 : i32
        %dma_start3A_1831 = tpu.memref_slice %arg7[%dma_start3A_1827, %dma_start3A_1828, %dma_start3A_1829, %dma_start3A_1830] : memref<2x8x200x32xf32, #tpu.memory_space<vmem>> -> memref<1x1x40x32xf32, #tpu.memory_space<vmem>>
        %dma_start3A_1832 = tpu.memref_squeeze %dma_start3A_1831 : memref<1x1x40x32xf32, #tpu.memory_space<vmem>> -> memref<40x32xf32, #tpu.memory_space<vmem>>
        %dma_start3A_1833 = arith.constant 0 : i32
        %dma_start3A_1834 = tpu.memref_slice %arg6[%dma_start3A_1825, %dma_start3A_1826, %dma_start3A_1833] : memref<2x8x200xi32, #tpu.memory_space<vmem>> -> memref<1x1x40xi32, #tpu.memory_space<vmem>>
        %dma_start3A_1835 = tpu.memref_squeeze %dma_start3A_1834 : memref<1x1x40xi32, #tpu.memory_space<vmem>> -> memref<40xi32, #tpu.memory_space<vmem>>
        %dma_start3A_1836 = arith.constant 0 : i32
        %dma_start3A_1837 = arith.constant 0 : i32
        %dma_start3A_1838 = tpu.memref_slice %arg3[%dma_start3A_1836, %dma_start3A_1837] : memref<1000001x32xf32, #tpu.memory_space<hbm>> -> memref<1000001x32xf32, #tpu.memory_space<hbm>>
        tpu.enqueue_indirect_dma source(%dma_start3A_1838 : memref<1000001x32xf32, #tpu.memory_space<hbm>>) target(%dma_start3A_1832 : memref<40x32xf32, #tpu.memory_space<vmem>>) offsets(%dma_start3A_1835 : memref<40xi32, #tpu.memory_space<vmem>>) semaphore(%arg9 : memref<!tpu.dma_semaphore, #tpu.memory_space<semaphore_mem>>)
        %dma_start3A_1839 = arith.constant 0 : i32
        %dma_start3A_1840 = arith.constant 0 : i32
        %dma_start3A_1841 = arith.constant 0 : i32
        %dma_start3A_1842 = arith.constant 0 : i32
        %dma_start3A_1843 = arith.constant 40 : i32
        %dma_start3A_1844 = arith.constant 0 : i32
        %dma_start3A_1845 = tpu.memref_slice %arg7[%dma_start3A_1841, %dma_start3A_1842, %dma_start3A_1843, %dma_start3A_1844] : memref<2x8x200x32xf32, #tpu.memory_space<vmem>> -> memref<1x1x40x32xf32, #tpu.memory_space<vmem>>
        %dma_start3A_1846 = tpu.memref_squeeze %dma_start3A_1845 : memref<1x1x40x32xf32, #tpu.memory_space<vmem>> -> memref<40x32xf32, #tpu.memory_space<vmem>>
        %dma_start3A_1847 = arith.constant 40 : i32
        %dma_start3A_1848 = tpu.memref_slice %arg6[%dma_start3A_1839, %dma_start3A_1840, %dma_start3A_1847] : memref<2x8x200xi32, #tpu.memory_space<vmem>> -> memref<1x1x40xi32, #tpu.memory_space<vmem>>
        %dma_start3A_1849 = tpu.memref_squeeze %dma_start3A_1848 : memref<1x1x40xi32, #tpu.memory_space<vmem>> -> memref<40xi32, #tpu.memory_space<vmem>>
        %dma_start3A_1850 = arith.constant 0 : i32
        %dma_start3A_1851 = arith.constant 0 : i32
        %dma_start3A_1852 = tpu.memref_slice %arg3[%dma_start3A_1850, %dma_start3A_1851] : memref<1000001x32xf32, #tpu.memory_space<hbm>> -> memref<1000001x32xf32, #tpu.memory_space<hbm>>
        tpu.enqueue_indirect_dma source(%dma_start3A_1852 : memref<1000001x32xf32, #tpu.memory_space<hbm>>) target(%dma_start3A_1846 : memref<40x32xf32, #tpu.memory_space<vmem>>) offsets(%dma_start3A_1849 : memref<40xi32, #tpu.memory_space<vmem>>) semaphore(%arg9 : memref<!tpu.dma_semaphore, #tpu.memory_space<semaphore_mem>>)
        %dma_start3A_1853 = arith.constant 0 : i32
        %dma_start3A_1854 = arith.constant 0 : i32
        %dma_start3A_1855 = arith.constant 0 : i32
        %dma_start3A_1856 = arith.constant 0 : i32
        %dma_start3A_1857 = arith.constant 80 : i32
        %dma_start3A_1858 = arith.constant 0 : i32
        %dma_start3A_1859 = tpu.memref_slice %arg7[%dma_start3A_1855, %dma_start3A_1856, %dma_start3A_1857, %dma_start3A_1858] : memref<2x8x200x32xf32, #tpu.memory_space<vmem>> -> memref<1x1x40x32xf32, #tpu.memory_space<vmem>>
        %dma_start3A_1860 = tpu.memref_squeeze %dma_start3A_1859 : memref<1x1x40x32xf32, #tpu.memory_space<vmem>> -> memref<40x32xf32, #tpu.memory_space<vmem>>
        %dma_start3A_1861 = arith.constant 80 : i32
        %dma_start3A_1862 = tpu.memref_slice %arg6[%dma_start3A_1853, %dma_start3A_1854, %dma_start3A_1861] : memref<2x8x200xi32, #tpu.memory_space<vmem>> -> memref<1x1x40xi32, #tpu.memory_space<vmem>>
        %dma_start3A_1863 = tpu.memref_squeeze %dma_start3A_1862 : memref<1x1x40xi32, #tpu.memory_space<vmem>> -> memref<40xi32, #tpu.memory_space<vmem>>
        %dma_start3A_1864 = arith.constant 0 : i32
        %dma_start3A_1865 = arith.constant 0 : i32
        %dma_start3A_1866 = tpu.memref_slice %arg3[%dma_start3A_1864, %dma_start3A_1865] : memref<1000001x32xf32, #tpu.memory_space<hbm>> -> memref<1000001x32xf32, #tpu.memory_space<hbm>>
        tpu.enqueue_indirect_dma source(%dma_start3A_1866 : memref<1000001x32xf32, #tpu.memory_space<hbm>>) target(%dma_start3A_1860 : memref<40x32xf32, #tpu.memory_space<vmem>>) offsets(%dma_start3A_1863 : memref<40xi32, #tpu.memory_space<vmem>>) semaphore(%arg9 : memref<!tpu.dma_semaphore, #tpu.memory_space<semaphore_mem>>)
        %dma_start3A_1867 = arith.constant 0 : i32
        %dma_start3A_1868 = arith.constant 0 : i32
        %dma_start3A_1869 = arith.constant 0 : i32
        %dma_start3A_1870 = arith.constant 0 : i32
        %dma_start3A_1871 = arith.constant 120 : i32
        %dma_start3A_1872 = arith.constant 0 : i32
        %dma_start3A_1873 = tpu.memref_slice %arg7[%dma_start3A_1869, %dma_start3A_1870, %dma_start3A_1871, %dma_start3A_1872] : memref<2x8x200x32xf32, #tpu.memory_space<vmem>> -> memref<1x1x40x32xf32, #tpu.memory_space<vmem>>
        %dma_start3A_1874 = tpu.memref_squeeze %dma_start3A_1873 : memref<1x1x40x32xf32, #tpu.memory_space<vmem>> -> memref<40x32xf32, #tpu.memory_space<vmem>>
        %dma_start3A_1875 = arith.constant 120 : i32
        %dma_start3A_1876 = tpu.memref_slice %arg6[%dma_start3A_1867, %dma_start3A_1868, %dma_start3A_1875] : memref<2x8x200xi32, #tpu.memory_space<vmem>> -> memref<1x1x40xi32, #tpu.memory_space<vmem>>
        %dma_start3A_1877 = tpu.memref_squeeze %dma_start3A_1876 : memref<1x1x40xi32, #tpu.memory_space<vmem>> -> memref<40xi32, #tpu.memory_space<vmem>>
        %dma_start3A_1878 = arith.constant 0 : i32
        %dma_start3A_1879 = arith.constant 0 : i32
        %dma_start3A_1880 = tpu.memref_slice %arg3[%dma_start3A_1878, %dma_start3A_1879] : memref<1000001x32xf32, #tpu.memory_space<hbm>> -> memref<1000001x32xf32, #tpu.memory_space<hbm>>
        tpu.enqueue_indirect_dma source(%dma_start3A_1880 : memref<1000001x32xf32, #tpu.memory_space<hbm>>) target(%dma_start3A_1874 : memref<40x32xf32, #tpu.memory_space<vmem>>) offsets(%dma_start3A_1877 : memref<40xi32, #tpu.memory_space<vmem>>) semaphore(%arg9 : memref<!tpu.dma_semaphore, #tpu.memory_space<semaphore_mem>>)
        %dma_start3A_1881 = arith.constant 0 : i32
        %dma_start3A_1882 = arith.constant 0 : i32
        %dma_start3A_1883 = arith.constant 0 : i32
        %dma_start3A_1884 = arith.constant 0 : i32
        %dma_start3A_1885 = arith.constant 160 : i32
        %dma_start3A_1886 = arith.constant 0 : i32
        %dma_start3A_1887 = tpu.memref_slice %arg7[%dma_start3A_1883, %dma_start3A_1884, %dma_start3A_1885, %dma_start3A_1886] : memref<2x8x200x32xf32, #tpu.memory_space<vmem>> -> memref<1x1x40x32xf32, #tpu.memory_space<vmem>>
        %dma_start3A_1888 = tpu.memref_squeeze %dma_start3A_1887 : memref<1x1x40x32xf32, #tpu.memory_space<vmem>> -> memref<40x32xf32, #tpu.memory_space<vmem>>
        %dma_start3A_1889 = arith.constant 160 : i32
        %dma_start3A_1890 = tpu.memref_slice %arg6[%dma_start3A_1881, %dma_start3A_1882, %dma_start3A_1889] : memref<2x8x200xi32, #tpu.memory_space<vmem>> -> memref<1x1x40xi32, #tpu.memory_space<vmem>>
        %dma_start3A_1891 = tpu.memref_squeeze %dma_start3A_1890 : memref<1x1x40xi32, #tpu.memory_space<vmem>> -> memref<40xi32, #tpu.memory_space<vmem>>
        %dma_start3A_1892 = arith.constant 0 : i32
        %dma_start3A_1893 = arith.constant 0 : i32
        %dma_start3A_1894 = tpu.memref_slice %arg3[%dma_start3A_1892, %dma_start3A_1893] : memref<1000001x32xf32, #tpu.memory_space<hbm>> -> memref<1000001x32xf32, #tpu.memory_space<hbm>>
        tpu.enqueue_indirect_dma source(%dma_start3A_1894 : memref<1000001x32xf32, #tpu.memory_space<hbm>>) target(%dma_start3A_1888 : memref<40x32xf32, #tpu.memory_space<vmem>>) offsets(%dma_start3A_1891 : memref<40xi32, #tpu.memory_space<vmem>>) semaphore(%arg9 : memref<!tpu.dma_semaphore, #tpu.memory_space<semaphore_mem>>)
        %dma_start3A_1895 = arith.constant 0 : i32
        %dma_start3A_1896 = arith.constant 1 : i32
        %dma_start3A_1897 = arith.constant 0 : i32
        %dma_start3A_1898 = arith.constant 1 : i32
        %dma_start3A_1899 = arith.constant 0 : i32
        %dma_start3A_1900 = arith.constant 0 : i32
        %dma_start3A_1901 = tpu.memref_slice %arg7[%dma_start3A_1897, %dma_start3A_1898, %dma_start3A_1899, %dma_start3A_1900] : memref<2x8x200x32xf32, #tpu.memory_space<vmem>> -> memref<1x1x40x32xf32, #tpu.memory_space<vmem>>
        %dma_start3A_1902 = tpu.memref_squeeze %dma_start3A_1901 : memref<1x1x40x32xf32, #tpu.memory_space<vmem>> -> memref<40x32xf32, #tpu.memory_space<vmem>>
        %dma_start3A_1903 = arith.constant 0 : i32
        %dma_start3A_1904 = tpu.memref_slice %arg6[%dma_start3A_1895, %dma_start3A_1896, %dma_start3A_1903] : memref<2x8x200xi32, #tpu.memory_space<vmem>> -> memref<1x1x40xi32, #tpu.memory_space<vmem>>
        %dma_start3A_1905 = tpu.memref_squeeze %dma_start3A_1904 : memref<1x1x40xi32, #tpu.memory_space<vmem>> -> memref<40xi32, #tpu.memory_space<vmem>>
        %dma_start3A_1906 = arith.constant 0 : i32
        %dma_start3A_1907 = arith.constant 0 : i32
        %dma_start3A_1908 = tpu.memref_slice %arg3[%dma_start3A_1906, %dma_start3A_1907] : memref<1000001x32xf32, #tpu.memory_space<hbm>> -> memref<1000001x32xf32, #tpu.memory_space<hbm>>
        tpu.enqueue_indirect_dma source(%dma_start3A_1908 : memref<1000001x32xf32, #tpu.memory_space<hbm>>) target(%dma_start3A_1902 : memref<40x32xf32, #tpu.memory_space<vmem>>) offsets(%dma_start3A_1905 : memref<40xi32, #tpu.memory_space<vmem>>) semaphore(%arg9 : memref<!tpu.dma_semaphore, #tpu.memory_space<semaphore_mem>>)
        %dma_start3A_1909 = arith.constant 0 : i32
        %dma_start3A_1910 = arith.constant 1 : i32
        %dma_start3A_1911 = arith.constant 0 : i32
        %dma_start3A_1912 = arith.constant 1 : i32
        %dma_start3A_1913 = arith.constant 40 : i32
        %dma_start3A_1914 = arith.constant 0 : i32
        %dma_start3A_1915 = tpu.memref_slice %arg7[%dma_start3A_1911, %dma_start3A_1912, %dma_start3A_1913, %dma_start3A_1914] : memref<2x8x200x32xf32, #tpu.memory_space<vmem>> -> memref<1x1x40x32xf32, #tpu.memory_space<vmem>>
        %dma_start3A_1916 = tpu.memref_squeeze %dma_start3A_1915 : memref<1x1x40x32xf32, #tpu.memory_space<vmem>> -> memref<40x32xf32, #tpu.memory_space<vmem>>
        %dma_start3A_1917 = arith.constant 40 : i32
        %dma_start3A_1918 = tpu.memref_slice %arg6[%dma_start3A_1909, %dma_start3A_1910, %dma_start3A_1917] : memref<2x8x200xi32, #tpu.memory_space<vmem>> -> memref<1x1x40xi32, #tpu.memory_space<vmem>>
        %dma_start3A_1919 = tpu.memref_squeeze %dma_start3A_1918 : memref<1x1x40xi32, #tpu.memory_space<vmem>> -> memref<40xi32, #tpu.memory_space<vmem>>
        %dma_start3A_1920 = arith.constant 0 : i32
        %dma_start3A_1921 = arith.constant 0 : i32
        %dma_start3A_1922 = tpu.memref_slice %arg3[%dma_start3A_1920, %dma_start3A_1921] : memref<1000001x32xf32, #tpu.memory_space<hbm>> -> memref<1000001x32xf32, #tpu.memory_space<hbm>>
        tpu.enqueue_indirect_dma source(%dma_start3A_1922 : memref<1000001x32xf32, #tpu.memory_space<hbm>>) target(%dma_start3A_1916 : memref<40x32xf32, #tpu.memory_space<vmem>>) offsets(%dma_start3A_1919 : memref<40xi32, #tpu.memory_space<vmem>>) semaphore(%arg9 : memref<!tpu.dma_semaphore, #tpu.memory_space<semaphore_mem>>)
        %dma_start3A_1923 = arith.constant 0 : i32
        %dma_start3A_1924 = arith.constant 1 : i32
        %dma_start3A_1925 = arith.constant 0 : i32
        %dma_start3A_1926 = arith.constant 1 : i32
        %dma_start3A_1927 = arith.constant 80 : i32
        %dma_start3A_1928 = arith.constant 0 : i32
        %dma_start3A_1929 = tpu.memref_slice %arg7[%dma_start3A_1925, %dma_start3A_1926, %dma_start3A_1927, %dma_start3A_1928] : memref<2x8x200x32xf32, #tpu.memory_space<vmem>> -> memref<1x1x40x32xf32, #tpu.memory_space<vmem>>
        %dma_start3A_1930 = tpu.memref_squeeze %dma_start3A_1929 : memref<1x1x40x32xf32, #tpu.memory_space<vmem>> -> memref<40x32xf32, #tpu.memory_space<vmem>>
        %dma_start3A_1931 = arith.constant 80 : i32
        %dma_start3A_1932 = tpu.memref_slice %arg6[%dma_start3A_1923, %dma_start3A_1924, %dma_start3A_1931] : memref<2x8x200xi32, #tpu.memory_space<vmem>> -> memref<1x1x40xi32, #tpu.memory_space<vmem>>
        %dma_start3A_1933 = tpu.memref_squeeze %dma_start3A_1932 : memref<1x1x40xi32, #tpu.memory_space<vmem>> -> memref<40xi32, #tpu.memory_space<vmem>>
        %dma_start3A_1934 = arith.constant 0 : i32
        %dma_start3A_1935 = arith.constant 0 : i32
        %dma_start3A_1936 = tpu.memref_slice %arg3[%dma_start3A_1934, %dma_start3A_1935] : memref<1000001x32xf32, #tpu.memory_space<hbm>> -> memref<1000001x32xf32, #tpu.memory_space<hbm>>
        tpu.enqueue_indirect_dma source(%dma_start3A_1936 : memref<1000001x32xf32, #tpu.memory_space<hbm>>) target(%dma_start3A_1930 : memref<40x32xf32, #tpu.memory_space<vmem>>) offsets(%dma_start3A_1933 : memref<40xi32, #tpu.memory_space<vmem>>) semaphore(%arg9 : memref<!tpu.dma_semaphore, #tpu.memory_space<semaphore_mem>>)
        %dma_start3A_1937 = arith.constant 0 : i32
        %dma_start3A_1938 = arith.constant 1 : i32
        %dma_start3A_1939 = arith.constant 0 : i32
        %dma_start3A_1940 = arith.constant 1 : i32
        %dma_start3A_1941 = arith.constant 120 : i32
        %dma_start3A_1942 = arith.constant 0 : i32
        %dma_start3A_1943 = tpu.memref_slice %arg7[%dma_start3A_1939, %dma_start3A_1940, %dma_start3A_1941, %dma_start3A_1942] : memref<2x8x200x32xf32, #tpu.memory_space<vmem>> -> memref<1x1x40x32xf32, #tpu.memory_space<vmem>>
        %dma_start3A_1944 = tpu.memref_squeeze %dma_start3A_1943 : memref<1x1x40x32xf32, #tpu.memory_space<vmem>> -> memref<40x32xf32, #tpu.memory_space<vmem>>
        %dma_start3A_1945 = arith.constant 120 : i32
        %dma_start3A_1946 = tpu.memref_slice %arg6[%dma_start3A_1937, %dma_start3A_1938, %dma_start3A_1945] : memref<2x8x200xi32, #tpu.memory_space<vmem>> -> memref<1x1x40xi32, #tpu.memory_space<vmem>>
        %dma_start3A_1947 = tpu.memref_squeeze %dma_start3A_1946 : memref<1x1x40xi32, #tpu.memory_space<vmem>> -> memref<40xi32, #tpu.memory_space<vmem>>
        %dma_start3A_1948 = arith.constant 0 : i32
        %dma_start3A_1949 = arith.constant 0 : i32
        %dma_start3A_1950 = tpu.memref_slice %arg3[%dma_start3A_1948, %dma_start3A_1949] : memref<1000001x32xf32, #tpu.memory_space<hbm>> -> memref<1000001x32xf32, #tpu.memory_space<hbm>>
        tpu.enqueue_indirect_dma source(%dma_start3A_1950 : memref<1000001x32xf32, #tpu.memory_space<hbm>>) target(%dma_start3A_1944 : memref<40x32xf32, #tpu.memory_space<vmem>>) offsets(%dma_start3A_1947 : memref<40xi32, #tpu.memory_space<vmem>>) semaphore(%arg9 : memref<!tpu.dma_semaphore, #tpu.memory_space<semaphore_mem>>)
        %dma_start3A_1951 = arith.constant 0 : i32
        %dma_start3A_1952 = arith.constant 1 : i32
        %dma_start3A_1953 = arith.constant 0 : i32
        %dma_start3A_1954 = arith.constant 1 : i32
        %dma_start3A_1955 = arith.constant 160 : i32
        %dma_start3A_1956 = arith.constant 0 : i32
        %dma_start3A_1957 = tpu.memref_slice %arg7[%dma_start3A_1953, %dma_start3A_1954, %dma_start3A_1955, %dma_start3A_1956] : memref<2x8x200x32xf32, #tpu.memory_space<vmem>> -> memref<1x1x40x32xf32, #tpu.memory_space<vmem>>
        %dma_start3A_1958 = tpu.memref_squeeze %dma_start3A_1957 : memref<1x1x40x32xf32, #tpu.memory_space<vmem>> -> memref<40x32xf32, #tpu.memory_space<vmem>>
        %dma_start3A_1959 = arith.constant 160 : i32
        %dma_start3A_1960 = tpu.memref_slice %arg6[%dma_start3A_1951, %dma_start3A_1952, %dma_start3A_1959] : memref<2x8x200xi32, #tpu.memory_space<vmem>> -> memref<1x1x40xi32, #tpu.memory_space<vmem>>
        %dma_start3A_1961 = tpu.memref_squeeze %dma_start3A_1960 : memref<1x1x40xi32, #tpu.memory_space<vmem>> -> memref<40xi32, #tpu.memory_space<vmem>>
        %dma_start3A_1962 = arith.constant 0 : i32
        %dma_start3A_1963 = arith.constant 0 : i32
        %dma_start3A_1964 = tpu.memref_slice %arg3[%dma_start3A_1962, %dma_start3A_1963] : memref<1000001x32xf32, #tpu.memory_space<hbm>> -> memref<1000001x32xf32, #tpu.memory_space<hbm>>
        tpu.enqueue_indirect_dma source(%dma_start3A_1964 : memref<1000001x32xf32, #tpu.memory_space<hbm>>) target(%dma_start3A_1958 : memref<40x32xf32, #tpu.memory_space<vmem>>) offsets(%dma_start3A_1961 : memref<40xi32, #tpu.memory_space<vmem>>) semaphore(%arg9 : memref<!tpu.dma_semaphore, #tpu.memory_space<semaphore_mem>>)
        %dma_start3A_1965 = arith.constant 0 : i32
        %dma_start3A_1966 = arith.constant 2 : i32
        %dma_start3A_1967 = arith.constant 0 : i32
        %dma_start3A_1968 = arith.constant 2 : i32
        %dma_start3A_1969 = arith.constant 0 : i32
        %dma_start3A_1970 = arith.constant 0 : i32
        %dma_start3A_1971 = tpu.memref_slice %arg7[%dma_start3A_1967, %dma_start3A_1968, %dma_start3A_1969, %dma_start3A_1970] : memref<2x8x200x32xf32, #tpu.memory_space<vmem>> -> memref<1x1x40x32xf32, #tpu.memory_space<vmem>>
        %dma_start3A_1972 = tpu.memref_squeeze %dma_start3A_1971 : memref<1x1x40x32xf32, #tpu.memory_space<vmem>> -> memref<40x32xf32, #tpu.memory_space<vmem>>
        %dma_start3A_1973 = arith.constant 0 : i32
        %dma_start3A_1974 = tpu.memref_slice %arg6[%dma_start3A_1965, %dma_start3A_1966, %dma_start3A_1973] : memref<2x8x200xi32, #tpu.memory_space<vmem>> -> memref<1x1x40xi32, #tpu.memory_space<vmem>>
        %dma_start3A_1975 = tpu.memref_squeeze %dma_start3A_1974 : memref<1x1x40xi32, #tpu.memory_space<vmem>> -> memref<40xi32, #tpu.memory_space<vmem>>
        %dma_start3A_1976 = arith.constant 0 : i32
        %dma_start3A_1977 = arith.constant 0 : i32
        %dma_start3A_1978 = tpu.memref_slice %arg3[%dma_start3A_1976, %dma_start3A_1977] : memref<1000001x32xf32, #tpu.memory_space<hbm>> -> memref<1000001x32xf32, #tpu.memory_space<hbm>>
        tpu.enqueue_indirect_dma source(%dma_start3A_1978 : memref<1000001x32xf32, #tpu.memory_space<hbm>>) target(%dma_start3A_1972 : memref<40x32xf32, #tpu.memory_space<vmem>>) offsets(%dma_start3A_1975 : memref<40xi32, #tpu.memory_space<vmem>>) semaphore(%arg9 : memref<!tpu.dma_semaphore, #tpu.memory_space<semaphore_mem>>)
        %dma_start3A_1979 = arith.constant 0 : i32
        %dma_start3A_1980 = arith.constant 2 : i32
        %dma_start3A_1981 = arith.constant 0 : i32
        %dma_start3A_1982 = arith.constant 2 : i32
        %dma_start3A_1983 = arith.constant 40 : i32
        %dma_start3A_1984 = arith.constant 0 : i32
        %dma_start3A_1985 = tpu.memref_slice %arg7[%dma_start3A_1981, %dma_start3A_1982, %dma_start3A_1983, %dma_start3A_1984] : memref<2x8x200x32xf32, #tpu.memory_space<vmem>> -> memref<1x1x40x32xf32, #tpu.memory_space<vmem>>
        %dma_start3A_1986 = tpu.memref_squeeze %dma_start3A_1985 : memref<1x1x40x32xf32, #tpu.memory_space<vmem>> -> memref<40x32xf32, #tpu.memory_space<vmem>>
        %dma_start3A_1987 = arith.constant 40 : i32
        %dma_start3A_1988 = tpu.memref_slice %arg6[%dma_start3A_1979, %dma_start3A_1980, %dma_start3A_1987] : memref<2x8x200xi32, #tpu.memory_space<vmem>> -> memref<1x1x40xi32, #tpu.memory_space<vmem>>
        %dma_start3A_1989 = tpu.memref_squeeze %dma_start3A_1988 : memref<1x1x40xi32, #tpu.memory_space<vmem>> -> memref<40xi32, #tpu.memory_space<vmem>>
        %dma_start3A_1990 = arith.constant 0 : i32
        %dma_start3A_1991 = arith.constant 0 : i32
        %dma_start3A_1992 = tpu.memref_slice %arg3[%dma_start3A_1990, %dma_start3A_1991] : memref<1000001x32xf32, #tpu.memory_space<hbm>> -> memref<1000001x32xf32, #tpu.memory_space<hbm>>
        tpu.enqueue_indirect_dma source(%dma_start3A_1992 : memref<1000001x32xf32, #tpu.memory_space<hbm>>) target(%dma_start3A_1986 : memref<40x32xf32, #tpu.memory_space<vmem>>) offsets(%dma_start3A_1989 : memref<40xi32, #tpu.memory_space<vmem>>) semaphore(%arg9 : memref<!tpu.dma_semaphore, #tpu.memory_space<semaphore_mem>>)
        %dma_start3A_1993 = arith.constant 0 : i32
        %dma_start3A_1994 = arith.constant 2 : i32
        %dma_start3A_1995 = arith.constant 0 : i32
        %dma_start3A_1996 = arith.constant 2 : i32
        %dma_start3A_1997 = arith.constant 80 : i32
        %dma_start3A_1998 = arith.constant 0 : i32
        %dma_start3A_1999 = tpu.memref_slice %arg7[%dma_start3A_1995, %dma_start3A_1996, %dma_start3A_1997, %dma_start3A_1998] : memref<2x8x200x32xf32, #tpu.memory_space<vmem>> -> memref<1x1x40x32xf32, #tpu.memory_space<vmem>>
        %dma_start3A_2000 = tpu.memref_squeeze %dma_start3A_1999 : memref<1x1x40x32xf32, #tpu.memory_space<vmem>> -> memref<40x32xf32, #tpu.memory_space<vmem>>
        %dma_start3A_2001 = arith.constant 80 : i32
        %dma_start3A_2002 = tpu.memref_slice %arg6[%dma_start3A_1993, %dma_start3A_1994, %dma_start3A_2001] : memref<2x8x200xi32, #tpu.memory_space<vmem>> -> memref<1x1x40xi32, #tpu.memory_space<vmem>>
        %dma_start3A_2003 = tpu.memref_squeeze %dma_start3A_2002 : memref<1x1x40xi32, #tpu.memory_space<vmem>> -> memref<40xi32, #tpu.memory_space<vmem>>
        %dma_start3A_2004 = arith.constant 0 : i32
        %dma_start3A_2005 = arith.constant 0 : i32
        %dma_start3A_2006 = tpu.memref_slice %arg3[%dma_start3A_2004, %dma_start3A_2005] : memref<1000001x32xf32, #tpu.memory_space<hbm>> -> memref<1000001x32xf32, #tpu.memory_space<hbm>>
        tpu.enqueue_indirect_dma source(%dma_start3A_2006 : memref<1000001x32xf32, #tpu.memory_space<hbm>>) target(%dma_start3A_2000 : memref<40x32xf32, #tpu.memory_space<vmem>>) offsets(%dma_start3A_2003 : memref<40xi32, #tpu.memory_space<vmem>>) semaphore(%arg9 : memref<!tpu.dma_semaphore, #tpu.memory_space<semaphore_mem>>)
        %dma_start3A_2007 = arith.constant 0 : i32
        %dma_start3A_2008 = arith.constant 2 : i32
        %dma_start3A_2009 = arith.constant 0 : i32
        %dma_start3A_2010 = arith.constant 2 : i32
        %dma_start3A_2011 = arith.constant 120 : i32
        %dma_start3A_2012 = arith.constant 0 : i32
        %dma_start3A_2013 = tpu.memref_slice %arg7[%dma_start3A_2009, %dma_start3A_2010, %dma_start3A_2011, %dma_start3A_2012] : memref<2x8x200x32xf32, #tpu.memory_space<vmem>> -> memref<1x1x40x32xf32, #tpu.memory_space<vmem>>
        %dma_start3A_2014 = tpu.memref_squeeze %dma_start3A_2013 : memref<1x1x40x32xf32, #tpu.memory_space<vmem>> -> memref<40x32xf32, #tpu.memory_space<vmem>>
        %dma_start3A_2015 = arith.constant 120 : i32
        %dma_start3A_2016 = tpu.memref_slice %arg6[%dma_start3A_2007, %dma_start3A_2008, %dma_start3A_2015] : memref<2x8x200xi32, #tpu.memory_space<vmem>> -> memref<1x1x40xi32, #tpu.memory_space<vmem>>
        %dma_start3A_2017 = tpu.memref_squeeze %dma_start3A_2016 : memref<1x1x40xi32, #tpu.memory_space<vmem>> -> memref<40xi32, #tpu.memory_space<vmem>>
        %dma_start3A_2018 = arith.constant 0 : i32
        %dma_start3A_2019 = arith.constant 0 : i32
        %dma_start3A_2020 = tpu.memref_slice %arg3[%dma_start3A_2018, %dma_start3A_2019] : memref<1000001x32xf32, #tpu.memory_space<hbm>> -> memref<1000001x32xf32, #tpu.memory_space<hbm>>
        tpu.enqueue_indirect_dma source(%dma_start3A_2020 : memref<1000001x32xf32, #tpu.memory_space<hbm>>) target(%dma_start3A_2014 : memref<40x32xf32, #tpu.memory_space<vmem>>) offsets(%dma_start3A_2017 : memref<40xi32, #tpu.memory_space<vmem>>) semaphore(%arg9 : memref<!tpu.dma_semaphore, #tpu.memory_space<semaphore_mem>>)
        %dma_start3A_2021 = arith.constant 0 : i32
        %dma_start3A_2022 = arith.constant 2 : i32
        %dma_start3A_2023 = arith.constant 0 : i32
        %dma_start3A_2024 = arith.constant 2 : i32
        %dma_start3A_2025 = arith.constant 160 : i32
        %dma_start3A_2026 = arith.constant 0 : i32
        %dma_start3A_2027 = tpu.memref_slice %arg7[%dma_start3A_2023, %dma_start3A_2024, %dma_start3A_2025, %dma_start3A_2026] : memref<2x8x200x32xf32, #tpu.memory_space<vmem>> -> memref<1x1x40x32xf32, #tpu.memory_space<vmem>>
        %dma_start3A_2028 = tpu.memref_squeeze %dma_start3A_2027 : memref<1x1x40x32xf32, #tpu.memory_space<vmem>> -> memref<40x32xf32, #tpu.memory_space<vmem>>
        %dma_start3A_2029 = arith.constant 160 : i32
        %dma_start3A_2030 = tpu.memref_slice %arg6[%dma_start3A_2021, %dma_start3A_2022, %dma_start3A_2029] : memref<2x8x200xi32, #tpu.memory_space<vmem>> -> memref<1x1x40xi32, #tpu.memory_space<vmem>>
        %dma_start3A_2031 = tpu.memref_squeeze %dma_start3A_2030 : memref<1x1x40xi32, #tpu.memory_space<vmem>> -> memref<40xi32, #tpu.memory_space<vmem>>
        %dma_start3A_2032 = arith.constant 0 : i32
        %dma_start3A_2033 = arith.constant 0 : i32
        %dma_start3A_2034 = tpu.memref_slice %arg3[%dma_start3A_2032, %dma_start3A_2033] : memref<1000001x32xf32, #tpu.memory_space<hbm>> -> memref<1000001x32xf32, #tpu.memory_space<hbm>>
        tpu.enqueue_indirect_dma source(%dma_start3A_2034 : memref<1000001x32xf32, #tpu.memory_space<hbm>>) target(%dma_start3A_2028 : memref<40x32xf32, #tpu.memory_space<vmem>>) offsets(%dma_start3A_2031 : memref<40xi32, #tpu.memory_space<vmem>>) semaphore(%arg9 : memref<!tpu.dma_semaphore, #tpu.memory_space<semaphore_mem>>)
        %dma_start3A_2035 = arith.constant 0 : i32
        %dma_start3A_2036 = arith.constant 3 : i32
        %dma_start3A_2037 = arith.constant 0 : i32
        %dma_start3A_2038 = arith.constant 3 : i32
        %dma_start3A_2039 = arith.constant 0 : i32
        %dma_start3A_2040 = arith.constant 0 : i32
        %dma_start3A_2041 = tpu.memref_slice %arg7[%dma_start3A_2037, %dma_start3A_2038, %dma_start3A_2039, %dma_start3A_2040] : memref<2x8x200x32xf32, #tpu.memory_space<vmem>> -> memref<1x1x40x32xf32, #tpu.memory_space<vmem>>
        %dma_start3A_2042 = tpu.memref_squeeze %dma_start3A_2041 : memref<1x1x40x32xf32, #tpu.memory_space<vmem>> -> memref<40x32xf32, #tpu.memory_space<vmem>>
        %dma_start3A_2043 = arith.constant 0 : i32
        %dma_start3A_2044 = tpu.memref_slice %arg6[%dma_start3A_2035, %dma_start3A_2036, %dma_start3A_2043] : memref<2x8x200xi32, #tpu.memory_space<vmem>> -> memref<1x1x40xi32, #tpu.memory_space<vmem>>
        %dma_start3A_2045 = tpu.memref_squeeze %dma_start3A_2044 : memref<1x1x40xi32, #tpu.memory_space<vmem>> -> memref<40xi32, #tpu.memory_space<vmem>>
        %dma_start3A_2046 = arith.constant 0 : i32
        %dma_start3A_2047 = arith.constant 0 : i32
        %dma_start3A_2048 = tpu.memref_slice %arg3[%dma_start3A_2046, %dma_start3A_2047] : memref<1000001x32xf32, #tpu.memory_space<hbm>> -> memref<1000001x32xf32, #tpu.memory_space<hbm>>
        tpu.enqueue_indirect_dma source(%dma_start3A_2048 : memref<1000001x32xf32, #tpu.memory_space<hbm>>) target(%dma_start3A_2042 : memref<40x32xf32, #tpu.memory_space<vmem>>) offsets(%dma_start3A_2045 : memref<40xi32, #tpu.memory_space<vmem>>) semaphore(%arg9 : memref<!tpu.dma_semaphore, #tpu.memory_space<semaphore_mem>>)
        %dma_start3A_2049 = arith.constant 0 : i32
        %dma_start3A_2050 = arith.constant 3 : i32
        %dma_start3A_2051 = arith.constant 0 : i32
        %dma_start3A_2052 = arith.constant 3 : i32
        %dma_start3A_2053 = arith.constant 40 : i32
        %dma_start3A_2054 = arith.constant 0 : i32
        %dma_start3A_2055 = tpu.memref_slice %arg7[%dma_start3A_2051, %dma_start3A_2052, %dma_start3A_2053, %dma_start3A_2054] : memref<2x8x200x32xf32, #tpu.memory_space<vmem>> -> memref<1x1x40x32xf32, #tpu.memory_space<vmem>>
        %dma_start3A_2056 = tpu.memref_squeeze %dma_start3A_2055 : memref<1x1x40x32xf32, #tpu.memory_space<vmem>> -> memref<40x32xf32, #tpu.memory_space<vmem>>
        %dma_start3A_2057 = arith.constant 40 : i32
        %dma_start3A_2058 = tpu.memref_slice %arg6[%dma_start3A_2049, %dma_start3A_2050, %dma_start3A_2057] : memref<2x8x200xi32, #tpu.memory_space<vmem>> -> memref<1x1x40xi32, #tpu.memory_space<vmem>>
        %dma_start3A_2059 = tpu.memref_squeeze %dma_start3A_2058 : memref<1x1x40xi32, #tpu.memory_space<vmem>> -> memref<40xi32, #tpu.memory_space<vmem>>
        %dma_start3A_2060 = arith.constant 0 : i32
        %dma_start3A_2061 = arith.constant 0 : i32
        %dma_start3A_2062 = tpu.memref_slice %arg3[%dma_start3A_2060, %dma_start3A_2061] : memref<1000001x32xf32, #tpu.memory_space<hbm>> -> memref<1000001x32xf32, #tpu.memory_space<hbm>>
        tpu.enqueue_indirect_dma source(%dma_start3A_2062 : memref<1000001x32xf32, #tpu.memory_space<hbm>>) target(%dma_start3A_2056 : memref<40x32xf32, #tpu.memory_space<vmem>>) offsets(%dma_start3A_2059 : memref<40xi32, #tpu.memory_space<vmem>>) semaphore(%arg9 : memref<!tpu.dma_semaphore, #tpu.memory_space<semaphore_mem>>)
        %dma_start3A_2063 = arith.constant 0 : i32
        %dma_start3A_2064 = arith.constant 3 : i32
        %dma_start3A_2065 = arith.constant 0 : i32
        %dma_start3A_2066 = arith.constant 3 : i32
        %dma_start3A_2067 = arith.constant 80 : i32
        %dma_start3A_2068 = arith.constant 0 : i32
        %dma_start3A_2069 = tpu.memref_slice %arg7[%dma_start3A_2065, %dma_start3A_2066, %dma_start3A_2067, %dma_start3A_2068] : memref<2x8x200x32xf32, #tpu.memory_space<vmem>> -> memref<1x1x40x32xf32, #tpu.memory_space<vmem>>
        %dma_start3A_2070 = tpu.memref_squeeze %dma_start3A_2069 : memref<1x1x40x32xf32, #tpu.memory_space<vmem>> -> memref<40x32xf32, #tpu.memory_space<vmem>>
        %dma_start3A_2071 = arith.constant 80 : i32
        %dma_start3A_2072 = tpu.memref_slice %arg6[%dma_start3A_2063, %dma_start3A_2064, %dma_start3A_2071] : memref<2x8x200xi32, #tpu.memory_space<vmem>> -> memref<1x1x40xi32, #tpu.memory_space<vmem>>
        %dma_start3A_2073 = tpu.memref_squeeze %dma_start3A_2072 : memref<1x1x40xi32, #tpu.memory_space<vmem>> -> memref<40xi32, #tpu.memory_space<vmem>>
        %dma_start3A_2074 = arith.constant 0 : i32
        %dma_start3A_2075 = arith.constant 0 : i32
        %dma_start3A_2076 = tpu.memref_slice %arg3[%dma_start3A_2074, %dma_start3A_2075] : memref<1000001x32xf32, #tpu.memory_space<hbm>> -> memref<1000001x32xf32, #tpu.memory_space<hbm>>
        tpu.enqueue_indirect_dma source(%dma_start3A_2076 : memref<1000001x32xf32, #tpu.memory_space<hbm>>) target(%dma_start3A_2070 : memref<40x32xf32, #tpu.memory_space<vmem>>) offsets(%dma_start3A_2073 : memref<40xi32, #tpu.memory_space<vmem>>) semaphore(%arg9 : memref<!tpu.dma_semaphore, #tpu.memory_space<semaphore_mem>>)
        %dma_start3A_2077 = arith.constant 0 : i32
        %dma_start3A_2078 = arith.constant 3 : i32
        %dma_start3A_2079 = arith.constant 0 : i32
        %dma_start3A_2080 = arith.constant 3 : i32
        %dma_start3A_2081 = arith.constant 120 : i32
        %dma_start3A_2082 = arith.constant 0 : i32
        %dma_start3A_2083 = tpu.memref_slice %arg7[%dma_start3A_2079, %dma_start3A_2080, %dma_start3A_2081, %dma_start3A_2082] : memref<2x8x200x32xf32, #tpu.memory_space<vmem>> -> memref<1x1x40x32xf32, #tpu.memory_space<vmem>>
        %dma_start3A_2084 = tpu.memref_squeeze %dma_start3A_2083 : memref<1x1x40x32xf32, #tpu.memory_space<vmem>> -> memref<40x32xf32, #tpu.memory_space<vmem>>
        %dma_start3A_2085 = arith.constant 120 : i32
        %dma_start3A_2086 = tpu.memref_slice %arg6[%dma_start3A_2077, %dma_start3A_2078, %dma_start3A_2085] : memref<2x8x200xi32, #tpu.memory_space<vmem>> -> memref<1x1x40xi32, #tpu.memory_space<vmem>>
        %dma_start3A_2087 = tpu.memref_squeeze %dma_start3A_2086 : memref<1x1x40xi32, #tpu.memory_space<vmem>> -> memref<40xi32, #tpu.memory_space<vmem>>
        %dma_start3A_2088 = arith.constant 0 : i32
        %dma_start3A_2089 = arith.constant 0 : i32
        %dma_start3A_2090 = tpu.memref_slice %arg3[%dma_start3A_2088, %dma_start3A_2089] : memref<1000001x32xf32, #tpu.memory_space<hbm>> -> memref<1000001x32xf32, #tpu.memory_space<hbm>>
        tpu.enqueue_indirect_dma source(%dma_start3A_2090 : memref<1000001x32xf32, #tpu.memory_space<hbm>>) target(%dma_start3A_2084 : memref<40x32xf32, #tpu.memory_space<vmem>>) offsets(%dma_start3A_2087 : memref<40xi32, #tpu.memory_space<vmem>>) semaphore(%arg9 : memref<!tpu.dma_semaphore, #tpu.memory_space<semaphore_mem>>)
        %dma_start3A_2091 = arith.constant 0 : i32
        %dma_start3A_2092 = arith.constant 3 : i32
        %dma_start3A_2093 = arith.constant 0 : i32
        %dma_start3A_2094 = arith.constant 3 : i32
        %dma_start3A_2095 = arith.constant 160 : i32
        %dma_start3A_2096 = arith.constant 0 : i32
        %dma_start3A_2097 = tpu.memref_slice %arg7[%dma_start3A_2093, %dma_start3A_2094, %dma_start3A_2095, %dma_start3A_2096] : memref<2x8x200x32xf32, #tpu.memory_space<vmem>> -> memref<1x1x40x32xf32, #tpu.memory_space<vmem>>
        %dma_start3A_2098 = tpu.memref_squeeze %dma_start3A_2097 : memref<1x1x40x32xf32, #tpu.memory_space<vmem>> -> memref<40x32xf32, #tpu.memory_space<vmem>>
        %dma_start3A_2099 = arith.constant 160 : i32
        %dma_start3A_2100 = tpu.memref_slice %arg6[%dma_start3A_2091, %dma_start3A_2092, %dma_start3A_2099] : memref<2x8x200xi32, #tpu.memory_space<vmem>> -> memref<1x1x40xi32, #tpu.memory_space<vmem>>
        %dma_start3A_2101 = tpu.memref_squeeze %dma_start3A_2100 : memref<1x1x40xi32, #tpu.memory_space<vmem>> -> memref<40xi32, #tpu.memory_space<vmem>>
        %dma_start3A_2102 = arith.constant 0 : i32
        %dma_start3A_2103 = arith.constant 0 : i32
        %dma_start3A_2104 = tpu.memref_slice %arg3[%dma_start3A_2102, %dma_start3A_2103] : memref<1000001x32xf32, #tpu.memory_space<hbm>> -> memref<1000001x32xf32, #tpu.memory_space<hbm>>
        tpu.enqueue_indirect_dma source(%dma_start3A_2104 : memref<1000001x32xf32, #tpu.memory_space<hbm>>) target(%dma_start3A_2098 : memref<40x32xf32, #tpu.memory_space<vmem>>) offsets(%dma_start3A_2101 : memref<40xi32, #tpu.memory_space<vmem>>) semaphore(%arg9 : memref<!tpu.dma_semaphore, #tpu.memory_space<semaphore_mem>>)
        %dma_start3A_2105 = arith.constant 0 : i32
        %dma_start3A_2106 = arith.constant 4 : i32
        %dma_start3A_2107 = arith.constant 0 : i32
        %dma_start3A_2108 = arith.constant 4 : i32
        %dma_start3A_2109 = arith.constant 0 : i32
        %dma_start3A_2110 = arith.constant 0 : i32
        %dma_start3A_2111 = tpu.memref_slice %arg7[%dma_start3A_2107, %dma_start3A_2108, %dma_start3A_2109, %dma_start3A_2110] : memref<2x8x200x32xf32, #tpu.memory_space<vmem>> -> memref<1x1x40x32xf32, #tpu.memory_space<vmem>>
        %dma_start3A_2112 = tpu.memref_squeeze %dma_start3A_2111 : memref<1x1x40x32xf32, #tpu.memory_space<vmem>> -> memref<40x32xf32, #tpu.memory_space<vmem>>
        %dma_start3A_2113 = arith.constant 0 : i32
        %dma_start3A_2114 = tpu.memref_slice %arg6[%dma_start3A_2105, %dma_start3A_2106, %dma_start3A_2113] : memref<2x8x200xi32, #tpu.memory_space<vmem>> -> memref<1x1x40xi32, #tpu.memory_space<vmem>>
        %dma_start3A_2115 = tpu.memref_squeeze %dma_start3A_2114 : memref<1x1x40xi32, #tpu.memory_space<vmem>> -> memref<40xi32, #tpu.memory_space<vmem>>
        %dma_start3A_2116 = arith.constant 0 : i32
        %dma_start3A_2117 = arith.constant 0 : i32
        %dma_start3A_2118 = tpu.memref_slice %arg3[%dma_start3A_2116, %dma_start3A_2117] : memref<1000001x32xf32, #tpu.memory_space<hbm>> -> memref<1000001x32xf32, #tpu.memory_space<hbm>>
        tpu.enqueue_indirect_dma source(%dma_start3A_2118 : memref<1000001x32xf32, #tpu.memory_space<hbm>>) target(%dma_start3A_2112 : memref<40x32xf32, #tpu.memory_space<vmem>>) offsets(%dma_start3A_2115 : memref<40xi32, #tpu.memory_space<vmem>>) semaphore(%arg9 : memref<!tpu.dma_semaphore, #tpu.memory_space<semaphore_mem>>)
        %dma_start3A_2119 = arith.constant 0 : i32
        %dma_start3A_2120 = arith.constant 4 : i32
        %dma_start3A_2121 = arith.constant 0 : i32
        %dma_start3A_2122 = arith.constant 4 : i32
        %dma_start3A_2123 = arith.constant 40 : i32
        %dma_start3A_2124 = arith.constant 0 : i32
        %dma_start3A_2125 = tpu.memref_slice %arg7[%dma_start3A_2121, %dma_start3A_2122, %dma_start3A_2123, %dma_start3A_2124] : memref<2x8x200x32xf32, #tpu.memory_space<vmem>> -> memref<1x1x40x32xf32, #tpu.memory_space<vmem>>
        %dma_start3A_2126 = tpu.memref_squeeze %dma_start3A_2125 : memref<1x1x40x32xf32, #tpu.memory_space<vmem>> -> memref<40x32xf32, #tpu.memory_space<vmem>>
        %dma_start3A_2127 = arith.constant 40 : i32
        %dma_start3A_2128 = tpu.memref_slice %arg6[%dma_start3A_2119, %dma_start3A_2120, %dma_start3A_2127] : memref<2x8x200xi32, #tpu.memory_space<vmem>> -> memref<1x1x40xi32, #tpu.memory_space<vmem>>
        %dma_start3A_2129 = tpu.memref_squeeze %dma_start3A_2128 : memref<1x1x40xi32, #tpu.memory_space<vmem>> -> memref<40xi32, #tpu.memory_space<vmem>>
        %dma_start3A_2130 = arith.constant 0 : i32
        %dma_start3A_2131 = arith.constant 0 : i32
        %dma_start3A_2132 = tpu.memref_slice %arg3[%dma_start3A_2130, %dma_start3A_2131] : memref<1000001x32xf32, #tpu.memory_space<hbm>> -> memref<1000001x32xf32, #tpu.memory_space<hbm>>
        tpu.enqueue_indirect_dma source(%dma_start3A_2132 : memref<1000001x32xf32, #tpu.memory_space<hbm>>) target(%dma_start3A_2126 : memref<40x32xf32, #tpu.memory_space<vmem>>) offsets(%dma_start3A_2129 : memref<40xi32, #tpu.memory_space<vmem>>) semaphore(%arg9 : memref<!tpu.dma_semaphore, #tpu.memory_space<semaphore_mem>>)
        %dma_start3A_2133 = arith.constant 0 : i32
        %dma_start3A_2134 = arith.constant 4 : i32
        %dma_start3A_2135 = arith.constant 0 : i32
        %dma_start3A_2136 = arith.constant 4 : i32
        %dma_start3A_2137 = arith.constant 80 : i32
        %dma_start3A_2138 = arith.constant 0 : i32
        %dma_start3A_2139 = tpu.memref_slice %arg7[%dma_start3A_2135, %dma_start3A_2136, %dma_start3A_2137, %dma_start3A_2138] : memref<2x8x200x32xf32, #tpu.memory_space<vmem>> -> memref<1x1x40x32xf32, #tpu.memory_space<vmem>>
        %dma_start3A_2140 = tpu.memref_squeeze %dma_start3A_2139 : memref<1x1x40x32xf32, #tpu.memory_space<vmem>> -> memref<40x32xf32, #tpu.memory_space<vmem>>
        %dma_start3A_2141 = arith.constant 80 : i32
        %dma_start3A_2142 = tpu.memref_slice %arg6[%dma_start3A_2133, %dma_start3A_2134, %dma_start3A_2141] : memref<2x8x200xi32, #tpu.memory_space<vmem>> -> memref<1x1x40xi32, #tpu.memory_space<vmem>>
        %dma_start3A_2143 = tpu.memref_squeeze %dma_start3A_2142 : memref<1x1x40xi32, #tpu.memory_space<vmem>> -> memref<40xi32, #tpu.memory_space<vmem>>
        %dma_start3A_2144 = arith.constant 0 : i32
        %dma_start3A_2145 = arith.constant 0 : i32
        %dma_start3A_2146 = tpu.memref_slice %arg3[%dma_start3A_2144, %dma_start3A_2145] : memref<1000001x32xf32, #tpu.memory_space<hbm>> -> memref<1000001x32xf32, #tpu.memory_space<hbm>>
        tpu.enqueue_indirect_dma source(%dma_start3A_2146 : memref<1000001x32xf32, #tpu.memory_space<hbm>>) target(%dma_start3A_2140 : memref<40x32xf32, #tpu.memory_space<vmem>>) offsets(%dma_start3A_2143 : memref<40xi32, #tpu.memory_space<vmem>>) semaphore(%arg9 : memref<!tpu.dma_semaphore, #tpu.memory_space<semaphore_mem>>)
        %dma_start3A_2147 = arith.constant 0 : i32
        %dma_start3A_2148 = arith.constant 4 : i32
        %dma_start3A_2149 = arith.constant 0 : i32
        %dma_start3A_2150 = arith.constant 4 : i32
        %dma_start3A_2151 = arith.constant 120 : i32
        %dma_start3A_2152 = arith.constant 0 : i32
        %dma_start3A_2153 = tpu.memref_slice %arg7[%dma_start3A_2149, %dma_start3A_2150, %dma_start3A_2151, %dma_start3A_2152] : memref<2x8x200x32xf32, #tpu.memory_space<vmem>> -> memref<1x1x40x32xf32, #tpu.memory_space<vmem>>
        %dma_start3A_2154 = tpu.memref_squeeze %dma_start3A_2153 : memref<1x1x40x32xf32, #tpu.memory_space<vmem>> -> memref<40x32xf32, #tpu.memory_space<vmem>>
        %dma_start3A_2155 = arith.constant 120 : i32
        %dma_start3A_2156 = tpu.memref_slice %arg6[%dma_start3A_2147, %dma_start3A_2148, %dma_start3A_2155] : memref<2x8x200xi32, #tpu.memory_space<vmem>> -> memref<1x1x40xi32, #tpu.memory_space<vmem>>
        %dma_start3A_2157 = tpu.memref_squeeze %dma_start3A_2156 : memref<1x1x40xi32, #tpu.memory_space<vmem>> -> memref<40xi32, #tpu.memory_space<vmem>>
        %dma_start3A_2158 = arith.constant 0 : i32
        %dma_start3A_2159 = arith.constant 0 : i32
        %dma_start3A_2160 = tpu.memref_slice %arg3[%dma_start3A_2158, %dma_start3A_2159] : memref<1000001x32xf32, #tpu.memory_space<hbm>> -> memref<1000001x32xf32, #tpu.memory_space<hbm>>
        tpu.enqueue_indirect_dma source(%dma_start3A_2160 : memref<1000001x32xf32, #tpu.memory_space<hbm>>) target(%dma_start3A_2154 : memref<40x32xf32, #tpu.memory_space<vmem>>) offsets(%dma_start3A_2157 : memref<40xi32, #tpu.memory_space<vmem>>) semaphore(%arg9 : memref<!tpu.dma_semaphore, #tpu.memory_space<semaphore_mem>>)
        %dma_start3A_2161 = arith.constant 0 : i32
        %dma_start3A_2162 = arith.constant 4 : i32
        %dma_start3A_2163 = arith.constant 0 : i32
        %dma_start3A_2164 = arith.constant 4 : i32
        %dma_start3A_2165 = arith.constant 160 : i32
        %dma_start3A_2166 = arith.constant 0 : i32
        %dma_start3A_2167 = tpu.memref_slice %arg7[%dma_start3A_2163, %dma_start3A_2164, %dma_start3A_2165, %dma_start3A_2166] : memref<2x8x200x32xf32, #tpu.memory_space<vmem>> -> memref<1x1x40x32xf32, #tpu.memory_space<vmem>>
        %dma_start3A_2168 = tpu.memref_squeeze %dma_start3A_2167 : memref<1x1x40x32xf32, #tpu.memory_space<vmem>> -> memref<40x32xf32, #tpu.memory_space<vmem>>
        %dma_start3A_2169 = arith.constant 160 : i32
        %dma_start3A_2170 = tpu.memref_slice %arg6[%dma_start3A_2161, %dma_start3A_2162, %dma_start3A_2169] : memref<2x8x200xi32, #tpu.memory_space<vmem>> -> memref<1x1x40xi32, #tpu.memory_space<vmem>>
        %dma_start3A_2171 = tpu.memref_squeeze %dma_start3A_2170 : memref<1x1x40xi32, #tpu.memory_space<vmem>> -> memref<40xi32, #tpu.memory_space<vmem>>
        %dma_start3A_2172 = arith.constant 0 : i32
        %dma_start3A_2173 = arith.constant 0 : i32
        %dma_start3A_2174 = tpu.memref_slice %arg3[%dma_start3A_2172, %dma_start3A_2173] : memref<1000001x32xf32, #tpu.memory_space<hbm>> -> memref<1000001x32xf32, #tpu.memory_space<hbm>>
        tpu.enqueue_indirect_dma source(%dma_start3A_2174 : memref<1000001x32xf32, #tpu.memory_space<hbm>>) target(%dma_start3A_2168 : memref<40x32xf32, #tpu.memory_space<vmem>>) offsets(%dma_start3A_2171 : memref<40xi32, #tpu.memory_space<vmem>>) semaphore(%arg9 : memref<!tpu.dma_semaphore, #tpu.memory_space<semaphore_mem>>)
        %dma_start3A_2175 = arith.constant 0 : i32
        %dma_start3A_2176 = arith.constant 5 : i32
        %dma_start3A_2177 = arith.constant 0 : i32
        %dma_start3A_2178 = arith.constant 5 : i32
        %dma_start3A_2179 = arith.constant 0 : i32
        %dma_start3A_2180 = arith.constant 0 : i32
        %dma_start3A_2181 = tpu.memref_slice %arg7[%dma_start3A_2177, %dma_start3A_2178, %dma_start3A_2179, %dma_start3A_2180] : memref<2x8x200x32xf32, #tpu.memory_space<vmem>> -> memref<1x1x40x32xf32, #tpu.memory_space<vmem>>
        %dma_start3A_2182 = tpu.memref_squeeze %dma_start3A_2181 : memref<1x1x40x32xf32, #tpu.memory_space<vmem>> -> memref<40x32xf32, #tpu.memory_space<vmem>>
        %dma_start3A_2183 = arith.constant 0 : i32
        %dma_start3A_2184 = tpu.memref_slice %arg6[%dma_start3A_2175, %dma_start3A_2176, %dma_start3A_2183] : memref<2x8x200xi32, #tpu.memory_space<vmem>> -> memref<1x1x40xi32, #tpu.memory_space<vmem>>
        %dma_start3A_2185 = tpu.memref_squeeze %dma_start3A_2184 : memref<1x1x40xi32, #tpu.memory_space<vmem>> -> memref<40xi32, #tpu.memory_space<vmem>>
        %dma_start3A_2186 = arith.constant 0 : i32
        %dma_start3A_2187 = arith.constant 0 : i32
        %dma_start3A_2188 = tpu.memref_slice %arg3[%dma_start3A_2186, %dma_start3A_2187] : memref<1000001x32xf32, #tpu.memory_space<hbm>> -> memref<1000001x32xf32, #tpu.memory_space<hbm>>
        tpu.enqueue_indirect_dma source(%dma_start3A_2188 : memref<1000001x32xf32, #tpu.memory_space<hbm>>) target(%dma_start3A_2182 : memref<40x32xf32, #tpu.memory_space<vmem>>) offsets(%dma_start3A_2185 : memref<40xi32, #tpu.memory_space<vmem>>) semaphore(%arg9 : memref<!tpu.dma_semaphore, #tpu.memory_space<semaphore_mem>>)
        %dma_start3A_2189 = arith.constant 0 : i32
        %dma_start3A_2190 = arith.constant 5 : i32
        %dma_start3A_2191 = arith.constant 0 : i32
        %dma_start3A_2192 = arith.constant 5 : i32
        %dma_start3A_2193 = arith.constant 40 : i32
        %dma_start3A_2194 = arith.constant 0 : i32
        %dma_start3A_2195 = tpu.memref_slice %arg7[%dma_start3A_2191, %dma_start3A_2192, %dma_start3A_2193, %dma_start3A_2194] : memref<2x8x200x32xf32, #tpu.memory_space<vmem>> -> memref<1x1x40x32xf32, #tpu.memory_space<vmem>>
        %dma_start3A_2196 = tpu.memref_squeeze %dma_start3A_2195 : memref<1x1x40x32xf32, #tpu.memory_space<vmem>> -> memref<40x32xf32, #tpu.memory_space<vmem>>
        %dma_start3A_2197 = arith.constant 40 : i32
        %dma_start3A_2198 = tpu.memref_slice %arg6[%dma_start3A_2189, %dma_start3A_2190, %dma_start3A_2197] : memref<2x8x200xi32, #tpu.memory_space<vmem>> -> memref<1x1x40xi32, #tpu.memory_space<vmem>>
        %dma_start3A_2199 = tpu.memref_squeeze %dma_start3A_2198 : memref<1x1x40xi32, #tpu.memory_space<vmem>> -> memref<40xi32, #tpu.memory_space<vmem>>
        %dma_start3A_2200 = arith.constant 0 : i32
        %dma_start3A_2201 = arith.constant 0 : i32
        %dma_start3A_2202 = tpu.memref_slice %arg3[%dma_start3A_2200, %dma_start3A_2201] : memref<1000001x32xf32, #tpu.memory_space<hbm>> -> memref<1000001x32xf32, #tpu.memory_space<hbm>>
        tpu.enqueue_indirect_dma source(%dma_start3A_2202 : memref<1000001x32xf32, #tpu.memory_space<hbm>>) target(%dma_start3A_2196 : memref<40x32xf32, #tpu.memory_space<vmem>>) offsets(%dma_start3A_2199 : memref<40xi32, #tpu.memory_space<vmem>>) semaphore(%arg9 : memref<!tpu.dma_semaphore, #tpu.memory_space<semaphore_mem>>)
        %dma_start3A_2203 = arith.constant 0 : i32
        %dma_start3A_2204 = arith.constant 5 : i32
        %dma_start3A_2205 = arith.constant 0 : i32
        %dma_start3A_2206 = arith.constant 5 : i32
        %dma_start3A_2207 = arith.constant 80 : i32
        %dma_start3A_2208 = arith.constant 0 : i32
        %dma_start3A_2209 = tpu.memref_slice %arg7[%dma_start3A_2205, %dma_start3A_2206, %dma_start3A_2207, %dma_start3A_2208] : memref<2x8x200x32xf32, #tpu.memory_space<vmem>> -> memref<1x1x40x32xf32, #tpu.memory_space<vmem>>
        %dma_start3A_2210 = tpu.memref_squeeze %dma_start3A_2209 : memref<1x1x40x32xf32, #tpu.memory_space<vmem>> -> memref<40x32xf32, #tpu.memory_space<vmem>>
        %dma_start3A_2211 = arith.constant 80 : i32
        %dma_start3A_2212 = tpu.memref_slice %arg6[%dma_start3A_2203, %dma_start3A_2204, %dma_start3A_2211] : memref<2x8x200xi32, #tpu.memory_space<vmem>> -> memref<1x1x40xi32, #tpu.memory_space<vmem>>
        %dma_start3A_2213 = tpu.memref_squeeze %dma_start3A_2212 : memref<1x1x40xi32, #tpu.memory_space<vmem>> -> memref<40xi32, #tpu.memory_space<vmem>>
        %dma_start3A_2214 = arith.constant 0 : i32
        %dma_start3A_2215 = arith.constant 0 : i32
        %dma_start3A_2216 = tpu.memref_slice %arg3[%dma_start3A_2214, %dma_start3A_2215] : memref<1000001x32xf32, #tpu.memory_space<hbm>> -> memref<1000001x32xf32, #tpu.memory_space<hbm>>
        tpu.enqueue_indirect_dma source(%dma_start3A_2216 : memref<1000001x32xf32, #tpu.memory_space<hbm>>) target(%dma_start3A_2210 : memref<40x32xf32, #tpu.memory_space<vmem>>) offsets(%dma_start3A_2213 : memref<40xi32, #tpu.memory_space<vmem>>) semaphore(%arg9 : memref<!tpu.dma_semaphore, #tpu.memory_space<semaphore_mem>>)
        %dma_start3A_2217 = arith.constant 0 : i32
        %dma_start3A_2218 = arith.constant 5 : i32
        %dma_start3A_2219 = arith.constant 0 : i32
        %dma_start3A_2220 = arith.constant 5 : i32
        %dma_start3A_2221 = arith.constant 120 : i32
        %dma_start3A_2222 = arith.constant 0 : i32
        %dma_start3A_2223 = tpu.memref_slice %arg7[%dma_start3A_2219, %dma_start3A_2220, %dma_start3A_2221, %dma_start3A_2222] : memref<2x8x200x32xf32, #tpu.memory_space<vmem>> -> memref<1x1x40x32xf32, #tpu.memory_space<vmem>>
        %dma_start3A_2224 = tpu.memref_squeeze %dma_start3A_2223 : memref<1x1x40x32xf32, #tpu.memory_space<vmem>> -> memref<40x32xf32, #tpu.memory_space<vmem>>
        %dma_start3A_2225 = arith.constant 120 : i32
        %dma_start3A_2226 = tpu.memref_slice %arg6[%dma_start3A_2217, %dma_start3A_2218, %dma_start3A_2225] : memref<2x8x200xi32, #tpu.memory_space<vmem>> -> memref<1x1x40xi32, #tpu.memory_space<vmem>>
        %dma_start3A_2227 = tpu.memref_squeeze %dma_start3A_2226 : memref<1x1x40xi32, #tpu.memory_space<vmem>> -> memref<40xi32, #tpu.memory_space<vmem>>
        %dma_start3A_2228 = arith.constant 0 : i32
        %dma_start3A_2229 = arith.constant 0 : i32
        %dma_start3A_2230 = tpu.memref_slice %arg3[%dma_start3A_2228, %dma_start3A_2229] : memref<1000001x32xf32, #tpu.memory_space<hbm>> -> memref<1000001x32xf32, #tpu.memory_space<hbm>>
        tpu.enqueue_indirect_dma source(%dma_start3A_2230 : memref<1000001x32xf32, #tpu.memory_space<hbm>>) target(%dma_start3A_2224 : memref<40x32xf32, #tpu.memory_space<vmem>>) offsets(%dma_start3A_2227 : memref<40xi32, #tpu.memory_space<vmem>>) semaphore(%arg9 : memref<!tpu.dma_semaphore, #tpu.memory_space<semaphore_mem>>)
        %dma_start3A_2231 = arith.constant 0 : i32
        %dma_start3A_2232 = arith.constant 5 : i32
        %dma_start3A_2233 = arith.constant 0 : i32
        %dma_start3A_2234 = arith.constant 5 : i32
        %dma_start3A_2235 = arith.constant 160 : i32
        %dma_start3A_2236 = arith.constant 0 : i32
        %dma_start3A_2237 = tpu.memref_slice %arg7[%dma_start3A_2233, %dma_start3A_2234, %dma_start3A_2235, %dma_start3A_2236] : memref<2x8x200x32xf32, #tpu.memory_space<vmem>> -> memref<1x1x40x32xf32, #tpu.memory_space<vmem>>
        %dma_start3A_2238 = tpu.memref_squeeze %dma_start3A_2237 : memref<1x1x40x32xf32, #tpu.memory_space<vmem>> -> memref<40x32xf32, #tpu.memory_space<vmem>>
        %dma_start3A_2239 = arith.constant 160 : i32
        %dma_start3A_2240 = tpu.memref_slice %arg6[%dma_start3A_2231, %dma_start3A_2232, %dma_start3A_2239] : memref<2x8x200xi32, #tpu.memory_space<vmem>> -> memref<1x1x40xi32, #tpu.memory_space<vmem>>
        %dma_start3A_2241 = tpu.memref_squeeze %dma_start3A_2240 : memref<1x1x40xi32, #tpu.memory_space<vmem>> -> memref<40xi32, #tpu.memory_space<vmem>>
        %dma_start3A_2242 = arith.constant 0 : i32
        %dma_start3A_2243 = arith.constant 0 : i32
        %dma_start3A_2244 = tpu.memref_slice %arg3[%dma_start3A_2242, %dma_start3A_2243] : memref<1000001x32xf32, #tpu.memory_space<hbm>> -> memref<1000001x32xf32, #tpu.memory_space<hbm>>
        tpu.enqueue_indirect_dma source(%dma_start3A_2244 : memref<1000001x32xf32, #tpu.memory_space<hbm>>) target(%dma_start3A_2238 : memref<40x32xf32, #tpu.memory_space<vmem>>) offsets(%dma_start3A_2241 : memref<40xi32, #tpu.memory_space<vmem>>) semaphore(%arg9 : memref<!tpu.dma_semaphore, #tpu.memory_space<semaphore_mem>>)
        %dma_start3A_2245 = arith.constant 0 : i32
        %dma_start3A_2246 = arith.constant 6 : i32
        %dma_start3A_2247 = arith.constant 0 : i32
        %dma_start3A_2248 = arith.constant 6 : i32
        %dma_start3A_2249 = arith.constant 0 : i32
        %dma_start3A_2250 = arith.constant 0 : i32
        %dma_start3A_2251 = tpu.memref_slice %arg7[%dma_start3A_2247, %dma_start3A_2248, %dma_start3A_2249, %dma_start3A_2250] : memref<2x8x200x32xf32, #tpu.memory_space<vmem>> -> memref<1x1x40x32xf32, #tpu.memory_space<vmem>>
        %dma_start3A_2252 = tpu.memref_squeeze %dma_start3A_2251 : memref<1x1x40x32xf32, #tpu.memory_space<vmem>> -> memref<40x32xf32, #tpu.memory_space<vmem>>
        %dma_start3A_2253 = arith.constant 0 : i32
        %dma_start3A_2254 = tpu.memref_slice %arg6[%dma_start3A_2245, %dma_start3A_2246, %dma_start3A_2253] : memref<2x8x200xi32, #tpu.memory_space<vmem>> -> memref<1x1x40xi32, #tpu.memory_space<vmem>>
        %dma_start3A_2255 = tpu.memref_squeeze %dma_start3A_2254 : memref<1x1x40xi32, #tpu.memory_space<vmem>> -> memref<40xi32, #tpu.memory_space<vmem>>
        %dma_start3A_2256 = arith.constant 0 : i32
        %dma_start3A_2257 = arith.constant 0 : i32
        %dma_start3A_2258 = tpu.memref_slice %arg3[%dma_start3A_2256, %dma_start3A_2257] : memref<1000001x32xf32, #tpu.memory_space<hbm>> -> memref<1000001x32xf32, #tpu.memory_space<hbm>>
        tpu.enqueue_indirect_dma source(%dma_start3A_2258 : memref<1000001x32xf32, #tpu.memory_space<hbm>>) target(%dma_start3A_2252 : memref<40x32xf32, #tpu.memory_space<vmem>>) offsets(%dma_start3A_2255 : memref<40xi32, #tpu.memory_space<vmem>>) semaphore(%arg9 : memref<!tpu.dma_semaphore, #tpu.memory_space<semaphore_mem>>)
        %dma_start3A_2259 = arith.constant 0 : i32
        %dma_start3A_2260 = arith.constant 6 : i32
        %dma_start3A_2261 = arith.constant 0 : i32
        %dma_start3A_2262 = arith.constant 6 : i32
        %dma_start3A_2263 = arith.constant 40 : i32
        %dma_start3A_2264 = arith.constant 0 : i32
        %dma_start3A_2265 = tpu.memref_slice %arg7[%dma_start3A_2261, %dma_start3A_2262, %dma_start3A_2263, %dma_start3A_2264] : memref<2x8x200x32xf32, #tpu.memory_space<vmem>> -> memref<1x1x40x32xf32, #tpu.memory_space<vmem>>
        %dma_start3A_2266 = tpu.memref_squeeze %dma_start3A_2265 : memref<1x1x40x32xf32, #tpu.memory_space<vmem>> -> memref<40x32xf32, #tpu.memory_space<vmem>>
        %dma_start3A_2267 = arith.constant 40 : i32
        %dma_start3A_2268 = tpu.memref_slice %arg6[%dma_start3A_2259, %dma_start3A_2260, %dma_start3A_2267] : memref<2x8x200xi32, #tpu.memory_space<vmem>> -> memref<1x1x40xi32, #tpu.memory_space<vmem>>
        %dma_start3A_2269 = tpu.memref_squeeze %dma_start3A_2268 : memref<1x1x40xi32, #tpu.memory_space<vmem>> -> memref<40xi32, #tpu.memory_space<vmem>>
        %dma_start3A_2270 = arith.constant 0 : i32
        %dma_start3A_2271 = arith.constant 0 : i32
        %dma_start3A_2272 = tpu.memref_slice %arg3[%dma_start3A_2270, %dma_start3A_2271] : memref<1000001x32xf32, #tpu.memory_space<hbm>> -> memref<1000001x32xf32, #tpu.memory_space<hbm>>
        tpu.enqueue_indirect_dma source(%dma_start3A_2272 : memref<1000001x32xf32, #tpu.memory_space<hbm>>) target(%dma_start3A_2266 : memref<40x32xf32, #tpu.memory_space<vmem>>) offsets(%dma_start3A_2269 : memref<40xi32, #tpu.memory_space<vmem>>) semaphore(%arg9 : memref<!tpu.dma_semaphore, #tpu.memory_space<semaphore_mem>>)
        %dma_start3A_2273 = arith.constant 0 : i32
        %dma_start3A_2274 = arith.constant 6 : i32
        %dma_start3A_2275 = arith.constant 0 : i32
        %dma_start3A_2276 = arith.constant 6 : i32
        %dma_start3A_2277 = arith.constant 80 : i32
        %dma_start3A_2278 = arith.constant 0 : i32
        %dma_start3A_2279 = tpu.memref_slice %arg7[%dma_start3A_2275, %dma_start3A_2276, %dma_start3A_2277, %dma_start3A_2278] : memref<2x8x200x32xf32, #tpu.memory_space<vmem>> -> memref<1x1x40x32xf32, #tpu.memory_space<vmem>>
        %dma_start3A_2280 = tpu.memref_squeeze %dma_start3A_2279 : memref<1x1x40x32xf32, #tpu.memory_space<vmem>> -> memref<40x32xf32, #tpu.memory_space<vmem>>
        %dma_start3A_2281 = arith.constant 80 : i32
        %dma_start3A_2282 = tpu.memref_slice %arg6[%dma_start3A_2273, %dma_start3A_2274, %dma_start3A_2281] : memref<2x8x200xi32, #tpu.memory_space<vmem>> -> memref<1x1x40xi32, #tpu.memory_space<vmem>>
        %dma_start3A_2283 = tpu.memref_squeeze %dma_start3A_2282 : memref<1x1x40xi32, #tpu.memory_space<vmem>> -> memref<40xi32, #tpu.memory_space<vmem>>
        %dma_start3A_2284 = arith.constant 0 : i32
        %dma_start3A_2285 = arith.constant 0 : i32
        %dma_start3A_2286 = tpu.memref_slice %arg3[%dma_start3A_2284, %dma_start3A_2285] : memref<1000001x32xf32, #tpu.memory_space<hbm>> -> memref<1000001x32xf32, #tpu.memory_space<hbm>>
        tpu.enqueue_indirect_dma source(%dma_start3A_2286 : memref<1000001x32xf32, #tpu.memory_space<hbm>>) target(%dma_start3A_2280 : memref<40x32xf32, #tpu.memory_space<vmem>>) offsets(%dma_start3A_2283 : memref<40xi32, #tpu.memory_space<vmem>>) semaphore(%arg9 : memref<!tpu.dma_semaphore, #tpu.memory_space<semaphore_mem>>)
        %dma_start3A_2287 = arith.constant 0 : i32
        %dma_start3A_2288 = arith.constant 6 : i32
        %dma_start3A_2289 = arith.constant 0 : i32
        %dma_start3A_2290 = arith.constant 6 : i32
        %dma_start3A_2291 = arith.constant 120 : i32
        %dma_start3A_2292 = arith.constant 0 : i32
        %dma_start3A_2293 = tpu.memref_slice %arg7[%dma_start3A_2289, %dma_start3A_2290, %dma_start3A_2291, %dma_start3A_2292] : memref<2x8x200x32xf32, #tpu.memory_space<vmem>> -> memref<1x1x40x32xf32, #tpu.memory_space<vmem>>
        %dma_start3A_2294 = tpu.memref_squeeze %dma_start3A_2293 : memref<1x1x40x32xf32, #tpu.memory_space<vmem>> -> memref<40x32xf32, #tpu.memory_space<vmem>>
        %dma_start3A_2295 = arith.constant 120 : i32
        %dma_start3A_2296 = tpu.memref_slice %arg6[%dma_start3A_2287, %dma_start3A_2288, %dma_start3A_2295] : memref<2x8x200xi32, #tpu.memory_space<vmem>> -> memref<1x1x40xi32, #tpu.memory_space<vmem>>
        %dma_start3A_2297 = tpu.memref_squeeze %dma_start3A_2296 : memref<1x1x40xi32, #tpu.memory_space<vmem>> -> memref<40xi32, #tpu.memory_space<vmem>>
        %dma_start3A_2298 = arith.constant 0 : i32
        %dma_start3A_2299 = arith.constant 0 : i32
        %dma_start3A_2300 = tpu.memref_slice %arg3[%dma_start3A_2298, %dma_start3A_2299] : memref<1000001x32xf32, #tpu.memory_space<hbm>> -> memref<1000001x32xf32, #tpu.memory_space<hbm>>
        tpu.enqueue_indirect_dma source(%dma_start3A_2300 : memref<1000001x32xf32, #tpu.memory_space<hbm>>) target(%dma_start3A_2294 : memref<40x32xf32, #tpu.memory_space<vmem>>) offsets(%dma_start3A_2297 : memref<40xi32, #tpu.memory_space<vmem>>) semaphore(%arg9 : memref<!tpu.dma_semaphore, #tpu.memory_space<semaphore_mem>>)
        %dma_start3A_2301 = arith.constant 0 : i32
        %dma_start3A_2302 = arith.constant 6 : i32
        %dma_start3A_2303 = arith.constant 0 : i32
        %dma_start3A_2304 = arith.constant 6 : i32
        %dma_start3A_2305 = arith.constant 160 : i32
        %dma_start3A_2306 = arith.constant 0 : i32
        %dma_start3A_2307 = tpu.memref_slice %arg7[%dma_start3A_2303, %dma_start3A_2304, %dma_start3A_2305, %dma_start3A_2306] : memref<2x8x200x32xf32, #tpu.memory_space<vmem>> -> memref<1x1x40x32xf32, #tpu.memory_space<vmem>>
        %dma_start3A_2308 = tpu.memref_squeeze %dma_start3A_2307 : memref<1x1x40x32xf32, #tpu.memory_space<vmem>> -> memref<40x32xf32, #tpu.memory_space<vmem>>
        %dma_start3A_2309 = arith.constant 160 : i32
        %dma_start3A_2310 = tpu.memref_slice %arg6[%dma_start3A_2301, %dma_start3A_2302, %dma_start3A_2309] : memref<2x8x200xi32, #tpu.memory_space<vmem>> -> memref<1x1x40xi32, #tpu.memory_space<vmem>>
        %dma_start3A_2311 = tpu.memref_squeeze %dma_start3A_2310 : memref<1x1x40xi32, #tpu.memory_space<vmem>> -> memref<40xi32, #tpu.memory_space<vmem>>
        %dma_start3A_2312 = arith.constant 0 : i32
        %dma_start3A_2313 = arith.constant 0 : i32
        %dma_start3A_2314 = tpu.memref_slice %arg3[%dma_start3A_2312, %dma_start3A_2313] : memref<1000001x32xf32, #tpu.memory_space<hbm>> -> memref<1000001x32xf32, #tpu.memory_space<hbm>>
        tpu.enqueue_indirect_dma source(%dma_start3A_2314 : memref<1000001x32xf32, #tpu.memory_space<hbm>>) target(%dma_start3A_2308 : memref<40x32xf32, #tpu.memory_space<vmem>>) offsets(%dma_start3A_2311 : memref<40xi32, #tpu.memory_space<vmem>>) semaphore(%arg9 : memref<!tpu.dma_semaphore, #tpu.memory_space<semaphore_mem>>)
        %dma_start3A_2315 = arith.constant 0 : i32
        %dma_start3A_2316 = arith.constant 7 : i32
        %dma_start3A_2317 = arith.constant 0 : i32
        %dma_start3A_2318 = arith.constant 7 : i32
        %dma_start3A_2319 = arith.constant 0 : i32
        %dma_start3A_2320 = arith.constant 0 : i32
        %dma_start3A_2321 = tpu.memref_slice %arg7[%dma_start3A_2317, %dma_start3A_2318, %dma_start3A_2319, %dma_start3A_2320] : memref<2x8x200x32xf32, #tpu.memory_space<vmem>> -> memref<1x1x40x32xf32, #tpu.memory_space<vmem>>
        %dma_start3A_2322 = tpu.memref_squeeze %dma_start3A_2321 : memref<1x1x40x32xf32, #tpu.memory_space<vmem>> -> memref<40x32xf32, #tpu.memory_space<vmem>>
        %dma_start3A_2323 = arith.constant 0 : i32
        %dma_start3A_2324 = tpu.memref_slice %arg6[%dma_start3A_2315, %dma_start3A_2316, %dma_start3A_2323] : memref<2x8x200xi32, #tpu.memory_space<vmem>> -> memref<1x1x40xi32, #tpu.memory_space<vmem>>
        %dma_start3A_2325 = tpu.memref_squeeze %dma_start3A_2324 : memref<1x1x40xi32, #tpu.memory_space<vmem>> -> memref<40xi32, #tpu.memory_space<vmem>>
        %dma_start3A_2326 = arith.constant 0 : i32
        %dma_start3A_2327 = arith.constant 0 : i32
        %dma_start3A_2328 = tpu.memref_slice %arg3[%dma_start3A_2326, %dma_start3A_2327] : memref<1000001x32xf32, #tpu.memory_space<hbm>> -> memref<1000001x32xf32, #tpu.memory_space<hbm>>
        tpu.enqueue_indirect_dma source(%dma_start3A_2328 : memref<1000001x32xf32, #tpu.memory_space<hbm>>) target(%dma_start3A_2322 : memref<40x32xf32, #tpu.memory_space<vmem>>) offsets(%dma_start3A_2325 : memref<40xi32, #tpu.memory_space<vmem>>) semaphore(%arg9 : memref<!tpu.dma_semaphore, #tpu.memory_space<semaphore_mem>>)
        %dma_start3A_2329 = arith.constant 0 : i32
        %dma_start3A_2330 = arith.constant 7 : i32
        %dma_start3A_2331 = arith.constant 0 : i32
        %dma_start3A_2332 = arith.constant 7 : i32
        %dma_start3A_2333 = arith.constant 40 : i32
        %dma_start3A_2334 = arith.constant 0 : i32
        %dma_start3A_2335 = tpu.memref_slice %arg7[%dma_start3A_2331, %dma_start3A_2332, %dma_start3A_2333, %dma_start3A_2334] : memref<2x8x200x32xf32, #tpu.memory_space<vmem>> -> memref<1x1x40x32xf32, #tpu.memory_space<vmem>>
        %dma_start3A_2336 = tpu.memref_squeeze %dma_start3A_2335 : memref<1x1x40x32xf32, #tpu.memory_space<vmem>> -> memref<40x32xf32, #tpu.memory_space<vmem>>
        %dma_start3A_2337 = arith.constant 40 : i32
        %dma_start3A_2338 = tpu.memref_slice %arg6[%dma_start3A_2329, %dma_start3A_2330, %dma_start3A_2337] : memref<2x8x200xi32, #tpu.memory_space<vmem>> -> memref<1x1x40xi32, #tpu.memory_space<vmem>>
        %dma_start3A_2339 = tpu.memref_squeeze %dma_start3A_2338 : memref<1x1x40xi32, #tpu.memory_space<vmem>> -> memref<40xi32, #tpu.memory_space<vmem>>
        %dma_start3A_2340 = arith.constant 0 : i32
        %dma_start3A_2341 = arith.constant 0 : i32
        %dma_start3A_2342 = tpu.memref_slice %arg3[%dma_start3A_2340, %dma_start3A_2341] : memref<1000001x32xf32, #tpu.memory_space<hbm>> -> memref<1000001x32xf32, #tpu.memory_space<hbm>>
        tpu.enqueue_indirect_dma source(%dma_start3A_2342 : memref<1000001x32xf32, #tpu.memory_space<hbm>>) target(%dma_start3A_2336 : memref<40x32xf32, #tpu.memory_space<vmem>>) offsets(%dma_start3A_2339 : memref<40xi32, #tpu.memory_space<vmem>>) semaphore(%arg9 : memref<!tpu.dma_semaphore, #tpu.memory_space<semaphore_mem>>)
        %dma_start3A_2343 = arith.constant 0 : i32
        %dma_start3A_2344 = arith.constant 7 : i32
        %dma_start3A_2345 = arith.constant 0 : i32
        %dma_start3A_2346 = arith.constant 7 : i32
        %dma_start3A_2347 = arith.constant 80 : i32
        %dma_start3A_2348 = arith.constant 0 : i32
        %dma_start3A_2349 = tpu.memref_slice %arg7[%dma_start3A_2345, %dma_start3A_2346, %dma_start3A_2347, %dma_start3A_2348] : memref<2x8x200x32xf32, #tpu.memory_space<vmem>> -> memref<1x1x40x32xf32, #tpu.memory_space<vmem>>
        %dma_start3A_2350 = tpu.memref_squeeze %dma_start3A_2349 : memref<1x1x40x32xf32, #tpu.memory_space<vmem>> -> memref<40x32xf32, #tpu.memory_space<vmem>>
        %dma_start3A_2351 = arith.constant 80 : i32
        %dma_start3A_2352 = tpu.memref_slice %arg6[%dma_start3A_2343, %dma_start3A_2344, %dma_start3A_2351] : memref<2x8x200xi32, #tpu.memory_space<vmem>> -> memref<1x1x40xi32, #tpu.memory_space<vmem>>
        %dma_start3A_2353 = tpu.memref_squeeze %dma_start3A_2352 : memref<1x1x40xi32, #tpu.memory_space<vmem>> -> memref<40xi32, #tpu.memory_space<vmem>>
        %dma_start3A_2354 = arith.constant 0 : i32
        %dma_start3A_2355 = arith.constant 0 : i32
        %dma_start3A_2356 = tpu.memref_slice %arg3[%dma_start3A_2354, %dma_start3A_2355] : memref<1000001x32xf32, #tpu.memory_space<hbm>> -> memref<1000001x32xf32, #tpu.memory_space<hbm>>
        tpu.enqueue_indirect_dma source(%dma_start3A_2356 : memref<1000001x32xf32, #tpu.memory_space<hbm>>) target(%dma_start3A_2350 : memref<40x32xf32, #tpu.memory_space<vmem>>) offsets(%dma_start3A_2353 : memref<40xi32, #tpu.memory_space<vmem>>) semaphore(%arg9 : memref<!tpu.dma_semaphore, #tpu.memory_space<semaphore_mem>>)
        %dma_start3A_2357 = arith.constant 0 : i32
        %dma_start3A_2358 = arith.constant 7 : i32
        %dma_start3A_2359 = arith.constant 0 : i32
        %dma_start3A_2360 = arith.constant 7 : i32
        %dma_start3A_2361 = arith.constant 120 : i32
        %dma_start3A_2362 = arith.constant 0 : i32
        %dma_start3A_2363 = tpu.memref_slice %arg7[%dma_start3A_2359, %dma_start3A_2360, %dma_start3A_2361, %dma_start3A_2362] : memref<2x8x200x32xf32, #tpu.memory_space<vmem>> -> memref<1x1x40x32xf32, #tpu.memory_space<vmem>>
        %dma_start3A_2364 = tpu.memref_squeeze %dma_start3A_2363 : memref<1x1x40x32xf32, #tpu.memory_space<vmem>> -> memref<40x32xf32, #tpu.memory_space<vmem>>
        %dma_start3A_2365 = arith.constant 120 : i32
        %dma_start3A_2366 = tpu.memref_slice %arg6[%dma_start3A_2357, %dma_start3A_2358, %dma_start3A_2365] : memref<2x8x200xi32, #tpu.memory_space<vmem>> -> memref<1x1x40xi32, #tpu.memory_space<vmem>>
        %dma_start3A_2367 = tpu.memref_squeeze %dma_start3A_2366 : memref<1x1x40xi32, #tpu.memory_space<vmem>> -> memref<40xi32, #tpu.memory_space<vmem>>
        %dma_start3A_2368 = arith.constant 0 : i32
        %dma_start3A_2369 = arith.constant 0 : i32
        %dma_start3A_2370 = tpu.memref_slice %arg3[%dma_start3A_2368, %dma_start3A_2369] : memref<1000001x32xf32, #tpu.memory_space<hbm>> -> memref<1000001x32xf32, #tpu.memory_space<hbm>>
        tpu.enqueue_indirect_dma source(%dma_start3A_2370 : memref<1000001x32xf32, #tpu.memory_space<hbm>>) target(%dma_start3A_2364 : memref<40x32xf32, #tpu.memory_space<vmem>>) offsets(%dma_start3A_2367 : memref<40xi32, #tpu.memory_space<vmem>>) semaphore(%arg9 : memref<!tpu.dma_semaphore, #tpu.memory_space<semaphore_mem>>)
        %dma_start3A_2371 = arith.constant 0 : i32
        %dma_start3A_2372 = arith.constant 7 : i32
        %dma_start3A_2373 = arith.constant 0 : i32
        %dma_start3A_2374 = arith.constant 7 : i32
        %dma_start3A_2375 = arith.constant 160 : i32
        %dma_start3A_2376 = arith.constant 0 : i32
        %dma_start3A_2377 = tpu.memref_slice %arg7[%dma_start3A_2373, %dma_start3A_2374, %dma_start3A_2375, %dma_start3A_2376] : memref<2x8x200x32xf32, #tpu.memory_space<vmem>> -> memref<1x1x40x32xf32, #tpu.memory_space<vmem>>
        %dma_start3A_2378 = tpu.memref_squeeze %dma_start3A_2377 : memref<1x1x40x32xf32, #tpu.memory_space<vmem>> -> memref<40x32xf32, #tpu.memory_space<vmem>>
        %dma_start3A_2379 = arith.constant 160 : i32
        %dma_start3A_2380 = tpu.memref_slice %arg6[%dma_start3A_2371, %dma_start3A_2372, %dma_start3A_2379] : memref<2x8x200xi32, #tpu.memory_space<vmem>> -> memref<1x1x40xi32, #tpu.memory_space<vmem>>
        %dma_start3A_2381 = tpu.memref_squeeze %dma_start3A_2380 : memref<1x1x40xi32, #tpu.memory_space<vmem>> -> memref<40xi32, #tpu.memory_space<vmem>>
        %dma_start3A_2382 = arith.constant 0 : i32
        %dma_start3A_2383 = arith.constant 0 : i32
        %dma_start3A_2384 = tpu.memref_slice %arg3[%dma_start3A_2382, %dma_start3A_2383] : memref<1000001x32xf32, #tpu.memory_space<hbm>> -> memref<1000001x32xf32, #tpu.memory_space<hbm>>
        tpu.enqueue_indirect_dma source(%dma_start3A_2384 : memref<1000001x32xf32, #tpu.memory_space<hbm>>) target(%dma_start3A_2378 : memref<40x32xf32, #tpu.memory_space<vmem>>) offsets(%dma_start3A_2381 : memref<40xi32, #tpu.memory_space<vmem>>) semaphore(%arg9 : memref<!tpu.dma_semaphore, #tpu.memory_space<semaphore_mem>>)
      } else {
      }
      %dma_wait3A_1231 = arith.constant 1 : i32
      %dma_wait3A_1232 = arith.constant 0 : i32
      %dma_wait3A_1233 = arith.constant 1 : i32
      %dma_wait3A_1234 = arith.constant 0 : i32
      %dma_wait3A_1235 = arith.constant 0 : i32
      %dma_wait3A_1236 = arith.constant 0 : i32
      %dma_wait3A_1237 = tpu.memref_slice %arg7[%dma_wait3A_1233, %dma_wait3A_1234, %dma_wait3A_1235, %dma_wait3A_1236] : memref<2x8x200x32xf32, #tpu.memory_space<vmem>> -> memref<1x1x40x32xf32, #tpu.memory_space<vmem>>
      %dma_wait3A_1238 = tpu.memref_squeeze %dma_wait3A_1237 : memref<1x1x40x32xf32, #tpu.memory_space<vmem>> -> memref<40x32xf32, #tpu.memory_space<vmem>>
      %dma_wait3A_1239 = arith.constant 0 : i32
      %dma_wait3A_1240 = tpu.memref_slice %arg6[%dma_wait3A_1231, %dma_wait3A_1232, %dma_wait3A_1239] : memref<2x8x200xi32, #tpu.memory_space<vmem>> -> memref<1x1x40xi32, #tpu.memory_space<vmem>>
      %dma_wait3A_1241 = tpu.memref_squeeze %dma_wait3A_1240 : memref<1x1x40xi32, #tpu.memory_space<vmem>> -> memref<40xi32, #tpu.memory_space<vmem>>
      %dma_wait3A_1242 = arith.constant 0 : i32
      %dma_wait3A_1243 = arith.constant 0 : i32
      %dma_wait3A_1244 = tpu.memref_slice %arg3[%dma_wait3A_1242, %dma_wait3A_1243] : memref<1000001x32xf32, #tpu.memory_space<hbm>> -> memref<1000001x32xf32, #tpu.memory_space<hbm>>
      tpu.wait_indirect_dma semaphore(%arg9 : memref<!tpu.dma_semaphore, #tpu.memory_space<semaphore_mem>>) src(%dma_wait3A_1244 : memref<1000001x32xf32, #tpu.memory_space<hbm>>) dst(%dma_wait3A_1238 : memref<40x32xf32, #tpu.memory_space<vmem>>)
      %dma_wait3A_1245 = arith.constant 1 : i32
      %dma_wait3A_1246 = arith.constant 0 : i32
      %dma_wait3A_1247 = arith.constant 1 : i32
      %dma_wait3A_1248 = arith.constant 0 : i32
      %dma_wait3A_1249 = arith.constant 40 : i32
      %dma_wait3A_1250 = arith.constant 0 : i32
      %dma_wait3A_1251 = tpu.memref_slice %arg7[%dma_wait3A_1247, %dma_wait3A_1248, %dma_wait3A_1249, %dma_wait3A_1250] : memref<2x8x200x32xf32, #tpu.memory_space<vmem>> -> memref<1x1x40x32xf32, #tpu.memory_space<vmem>>
      %dma_wait3A_1252 = tpu.memref_squeeze %dma_wait3A_1251 : memref<1x1x40x32xf32, #tpu.memory_space<vmem>> -> memref<40x32xf32, #tpu.memory_space<vmem>>
      %dma_wait3A_1253 = arith.constant 40 : i32
      %dma_wait3A_1254 = tpu.memref_slice %arg6[%dma_wait3A_1245, %dma_wait3A_1246, %dma_wait3A_1253] : memref<2x8x200xi32, #tpu.memory_space<vmem>> -> memref<1x1x40xi32, #tpu.memory_space<vmem>>
      %dma_wait3A_1255 = tpu.memref_squeeze %dma_wait3A_1254 : memref<1x1x40xi32, #tpu.memory_space<vmem>> -> memref<40xi32, #tpu.memory_space<vmem>>
      %dma_wait3A_1256 = arith.constant 0 : i32
      %dma_wait3A_1257 = arith.constant 0 : i32
      %dma_wait3A_1258 = tpu.memref_slice %arg3[%dma_wait3A_1256, %dma_wait3A_1257] : memref<1000001x32xf32, #tpu.memory_space<hbm>> -> memref<1000001x32xf32, #tpu.memory_space<hbm>>
      tpu.wait_indirect_dma semaphore(%arg9 : memref<!tpu.dma_semaphore, #tpu.memory_space<semaphore_mem>>) src(%dma_wait3A_1258 : memref<1000001x32xf32, #tpu.memory_space<hbm>>) dst(%dma_wait3A_1252 : memref<40x32xf32, #tpu.memory_space<vmem>>)
      %dma_wait3A_1259 = arith.constant 1 : i32
      %dma_wait3A_1260 = arith.constant 0 : i32
      %dma_wait3A_1261 = arith.constant 1 : i32
      %dma_wait3A_1262 = arith.constant 0 : i32
      %dma_wait3A_1263 = arith.constant 80 : i32
      %dma_wait3A_1264 = arith.constant 0 : i32
      %dma_wait3A_1265 = tpu.memref_slice %arg7[%dma_wait3A_1261, %dma_wait3A_1262, %dma_wait3A_1263, %dma_wait3A_1264] : memref<2x8x200x32xf32, #tpu.memory_space<vmem>> -> memref<1x1x40x32xf32, #tpu.memory_space<vmem>>
      %dma_wait3A_1266 = tpu.memref_squeeze %dma_wait3A_1265 : memref<1x1x40x32xf32, #tpu.memory_space<vmem>> -> memref<40x32xf32, #tpu.memory_space<vmem>>
      %dma_wait3A_1267 = arith.constant 80 : i32
      %dma_wait3A_1268 = tpu.memref_slice %arg6[%dma_wait3A_1259, %dma_wait3A_1260, %dma_wait3A_1267] : memref<2x8x200xi32, #tpu.memory_space<vmem>> -> memref<1x1x40xi32, #tpu.memory_space<vmem>>
      %dma_wait3A_1269 = tpu.memref_squeeze %dma_wait3A_1268 : memref<1x1x40xi32, #tpu.memory_space<vmem>> -> memref<40xi32, #tpu.memory_space<vmem>>
      %dma_wait3A_1270 = arith.constant 0 : i32
      %dma_wait3A_1271 = arith.constant 0 : i32
      %dma_wait3A_1272 = tpu.memref_slice %arg3[%dma_wait3A_1270, %dma_wait3A_1271] : memref<1000001x32xf32, #tpu.memory_space<hbm>> -> memref<1000001x32xf32, #tpu.memory_space<hbm>>
      tpu.wait_indirect_dma semaphore(%arg9 : memref<!tpu.dma_semaphore, #tpu.memory_space<semaphore_mem>>) src(%dma_wait3A_1272 : memref<1000001x32xf32, #tpu.memory_space<hbm>>) dst(%dma_wait3A_1266 : memref<40x32xf32, #tpu.memory_space<vmem>>)
      %dma_wait3A_1273 = arith.constant 1 : i32
      %dma_wait3A_1274 = arith.constant 0 : i32
      %dma_wait3A_1275 = arith.constant 1 : i32
      %dma_wait3A_1276 = arith.constant 0 : i32
      %dma_wait3A_1277 = arith.constant 120 : i32
      %dma_wait3A_1278 = arith.constant 0 : i32
      %dma_wait3A_1279 = tpu.memref_slice %arg7[%dma_wait3A_1275, %dma_wait3A_1276, %dma_wait3A_1277, %dma_wait3A_1278] : memref<2x8x200x32xf32, #tpu.memory_space<vmem>> -> memref<1x1x40x32xf32, #tpu.memory_space<vmem>>
      %dma_wait3A_1280 = tpu.memref_squeeze %dma_wait3A_1279 : memref<1x1x40x32xf32, #tpu.memory_space<vmem>> -> memref<40x32xf32, #tpu.memory_space<vmem>>
      %dma_wait3A_1281 = arith.constant 120 : i32
      %dma_wait3A_1282 = tpu.memref_slice %arg6[%dma_wait3A_1273, %dma_wait3A_1274, %dma_wait3A_1281] : memref<2x8x200xi32, #tpu.memory_space<vmem>> -> memref<1x1x40xi32, #tpu.memory_space<vmem>>
      %dma_wait3A_1283 = tpu.memref_squeeze %dma_wait3A_1282 : memref<1x1x40xi32, #tpu.memory_space<vmem>> -> memref<40xi32, #tpu.memory_space<vmem>>
      %dma_wait3A_1284 = arith.constant 0 : i32
      %dma_wait3A_1285 = arith.constant 0 : i32
      %dma_wait3A_1286 = tpu.memref_slice %arg3[%dma_wait3A_1284, %dma_wait3A_1285] : memref<1000001x32xf32, #tpu.memory_space<hbm>> -> memref<1000001x32xf32, #tpu.memory_space<hbm>>
      tpu.wait_indirect_dma semaphore(%arg9 : memref<!tpu.dma_semaphore, #tpu.memory_space<semaphore_mem>>) src(%dma_wait3A_1286 : memref<1000001x32xf32, #tpu.memory_space<hbm>>) dst(%dma_wait3A_1280 : memref<40x32xf32, #tpu.memory_space<vmem>>)
      %dma_wait3A_1287 = arith.constant 1 : i32
      %dma_wait3A_1288 = arith.constant 0 : i32
      %dma_wait3A_1289 = arith.constant 1 : i32
      %dma_wait3A_1290 = arith.constant 0 : i32
      %dma_wait3A_1291 = arith.constant 160 : i32
      %dma_wait3A_1292 = arith.constant 0 : i32
      %dma_wait3A_1293 = tpu.memref_slice %arg7[%dma_wait3A_1289, %dma_wait3A_1290, %dma_wait3A_1291, %dma_wait3A_1292] : memref<2x8x200x32xf32, #tpu.memory_space<vmem>> -> memref<1x1x40x32xf32, #tpu.memory_space<vmem>>
      %dma_wait3A_1294 = tpu.memref_squeeze %dma_wait3A_1293 : memref<1x1x40x32xf32, #tpu.memory_space<vmem>> -> memref<40x32xf32, #tpu.memory_space<vmem>>
      %dma_wait3A_1295 = arith.constant 160 : i32
      %dma_wait3A_1296 = tpu.memref_slice %arg6[%dma_wait3A_1287, %dma_wait3A_1288, %dma_wait3A_1295] : memref<2x8x200xi32, #tpu.memory_space<vmem>> -> memref<1x1x40xi32, #tpu.memory_space<vmem>>
      %dma_wait3A_1297 = tpu.memref_squeeze %dma_wait3A_1296 : memref<1x1x40xi32, #tpu.memory_space<vmem>> -> memref<40xi32, #tpu.memory_space<vmem>>
      %dma_wait3A_1298 = arith.constant 0 : i32
      %dma_wait3A_1299 = arith.constant 0 : i32
      %dma_wait3A_1300 = tpu.memref_slice %arg3[%dma_wait3A_1298, %dma_wait3A_1299] : memref<1000001x32xf32, #tpu.memory_space<hbm>> -> memref<1000001x32xf32, #tpu.memory_space<hbm>>
      tpu.wait_indirect_dma semaphore(%arg9 : memref<!tpu.dma_semaphore, #tpu.memory_space<semaphore_mem>>) src(%dma_wait3A_1300 : memref<1000001x32xf32, #tpu.memory_space<hbm>>) dst(%dma_wait3A_1294 : memref<40x32xf32, #tpu.memory_space<vmem>>)
      %dma_wait3A_1301 = arith.constant 1 : i32
      %dma_wait3A_1302 = arith.constant 1 : i32
      %dma_wait3A_1303 = arith.constant 1 : i32
      %dma_wait3A_1304 = arith.constant 1 : i32
      %dma_wait3A_1305 = arith.constant 0 : i32
      %dma_wait3A_1306 = arith.constant 0 : i32
      %dma_wait3A_1307 = tpu.memref_slice %arg7[%dma_wait3A_1303, %dma_wait3A_1304, %dma_wait3A_1305, %dma_wait3A_1306] : memref<2x8x200x32xf32, #tpu.memory_space<vmem>> -> memref<1x1x40x32xf32, #tpu.memory_space<vmem>>
      %dma_wait3A_1308 = tpu.memref_squeeze %dma_wait3A_1307 : memref<1x1x40x32xf32, #tpu.memory_space<vmem>> -> memref<40x32xf32, #tpu.memory_space<vmem>>
      %dma_wait3A_1309 = arith.constant 0 : i32
      %dma_wait3A_1310 = tpu.memref_slice %arg6[%dma_wait3A_1301, %dma_wait3A_1302, %dma_wait3A_1309] : memref<2x8x200xi32, #tpu.memory_space<vmem>> -> memref<1x1x40xi32, #tpu.memory_space<vmem>>
      %dma_wait3A_1311 = tpu.memref_squeeze %dma_wait3A_1310 : memref<1x1x40xi32, #tpu.memory_space<vmem>> -> memref<40xi32, #tpu.memory_space<vmem>>
      %dma_wait3A_1312 = arith.constant 0 : i32
      %dma_wait3A_1313 = arith.constant 0 : i32
      %dma_wait3A_1314 = tpu.memref_slice %arg3[%dma_wait3A_1312, %dma_wait3A_1313] : memref<1000001x32xf32, #tpu.memory_space<hbm>> -> memref<1000001x32xf32, #tpu.memory_space<hbm>>
      tpu.wait_indirect_dma semaphore(%arg9 : memref<!tpu.dma_semaphore, #tpu.memory_space<semaphore_mem>>) src(%dma_wait3A_1314 : memref<1000001x32xf32, #tpu.memory_space<hbm>>) dst(%dma_wait3A_1308 : memref<40x32xf32, #tpu.memory_space<vmem>>)
      %dma_wait3A_1315 = arith.constant 1 : i32
      %dma_wait3A_1316 = arith.constant 1 : i32
      %dma_wait3A_1317 = arith.constant 1 : i32
      %dma_wait3A_1318 = arith.constant 1 : i32
      %dma_wait3A_1319 = arith.constant 40 : i32
      %dma_wait3A_1320 = arith.constant 0 : i32
      %dma_wait3A_1321 = tpu.memref_slice %arg7[%dma_wait3A_1317, %dma_wait3A_1318, %dma_wait3A_1319, %dma_wait3A_1320] : memref<2x8x200x32xf32, #tpu.memory_space<vmem>> -> memref<1x1x40x32xf32, #tpu.memory_space<vmem>>
      %dma_wait3A_1322 = tpu.memref_squeeze %dma_wait3A_1321 : memref<1x1x40x32xf32, #tpu.memory_space<vmem>> -> memref<40x32xf32, #tpu.memory_space<vmem>>
      %dma_wait3A_1323 = arith.constant 40 : i32
      %dma_wait3A_1324 = tpu.memref_slice %arg6[%dma_wait3A_1315, %dma_wait3A_1316, %dma_wait3A_1323] : memref<2x8x200xi32, #tpu.memory_space<vmem>> -> memref<1x1x40xi32, #tpu.memory_space<vmem>>
      %dma_wait3A_1325 = tpu.memref_squeeze %dma_wait3A_1324 : memref<1x1x40xi32, #tpu.memory_space<vmem>> -> memref<40xi32, #tpu.memory_space<vmem>>
      %dma_wait3A_1326 = arith.constant 0 : i32
      %dma_wait3A_1327 = arith.constant 0 : i32
      %dma_wait3A_1328 = tpu.memref_slice %arg3[%dma_wait3A_1326, %dma_wait3A_1327] : memref<1000001x32xf32, #tpu.memory_space<hbm>> -> memref<1000001x32xf32, #tpu.memory_space<hbm>>
      tpu.wait_indirect_dma semaphore(%arg9 : memref<!tpu.dma_semaphore, #tpu.memory_space<semaphore_mem>>) src(%dma_wait3A_1328 : memref<1000001x32xf32, #tpu.memory_space<hbm>>) dst(%dma_wait3A_1322 : memref<40x32xf32, #tpu.memory_space<vmem>>)
      %dma_wait3A_1329 = arith.constant 1 : i32
      %dma_wait3A_1330 = arith.constant 1 : i32
      %dma_wait3A_1331 = arith.constant 1 : i32
      %dma_wait3A_1332 = arith.constant 1 : i32
      %dma_wait3A_1333 = arith.constant 80 : i32
      %dma_wait3A_1334 = arith.constant 0 : i32
      %dma_wait3A_1335 = tpu.memref_slice %arg7[%dma_wait3A_1331, %dma_wait3A_1332, %dma_wait3A_1333, %dma_wait3A_1334] : memref<2x8x200x32xf32, #tpu.memory_space<vmem>> -> memref<1x1x40x32xf32, #tpu.memory_space<vmem>>
      %dma_wait3A_1336 = tpu.memref_squeeze %dma_wait3A_1335 : memref<1x1x40x32xf32, #tpu.memory_space<vmem>> -> memref<40x32xf32, #tpu.memory_space<vmem>>
      %dma_wait3A_1337 = arith.constant 80 : i32
      %dma_wait3A_1338 = tpu.memref_slice %arg6[%dma_wait3A_1329, %dma_wait3A_1330, %dma_wait3A_1337] : memref<2x8x200xi32, #tpu.memory_space<vmem>> -> memref<1x1x40xi32, #tpu.memory_space<vmem>>
      %dma_wait3A_1339 = tpu.memref_squeeze %dma_wait3A_1338 : memref<1x1x40xi32, #tpu.memory_space<vmem>> -> memref<40xi32, #tpu.memory_space<vmem>>
      %dma_wait3A_1340 = arith.constant 0 : i32
      %dma_wait3A_1341 = arith.constant 0 : i32
      %dma_wait3A_1342 = tpu.memref_slice %arg3[%dma_wait3A_1340, %dma_wait3A_1341] : memref<1000001x32xf32, #tpu.memory_space<hbm>> -> memref<1000001x32xf32, #tpu.memory_space<hbm>>
      tpu.wait_indirect_dma semaphore(%arg9 : memref<!tpu.dma_semaphore, #tpu.memory_space<semaphore_mem>>) src(%dma_wait3A_1342 : memref<1000001x32xf32, #tpu.memory_space<hbm>>) dst(%dma_wait3A_1336 : memref<40x32xf32, #tpu.memory_space<vmem>>)
      %dma_wait3A_1343 = arith.constant 1 : i32
      %dma_wait3A_1344 = arith.constant 1 : i32
      %dma_wait3A_1345 = arith.constant 1 : i32
      %dma_wait3A_1346 = arith.constant 1 : i32
      %dma_wait3A_1347 = arith.constant 120 : i32
      %dma_wait3A_1348 = arith.constant 0 : i32
      %dma_wait3A_1349 = tpu.memref_slice %arg7[%dma_wait3A_1345, %dma_wait3A_1346, %dma_wait3A_1347, %dma_wait3A_1348] : memref<2x8x200x32xf32, #tpu.memory_space<vmem>> -> memref<1x1x40x32xf32, #tpu.memory_space<vmem>>
      %dma_wait3A_1350 = tpu.memref_squeeze %dma_wait3A_1349 : memref<1x1x40x32xf32, #tpu.memory_space<vmem>> -> memref<40x32xf32, #tpu.memory_space<vmem>>
      %dma_wait3A_1351 = arith.constant 120 : i32
      %dma_wait3A_1352 = tpu.memref_slice %arg6[%dma_wait3A_1343, %dma_wait3A_1344, %dma_wait3A_1351] : memref<2x8x200xi32, #tpu.memory_space<vmem>> -> memref<1x1x40xi32, #tpu.memory_space<vmem>>
      %dma_wait3A_1353 = tpu.memref_squeeze %dma_wait3A_1352 : memref<1x1x40xi32, #tpu.memory_space<vmem>> -> memref<40xi32, #tpu.memory_space<vmem>>
      %dma_wait3A_1354 = arith.constant 0 : i32
      %dma_wait3A_1355 = arith.constant 0 : i32
      %dma_wait3A_1356 = tpu.memref_slice %arg3[%dma_wait3A_1354, %dma_wait3A_1355] : memref<1000001x32xf32, #tpu.memory_space<hbm>> -> memref<1000001x32xf32, #tpu.memory_space<hbm>>
      tpu.wait_indirect_dma semaphore(%arg9 : memref<!tpu.dma_semaphore, #tpu.memory_space<semaphore_mem>>) src(%dma_wait3A_1356 : memref<1000001x32xf32, #tpu.memory_space<hbm>>) dst(%dma_wait3A_1350 : memref<40x32xf32, #tpu.memory_space<vmem>>)
      %dma_wait3A_1357 = arith.constant 1 : i32
      %dma_wait3A_1358 = arith.constant 1 : i32
      %dma_wait3A_1359 = arith.constant 1 : i32
      %dma_wait3A_1360 = arith.constant 1 : i32
      %dma_wait3A_1361 = arith.constant 160 : i32
      %dma_wait3A_1362 = arith.constant 0 : i32
      %dma_wait3A_1363 = tpu.memref_slice %arg7[%dma_wait3A_1359, %dma_wait3A_1360, %dma_wait3A_1361, %dma_wait3A_1362] : memref<2x8x200x32xf32, #tpu.memory_space<vmem>> -> memref<1x1x40x32xf32, #tpu.memory_space<vmem>>
      %dma_wait3A_1364 = tpu.memref_squeeze %dma_wait3A_1363 : memref<1x1x40x32xf32, #tpu.memory_space<vmem>> -> memref<40x32xf32, #tpu.memory_space<vmem>>
      %dma_wait3A_1365 = arith.constant 160 : i32
      %dma_wait3A_1366 = tpu.memref_slice %arg6[%dma_wait3A_1357, %dma_wait3A_1358, %dma_wait3A_1365] : memref<2x8x200xi32, #tpu.memory_space<vmem>> -> memref<1x1x40xi32, #tpu.memory_space<vmem>>
      %dma_wait3A_1367 = tpu.memref_squeeze %dma_wait3A_1366 : memref<1x1x40xi32, #tpu.memory_space<vmem>> -> memref<40xi32, #tpu.memory_space<vmem>>
      %dma_wait3A_1368 = arith.constant 0 : i32
      %dma_wait3A_1369 = arith.constant 0 : i32
      %dma_wait3A_1370 = tpu.memref_slice %arg3[%dma_wait3A_1368, %dma_wait3A_1369] : memref<1000001x32xf32, #tpu.memory_space<hbm>> -> memref<1000001x32xf32, #tpu.memory_space<hbm>>
      tpu.wait_indirect_dma semaphore(%arg9 : memref<!tpu.dma_semaphore, #tpu.memory_space<semaphore_mem>>) src(%dma_wait3A_1370 : memref<1000001x32xf32, #tpu.memory_space<hbm>>) dst(%dma_wait3A_1364 : memref<40x32xf32, #tpu.memory_space<vmem>>)
      %dma_wait3A_1371 = arith.constant 1 : i32
      %dma_wait3A_1372 = arith.constant 2 : i32
      %dma_wait3A_1373 = arith.constant 1 : i32
      %dma_wait3A_1374 = arith.constant 2 : i32
      %dma_wait3A_1375 = arith.constant 0 : i32
      %dma_wait3A_1376 = arith.constant 0 : i32
      %dma_wait3A_1377 = tpu.memref_slice %arg7[%dma_wait3A_1373, %dma_wait3A_1374, %dma_wait3A_1375, %dma_wait3A_1376] : memref<2x8x200x32xf32, #tpu.memory_space<vmem>> -> memref<1x1x40x32xf32, #tpu.memory_space<vmem>>
      %dma_wait3A_1378 = tpu.memref_squeeze %dma_wait3A_1377 : memref<1x1x40x32xf32, #tpu.memory_space<vmem>> -> memref<40x32xf32, #tpu.memory_space<vmem>>
      %dma_wait3A_1379 = arith.constant 0 : i32
      %dma_wait3A_1380 = tpu.memref_slice %arg6[%dma_wait3A_1371, %dma_wait3A_1372, %dma_wait3A_1379] : memref<2x8x200xi32, #tpu.memory_space<vmem>> -> memref<1x1x40xi32, #tpu.memory_space<vmem>>
      %dma_wait3A_1381 = tpu.memref_squeeze %dma_wait3A_1380 : memref<1x1x40xi32, #tpu.memory_space<vmem>> -> memref<40xi32, #tpu.memory_space<vmem>>
      %dma_wait3A_1382 = arith.constant 0 : i32
      %dma_wait3A_1383 = arith.constant 0 : i32
      %dma_wait3A_1384 = tpu.memref_slice %arg3[%dma_wait3A_1382, %dma_wait3A_1383] : memref<1000001x32xf32, #tpu.memory_space<hbm>> -> memref<1000001x32xf32, #tpu.memory_space<hbm>>
      tpu.wait_indirect_dma semaphore(%arg9 : memref<!tpu.dma_semaphore, #tpu.memory_space<semaphore_mem>>) src(%dma_wait3A_1384 : memref<1000001x32xf32, #tpu.memory_space<hbm>>) dst(%dma_wait3A_1378 : memref<40x32xf32, #tpu.memory_space<vmem>>)
      %dma_wait3A_1385 = arith.constant 1 : i32
      %dma_wait3A_1386 = arith.constant 2 : i32
      %dma_wait3A_1387 = arith.constant 1 : i32
      %dma_wait3A_1388 = arith.constant 2 : i32
      %dma_wait3A_1389 = arith.constant 40 : i32
      %dma_wait3A_1390 = arith.constant 0 : i32
      %dma_wait3A_1391 = tpu.memref_slice %arg7[%dma_wait3A_1387, %dma_wait3A_1388, %dma_wait3A_1389, %dma_wait3A_1390] : memref<2x8x200x32xf32, #tpu.memory_space<vmem>> -> memref<1x1x40x32xf32, #tpu.memory_space<vmem>>
      %dma_wait3A_1392 = tpu.memref_squeeze %dma_wait3A_1391 : memref<1x1x40x32xf32, #tpu.memory_space<vmem>> -> memref<40x32xf32, #tpu.memory_space<vmem>>
      %dma_wait3A_1393 = arith.constant 40 : i32
      %dma_wait3A_1394 = tpu.memref_slice %arg6[%dma_wait3A_1385, %dma_wait3A_1386, %dma_wait3A_1393] : memref<2x8x200xi32, #tpu.memory_space<vmem>> -> memref<1x1x40xi32, #tpu.memory_space<vmem>>
      %dma_wait3A_1395 = tpu.memref_squeeze %dma_wait3A_1394 : memref<1x1x40xi32, #tpu.memory_space<vmem>> -> memref<40xi32, #tpu.memory_space<vmem>>
      %dma_wait3A_1396 = arith.constant 0 : i32
      %dma_wait3A_1397 = arith.constant 0 : i32
      %dma_wait3A_1398 = tpu.memref_slice %arg3[%dma_wait3A_1396, %dma_wait3A_1397] : memref<1000001x32xf32, #tpu.memory_space<hbm>> -> memref<1000001x32xf32, #tpu.memory_space<hbm>>
      tpu.wait_indirect_dma semaphore(%arg9 : memref<!tpu.dma_semaphore, #tpu.memory_space<semaphore_mem>>) src(%dma_wait3A_1398 : memref<1000001x32xf32, #tpu.memory_space<hbm>>) dst(%dma_wait3A_1392 : memref<40x32xf32, #tpu.memory_space<vmem>>)
      %dma_wait3A_1399 = arith.constant 1 : i32
      %dma_wait3A_1400 = arith.constant 2 : i32
      %dma_wait3A_1401 = arith.constant 1 : i32
      %dma_wait3A_1402 = arith.constant 2 : i32
      %dma_wait3A_1403 = arith.constant 80 : i32
      %dma_wait3A_1404 = arith.constant 0 : i32
      %dma_wait3A_1405 = tpu.memref_slice %arg7[%dma_wait3A_1401, %dma_wait3A_1402, %dma_wait3A_1403, %dma_wait3A_1404] : memref<2x8x200x32xf32, #tpu.memory_space<vmem>> -> memref<1x1x40x32xf32, #tpu.memory_space<vmem>>
      %dma_wait3A_1406 = tpu.memref_squeeze %dma_wait3A_1405 : memref<1x1x40x32xf32, #tpu.memory_space<vmem>> -> memref<40x32xf32, #tpu.memory_space<vmem>>
      %dma_wait3A_1407 = arith.constant 80 : i32
      %dma_wait3A_1408 = tpu.memref_slice %arg6[%dma_wait3A_1399, %dma_wait3A_1400, %dma_wait3A_1407] : memref<2x8x200xi32, #tpu.memory_space<vmem>> -> memref<1x1x40xi32, #tpu.memory_space<vmem>>
      %dma_wait3A_1409 = tpu.memref_squeeze %dma_wait3A_1408 : memref<1x1x40xi32, #tpu.memory_space<vmem>> -> memref<40xi32, #tpu.memory_space<vmem>>
      %dma_wait3A_1410 = arith.constant 0 : i32
      %dma_wait3A_1411 = arith.constant 0 : i32
      %dma_wait3A_1412 = tpu.memref_slice %arg3[%dma_wait3A_1410, %dma_wait3A_1411] : memref<1000001x32xf32, #tpu.memory_space<hbm>> -> memref<1000001x32xf32, #tpu.memory_space<hbm>>
      tpu.wait_indirect_dma semaphore(%arg9 : memref<!tpu.dma_semaphore, #tpu.memory_space<semaphore_mem>>) src(%dma_wait3A_1412 : memref<1000001x32xf32, #tpu.memory_space<hbm>>) dst(%dma_wait3A_1406 : memref<40x32xf32, #tpu.memory_space<vmem>>)
      %dma_wait3A_1413 = arith.constant 1 : i32
      %dma_wait3A_1414 = arith.constant 2 : i32
      %dma_wait3A_1415 = arith.constant 1 : i32
      %dma_wait3A_1416 = arith.constant 2 : i32
      %dma_wait3A_1417 = arith.constant 120 : i32
      %dma_wait3A_1418 = arith.constant 0 : i32
      %dma_wait3A_1419 = tpu.memref_slice %arg7[%dma_wait3A_1415, %dma_wait3A_1416, %dma_wait3A_1417, %dma_wait3A_1418] : memref<2x8x200x32xf32, #tpu.memory_space<vmem>> -> memref<1x1x40x32xf32, #tpu.memory_space<vmem>>
      %dma_wait3A_1420 = tpu.memref_squeeze %dma_wait3A_1419 : memref<1x1x40x32xf32, #tpu.memory_space<vmem>> -> memref<40x32xf32, #tpu.memory_space<vmem>>
      %dma_wait3A_1421 = arith.constant 120 : i32
      %dma_wait3A_1422 = tpu.memref_slice %arg6[%dma_wait3A_1413, %dma_wait3A_1414, %dma_wait3A_1421] : memref<2x8x200xi32, #tpu.memory_space<vmem>> -> memref<1x1x40xi32, #tpu.memory_space<vmem>>
      %dma_wait3A_1423 = tpu.memref_squeeze %dma_wait3A_1422 : memref<1x1x40xi32, #tpu.memory_space<vmem>> -> memref<40xi32, #tpu.memory_space<vmem>>
      %dma_wait3A_1424 = arith.constant 0 : i32
      %dma_wait3A_1425 = arith.constant 0 : i32
      %dma_wait3A_1426 = tpu.memref_slice %arg3[%dma_wait3A_1424, %dma_wait3A_1425] : memref<1000001x32xf32, #tpu.memory_space<hbm>> -> memref<1000001x32xf32, #tpu.memory_space<hbm>>
      tpu.wait_indirect_dma semaphore(%arg9 : memref<!tpu.dma_semaphore, #tpu.memory_space<semaphore_mem>>) src(%dma_wait3A_1426 : memref<1000001x32xf32, #tpu.memory_space<hbm>>) dst(%dma_wait3A_1420 : memref<40x32xf32, #tpu.memory_space<vmem>>)
      %dma_wait3A_1427 = arith.constant 1 : i32
      %dma_wait3A_1428 = arith.constant 2 : i32
      %dma_wait3A_1429 = arith.constant 1 : i32
      %dma_wait3A_1430 = arith.constant 2 : i32
      %dma_wait3A_1431 = arith.constant 160 : i32
      %dma_wait3A_1432 = arith.constant 0 : i32
      %dma_wait3A_1433 = tpu.memref_slice %arg7[%dma_wait3A_1429, %dma_wait3A_1430, %dma_wait3A_1431, %dma_wait3A_1432] : memref<2x8x200x32xf32, #tpu.memory_space<vmem>> -> memref<1x1x40x32xf32, #tpu.memory_space<vmem>>
      %dma_wait3A_1434 = tpu.memref_squeeze %dma_wait3A_1433 : memref<1x1x40x32xf32, #tpu.memory_space<vmem>> -> memref<40x32xf32, #tpu.memory_space<vmem>>
      %dma_wait3A_1435 = arith.constant 160 : i32
      %dma_wait3A_1436 = tpu.memref_slice %arg6[%dma_wait3A_1427, %dma_wait3A_1428, %dma_wait3A_1435] : memref<2x8x200xi32, #tpu.memory_space<vmem>> -> memref<1x1x40xi32, #tpu.memory_space<vmem>>
      %dma_wait3A_1437 = tpu.memref_squeeze %dma_wait3A_1436 : memref<1x1x40xi32, #tpu.memory_space<vmem>> -> memref<40xi32, #tpu.memory_space<vmem>>
      %dma_wait3A_1438 = arith.constant 0 : i32
      %dma_wait3A_1439 = arith.constant 0 : i32
      %dma_wait3A_1440 = tpu.memref_slice %arg3[%dma_wait3A_1438, %dma_wait3A_1439] : memref<1000001x32xf32, #tpu.memory_space<hbm>> -> memref<1000001x32xf32, #tpu.memory_space<hbm>>
      tpu.wait_indirect_dma semaphore(%arg9 : memref<!tpu.dma_semaphore, #tpu.memory_space<semaphore_mem>>) src(%dma_wait3A_1440 : memref<1000001x32xf32, #tpu.memory_space<hbm>>) dst(%dma_wait3A_1434 : memref<40x32xf32, #tpu.memory_space<vmem>>)
      %dma_wait3A_1441 = arith.constant 1 : i32
      %dma_wait3A_1442 = arith.constant 3 : i32
      %dma_wait3A_1443 = arith.constant 1 : i32
      %dma_wait3A_1444 = arith.constant 3 : i32
      %dma_wait3A_1445 = arith.constant 0 : i32
      %dma_wait3A_1446 = arith.constant 0 : i32
      %dma_wait3A_1447 = tpu.memref_slice %arg7[%dma_wait3A_1443, %dma_wait3A_1444, %dma_wait3A_1445, %dma_wait3A_1446] : memref<2x8x200x32xf32, #tpu.memory_space<vmem>> -> memref<1x1x40x32xf32, #tpu.memory_space<vmem>>
      %dma_wait3A_1448 = tpu.memref_squeeze %dma_wait3A_1447 : memref<1x1x40x32xf32, #tpu.memory_space<vmem>> -> memref<40x32xf32, #tpu.memory_space<vmem>>
      %dma_wait3A_1449 = arith.constant 0 : i32
      %dma_wait3A_1450 = tpu.memref_slice %arg6[%dma_wait3A_1441, %dma_wait3A_1442, %dma_wait3A_1449] : memref<2x8x200xi32, #tpu.memory_space<vmem>> -> memref<1x1x40xi32, #tpu.memory_space<vmem>>
      %dma_wait3A_1451 = tpu.memref_squeeze %dma_wait3A_1450 : memref<1x1x40xi32, #tpu.memory_space<vmem>> -> memref<40xi32, #tpu.memory_space<vmem>>
      %dma_wait3A_1452 = arith.constant 0 : i32
      %dma_wait3A_1453 = arith.constant 0 : i32
      %dma_wait3A_1454 = tpu.memref_slice %arg3[%dma_wait3A_1452, %dma_wait3A_1453] : memref<1000001x32xf32, #tpu.memory_space<hbm>> -> memref<1000001x32xf32, #tpu.memory_space<hbm>>
      tpu.wait_indirect_dma semaphore(%arg9 : memref<!tpu.dma_semaphore, #tpu.memory_space<semaphore_mem>>) src(%dma_wait3A_1454 : memref<1000001x32xf32, #tpu.memory_space<hbm>>) dst(%dma_wait3A_1448 : memref<40x32xf32, #tpu.memory_space<vmem>>)
      %dma_wait3A_1455 = arith.constant 1 : i32
      %dma_wait3A_1456 = arith.constant 3 : i32
      %dma_wait3A_1457 = arith.constant 1 : i32
      %dma_wait3A_1458 = arith.constant 3 : i32
      %dma_wait3A_1459 = arith.constant 40 : i32
      %dma_wait3A_1460 = arith.constant 0 : i32
      %dma_wait3A_1461 = tpu.memref_slice %arg7[%dma_wait3A_1457, %dma_wait3A_1458, %dma_wait3A_1459, %dma_wait3A_1460] : memref<2x8x200x32xf32, #tpu.memory_space<vmem>> -> memref<1x1x40x32xf32, #tpu.memory_space<vmem>>
      %dma_wait3A_1462 = tpu.memref_squeeze %dma_wait3A_1461 : memref<1x1x40x32xf32, #tpu.memory_space<vmem>> -> memref<40x32xf32, #tpu.memory_space<vmem>>
      %dma_wait3A_1463 = arith.constant 40 : i32
      %dma_wait3A_1464 = tpu.memref_slice %arg6[%dma_wait3A_1455, %dma_wait3A_1456, %dma_wait3A_1463] : memref<2x8x200xi32, #tpu.memory_space<vmem>> -> memref<1x1x40xi32, #tpu.memory_space<vmem>>
      %dma_wait3A_1465 = tpu.memref_squeeze %dma_wait3A_1464 : memref<1x1x40xi32, #tpu.memory_space<vmem>> -> memref<40xi32, #tpu.memory_space<vmem>>
      %dma_wait3A_1466 = arith.constant 0 : i32
      %dma_wait3A_1467 = arith.constant 0 : i32
      %dma_wait3A_1468 = tpu.memref_slice %arg3[%dma_wait3A_1466, %dma_wait3A_1467] : memref<1000001x32xf32, #tpu.memory_space<hbm>> -> memref<1000001x32xf32, #tpu.memory_space<hbm>>
      tpu.wait_indirect_dma semaphore(%arg9 : memref<!tpu.dma_semaphore, #tpu.memory_space<semaphore_mem>>) src(%dma_wait3A_1468 : memref<1000001x32xf32, #tpu.memory_space<hbm>>) dst(%dma_wait3A_1462 : memref<40x32xf32, #tpu.memory_space<vmem>>)
      %dma_wait3A_1469 = arith.constant 1 : i32
      %dma_wait3A_1470 = arith.constant 3 : i32
      %dma_wait3A_1471 = arith.constant 1 : i32
      %dma_wait3A_1472 = arith.constant 3 : i32
      %dma_wait3A_1473 = arith.constant 80 : i32
      %dma_wait3A_1474 = arith.constant 0 : i32
      %dma_wait3A_1475 = tpu.memref_slice %arg7[%dma_wait3A_1471, %dma_wait3A_1472, %dma_wait3A_1473, %dma_wait3A_1474] : memref<2x8x200x32xf32, #tpu.memory_space<vmem>> -> memref<1x1x40x32xf32, #tpu.memory_space<vmem>>
      %dma_wait3A_1476 = tpu.memref_squeeze %dma_wait3A_1475 : memref<1x1x40x32xf32, #tpu.memory_space<vmem>> -> memref<40x32xf32, #tpu.memory_space<vmem>>
      %dma_wait3A_1477 = arith.constant 80 : i32
      %dma_wait3A_1478 = tpu.memref_slice %arg6[%dma_wait3A_1469, %dma_wait3A_1470, %dma_wait3A_1477] : memref<2x8x200xi32, #tpu.memory_space<vmem>> -> memref<1x1x40xi32, #tpu.memory_space<vmem>>
      %dma_wait3A_1479 = tpu.memref_squeeze %dma_wait3A_1478 : memref<1x1x40xi32, #tpu.memory_space<vmem>> -> memref<40xi32, #tpu.memory_space<vmem>>
      %dma_wait3A_1480 = arith.constant 0 : i32
      %dma_wait3A_1481 = arith.constant 0 : i32
      %dma_wait3A_1482 = tpu.memref_slice %arg3[%dma_wait3A_1480, %dma_wait3A_1481] : memref<1000001x32xf32, #tpu.memory_space<hbm>> -> memref<1000001x32xf32, #tpu.memory_space<hbm>>
      tpu.wait_indirect_dma semaphore(%arg9 : memref<!tpu.dma_semaphore, #tpu.memory_space<semaphore_mem>>) src(%dma_wait3A_1482 : memref<1000001x32xf32, #tpu.memory_space<hbm>>) dst(%dma_wait3A_1476 : memref<40x32xf32, #tpu.memory_space<vmem>>)
      %dma_wait3A_1483 = arith.constant 1 : i32
      %dma_wait3A_1484 = arith.constant 3 : i32
      %dma_wait3A_1485 = arith.constant 1 : i32
      %dma_wait3A_1486 = arith.constant 3 : i32
      %dma_wait3A_1487 = arith.constant 120 : i32
      %dma_wait3A_1488 = arith.constant 0 : i32
      %dma_wait3A_1489 = tpu.memref_slice %arg7[%dma_wait3A_1485, %dma_wait3A_1486, %dma_wait3A_1487, %dma_wait3A_1488] : memref<2x8x200x32xf32, #tpu.memory_space<vmem>> -> memref<1x1x40x32xf32, #tpu.memory_space<vmem>>
      %dma_wait3A_1490 = tpu.memref_squeeze %dma_wait3A_1489 : memref<1x1x40x32xf32, #tpu.memory_space<vmem>> -> memref<40x32xf32, #tpu.memory_space<vmem>>
      %dma_wait3A_1491 = arith.constant 120 : i32
      %dma_wait3A_1492 = tpu.memref_slice %arg6[%dma_wait3A_1483, %dma_wait3A_1484, %dma_wait3A_1491] : memref<2x8x200xi32, #tpu.memory_space<vmem>> -> memref<1x1x40xi32, #tpu.memory_space<vmem>>
      %dma_wait3A_1493 = tpu.memref_squeeze %dma_wait3A_1492 : memref<1x1x40xi32, #tpu.memory_space<vmem>> -> memref<40xi32, #tpu.memory_space<vmem>>
      %dma_wait3A_1494 = arith.constant 0 : i32
      %dma_wait3A_1495 = arith.constant 0 : i32
      %dma_wait3A_1496 = tpu.memref_slice %arg3[%dma_wait3A_1494, %dma_wait3A_1495] : memref<1000001x32xf32, #tpu.memory_space<hbm>> -> memref<1000001x32xf32, #tpu.memory_space<hbm>>
      tpu.wait_indirect_dma semaphore(%arg9 : memref<!tpu.dma_semaphore, #tpu.memory_space<semaphore_mem>>) src(%dma_wait3A_1496 : memref<1000001x32xf32, #tpu.memory_space<hbm>>) dst(%dma_wait3A_1490 : memref<40x32xf32, #tpu.memory_space<vmem>>)
      %dma_wait3A_1497 = arith.constant 1 : i32
      %dma_wait3A_1498 = arith.constant 3 : i32
      %dma_wait3A_1499 = arith.constant 1 : i32
      %dma_wait3A_1500 = arith.constant 3 : i32
      %dma_wait3A_1501 = arith.constant 160 : i32
      %dma_wait3A_1502 = arith.constant 0 : i32
      %dma_wait3A_1503 = tpu.memref_slice %arg7[%dma_wait3A_1499, %dma_wait3A_1500, %dma_wait3A_1501, %dma_wait3A_1502] : memref<2x8x200x32xf32, #tpu.memory_space<vmem>> -> memref<1x1x40x32xf32, #tpu.memory_space<vmem>>
      %dma_wait3A_1504 = tpu.memref_squeeze %dma_wait3A_1503 : memref<1x1x40x32xf32, #tpu.memory_space<vmem>> -> memref<40x32xf32, #tpu.memory_space<vmem>>
      %dma_wait3A_1505 = arith.constant 160 : i32
      %dma_wait3A_1506 = tpu.memref_slice %arg6[%dma_wait3A_1497, %dma_wait3A_1498, %dma_wait3A_1505] : memref<2x8x200xi32, #tpu.memory_space<vmem>> -> memref<1x1x40xi32, #tpu.memory_space<vmem>>
      %dma_wait3A_1507 = tpu.memref_squeeze %dma_wait3A_1506 : memref<1x1x40xi32, #tpu.memory_space<vmem>> -> memref<40xi32, #tpu.memory_space<vmem>>
      %dma_wait3A_1508 = arith.constant 0 : i32
      %dma_wait3A_1509 = arith.constant 0 : i32
      %dma_wait3A_1510 = tpu.memref_slice %arg3[%dma_wait3A_1508, %dma_wait3A_1509] : memref<1000001x32xf32, #tpu.memory_space<hbm>> -> memref<1000001x32xf32, #tpu.memory_space<hbm>>
      tpu.wait_indirect_dma semaphore(%arg9 : memref<!tpu.dma_semaphore, #tpu.memory_space<semaphore_mem>>) src(%dma_wait3A_1510 : memref<1000001x32xf32, #tpu.memory_space<hbm>>) dst(%dma_wait3A_1504 : memref<40x32xf32, #tpu.memory_space<vmem>>)
      %dma_wait3A_1511 = arith.constant 1 : i32
      %dma_wait3A_1512 = arith.constant 4 : i32
      %dma_wait3A_1513 = arith.constant 1 : i32
      %dma_wait3A_1514 = arith.constant 4 : i32
      %dma_wait3A_1515 = arith.constant 0 : i32
      %dma_wait3A_1516 = arith.constant 0 : i32
      %dma_wait3A_1517 = tpu.memref_slice %arg7[%dma_wait3A_1513, %dma_wait3A_1514, %dma_wait3A_1515, %dma_wait3A_1516] : memref<2x8x200x32xf32, #tpu.memory_space<vmem>> -> memref<1x1x40x32xf32, #tpu.memory_space<vmem>>
      %dma_wait3A_1518 = tpu.memref_squeeze %dma_wait3A_1517 : memref<1x1x40x32xf32, #tpu.memory_space<vmem>> -> memref<40x32xf32, #tpu.memory_space<vmem>>
      %dma_wait3A_1519 = arith.constant 0 : i32
      %dma_wait3A_1520 = tpu.memref_slice %arg6[%dma_wait3A_1511, %dma_wait3A_1512, %dma_wait3A_1519] : memref<2x8x200xi32, #tpu.memory_space<vmem>> -> memref<1x1x40xi32, #tpu.memory_space<vmem>>
      %dma_wait3A_1521 = tpu.memref_squeeze %dma_wait3A_1520 : memref<1x1x40xi32, #tpu.memory_space<vmem>> -> memref<40xi32, #tpu.memory_space<vmem>>
      %dma_wait3A_1522 = arith.constant 0 : i32
      %dma_wait3A_1523 = arith.constant 0 : i32
      %dma_wait3A_1524 = tpu.memref_slice %arg3[%dma_wait3A_1522, %dma_wait3A_1523] : memref<1000001x32xf32, #tpu.memory_space<hbm>> -> memref<1000001x32xf32, #tpu.memory_space<hbm>>
      tpu.wait_indirect_dma semaphore(%arg9 : memref<!tpu.dma_semaphore, #tpu.memory_space<semaphore_mem>>) src(%dma_wait3A_1524 : memref<1000001x32xf32, #tpu.memory_space<hbm>>) dst(%dma_wait3A_1518 : memref<40x32xf32, #tpu.memory_space<vmem>>)
      %dma_wait3A_1525 = arith.constant 1 : i32
      %dma_wait3A_1526 = arith.constant 4 : i32
      %dma_wait3A_1527 = arith.constant 1 : i32
      %dma_wait3A_1528 = arith.constant 4 : i32
      %dma_wait3A_1529 = arith.constant 40 : i32
      %dma_wait3A_1530 = arith.constant 0 : i32
      %dma_wait3A_1531 = tpu.memref_slice %arg7[%dma_wait3A_1527, %dma_wait3A_1528, %dma_wait3A_1529, %dma_wait3A_1530] : memref<2x8x200x32xf32, #tpu.memory_space<vmem>> -> memref<1x1x40x32xf32, #tpu.memory_space<vmem>>
      %dma_wait3A_1532 = tpu.memref_squeeze %dma_wait3A_1531 : memref<1x1x40x32xf32, #tpu.memory_space<vmem>> -> memref<40x32xf32, #tpu.memory_space<vmem>>
      %dma_wait3A_1533 = arith.constant 40 : i32
      %dma_wait3A_1534 = tpu.memref_slice %arg6[%dma_wait3A_1525, %dma_wait3A_1526, %dma_wait3A_1533] : memref<2x8x200xi32, #tpu.memory_space<vmem>> -> memref<1x1x40xi32, #tpu.memory_space<vmem>>
      %dma_wait3A_1535 = tpu.memref_squeeze %dma_wait3A_1534 : memref<1x1x40xi32, #tpu.memory_space<vmem>> -> memref<40xi32, #tpu.memory_space<vmem>>
      %dma_wait3A_1536 = arith.constant 0 : i32
      %dma_wait3A_1537 = arith.constant 0 : i32
      %dma_wait3A_1538 = tpu.memref_slice %arg3[%dma_wait3A_1536, %dma_wait3A_1537] : memref<1000001x32xf32, #tpu.memory_space<hbm>> -> memref<1000001x32xf32, #tpu.memory_space<hbm>>
      tpu.wait_indirect_dma semaphore(%arg9 : memref<!tpu.dma_semaphore, #tpu.memory_space<semaphore_mem>>) src(%dma_wait3A_1538 : memref<1000001x32xf32, #tpu.memory_space<hbm>>) dst(%dma_wait3A_1532 : memref<40x32xf32, #tpu.memory_space<vmem>>)
      %dma_wait3A_1539 = arith.constant 1 : i32
      %dma_wait3A_1540 = arith.constant 4 : i32
      %dma_wait3A_1541 = arith.constant 1 : i32
      %dma_wait3A_1542 = arith.constant 4 : i32
      %dma_wait3A_1543 = arith.constant 80 : i32
      %dma_wait3A_1544 = arith.constant 0 : i32
      %dma_wait3A_1545 = tpu.memref_slice %arg7[%dma_wait3A_1541, %dma_wait3A_1542, %dma_wait3A_1543, %dma_wait3A_1544] : memref<2x8x200x32xf32, #tpu.memory_space<vmem>> -> memref<1x1x40x32xf32, #tpu.memory_space<vmem>>
      %dma_wait3A_1546 = tpu.memref_squeeze %dma_wait3A_1545 : memref<1x1x40x32xf32, #tpu.memory_space<vmem>> -> memref<40x32xf32, #tpu.memory_space<vmem>>
      %dma_wait3A_1547 = arith.constant 80 : i32
      %dma_wait3A_1548 = tpu.memref_slice %arg6[%dma_wait3A_1539, %dma_wait3A_1540, %dma_wait3A_1547] : memref<2x8x200xi32, #tpu.memory_space<vmem>> -> memref<1x1x40xi32, #tpu.memory_space<vmem>>
      %dma_wait3A_1549 = tpu.memref_squeeze %dma_wait3A_1548 : memref<1x1x40xi32, #tpu.memory_space<vmem>> -> memref<40xi32, #tpu.memory_space<vmem>>
      %dma_wait3A_1550 = arith.constant 0 : i32
      %dma_wait3A_1551 = arith.constant 0 : i32
      %dma_wait3A_1552 = tpu.memref_slice %arg3[%dma_wait3A_1550, %dma_wait3A_1551] : memref<1000001x32xf32, #tpu.memory_space<hbm>> -> memref<1000001x32xf32, #tpu.memory_space<hbm>>
      tpu.wait_indirect_dma semaphore(%arg9 : memref<!tpu.dma_semaphore, #tpu.memory_space<semaphore_mem>>) src(%dma_wait3A_1552 : memref<1000001x32xf32, #tpu.memory_space<hbm>>) dst(%dma_wait3A_1546 : memref<40x32xf32, #tpu.memory_space<vmem>>)
      %dma_wait3A_1553 = arith.constant 1 : i32
      %dma_wait3A_1554 = arith.constant 4 : i32
      %dma_wait3A_1555 = arith.constant 1 : i32
      %dma_wait3A_1556 = arith.constant 4 : i32
      %dma_wait3A_1557 = arith.constant 120 : i32
      %dma_wait3A_1558 = arith.constant 0 : i32
      %dma_wait3A_1559 = tpu.memref_slice %arg7[%dma_wait3A_1555, %dma_wait3A_1556, %dma_wait3A_1557, %dma_wait3A_1558] : memref<2x8x200x32xf32, #tpu.memory_space<vmem>> -> memref<1x1x40x32xf32, #tpu.memory_space<vmem>>
      %dma_wait3A_1560 = tpu.memref_squeeze %dma_wait3A_1559 : memref<1x1x40x32xf32, #tpu.memory_space<vmem>> -> memref<40x32xf32, #tpu.memory_space<vmem>>
      %dma_wait3A_1561 = arith.constant 120 : i32
      %dma_wait3A_1562 = tpu.memref_slice %arg6[%dma_wait3A_1553, %dma_wait3A_1554, %dma_wait3A_1561] : memref<2x8x200xi32, #tpu.memory_space<vmem>> -> memref<1x1x40xi32, #tpu.memory_space<vmem>>
      %dma_wait3A_1563 = tpu.memref_squeeze %dma_wait3A_1562 : memref<1x1x40xi32, #tpu.memory_space<vmem>> -> memref<40xi32, #tpu.memory_space<vmem>>
      %dma_wait3A_1564 = arith.constant 0 : i32
      %dma_wait3A_1565 = arith.constant 0 : i32
      %dma_wait3A_1566 = tpu.memref_slice %arg3[%dma_wait3A_1564, %dma_wait3A_1565] : memref<1000001x32xf32, #tpu.memory_space<hbm>> -> memref<1000001x32xf32, #tpu.memory_space<hbm>>
      tpu.wait_indirect_dma semaphore(%arg9 : memref<!tpu.dma_semaphore, #tpu.memory_space<semaphore_mem>>) src(%dma_wait3A_1566 : memref<1000001x32xf32, #tpu.memory_space<hbm>>) dst(%dma_wait3A_1560 : memref<40x32xf32, #tpu.memory_space<vmem>>)
      %dma_wait3A_1567 = arith.constant 1 : i32
      %dma_wait3A_1568 = arith.constant 4 : i32
      %dma_wait3A_1569 = arith.constant 1 : i32
      %dma_wait3A_1570 = arith.constant 4 : i32
      %dma_wait3A_1571 = arith.constant 160 : i32
      %dma_wait3A_1572 = arith.constant 0 : i32
      %dma_wait3A_1573 = tpu.memref_slice %arg7[%dma_wait3A_1569, %dma_wait3A_1570, %dma_wait3A_1571, %dma_wait3A_1572] : memref<2x8x200x32xf32, #tpu.memory_space<vmem>> -> memref<1x1x40x32xf32, #tpu.memory_space<vmem>>
      %dma_wait3A_1574 = tpu.memref_squeeze %dma_wait3A_1573 : memref<1x1x40x32xf32, #tpu.memory_space<vmem>> -> memref<40x32xf32, #tpu.memory_space<vmem>>
      %dma_wait3A_1575 = arith.constant 160 : i32
      %dma_wait3A_1576 = tpu.memref_slice %arg6[%dma_wait3A_1567, %dma_wait3A_1568, %dma_wait3A_1575] : memref<2x8x200xi32, #tpu.memory_space<vmem>> -> memref<1x1x40xi32, #tpu.memory_space<vmem>>
      %dma_wait3A_1577 = tpu.memref_squeeze %dma_wait3A_1576 : memref<1x1x40xi32, #tpu.memory_space<vmem>> -> memref<40xi32, #tpu.memory_space<vmem>>
      %dma_wait3A_1578 = arith.constant 0 : i32
      %dma_wait3A_1579 = arith.constant 0 : i32
      %dma_wait3A_1580 = tpu.memref_slice %arg3[%dma_wait3A_1578, %dma_wait3A_1579] : memref<1000001x32xf32, #tpu.memory_space<hbm>> -> memref<1000001x32xf32, #tpu.memory_space<hbm>>
      tpu.wait_indirect_dma semaphore(%arg9 : memref<!tpu.dma_semaphore, #tpu.memory_space<semaphore_mem>>) src(%dma_wait3A_1580 : memref<1000001x32xf32, #tpu.memory_space<hbm>>) dst(%dma_wait3A_1574 : memref<40x32xf32, #tpu.memory_space<vmem>>)
      %dma_wait3A_1581 = arith.constant 1 : i32
      %dma_wait3A_1582 = arith.constant 5 : i32
      %dma_wait3A_1583 = arith.constant 1 : i32
      %dma_wait3A_1584 = arith.constant 5 : i32
      %dma_wait3A_1585 = arith.constant 0 : i32
      %dma_wait3A_1586 = arith.constant 0 : i32
      %dma_wait3A_1587 = tpu.memref_slice %arg7[%dma_wait3A_1583, %dma_wait3A_1584, %dma_wait3A_1585, %dma_wait3A_1586] : memref<2x8x200x32xf32, #tpu.memory_space<vmem>> -> memref<1x1x40x32xf32, #tpu.memory_space<vmem>>
      %dma_wait3A_1588 = tpu.memref_squeeze %dma_wait3A_1587 : memref<1x1x40x32xf32, #tpu.memory_space<vmem>> -> memref<40x32xf32, #tpu.memory_space<vmem>>
      %dma_wait3A_1589 = arith.constant 0 : i32
      %dma_wait3A_1590 = tpu.memref_slice %arg6[%dma_wait3A_1581, %dma_wait3A_1582, %dma_wait3A_1589] : memref<2x8x200xi32, #tpu.memory_space<vmem>> -> memref<1x1x40xi32, #tpu.memory_space<vmem>>
      %dma_wait3A_1591 = tpu.memref_squeeze %dma_wait3A_1590 : memref<1x1x40xi32, #tpu.memory_space<vmem>> -> memref<40xi32, #tpu.memory_space<vmem>>
      %dma_wait3A_1592 = arith.constant 0 : i32
      %dma_wait3A_1593 = arith.constant 0 : i32
      %dma_wait3A_1594 = tpu.memref_slice %arg3[%dma_wait3A_1592, %dma_wait3A_1593] : memref<1000001x32xf32, #tpu.memory_space<hbm>> -> memref<1000001x32xf32, #tpu.memory_space<hbm>>
      tpu.wait_indirect_dma semaphore(%arg9 : memref<!tpu.dma_semaphore, #tpu.memory_space<semaphore_mem>>) src(%dma_wait3A_1594 : memref<1000001x32xf32, #tpu.memory_space<hbm>>) dst(%dma_wait3A_1588 : memref<40x32xf32, #tpu.memory_space<vmem>>)
      %dma_wait3A_1595 = arith.constant 1 : i32
      %dma_wait3A_1596 = arith.constant 5 : i32
      %dma_wait3A_1597 = arith.constant 1 : i32
      %dma_wait3A_1598 = arith.constant 5 : i32
      %dma_wait3A_1599 = arith.constant 40 : i32
      %dma_wait3A_1600 = arith.constant 0 : i32
      %dma_wait3A_1601 = tpu.memref_slice %arg7[%dma_wait3A_1597, %dma_wait3A_1598, %dma_wait3A_1599, %dma_wait3A_1600] : memref<2x8x200x32xf32, #tpu.memory_space<vmem>> -> memref<1x1x40x32xf32, #tpu.memory_space<vmem>>
      %dma_wait3A_1602 = tpu.memref_squeeze %dma_wait3A_1601 : memref<1x1x40x32xf32, #tpu.memory_space<vmem>> -> memref<40x32xf32, #tpu.memory_space<vmem>>
      %dma_wait3A_1603 = arith.constant 40 : i32
      %dma_wait3A_1604 = tpu.memref_slice %arg6[%dma_wait3A_1595, %dma_wait3A_1596, %dma_wait3A_1603] : memref<2x8x200xi32, #tpu.memory_space<vmem>> -> memref<1x1x40xi32, #tpu.memory_space<vmem>>
      %dma_wait3A_1605 = tpu.memref_squeeze %dma_wait3A_1604 : memref<1x1x40xi32, #tpu.memory_space<vmem>> -> memref<40xi32, #tpu.memory_space<vmem>>
      %dma_wait3A_1606 = arith.constant 0 : i32
      %dma_wait3A_1607 = arith.constant 0 : i32
      %dma_wait3A_1608 = tpu.memref_slice %arg3[%dma_wait3A_1606, %dma_wait3A_1607] : memref<1000001x32xf32, #tpu.memory_space<hbm>> -> memref<1000001x32xf32, #tpu.memory_space<hbm>>
      tpu.wait_indirect_dma semaphore(%arg9 : memref<!tpu.dma_semaphore, #tpu.memory_space<semaphore_mem>>) src(%dma_wait3A_1608 : memref<1000001x32xf32, #tpu.memory_space<hbm>>) dst(%dma_wait3A_1602 : memref<40x32xf32, #tpu.memory_space<vmem>>)
      %dma_wait3A_1609 = arith.constant 1 : i32
      %dma_wait3A_1610 = arith.constant 5 : i32
      %dma_wait3A_1611 = arith.constant 1 : i32
      %dma_wait3A_1612 = arith.constant 5 : i32
      %dma_wait3A_1613 = arith.constant 80 : i32
      %dma_wait3A_1614 = arith.constant 0 : i32
      %dma_wait3A_1615 = tpu.memref_slice %arg7[%dma_wait3A_1611, %dma_wait3A_1612, %dma_wait3A_1613, %dma_wait3A_1614] : memref<2x8x200x32xf32, #tpu.memory_space<vmem>> -> memref<1x1x40x32xf32, #tpu.memory_space<vmem>>
      %dma_wait3A_1616 = tpu.memref_squeeze %dma_wait3A_1615 : memref<1x1x40x32xf32, #tpu.memory_space<vmem>> -> memref<40x32xf32, #tpu.memory_space<vmem>>
      %dma_wait3A_1617 = arith.constant 80 : i32
      %dma_wait3A_1618 = tpu.memref_slice %arg6[%dma_wait3A_1609, %dma_wait3A_1610, %dma_wait3A_1617] : memref<2x8x200xi32, #tpu.memory_space<vmem>> -> memref<1x1x40xi32, #tpu.memory_space<vmem>>
      %dma_wait3A_1619 = tpu.memref_squeeze %dma_wait3A_1618 : memref<1x1x40xi32, #tpu.memory_space<vmem>> -> memref<40xi32, #tpu.memory_space<vmem>>
      %dma_wait3A_1620 = arith.constant 0 : i32
      %dma_wait3A_1621 = arith.constant 0 : i32
      %dma_wait3A_1622 = tpu.memref_slice %arg3[%dma_wait3A_1620, %dma_wait3A_1621] : memref<1000001x32xf32, #tpu.memory_space<hbm>> -> memref<1000001x32xf32, #tpu.memory_space<hbm>>
      tpu.wait_indirect_dma semaphore(%arg9 : memref<!tpu.dma_semaphore, #tpu.memory_space<semaphore_mem>>) src(%dma_wait3A_1622 : memref<1000001x32xf32, #tpu.memory_space<hbm>>) dst(%dma_wait3A_1616 : memref<40x32xf32, #tpu.memory_space<vmem>>)
      %dma_wait3A_1623 = arith.constant 1 : i32
      %dma_wait3A_1624 = arith.constant 5 : i32
      %dma_wait3A_1625 = arith.constant 1 : i32
      %dma_wait3A_1626 = arith.constant 5 : i32
      %dma_wait3A_1627 = arith.constant 120 : i32
      %dma_wait3A_1628 = arith.constant 0 : i32
      %dma_wait3A_1629 = tpu.memref_slice %arg7[%dma_wait3A_1625, %dma_wait3A_1626, %dma_wait3A_1627, %dma_wait3A_1628] : memref<2x8x200x32xf32, #tpu.memory_space<vmem>> -> memref<1x1x40x32xf32, #tpu.memory_space<vmem>>
      %dma_wait3A_1630 = tpu.memref_squeeze %dma_wait3A_1629 : memref<1x1x40x32xf32, #tpu.memory_space<vmem>> -> memref<40x32xf32, #tpu.memory_space<vmem>>
      %dma_wait3A_1631 = arith.constant 120 : i32
      %dma_wait3A_1632 = tpu.memref_slice %arg6[%dma_wait3A_1623, %dma_wait3A_1624, %dma_wait3A_1631] : memref<2x8x200xi32, #tpu.memory_space<vmem>> -> memref<1x1x40xi32, #tpu.memory_space<vmem>>
      %dma_wait3A_1633 = tpu.memref_squeeze %dma_wait3A_1632 : memref<1x1x40xi32, #tpu.memory_space<vmem>> -> memref<40xi32, #tpu.memory_space<vmem>>
      %dma_wait3A_1634 = arith.constant 0 : i32
      %dma_wait3A_1635 = arith.constant 0 : i32
      %dma_wait3A_1636 = tpu.memref_slice %arg3[%dma_wait3A_1634, %dma_wait3A_1635] : memref<1000001x32xf32, #tpu.memory_space<hbm>> -> memref<1000001x32xf32, #tpu.memory_space<hbm>>
      tpu.wait_indirect_dma semaphore(%arg9 : memref<!tpu.dma_semaphore, #tpu.memory_space<semaphore_mem>>) src(%dma_wait3A_1636 : memref<1000001x32xf32, #tpu.memory_space<hbm>>) dst(%dma_wait3A_1630 : memref<40x32xf32, #tpu.memory_space<vmem>>)
      %dma_wait3A_1637 = arith.constant 1 : i32
      %dma_wait3A_1638 = arith.constant 5 : i32
      %dma_wait3A_1639 = arith.constant 1 : i32
      %dma_wait3A_1640 = arith.constant 5 : i32
      %dma_wait3A_1641 = arith.constant 160 : i32
      %dma_wait3A_1642 = arith.constant 0 : i32
      %dma_wait3A_1643 = tpu.memref_slice %arg7[%dma_wait3A_1639, %dma_wait3A_1640, %dma_wait3A_1641, %dma_wait3A_1642] : memref<2x8x200x32xf32, #tpu.memory_space<vmem>> -> memref<1x1x40x32xf32, #tpu.memory_space<vmem>>
      %dma_wait3A_1644 = tpu.memref_squeeze %dma_wait3A_1643 : memref<1x1x40x32xf32, #tpu.memory_space<vmem>> -> memref<40x32xf32, #tpu.memory_space<vmem>>
      %dma_wait3A_1645 = arith.constant 160 : i32
      %dma_wait3A_1646 = tpu.memref_slice %arg6[%dma_wait3A_1637, %dma_wait3A_1638, %dma_wait3A_1645] : memref<2x8x200xi32, #tpu.memory_space<vmem>> -> memref<1x1x40xi32, #tpu.memory_space<vmem>>
      %dma_wait3A_1647 = tpu.memref_squeeze %dma_wait3A_1646 : memref<1x1x40xi32, #tpu.memory_space<vmem>> -> memref<40xi32, #tpu.memory_space<vmem>>
      %dma_wait3A_1648 = arith.constant 0 : i32
      %dma_wait3A_1649 = arith.constant 0 : i32
      %dma_wait3A_1650 = tpu.memref_slice %arg3[%dma_wait3A_1648, %dma_wait3A_1649] : memref<1000001x32xf32, #tpu.memory_space<hbm>> -> memref<1000001x32xf32, #tpu.memory_space<hbm>>
      tpu.wait_indirect_dma semaphore(%arg9 : memref<!tpu.dma_semaphore, #tpu.memory_space<semaphore_mem>>) src(%dma_wait3A_1650 : memref<1000001x32xf32, #tpu.memory_space<hbm>>) dst(%dma_wait3A_1644 : memref<40x32xf32, #tpu.memory_space<vmem>>)
      %dma_wait3A_1651 = arith.constant 1 : i32
      %dma_wait3A_1652 = arith.constant 6 : i32
      %dma_wait3A_1653 = arith.constant 1 : i32
      %dma_wait3A_1654 = arith.constant 6 : i32
      %dma_wait3A_1655 = arith.constant 0 : i32
      %dma_wait3A_1656 = arith.constant 0 : i32
      %dma_wait3A_1657 = tpu.memref_slice %arg7[%dma_wait3A_1653, %dma_wait3A_1654, %dma_wait3A_1655, %dma_wait3A_1656] : memref<2x8x200x32xf32, #tpu.memory_space<vmem>> -> memref<1x1x40x32xf32, #tpu.memory_space<vmem>>
      %dma_wait3A_1658 = tpu.memref_squeeze %dma_wait3A_1657 : memref<1x1x40x32xf32, #tpu.memory_space<vmem>> -> memref<40x32xf32, #tpu.memory_space<vmem>>
      %dma_wait3A_1659 = arith.constant 0 : i32
      %dma_wait3A_1660 = tpu.memref_slice %arg6[%dma_wait3A_1651, %dma_wait3A_1652, %dma_wait3A_1659] : memref<2x8x200xi32, #tpu.memory_space<vmem>> -> memref<1x1x40xi32, #tpu.memory_space<vmem>>
      %dma_wait3A_1661 = tpu.memref_squeeze %dma_wait3A_1660 : memref<1x1x40xi32, #tpu.memory_space<vmem>> -> memref<40xi32, #tpu.memory_space<vmem>>
      %dma_wait3A_1662 = arith.constant 0 : i32
      %dma_wait3A_1663 = arith.constant 0 : i32
      %dma_wait3A_1664 = tpu.memref_slice %arg3[%dma_wait3A_1662, %dma_wait3A_1663] : memref<1000001x32xf32, #tpu.memory_space<hbm>> -> memref<1000001x32xf32, #tpu.memory_space<hbm>>
      tpu.wait_indirect_dma semaphore(%arg9 : memref<!tpu.dma_semaphore, #tpu.memory_space<semaphore_mem>>) src(%dma_wait3A_1664 : memref<1000001x32xf32, #tpu.memory_space<hbm>>) dst(%dma_wait3A_1658 : memref<40x32xf32, #tpu.memory_space<vmem>>)
      %dma_wait3A_1665 = arith.constant 1 : i32
      %dma_wait3A_1666 = arith.constant 6 : i32
      %dma_wait3A_1667 = arith.constant 1 : i32
      %dma_wait3A_1668 = arith.constant 6 : i32
      %dma_wait3A_1669 = arith.constant 40 : i32
      %dma_wait3A_1670 = arith.constant 0 : i32
      %dma_wait3A_1671 = tpu.memref_slice %arg7[%dma_wait3A_1667, %dma_wait3A_1668, %dma_wait3A_1669, %dma_wait3A_1670] : memref<2x8x200x32xf32, #tpu.memory_space<vmem>> -> memref<1x1x40x32xf32, #tpu.memory_space<vmem>>
      %dma_wait3A_1672 = tpu.memref_squeeze %dma_wait3A_1671 : memref<1x1x40x32xf32, #tpu.memory_space<vmem>> -> memref<40x32xf32, #tpu.memory_space<vmem>>
      %dma_wait3A_1673 = arith.constant 40 : i32
      %dma_wait3A_1674 = tpu.memref_slice %arg6[%dma_wait3A_1665, %dma_wait3A_1666, %dma_wait3A_1673] : memref<2x8x200xi32, #tpu.memory_space<vmem>> -> memref<1x1x40xi32, #tpu.memory_space<vmem>>
      %dma_wait3A_1675 = tpu.memref_squeeze %dma_wait3A_1674 : memref<1x1x40xi32, #tpu.memory_space<vmem>> -> memref<40xi32, #tpu.memory_space<vmem>>
      %dma_wait3A_1676 = arith.constant 0 : i32
      %dma_wait3A_1677 = arith.constant 0 : i32
      %dma_wait3A_1678 = tpu.memref_slice %arg3[%dma_wait3A_1676, %dma_wait3A_1677] : memref<1000001x32xf32, #tpu.memory_space<hbm>> -> memref<1000001x32xf32, #tpu.memory_space<hbm>>
      tpu.wait_indirect_dma semaphore(%arg9 : memref<!tpu.dma_semaphore, #tpu.memory_space<semaphore_mem>>) src(%dma_wait3A_1678 : memref<1000001x32xf32, #tpu.memory_space<hbm>>) dst(%dma_wait3A_1672 : memref<40x32xf32, #tpu.memory_space<vmem>>)
      %dma_wait3A_1679 = arith.constant 1 : i32
      %dma_wait3A_1680 = arith.constant 6 : i32
      %dma_wait3A_1681 = arith.constant 1 : i32
      %dma_wait3A_1682 = arith.constant 6 : i32
      %dma_wait3A_1683 = arith.constant 80 : i32
      %dma_wait3A_1684 = arith.constant 0 : i32
      %dma_wait3A_1685 = tpu.memref_slice %arg7[%dma_wait3A_1681, %dma_wait3A_1682, %dma_wait3A_1683, %dma_wait3A_1684] : memref<2x8x200x32xf32, #tpu.memory_space<vmem>> -> memref<1x1x40x32xf32, #tpu.memory_space<vmem>>
      %dma_wait3A_1686 = tpu.memref_squeeze %dma_wait3A_1685 : memref<1x1x40x32xf32, #tpu.memory_space<vmem>> -> memref<40x32xf32, #tpu.memory_space<vmem>>
      %dma_wait3A_1687 = arith.constant 80 : i32
      %dma_wait3A_1688 = tpu.memref_slice %arg6[%dma_wait3A_1679, %dma_wait3A_1680, %dma_wait3A_1687] : memref<2x8x200xi32, #tpu.memory_space<vmem>> -> memref<1x1x40xi32, #tpu.memory_space<vmem>>
      %dma_wait3A_1689 = tpu.memref_squeeze %dma_wait3A_1688 : memref<1x1x40xi32, #tpu.memory_space<vmem>> -> memref<40xi32, #tpu.memory_space<vmem>>
      %dma_wait3A_1690 = arith.constant 0 : i32
      %dma_wait3A_1691 = arith.constant 0 : i32
      %dma_wait3A_1692 = tpu.memref_slice %arg3[%dma_wait3A_1690, %dma_wait3A_1691] : memref<1000001x32xf32, #tpu.memory_space<hbm>> -> memref<1000001x32xf32, #tpu.memory_space<hbm>>
      tpu.wait_indirect_dma semaphore(%arg9 : memref<!tpu.dma_semaphore, #tpu.memory_space<semaphore_mem>>) src(%dma_wait3A_1692 : memref<1000001x32xf32, #tpu.memory_space<hbm>>) dst(%dma_wait3A_1686 : memref<40x32xf32, #tpu.memory_space<vmem>>)
      %dma_wait3A_1693 = arith.constant 1 : i32
      %dma_wait3A_1694 = arith.constant 6 : i32
      %dma_wait3A_1695 = arith.constant 1 : i32
      %dma_wait3A_1696 = arith.constant 6 : i32
      %dma_wait3A_1697 = arith.constant 120 : i32
      %dma_wait3A_1698 = arith.constant 0 : i32
      %dma_wait3A_1699 = tpu.memref_slice %arg7[%dma_wait3A_1695, %dma_wait3A_1696, %dma_wait3A_1697, %dma_wait3A_1698] : memref<2x8x200x32xf32, #tpu.memory_space<vmem>> -> memref<1x1x40x32xf32, #tpu.memory_space<vmem>>
      %dma_wait3A_1700 = tpu.memref_squeeze %dma_wait3A_1699 : memref<1x1x40x32xf32, #tpu.memory_space<vmem>> -> memref<40x32xf32, #tpu.memory_space<vmem>>
      %dma_wait3A_1701 = arith.constant 120 : i32
      %dma_wait3A_1702 = tpu.memref_slice %arg6[%dma_wait3A_1693, %dma_wait3A_1694, %dma_wait3A_1701] : memref<2x8x200xi32, #tpu.memory_space<vmem>> -> memref<1x1x40xi32, #tpu.memory_space<vmem>>
      %dma_wait3A_1703 = tpu.memref_squeeze %dma_wait3A_1702 : memref<1x1x40xi32, #tpu.memory_space<vmem>> -> memref<40xi32, #tpu.memory_space<vmem>>
      %dma_wait3A_1704 = arith.constant 0 : i32
      %dma_wait3A_1705 = arith.constant 0 : i32
      %dma_wait3A_1706 = tpu.memref_slice %arg3[%dma_wait3A_1704, %dma_wait3A_1705] : memref<1000001x32xf32, #tpu.memory_space<hbm>> -> memref<1000001x32xf32, #tpu.memory_space<hbm>>
      tpu.wait_indirect_dma semaphore(%arg9 : memref<!tpu.dma_semaphore, #tpu.memory_space<semaphore_mem>>) src(%dma_wait3A_1706 : memref<1000001x32xf32, #tpu.memory_space<hbm>>) dst(%dma_wait3A_1700 : memref<40x32xf32, #tpu.memory_space<vmem>>)
      %dma_wait3A_1707 = arith.constant 1 : i32
      %dma_wait3A_1708 = arith.constant 6 : i32
      %dma_wait3A_1709 = arith.constant 1 : i32
      %dma_wait3A_1710 = arith.constant 6 : i32
      %dma_wait3A_1711 = arith.constant 160 : i32
      %dma_wait3A_1712 = arith.constant 0 : i32
      %dma_wait3A_1713 = tpu.memref_slice %arg7[%dma_wait3A_1709, %dma_wait3A_1710, %dma_wait3A_1711, %dma_wait3A_1712] : memref<2x8x200x32xf32, #tpu.memory_space<vmem>> -> memref<1x1x40x32xf32, #tpu.memory_space<vmem>>
      %dma_wait3A_1714 = tpu.memref_squeeze %dma_wait3A_1713 : memref<1x1x40x32xf32, #tpu.memory_space<vmem>> -> memref<40x32xf32, #tpu.memory_space<vmem>>
      %dma_wait3A_1715 = arith.constant 160 : i32
      %dma_wait3A_1716 = tpu.memref_slice %arg6[%dma_wait3A_1707, %dma_wait3A_1708, %dma_wait3A_1715] : memref<2x8x200xi32, #tpu.memory_space<vmem>> -> memref<1x1x40xi32, #tpu.memory_space<vmem>>
      %dma_wait3A_1717 = tpu.memref_squeeze %dma_wait3A_1716 : memref<1x1x40xi32, #tpu.memory_space<vmem>> -> memref<40xi32, #tpu.memory_space<vmem>>
      %dma_wait3A_1718 = arith.constant 0 : i32
      %dma_wait3A_1719 = arith.constant 0 : i32
      %dma_wait3A_1720 = tpu.memref_slice %arg3[%dma_wait3A_1718, %dma_wait3A_1719] : memref<1000001x32xf32, #tpu.memory_space<hbm>> -> memref<1000001x32xf32, #tpu.memory_space<hbm>>
      tpu.wait_indirect_dma semaphore(%arg9 : memref<!tpu.dma_semaphore, #tpu.memory_space<semaphore_mem>>) src(%dma_wait3A_1720 : memref<1000001x32xf32, #tpu.memory_space<hbm>>) dst(%dma_wait3A_1714 : memref<40x32xf32, #tpu.memory_space<vmem>>)
      %dma_wait3A_1721 = arith.constant 1 : i32
      %dma_wait3A_1722 = arith.constant 7 : i32
      %dma_wait3A_1723 = arith.constant 1 : i32
      %dma_wait3A_1724 = arith.constant 7 : i32
      %dma_wait3A_1725 = arith.constant 0 : i32
      %dma_wait3A_1726 = arith.constant 0 : i32
      %dma_wait3A_1727 = tpu.memref_slice %arg7[%dma_wait3A_1723, %dma_wait3A_1724, %dma_wait3A_1725, %dma_wait3A_1726] : memref<2x8x200x32xf32, #tpu.memory_space<vmem>> -> memref<1x1x40x32xf32, #tpu.memory_space<vmem>>
      %dma_wait3A_1728 = tpu.memref_squeeze %dma_wait3A_1727 : memref<1x1x40x32xf32, #tpu.memory_space<vmem>> -> memref<40x32xf32, #tpu.memory_space<vmem>>
      %dma_wait3A_1729 = arith.constant 0 : i32
      %dma_wait3A_1730 = tpu.memref_slice %arg6[%dma_wait3A_1721, %dma_wait3A_1722, %dma_wait3A_1729] : memref<2x8x200xi32, #tpu.memory_space<vmem>> -> memref<1x1x40xi32, #tpu.memory_space<vmem>>
      %dma_wait3A_1731 = tpu.memref_squeeze %dma_wait3A_1730 : memref<1x1x40xi32, #tpu.memory_space<vmem>> -> memref<40xi32, #tpu.memory_space<vmem>>
      %dma_wait3A_1732 = arith.constant 0 : i32
      %dma_wait3A_1733 = arith.constant 0 : i32
      %dma_wait3A_1734 = tpu.memref_slice %arg3[%dma_wait3A_1732, %dma_wait3A_1733] : memref<1000001x32xf32, #tpu.memory_space<hbm>> -> memref<1000001x32xf32, #tpu.memory_space<hbm>>
      tpu.wait_indirect_dma semaphore(%arg9 : memref<!tpu.dma_semaphore, #tpu.memory_space<semaphore_mem>>) src(%dma_wait3A_1734 : memref<1000001x32xf32, #tpu.memory_space<hbm>>) dst(%dma_wait3A_1728 : memref<40x32xf32, #tpu.memory_space<vmem>>)
      %dma_wait3A_1735 = arith.constant 1 : i32
      %dma_wait3A_1736 = arith.constant 7 : i32
      %dma_wait3A_1737 = arith.constant 1 : i32
      %dma_wait3A_1738 = arith.constant 7 : i32
      %dma_wait3A_1739 = arith.constant 40 : i32
      %dma_wait3A_1740 = arith.constant 0 : i32
      %dma_wait3A_1741 = tpu.memref_slice %arg7[%dma_wait3A_1737, %dma_wait3A_1738, %dma_wait3A_1739, %dma_wait3A_1740] : memref<2x8x200x32xf32, #tpu.memory_space<vmem>> -> memref<1x1x40x32xf32, #tpu.memory_space<vmem>>
      %dma_wait3A_1742 = tpu.memref_squeeze %dma_wait3A_1741 : memref<1x1x40x32xf32, #tpu.memory_space<vmem>> -> memref<40x32xf32, #tpu.memory_space<vmem>>
      %dma_wait3A_1743 = arith.constant 40 : i32
      %dma_wait3A_1744 = tpu.memref_slice %arg6[%dma_wait3A_1735, %dma_wait3A_1736, %dma_wait3A_1743] : memref<2x8x200xi32, #tpu.memory_space<vmem>> -> memref<1x1x40xi32, #tpu.memory_space<vmem>>
      %dma_wait3A_1745 = tpu.memref_squeeze %dma_wait3A_1744 : memref<1x1x40xi32, #tpu.memory_space<vmem>> -> memref<40xi32, #tpu.memory_space<vmem>>
      %dma_wait3A_1746 = arith.constant 0 : i32
      %dma_wait3A_1747 = arith.constant 0 : i32
      %dma_wait3A_1748 = tpu.memref_slice %arg3[%dma_wait3A_1746, %dma_wait3A_1747] : memref<1000001x32xf32, #tpu.memory_space<hbm>> -> memref<1000001x32xf32, #tpu.memory_space<hbm>>
      tpu.wait_indirect_dma semaphore(%arg9 : memref<!tpu.dma_semaphore, #tpu.memory_space<semaphore_mem>>) src(%dma_wait3A_1748 : memref<1000001x32xf32, #tpu.memory_space<hbm>>) dst(%dma_wait3A_1742 : memref<40x32xf32, #tpu.memory_space<vmem>>)
      %dma_wait3A_1749 = arith.constant 1 : i32
      %dma_wait3A_1750 = arith.constant 7 : i32
      %dma_wait3A_1751 = arith.constant 1 : i32
      %dma_wait3A_1752 = arith.constant 7 : i32
      %dma_wait3A_1753 = arith.constant 80 : i32
      %dma_wait3A_1754 = arith.constant 0 : i32
      %dma_wait3A_1755 = tpu.memref_slice %arg7[%dma_wait3A_1751, %dma_wait3A_1752, %dma_wait3A_1753, %dma_wait3A_1754] : memref<2x8x200x32xf32, #tpu.memory_space<vmem>> -> memref<1x1x40x32xf32, #tpu.memory_space<vmem>>
      %dma_wait3A_1756 = tpu.memref_squeeze %dma_wait3A_1755 : memref<1x1x40x32xf32, #tpu.memory_space<vmem>> -> memref<40x32xf32, #tpu.memory_space<vmem>>
      %dma_wait3A_1757 = arith.constant 80 : i32
      %dma_wait3A_1758 = tpu.memref_slice %arg6[%dma_wait3A_1749, %dma_wait3A_1750, %dma_wait3A_1757] : memref<2x8x200xi32, #tpu.memory_space<vmem>> -> memref<1x1x40xi32, #tpu.memory_space<vmem>>
      %dma_wait3A_1759 = tpu.memref_squeeze %dma_wait3A_1758 : memref<1x1x40xi32, #tpu.memory_space<vmem>> -> memref<40xi32, #tpu.memory_space<vmem>>
      %dma_wait3A_1760 = arith.constant 0 : i32
      %dma_wait3A_1761 = arith.constant 0 : i32
      %dma_wait3A_1762 = tpu.memref_slice %arg3[%dma_wait3A_1760, %dma_wait3A_1761] : memref<1000001x32xf32, #tpu.memory_space<hbm>> -> memref<1000001x32xf32, #tpu.memory_space<hbm>>
      tpu.wait_indirect_dma semaphore(%arg9 : memref<!tpu.dma_semaphore, #tpu.memory_space<semaphore_mem>>) src(%dma_wait3A_1762 : memref<1000001x32xf32, #tpu.memory_space<hbm>>) dst(%dma_wait3A_1756 : memref<40x32xf32, #tpu.memory_space<vmem>>)
      %dma_wait3A_1763 = arith.constant 1 : i32
      %dma_wait3A_1764 = arith.constant 7 : i32
      %dma_wait3A_1765 = arith.constant 1 : i32
      %dma_wait3A_1766 = arith.constant 7 : i32
      %dma_wait3A_1767 = arith.constant 120 : i32
      %dma_wait3A_1768 = arith.constant 0 : i32
      %dma_wait3A_1769 = tpu.memref_slice %arg7[%dma_wait3A_1765, %dma_wait3A_1766, %dma_wait3A_1767, %dma_wait3A_1768] : memref<2x8x200x32xf32, #tpu.memory_space<vmem>> -> memref<1x1x40x32xf32, #tpu.memory_space<vmem>>
      %dma_wait3A_1770 = tpu.memref_squeeze %dma_wait3A_1769 : memref<1x1x40x32xf32, #tpu.memory_space<vmem>> -> memref<40x32xf32, #tpu.memory_space<vmem>>
      %dma_wait3A_1771 = arith.constant 120 : i32
      %dma_wait3A_1772 = tpu.memref_slice %arg6[%dma_wait3A_1763, %dma_wait3A_1764, %dma_wait3A_1771] : memref<2x8x200xi32, #tpu.memory_space<vmem>> -> memref<1x1x40xi32, #tpu.memory_space<vmem>>
      %dma_wait3A_1773 = tpu.memref_squeeze %dma_wait3A_1772 : memref<1x1x40xi32, #tpu.memory_space<vmem>> -> memref<40xi32, #tpu.memory_space<vmem>>
      %dma_wait3A_1774 = arith.constant 0 : i32
      %dma_wait3A_1775 = arith.constant 0 : i32
      %dma_wait3A_1776 = tpu.memref_slice %arg3[%dma_wait3A_1774, %dma_wait3A_1775] : memref<1000001x32xf32, #tpu.memory_space<hbm>> -> memref<1000001x32xf32, #tpu.memory_space<hbm>>
      tpu.wait_indirect_dma semaphore(%arg9 : memref<!tpu.dma_semaphore, #tpu.memory_space<semaphore_mem>>) src(%dma_wait3A_1776 : memref<1000001x32xf32, #tpu.memory_space<hbm>>) dst(%dma_wait3A_1770 : memref<40x32xf32, #tpu.memory_space<vmem>>)
      %dma_wait3A_1777 = arith.constant 1 : i32
      %dma_wait3A_1778 = arith.constant 7 : i32
      %dma_wait3A_1779 = arith.constant 1 : i32
      %dma_wait3A_1780 = arith.constant 7 : i32
      %dma_wait3A_1781 = arith.constant 160 : i32
      %dma_wait3A_1782 = arith.constant 0 : i32
      %dma_wait3A_1783 = tpu.memref_slice %arg7[%dma_wait3A_1779, %dma_wait3A_1780, %dma_wait3A_1781, %dma_wait3A_1782] : memref<2x8x200x32xf32, #tpu.memory_space<vmem>> -> memref<1x1x40x32xf32, #tpu.memory_space<vmem>>
      %dma_wait3A_1784 = tpu.memref_squeeze %dma_wait3A_1783 : memref<1x1x40x32xf32, #tpu.memory_space<vmem>> -> memref<40x32xf32, #tpu.memory_space<vmem>>
      %dma_wait3A_1785 = arith.constant 160 : i32
      %dma_wait3A_1786 = tpu.memref_slice %arg6[%dma_wait3A_1777, %dma_wait3A_1778, %dma_wait3A_1785] : memref<2x8x200xi32, #tpu.memory_space<vmem>> -> memref<1x1x40xi32, #tpu.memory_space<vmem>>
      %dma_wait3A_1787 = tpu.memref_squeeze %dma_wait3A_1786 : memref<1x1x40xi32, #tpu.memory_space<vmem>> -> memref<40xi32, #tpu.memory_space<vmem>>
      %dma_wait3A_1788 = arith.constant 0 : i32
      %dma_wait3A_1789 = arith.constant 0 : i32
      %dma_wait3A_1790 = tpu.memref_slice %arg3[%dma_wait3A_1788, %dma_wait3A_1789] : memref<1000001x32xf32, #tpu.memory_space<hbm>> -> memref<1000001x32xf32, #tpu.memory_space<hbm>>
      tpu.wait_indirect_dma semaphore(%arg9 : memref<!tpu.dma_semaphore, #tpu.memory_space<semaphore_mem>>) src(%dma_wait3A_1790 : memref<1000001x32xf32, #tpu.memory_space<hbm>>) dst(%dma_wait3A_1784 : memref<40x32xf32, #tpu.memory_space<vmem>>)
      %scan3A_1791 = arith.constant 0 : i32
      %scan3A_1792 = arith.constant 0 : i32
      %scan3A_1793 = arith.constant 200 : i32
      %scan3A_1794 = arith.addi %scan3A_1792, %scan3A_1793 : i32
      %scan3A_1795 = arith.constant 1 : i32
      scf.for %scan3A_1818 = %scan3A_1792 to %scan3A_1794 step %scan3A_1795  : i32 {
        %get3A = arith.index_cast %scan3A_1818 : i32 to index
        %get3A_1819 = arith.constant 0 : index
        %get3A_1820 = tpu.vector_load %arg8[%get3A, %get3A_1819] {strides = array<i32>} : memref<200x32xf32, #tpu.memory_space<vmem>>, vector<1x16xf32>,
        %get3A_1821 = vector.shape_cast %get3A_1820 : vector<1x16xf32> to vector<16xf32>
        %get3A_1822 = arith.index_cast %scan3A_1818 : i32 to index
        %get3A_1823 = arith.constant 16 : index
        %get3A_1824 = tpu.vector_load %arg8[%get3A_1822, %get3A_1823] {strides = array<i32>} : memref<200x32xf32, #tpu.memory_space<vmem>>, vector<1x16xf32>,
        %get3A_1825 = vector.shape_cast %get3A_1824 : vector<1x16xf32> to vector<16xf32>
        %swap3A = arith.constant 1 : i32
        %swap3A_1826 = arith.constant 0 : i32
        %swap3A_1827 = arith.index_cast %swap3A : i32 to index
        %swap3A_1828 = arith.index_cast %swap3A_1826 : i32 to index
        %swap3A_1829 = arith.index_cast %scan3A_1818 : i32 to index
        %swap3A_1830 = arith.constant 0 : index
        %swap3A_1831 = tpu.vector_load %arg7[%swap3A_1827, %swap3A_1828, %swap3A_1829, %swap3A_1830] {strides = array<i32>} : memref<2x8x200x32xf32, #tpu.memory_space<vmem>>, vector<1x1x1x16xf32>,
        %swap3A_1832 = vector.shape_cast %swap3A_1831 : vector<1x1x1x16xf32> to vector<16xf32>
        %swap3A_1833 = vector.shape_cast %get3A_1821 : vector<16xf32> to vector<1x1x1x16xf32>
        tpu.vector_store %arg7[%swap3A_1827, %swap3A_1828, %swap3A_1829, %swap3A_1830], %swap3A_1833 {add = true, strides = array<i32>} : memref<2x8x200x32xf32, #tpu.memory_space<vmem>>, vector<1x1x1x16xf32>,
        %swap3A_1834 = arith.constant 1 : i32
        %swap3A_1835 = arith.constant 0 : i32
        %swap3A_1836 = arith.index_cast %swap3A_1834 : i32 to index
        %swap3A_1837 = arith.index_cast %swap3A_1835 : i32 to index
        %swap3A_1838 = arith.index_cast %scan3A_1818 : i32 to index
        %swap3A_1839 = arith.constant 16 : index
        %swap3A_1840 = tpu.vector_load %arg7[%swap3A_1836, %swap3A_1837, %swap3A_1838, %swap3A_1839] {strides = array<i32>} : memref<2x8x200x32xf32, #tpu.memory_space<vmem>>, vector<1x1x1x16xf32>,
        %swap3A_1841 = vector.shape_cast %swap3A_1840 : vector<1x1x1x16xf32> to vector<16xf32>
        %swap3A_1842 = vector.shape_cast %get3A_1825 : vector<16xf32> to vector<1x1x1x16xf32>
        tpu.vector_store %arg7[%swap3A_1836, %swap3A_1837, %swap3A_1838, %swap3A_1839], %swap3A_1842 {add = true, strides = array<i32>} : memref<2x8x200x32xf32, #tpu.memory_space<vmem>>, vector<1x1x1x16xf32>,
        %swap3A_1843 = arith.constant 1 : i32
        %swap3A_1844 = arith.constant 1 : i32
        %swap3A_1845 = arith.index_cast %swap3A_1843 : i32 to index
        %swap3A_1846 = arith.index_cast %swap3A_1844 : i32 to index
        %swap3A_1847 = arith.index_cast %scan3A_1818 : i32 to index
        %swap3A_1848 = arith.constant 0 : index
        %swap3A_1849 = tpu.vector_load %arg7[%swap3A_1845, %swap3A_1846, %swap3A_1847, %swap3A_1848] {strides = array<i32>} : memref<2x8x200x32xf32, #tpu.memory_space<vmem>>, vector<1x1x1x16xf32>,
        %swap3A_1850 = vector.shape_cast %swap3A_1849 : vector<1x1x1x16xf32> to vector<16xf32>
        %swap3A_1851 = vector.shape_cast %get3A_1821 : vector<16xf32> to vector<1x1x1x16xf32>
        tpu.vector_store %arg7[%swap3A_1845, %swap3A_1846, %swap3A_1847, %swap3A_1848], %swap3A_1851 {add = true, strides = array<i32>} : memref<2x8x200x32xf32, #tpu.memory_space<vmem>>, vector<1x1x1x16xf32>,
        %swap3A_1852 = arith.constant 1 : i32
        %swap3A_1853 = arith.constant 1 : i32
        %swap3A_1854 = arith.index_cast %swap3A_1852 : i32 to index
        %swap3A_1855 = arith.index_cast %swap3A_1853 : i32 to index
        %swap3A_1856 = arith.index_cast %scan3A_1818 : i32 to index
        %swap3A_1857 = arith.constant 16 : index
        %swap3A_1858 = tpu.vector_load %arg7[%swap3A_1854, %swap3A_1855, %swap3A_1856, %swap3A_1857] {strides = array<i32>} : memref<2x8x200x32xf32, #tpu.memory_space<vmem>>, vector<1x1x1x16xf32>,
        %swap3A_1859 = vector.shape_cast %swap3A_1858 : vector<1x1x1x16xf32> to vector<16xf32>
        %swap3A_1860 = vector.shape_cast %get3A_1825 : vector<16xf32> to vector<1x1x1x16xf32>
        tpu.vector_store %arg7[%swap3A_1854, %swap3A_1855, %swap3A_1856, %swap3A_1857], %swap3A_1860 {add = true, strides = array<i32>} : memref<2x8x200x32xf32, #tpu.memory_space<vmem>>, vector<1x1x1x16xf32>,
        %swap3A_1861 = arith.constant 1 : i32
        %swap3A_1862 = arith.constant 2 : i32
        %swap3A_1863 = arith.index_cast %swap3A_1861 : i32 to index
        %swap3A_1864 = arith.index_cast %swap3A_1862 : i32 to index
        %swap3A_1865 = arith.index_cast %scan3A_1818 : i32 to index
        %swap3A_1866 = arith.constant 0 : index
        %swap3A_1867 = tpu.vector_load %arg7[%swap3A_1863, %swap3A_1864, %swap3A_1865, %swap3A_1866] {strides = array<i32>} : memref<2x8x200x32xf32, #tpu.memory_space<vmem>>, vector<1x1x1x16xf32>,
        %swap3A_1868 = vector.shape_cast %swap3A_1867 : vector<1x1x1x16xf32> to vector<16xf32>
        %swap3A_1869 = vector.shape_cast %get3A_1821 : vector<16xf32> to vector<1x1x1x16xf32>
        tpu.vector_store %arg7[%swap3A_1863, %swap3A_1864, %swap3A_1865, %swap3A_1866], %swap3A_1869 {add = true, strides = array<i32>} : memref<2x8x200x32xf32, #tpu.memory_space<vmem>>, vector<1x1x1x16xf32>,
        %swap3A_1870 = arith.constant 1 : i32
        %swap3A_1871 = arith.constant 2 : i32
        %swap3A_1872 = arith.index_cast %swap3A_1870 : i32 to index
        %swap3A_1873 = arith.index_cast %swap3A_1871 : i32 to index
        %swap3A_1874 = arith.index_cast %scan3A_1818 : i32 to index
        %swap3A_1875 = arith.constant 16 : index
        %swap3A_1876 = tpu.vector_load %arg7[%swap3A_1872, %swap3A_1873, %swap3A_1874, %swap3A_1875] {strides = array<i32>} : memref<2x8x200x32xf32, #tpu.memory_space<vmem>>, vector<1x1x1x16xf32>,
        %swap3A_1877 = vector.shape_cast %swap3A_1876 : vector<1x1x1x16xf32> to vector<16xf32>
        %swap3A_1878 = vector.shape_cast %get3A_1825 : vector<16xf32> to vector<1x1x1x16xf32>
        tpu.vector_store %arg7[%swap3A_1872, %swap3A_1873, %swap3A_1874, %swap3A_1875], %swap3A_1878 {add = true, strides = array<i32>} : memref<2x8x200x32xf32, #tpu.memory_space<vmem>>, vector<1x1x1x16xf32>,
        %swap3A_1879 = arith.constant 1 : i32
        %swap3A_1880 = arith.constant 3 : i32
        %swap3A_1881 = arith.index_cast %swap3A_1879 : i32 to index
        %swap3A_1882 = arith.index_cast %swap3A_1880 : i32 to index
        %swap3A_1883 = arith.index_cast %scan3A_1818 : i32 to index
        %swap3A_1884 = arith.constant 0 : index
        %swap3A_1885 = tpu.vector_load %arg7[%swap3A_1881, %swap3A_1882, %swap3A_1883, %swap3A_1884] {strides = array<i32>} : memref<2x8x200x32xf32, #tpu.memory_space<vmem>>, vector<1x1x1x16xf32>,
        %swap3A_1886 = vector.shape_cast %swap3A_1885 : vector<1x1x1x16xf32> to vector<16xf32>
        %swap3A_1887 = vector.shape_cast %get3A_1821 : vector<16xf32> to vector<1x1x1x16xf32>
        tpu.vector_store %arg7[%swap3A_1881, %swap3A_1882, %swap3A_1883, %swap3A_1884], %swap3A_1887 {add = true, strides = array<i32>} : memref<2x8x200x32xf32, #tpu.memory_space<vmem>>, vector<1x1x1x16xf32>,
        %swap3A_1888 = arith.constant 1 : i32
        %swap3A_1889 = arith.constant 3 : i32
        %swap3A_1890 = arith.index_cast %swap3A_1888 : i32 to index
        %swap3A_1891 = arith.index_cast %swap3A_1889 : i32 to index
        %swap3A_1892 = arith.index_cast %scan3A_1818 : i32 to index
        %swap3A_1893 = arith.constant 16 : index
        %swap3A_1894 = tpu.vector_load %arg7[%swap3A_1890, %swap3A_1891, %swap3A_1892, %swap3A_1893] {strides = array<i32>} : memref<2x8x200x32xf32, #tpu.memory_space<vmem>>, vector<1x1x1x16xf32>,
        %swap3A_1895 = vector.shape_cast %swap3A_1894 : vector<1x1x1x16xf32> to vector<16xf32>
        %swap3A_1896 = vector.shape_cast %get3A_1825 : vector<16xf32> to vector<1x1x1x16xf32>
        tpu.vector_store %arg7[%swap3A_1890, %swap3A_1891, %swap3A_1892, %swap3A_1893], %swap3A_1896 {add = true, strides = array<i32>} : memref<2x8x200x32xf32, #tpu.memory_space<vmem>>, vector<1x1x1x16xf32>,
        %swap3A_1897 = arith.constant 1 : i32
        %swap3A_1898 = arith.constant 4 : i32
        %swap3A_1899 = arith.index_cast %swap3A_1897 : i32 to index
        %swap3A_1900 = arith.index_cast %swap3A_1898 : i32 to index
        %swap3A_1901 = arith.index_cast %scan3A_1818 : i32 to index
        %swap3A_1902 = arith.constant 0 : index
        %swap3A_1903 = tpu.vector_load %arg7[%swap3A_1899, %swap3A_1900, %swap3A_1901, %swap3A_1902] {strides = array<i32>} : memref<2x8x200x32xf32, #tpu.memory_space<vmem>>, vector<1x1x1x16xf32>,
        %swap3A_1904 = vector.shape_cast %swap3A_1903 : vector<1x1x1x16xf32> to vector<16xf32>
        %swap3A_1905 = vector.shape_cast %get3A_1821 : vector<16xf32> to vector<1x1x1x16xf32>
        tpu.vector_store %arg7[%swap3A_1899, %swap3A_1900, %swap3A_1901, %swap3A_1902], %swap3A_1905 {add = true, strides = array<i32>} : memref<2x8x200x32xf32, #tpu.memory_space<vmem>>, vector<1x1x1x16xf32>,
        %swap3A_1906 = arith.constant 1 : i32
        %swap3A_1907 = arith.constant 4 : i32
        %swap3A_1908 = arith.index_cast %swap3A_1906 : i32 to index
        %swap3A_1909 = arith.index_cast %swap3A_1907 : i32 to index
        %swap3A_1910 = arith.index_cast %scan3A_1818 : i32 to index
        %swap3A_1911 = arith.constant 16 : index
        %swap3A_1912 = tpu.vector_load %arg7[%swap3A_1908, %swap3A_1909, %swap3A_1910, %swap3A_1911] {strides = array<i32>} : memref<2x8x200x32xf32, #tpu.memory_space<vmem>>, vector<1x1x1x16xf32>,
        %swap3A_1913 = vector.shape_cast %swap3A_1912 : vector<1x1x1x16xf32> to vector<16xf32>
        %swap3A_1914 = vector.shape_cast %get3A_1825 : vector<16xf32> to vector<1x1x1x16xf32>
        tpu.vector_store %arg7[%swap3A_1908, %swap3A_1909, %swap3A_1910, %swap3A_1911], %swap3A_1914 {add = true, strides = array<i32>} : memref<2x8x200x32xf32, #tpu.memory_space<vmem>>, vector<1x1x1x16xf32>,
        %swap3A_1915 = arith.constant 1 : i32
        %swap3A_1916 = arith.constant 5 : i32
        %swap3A_1917 = arith.index_cast %swap3A_1915 : i32 to index
        %swap3A_1918 = arith.index_cast %swap3A_1916 : i32 to index
        %swap3A_1919 = arith.index_cast %scan3A_1818 : i32 to index
        %swap3A_1920 = arith.constant 0 : index
        %swap3A_1921 = tpu.vector_load %arg7[%swap3A_1917, %swap3A_1918, %swap3A_1919, %swap3A_1920] {strides = array<i32>} : memref<2x8x200x32xf32, #tpu.memory_space<vmem>>, vector<1x1x1x16xf32>,
        %swap3A_1922 = vector.shape_cast %swap3A_1921 : vector<1x1x1x16xf32> to vector<16xf32>
        %swap3A_1923 = vector.shape_cast %get3A_1821 : vector<16xf32> to vector<1x1x1x16xf32>
        tpu.vector_store %arg7[%swap3A_1917, %swap3A_1918, %swap3A_1919, %swap3A_1920], %swap3A_1923 {add = true, strides = array<i32>} : memref<2x8x200x32xf32, #tpu.memory_space<vmem>>, vector<1x1x1x16xf32>,
        %swap3A_1924 = arith.constant 1 : i32
        %swap3A_1925 = arith.constant 5 : i32
        %swap3A_1926 = arith.index_cast %swap3A_1924 : i32 to index
        %swap3A_1927 = arith.index_cast %swap3A_1925 : i32 to index
        %swap3A_1928 = arith.index_cast %scan3A_1818 : i32 to index
        %swap3A_1929 = arith.constant 16 : index
        %swap3A_1930 = tpu.vector_load %arg7[%swap3A_1926, %swap3A_1927, %swap3A_1928, %swap3A_1929] {strides = array<i32>} : memref<2x8x200x32xf32, #tpu.memory_space<vmem>>, vector<1x1x1x16xf32>,
        %swap3A_1931 = vector.shape_cast %swap3A_1930 : vector<1x1x1x16xf32> to vector<16xf32>
        %swap3A_1932 = vector.shape_cast %get3A_1825 : vector<16xf32> to vector<1x1x1x16xf32>
        tpu.vector_store %arg7[%swap3A_1926, %swap3A_1927, %swap3A_1928, %swap3A_1929], %swap3A_1932 {add = true, strides = array<i32>} : memref<2x8x200x32xf32, #tpu.memory_space<vmem>>, vector<1x1x1x16xf32>,
        %swap3A_1933 = arith.constant 1 : i32
        %swap3A_1934 = arith.constant 6 : i32
        %swap3A_1935 = arith.index_cast %swap3A_1933 : i32 to index
        %swap3A_1936 = arith.index_cast %swap3A_1934 : i32 to index
        %swap3A_1937 = arith.index_cast %scan3A_1818 : i32 to index
        %swap3A_1938 = arith.constant 0 : index
        %swap3A_1939 = tpu.vector_load %arg7[%swap3A_1935, %swap3A_1936, %swap3A_1937, %swap3A_1938] {strides = array<i32>} : memref<2x8x200x32xf32, #tpu.memory_space<vmem>>, vector<1x1x1x16xf32>,
        %swap3A_1940 = vector.shape_cast %swap3A_1939 : vector<1x1x1x16xf32> to vector<16xf32>
        %swap3A_1941 = vector.shape_cast %get3A_1821 : vector<16xf32> to vector<1x1x1x16xf32>
        tpu.vector_store %arg7[%swap3A_1935, %swap3A_1936, %swap3A_1937, %swap3A_1938], %swap3A_1941 {add = true, strides = array<i32>} : memref<2x8x200x32xf32, #tpu.memory_space<vmem>>, vector<1x1x1x16xf32>,
        %swap3A_1942 = arith.constant 1 : i32
        %swap3A_1943 = arith.constant 6 : i32
        %swap3A_1944 = arith.index_cast %swap3A_1942 : i32 to index
        %swap3A_1945 = arith.index_cast %swap3A_1943 : i32 to index
        %swap3A_1946 = arith.index_cast %scan3A_1818 : i32 to index
        %swap3A_1947 = arith.constant 16 : index
        %swap3A_1948 = tpu.vector_load %arg7[%swap3A_1944, %swap3A_1945, %swap3A_1946, %swap3A_1947] {strides = array<i32>} : memref<2x8x200x32xf32, #tpu.memory_space<vmem>>, vector<1x1x1x16xf32>,
        %swap3A_1949 = vector.shape_cast %swap3A_1948 : vector<1x1x1x16xf32> to vector<16xf32>
        %swap3A_1950 = vector.shape_cast %get3A_1825 : vector<16xf32> to vector<1x1x1x16xf32>
        tpu.vector_store %arg7[%swap3A_1944, %swap3A_1945, %swap3A_1946, %swap3A_1947], %swap3A_1950 {add = true, strides = array<i32>} : memref<2x8x200x32xf32, #tpu.memory_space<vmem>>, vector<1x1x1x16xf32>,
        %swap3A_1951 = arith.constant 1 : i32
        %swap3A_1952 = arith.constant 7 : i32
        %swap3A_1953 = arith.index_cast %swap3A_1951 : i32 to index
        %swap3A_1954 = arith.index_cast %swap3A_1952 : i32 to index
        %swap3A_1955 = arith.index_cast %scan3A_1818 : i32 to index
        %swap3A_1956 = arith.constant 0 : index
        %swap3A_1957 = tpu.vector_load %arg7[%swap3A_1953, %swap3A_1954, %swap3A_1955, %swap3A_1956] {strides = array<i32>} : memref<2x8x200x32xf32, #tpu.memory_space<vmem>>, vector<1x1x1x16xf32>,
        %swap3A_1958 = vector.shape_cast %swap3A_1957 : vector<1x1x1x16xf32> to vector<16xf32>
        %swap3A_1959 = vector.shape_cast %get3A_1821 : vector<16xf32> to vector<1x1x1x16xf32>
        tpu.vector_store %arg7[%swap3A_1953, %swap3A_1954, %swap3A_1955, %swap3A_1956], %swap3A_1959 {add = true, strides = array<i32>} : memref<2x8x200x32xf32, #tpu.memory_space<vmem>>, vector<1x1x1x16xf32>,
        %swap3A_1960 = arith.constant 1 : i32
        %swap3A_1961 = arith.constant 7 : i32
        %swap3A_1962 = arith.index_cast %swap3A_1960 : i32 to index
        %swap3A_1963 = arith.index_cast %swap3A_1961 : i32 to index
        %swap3A_1964 = arith.index_cast %scan3A_1818 : i32 to index
        %swap3A_1965 = arith.constant 16 : index
        %swap3A_1966 = tpu.vector_load %arg7[%swap3A_1962, %swap3A_1963, %swap3A_1964, %swap3A_1965] {strides = array<i32>} : memref<2x8x200x32xf32, #tpu.memory_space<vmem>>, vector<1x1x1x16xf32>,
        %swap3A_1967 = vector.shape_cast %swap3A_1966 : vector<1x1x1x16xf32> to vector<16xf32>
        %swap3A_1968 = vector.shape_cast %get3A_1825 : vector<16xf32> to vector<1x1x1x16xf32>
        tpu.vector_store %arg7[%swap3A_1962, %swap3A_1963, %swap3A_1964, %swap3A_1965], %swap3A_1968 {add = true, strides = array<i32>} : memref<2x8x200x32xf32, #tpu.memory_space<vmem>>, vector<1x1x1x16xf32>,
      }
      %scan3A_1796 = arith.constant 200 : i32
      %mul3A_1797 = arith.constant 8 : i32
      %mul3A_1798 = arith.muli %add3A_1213, %mul3A_1797 : i32
      %add3A_1799 = arith.addi %mul3A_2, %mul3A_1798 : i32
      %multiple_of3A_1800 = tpu.assume_multiple %add3A_1799, 8 : i32
      %dma_start3A_1801 = arith.constant 1 : i32
      %dma_start3A_1802 = arith.constant 0 : i32
      %dma_start3A_1803 = arith.constant 0 : i32
      %dma_start3A_1804 = arith.constant 0 : i32
      %dma_start3A_1805 = tpu.memref_slice %arg7[%dma_start3A_1801, %dma_start3A_1802, %dma_start3A_1803, %dma_start3A_1804] : memref<2x8x200x32xf32, #tpu.memory_space<vmem>> -> memref<1x8x200x32xf32, #tpu.memory_space<vmem>>
      %dma_start3A_1806 = tpu.memref_squeeze %dma_start3A_1805 : memref<1x8x200x32xf32, #tpu.memory_space<vmem>> -> memref<8x200x32xf32, #tpu.memory_space<vmem>>
      %dma_start3A_1807 = arith.constant 0 : i32
      %dma_start3A_1808 = arith.constant 0 : i32
      %dma_start3A_1809 = tpu.memref_slice %arg5[%multiple_of3A_1800, %dma_start3A_1807, %dma_start3A_1808] : memref<4096x200x32xf32, #tpu.memory_space<hbm>> -> memref<8x200x32xf32, #tpu.memory_space<hbm>>
      %dma_start3A_1810 = arith.constant 0 : i32
      %dma_start3A_1811 = arith.constant 0 : i32
      %dma_start3A_1812 = tpu.memref_slice %arg5[%multiple_of3A_1800, %dma_start3A_1810, %dma_start3A_1811] : memref<4096x200x32xf32, #tpu.memory_space<hbm>> -> memref<8x200x32xf32, #tpu.memory_space<hbm>>
      %dma_start3A_1813 = arith.constant 0 : i32
      %dma_start3A_1814 = arith.constant 0 : i32
      %dma_start3A_1815 = arith.constant 0 : i32
      %dma_start3A_1816 = tpu.memref_slice %arg7[%dma_start3A_1801, %dma_start3A_1813, %dma_start3A_1814, %dma_start3A_1815] : memref<2x8x200x32xf32, #tpu.memory_space<vmem>> -> memref<1x8x200x32xf32, #tpu.memory_space<vmem>>
      %dma_start3A_1817 = tpu.memref_squeeze %dma_start3A_1816 : memref<1x8x200x32xf32, #tpu.memory_space<vmem>> -> memref<8x200x32xf32, #tpu.memory_space<vmem>>
      tpu.enqueue_dma source(%dma_start3A_1817 : memref<8x200x32xf32, #tpu.memory_space<vmem>>) target(%dma_start3A_1812 : memref<8x200x32xf32, #tpu.memory_space<hbm>>) target_semaphore(%arg11 : memref<!tpu.dma_semaphore, #tpu.memory_space<semaphore_mem>>)
    }
    %scan3A_568 = arith.constant 8 : i32
    %add3A_569 = arith.constant 0 : i32
    %add3A_570 = arith.addi %mul3A_2, %add3A_569 : i32
    %multiple_of3A_571 = tpu.assume_multiple %add3A_570, 8 : i32
    %dma_wait3A = arith.constant 0 : i32
    %dma_wait3A_572 = arith.constant 0 : i32
    %dma_wait3A_573 = arith.constant 0 : i32
    %dma_wait3A_574 = arith.constant 0 : i32
    %dma_wait3A_575 = tpu.memref_slice %arg7[%dma_wait3A, %dma_wait3A_572, %dma_wait3A_573, %dma_wait3A_574] : memref<2x8x200x32xf32, #tpu.memory_space<vmem>> -> memref<1x8x200x32xf32, #tpu.memory_space<vmem>>
    %dma_wait3A_576 = tpu.memref_squeeze %dma_wait3A_575 : memref<1x8x200x32xf32, #tpu.memory_space<vmem>> -> memref<8x200x32xf32, #tpu.memory_space<vmem>>
    %dma_wait3A_577 = arith.constant 0 : i32
    %dma_wait3A_578 = arith.constant 0 : i32
    %dma_wait3A_579 = tpu.memref_slice %arg5[%multiple_of3A_571, %dma_wait3A_577, %dma_wait3A_578] : memref<4096x200x32xf32, #tpu.memory_space<hbm>> -> memref<8x200x32xf32, #tpu.memory_space<hbm>>
    %dma_wait3A_580 = arith.constant 0 : i32
    %dma_wait3A_581 = arith.constant 0 : i32
    %dma_wait3A_582 = tpu.memref_slice %arg5[%multiple_of3A_571, %dma_wait3A_580, %dma_wait3A_581] : memref<4096x200x32xf32, #tpu.memory_space<hbm>> -> memref<8x200x32xf32, #tpu.memory_space<hbm>>
    %dma_wait3A_583 = arith.constant 0 : i32
    %dma_wait3A_584 = arith.constant 0 : i32
    %dma_wait3A_585 = arith.constant 0 : i32
    %dma_wait3A_586 = tpu.memref_slice %arg7[%dma_wait3A, %dma_wait3A_583, %dma_wait3A_584, %dma_wait3A_585] : memref<2x8x200x32xf32, #tpu.memory_space<vmem>> -> memref<1x8x200x32xf32, #tpu.memory_space<vmem>>
    %dma_wait3A_587 = tpu.memref_squeeze %dma_wait3A_586 : memref<1x8x200x32xf32, #tpu.memory_space<vmem>> -> memref<8x200x32xf32, #tpu.memory_space<vmem>>
    tpu.wait_dma2 semaphore(%arg10 : memref<!tpu.dma_semaphore, #tpu.memory_space<semaphore_mem>>) src(%dma_wait3A_587 : memref<8x200x32xf32, #tpu.memory_space<vmem>>) dst(%dma_wait3A_582 : memref<8x200x32xf32, #tpu.memory_space<hbm>>)
    %add3A_588 = arith.constant 8 : i32
    %add3A_589 = arith.addi %mul3A_2, %add3A_588 : i32
    %multiple_of3A_590 = tpu.assume_multiple %add3A_589, 8 : i32
    %dma_wait3A_591 = arith.constant 1 : i32
    %dma_wait3A_592 = arith.constant 0 : i32
    %dma_wait3A_593 = arith.constant 0 : i32
    %dma_wait3A_594 = arith.constant 0 : i32
    %dma_wait3A_595 = tpu.memref_slice %arg7[%dma_wait3A_591, %dma_wait3A_592, %dma_wait3A_593, %dma_wait3A_594] : memref<2x8x200x32xf32, #tpu.memory_space<vmem>> -> memref<1x8x200x32xf32, #tpu.memory_space<vmem>>
    %dma_wait3A_596 = tpu.memref_squeeze %dma_wait3A_595 : memref<1x8x200x32xf32, #tpu.memory_space<vmem>> -> memref<8x200x32xf32, #tpu.memory_space<vmem>>
    %dma_wait3A_597 = arith.constant 0 : i32
    %dma_wait3A_598 = arith.constant 0 : i32
    %dma_wait3A_599 = tpu.memref_slice %arg5[%multiple_of3A_590, %dma_wait3A_597, %dma_wait3A_598] : memref<4096x200x32xf32, #tpu.memory_space<hbm>> -> memref<8x200x32xf32, #tpu.memory_space<hbm>>
    %dma_wait3A_600 = arith.constant 0 : i32
    %dma_wait3A_601 = arith.constant 0 : i32
    %dma_wait3A_602 = tpu.memref_slice %arg5[%multiple_of3A_590, %dma_wait3A_600, %dma_wait3A_601] : memref<4096x200x32xf32, #tpu.memory_space<hbm>> -> memref<8x200x32xf32, #tpu.memory_space<hbm>>
    %dma_wait3A_603 = arith.constant 0 : i32
    %dma_wait3A_604 = arith.constant 0 : i32
    %dma_wait3A_605 = arith.constant 0 : i32
    %dma_wait3A_606 = tpu.memref_slice %arg7[%dma_wait3A_591, %dma_wait3A_603, %dma_wait3A_604, %dma_wait3A_605] : memref<2x8x200x32xf32, #tpu.memory_space<vmem>> -> memref<1x8x200x32xf32, #tpu.memory_space<vmem>>
    %dma_wait3A_607 = tpu.memref_squeeze %dma_wait3A_606 : memref<1x8x200x32xf32, #tpu.memory_space<vmem>> -> memref<8x200x32xf32, #tpu.memory_space<vmem>>
    tpu.wait_dma2 semaphore(%arg11 : memref<!tpu.dma_semaphore, #tpu.memory_space<semaphore_mem>>) src(%dma_wait3A_607 : memref<8x200x32xf32, #tpu.memory_space<vmem>>) dst(%dma_wait3A_602 : memref<8x200x32xf32, #tpu.memory_space<hbm>>)
    return
  }
}

</mosaic_0001>

<sc_bundles>
// kernel: kernel.3.cloned.1.call-start
scs
__scs_entry_jumppad:
0x0: {  	(pc) =	sbr.rel $0x88, $3  }
0x1: {  	(tag) =	ssettag $0x0;
	lr =	simm.s32 $0x1  }
0x2: {  	[smem:$0x3F9E] =	sst lr;
	_ =	strace $0xD0000000  }
0x3: {  	_ = 	snop  }
0x4: {  	_ = 	snop  }
0x5: {  	_ = 	snop  }
0x6: {  	_ = 	snop  }
0x7: {  	_ = 	snop  }
__scs_overlays_trampoline_lowered:
0x8: {  	[smem:$0x3FAD] =	sst s0  }
0x9: {  	[smem:$0x3FAE] =	sst s1  }
0xa: {  	[smem:$0x3FAF] =	sst s2  }
0xb: {  	[smem:$0x3FB0] =	sst s3  }
0xc: {  	[smem:$0x3FB1] =	sst s4  }
0xd: {  	[smem:$0x3FB2] =	sst s5  }
0xe: {  	[smem:$0x3FB3] =	sst s6  }
0xf: {  	[smem:$0x3FB4] =	sst s7  }
0x10: {  	[smem:$0x3FB5] =	sst s8  }
0x11: {  	[smem:$0x3FB6] =	sst s9;
	s0 =	simm.s32 @!p0 $0x0  }
0x12: {  	s1 =	sld [smem:$0x3F9C];
	s0 =	simm.s32 @p0 $0x1  }
0x13: {  	[smem:$0x3FB7] =	sst s0;
	s0 =	simm.s32 @!p1 $0x0  }
0x14: {  	s2 =	sld [smem:$0x3F9B];
	s0 =	simm.s32 @p1 $0x1  }
0x15: {  	[smem:$0x3FB8] =	sst s0;
	s0 =	simm.s32 @!p2 $0x0  }
0x16: {  	s3 =	sld [smem:$0x3FDB];
	s0 =	simm.s32 @p2 $0x1  }
0x17: {  	s4 =	simm.s32 $0x1BF5;
	[smem:$0x3FBA] =	sst s0  }
0x18: {  	s0 =	sld [smem:$0x3F9D];
	_ =	swait.ge [sflag:s4], $0x0  }
0x19: {  	s7 =	sld [smem:$0x3F9E]  }
0x1a: {  	s8 =	sadd.s32 $0xFFFFE003, lr  }
0x1b: {  	s9 =	sadd.s32 $0xFFFFFEF7, lr;
	s5 =	simm.s32 $0xFFFFFFFF;
	p2 =	slt.u32 s8, $0xFFFFF086  }
0x1c: {  	p1 =	slt.u32 s9, $0xF7A;
	s5 =	simm.s32 @!p2 $0x0  }
0x1d: {  	s5 =	simm.s32 @p1 $0x1;
	p0 =	seq.s32 s7, s2  }
0x1e: {  	s7 =	smul.u32 @!p0 $0xF7A, s2;
	p2 =	seq.s32 @!p0 s5, $0x0  }
0x1f: {  	s9 =	smul.u32 $0xF7A, s1;
	s8 =	simm.s32 @!p0 $0x1BF5;
	p2 =	por !p2, p0  }
0x20: {  	[sflag:s8] =	ssyncset.s32 @!p0 $0xFFFFF086;
	s6 =	sadd.s32 @!p0 s3, s7;
	s7 =	simm.s32 @!p0 $0x108  }
0x21: {  	s3 =	sadd.s32 s3, s9;
	s6 =	sadd.s32 @!p0 $0x88, s6;
	s7 =	simm.s32 @p2 $0x1082  }
0x22: {  	[simem:s7], [sflag:s8] =	dma.local @!p0 [hbm:s6], $0xF7A  }
0x23: {  	s9 =	sor.u32 $0xD0000000, s2;
	s6 =	simm.s32 $0x108;
	_ =	swait.ge @!p0 [sflag:s8], $0x0  }
0x24: {  	s3 =	sadd.s32 $0x88, s3;
	s6 =	simm.s32 @!p1 $0x1082;
	[sflag:s4] =	ssyncset.s32 $0xFFFFF086  }
0x25: {  	[simem:s6], [sflag:s4] =	dma.local [hbm:s3], $0xF7A  }
0x26: {  	[smem:$0x3F9E] =	sst s1;
	(tag) =	ssettag s2;
	_ =	strace s9  }
0x27: {  	s1 =	sld [smem:$0x3FAE]  }
0x28: {  	s2 =	sld [smem:$0x3FAF]  }
0x29: {  	s4 =	sld [smem:$0x3FB1]  }
0x2a: {  	p0 =	seq.s32 s5, $0x0;
	s5 =	sld [smem:$0x3FB2]  }
0x2b: {  	s6 =	sld [smem:$0x3FB3]  }
0x2c: {  	s7 =	sld [smem:$0x3FB4]  }
0x2d: {  	s3 =	simm.s32 $0x108;
	s8 =	sld [smem:$0x3FB5]  }
0x2e: {  	s3 =	simm.s32 @!p0 $0x1082;
	s9 =	sld [smem:$0x3FB6]  }
0x2f: {  	lr =	sadd.s32 s0, s3;
	s0 =	sld [smem:$0x3FAD]  }
0x30: {  	s3 =	sld [smem:$0x3FB0]  }
0x31: {  	[smem:$0x3FB9] =	sst s10  }
0x32: {  	s10 =	sld [smem:$0x3FB7];
	_ =	sdelay $0x3  }
0x33: {  	p0 =	seq.s32 s10, $0x1;
	s10 =	sld [smem:$0x3FB9];
	_ =	sdelay $0x3  }
0x34: {  	[smem:$0x3FB9] =	sst s10  }
0x35: {  	s10 =	sld [smem:$0x3FB8];
	_ =	sdelay $0x3  }
0x36: {  	p1 =	seq.s32 s10, $0x1;
	s10 =	sld [smem:$0x3FB9];
	_ =	sdelay $0x3  }
0x37: {  	[smem:$0x3FB9] =	sst s10  }
0x38: {  	s10 =	sld [smem:$0x3FBA]  }
0x39: {  	_ = 	snop;
	(pc) =	sbr.ind lr, $3  }
0x3a: {  	_ = 	snop  }
0x3b: {  	_ = 	snop  }
0x3c: {  	p2 =	seq.s32 s10, $0x1;
	s10 =	sld [smem:$0x3FB9]  }
0x3d: {  	_ =	shalt  }
0x3e: {  	_ =	shalt  }
0x3f: {  	_ =	shalt  }
0x40: {  	_ =	shalt  }
0x41: {  	_ =	shalt  }
0x42: {  	_ =	shalt  }
0x43: {  	_ =	shalt  }
0x44: {  	_ =	shalt  }
0x45: {  	_ =	shalt  }
0x46: {  	_ =	shalt  }
0x47: {  	_ =	shalt  }
0x48: {  	_ =	shalt  }
0x49: {  	_ =	shalt  }
0x4a: {  	_ =	shalt  }
0x4b: {  	_ =	shalt  }
0x4c: {  	_ =	shalt  }
0x4d: {  	_ =	shalt  }
0x4e: {  	_ =	shalt  }
0x4f: {  	_ =	shalt  }
0x50: {  	_ =	shalt  }
0x51: {  	_ =	shalt  }
0x52: {  	_ =	shalt  }
0x53: {  	_ =	shalt  }
0x54: {  	_ =	shalt  }
0x55: {  	_ =	shalt  }
0x56: {  	_ =	shalt  }
0x57: {  	_ =	shalt  }
0x58: {  	_ =	shalt  }
0x59: {  	_ =	shalt  }
0x5a: {  	_ =	shalt  }
0x5b: {  	_ =	shalt  }
0x5c: {  	_ =	shalt  }
0x5d: {  	_ =	shalt  }
0x5e: {  	_ =	shalt  }
0x5f: {  	_ =	shalt  }
0x60: {  	_ =	shalt  }
0x61: {  	_ =	shalt  }
0x62: {  	_ =	shalt  }
0x63: {  	_ =	shalt  }
0x64: {  	_ =	shalt  }
0x65: {  	_ =	shalt  }
0x66: {  	_ =	shalt  }
0x67: {  	_ =	shalt  }
0x68: {  	_ =	shalt  }
0x69: {  	_ =	shalt  }
0x6a: {  	_ =	shalt  }
0x6b: {  	_ =	shalt  }
0x6c: {  	_ =	shalt  }
0x6d: {  	_ =	shalt  }
0x6e: {  	_ =	shalt  }
0x6f: {  	_ =	shalt  }
0x70: {  	_ =	shalt  }
0x71: {  	_ =	shalt  }
0x72: {  	_ =	shalt  }
0x73: {  	_ =	shalt  }
0x74: {  	_ =	shalt  }
0x75: {  	_ =	shalt  }
0x76: {  	_ =	shalt  }
0x77: {  	_ =	shalt  }
0x78: {  	_ =	shalt  }
0x79: {  	_ =	shalt  }
0x7a: {  	_ =	shalt  }
0x7b: {  	_ =	shalt  }
0x7c: {  	_ =	shalt  }
0x7d: {  	_ =	shalt  }
0x7e: {  	_ =	shalt  }
0x7f: {  	_ =	shalt  }
0x80: {  	_ =	shalt  }
0x81: {  	_ =	shalt  }
0x82: {  	_ =	shalt  }
0x83: {  	_ =	shalt  }
0x84: {  	_ =	shalt  }
0x85: {  	_ =	shalt  }
0x86: {  	_ =	shalt  }
0x87: {  	_ =	shalt  }
.Lfunc_end0:
.L_simem_size_0:
called_computation.1_lowered:
.L_overlay_start_0:
0x88: {  	s2 =	sld [smem:$0x3FD9]  }
0x89: {  	s3 =	sld [smem:$0x3FFE];
	_ =	sdelay $0x1  }
0x8a: {  	s1 =	srdreg.scid  }
0x8b: {  	s0 =	sand.u32 $0x1, s1  }
0x8c: {  	s17 =	sshll.u32 s0, $0xA;
	s2 =	sadd.s32 s3, s2  }
0x8d: {  	s2 =	sadd.s32 s2, s17  }
0x8e: {  	[smem:$0x3FC5] =	sst s2  }
0x8f: {  	_ = 	snop  }
0x90: {  	s2 =	sld [smem:$0x3FD0];
	(tm) =	ssettm $0x1  }
0x91: {  	s18 =	sld [smem:$0x3FFB];
	_ =	sdelay $0x3  }
0x92: {  	_ =	strace s18  }
0x93: {  	s3 =	sld [smem:$0x3FFC];
	_ =	sdelay $0x3  }
0x94: {  	_ =	strace s3  }
0x95: {  	s3 =	sld [smem:$0x3FFD];
	_ =	sdelay $0x3  }
0x96: {  	_ =	strace s3  }
0x97: {  	_ =	strace $0x8FFFFFFF  }
0x98: {  	s19 =	sld [smem:$0x3FDB];
	_ =	sdelay $0x1  }
0x99: {  	s4 =	simm.s32 $_scs_section_size  }
0x9a: {  	s5 =	simm.s32 $_size__tile_overlayer_lowered;
	s6 =	simm.s32 $_tile_overlayer_lowered  }
0x9b: {  	s22 =	simm.s32 $0x1BFF;
	s21 =	sshll.u32 s6, $0x1;
	s3 =	sadd.s32 s4, s19  }
0x9c: {  	s7 =	simm.s32 $0x0;
	s20 =	sshll.u32 s5, $0x1;
	s5 =	sadd.s32 s21, s3  }
0x9d: {  	[timem:s7], [sflag:s22] =	dma.local [hbm:s5], s20  }
0x9e: {  	_ =	swait.ge [sflag:s22], s20  }
0x9f: {  	s4 =	ssub.s32 $0x0, s20;
	[sflag:s22] =	ssyncset.done $0x0  }
0xa0: {  	[sflag:s22] =	ssyncadd.s32 s4;
	_ =	sdelay $0x1  }
0xa1: {  	s23 =	simm.s32 $0x1B8B  }
0xa2: {  	_ =	swait.ge [sflag:s23], $0x1  }
0xa3: {  	[sflag:s23] =	ssyncset.done $0x0  }
0xa4: {  	s25 =	simm.s32 $0x1B8E;
	s24 =	sld [smem:$0x3FFE];
	[sflag:s23] =	ssyncadd.s32 $0xFFFFFFFF  }
0xa5: {  	s26 =	simm.s32 $execute0_lowered;
	[smem:$0x3FD2] =	sst s25  }
0xa6: {  	s5 =	sshll.u32 s26, $0x1;
	_ =	strace $0x80000046;
	[dreg:$0x1] =	wrdreg $0xFFFFFFFF  }
0xa7: {  	s28 =	simm.s32 $_size_execute0_lowered;
	s3 =	sadd.s32 s3, s5;
	[dreg:$0x0] =	wrdreg $0x0  }
0xa8: {  	s5 =	sshll.u32 s28, $0x1;
	[dreg:$0x2] =	wrdreg s3  }
0xa9: {  	[dreg:$0x3] =	wrdreg s5  }
0xaa: {  	[dreg:$0x4] =	wrdreg $0xC0  }
0xab: {  	_ =	task [dreg:s7], $0x5FFFF  }
0xac: {  	[dreg:$0x1] =	wrdreg $0xFFFFFFFF  }
0xad: {  	[dreg:$0x0] =	wrdreg $0x60  }
0xae: {  	[dreg:$0x2] =	wrdreg s24  }
0xaf: {  	[dreg:$0x3] =	wrdreg s2  }
0xb0: {  	[dreg:$0x4] =	wrdreg $0x9  }
0xb1: {  	_ =	task.clear_ibuf [dreg:s7], $0x5FFFF;
	_ =	strace $0x90000046  }
0xb2: {  	s29 =	simm.s32 $0x9;
	_ =	strace $0x80000048  }
0xb3: {  	_ =	swait.ge [sflag:s29], $0x1  }
0xb4: {  	[sflag:s29] =	ssyncadd.s32 $0xFFFFFFFF  }
0xb5: {  	_ =	strace $0x90000048  }
0xb6: {  	_ =	sfence  }
0xb7: {  	s30 =	sld [smem:$0x0];
	_ =	sdelay $0x2  }
0xb8: {  	s31 =	sshll.u32 s1, $0xD;
	s1 =	sshrl.u32 s1, $0x2  }
0xb9: {  	s3 =	sand.u32 $0x4000, s31;
	s1 =	sadd.s32 s1, s30  }
0xba: {  	s0 =	sor.u32 s3, s0;
	s1 =	sshll.u32 s1, $0x11  }
0xbb: {  	s0 =	sor.u32 s1, s0  }
0xbc: {  	s0 =	sadd.s32 $0x8F2B, s0  }
0xbd: {  	[sflag:s0] =	ssyncadd.remote.s32 $0x1  }
0xbe: {  	_ =	sfence.sel $0xFFFF  }
0xbf: {  	[dreg:$0x0] =	wrdreg $0xFFFFFFFF;
	(pc) =	sbr.abs _section_cstart, $3  }
0xc0: {  	[dreg:$0x1] =	wrdreg $0xFFFFFFFF  }
0xc1: {  	_ =	task.clear_ibuf [dreg:s7], $0x2FFFF;
	_ =	strace $0x9FFFFFFF  }
0xc2: {  	(tm) =	ssettm $0x7FFFFFFF  }
0xc3: {  	_ =	shalt  }
tec
execute0_lowered:
.L_overlay_start_1:
0x0: {  	(tag) =	ssettag $0x1  }
0x1: {  	s0 =	rddreg [dreg:$0x0]  }
0x2: {  	s2 =	rddreg [dreg:$0x1]  }
0x3: {  	s1 =	srdreg.scid;
	s4 =	stileid.u32  }
0x4: {  	s3 =	simm.s32 $0x0;
	s13 =	simm.s32 $0x4;
	s14 =	simm.s32 $0x28  }
0x5: {  	s15 =	simm.s32 $0xC80;
	s31 =	simm.s32 $0x640;
	s17 =	simm.s32 $0xB90  }
0x6: {  	s18 =	simm.s32 $0x17E80;
	s19 =	simm.s32 $0xBB8;
	s20 =	simm.s32 $0x18380  }
0x7: {  	s21 =	simm.s32 $0xBE0;
	s22 =	simm.s32 $0x18880;
	s23 =	simm.s32 $0xC08  }
0x8: {  	s28 =	simm.s32 $0xC58;
	s29 =	simm.s32 $0x19780;
	s30 =	simm.s32 $0x1  }
0x9: {  	s10 =	simm.s32 $0x2;
	s1 =	sand.u32 $0x1, s1;
	s4 =	sshll.u32 s4, $0x8  }
0xa: {  	[smem:$0x7FF] =	sst s3;
	s6 =	sadd.s32 $0xF43200, s0;
	s5 =	sshll.u32 s1, $0x7  }
0xb: {  	_ =	strace $0x80000047;
	s1 =	ssub.s32 $0x2, s1;
	s4 =	sor.u32 s5, s4  }
0xc: {  	s5 =	sadd.s32 $0xC00, s0;
	s8 =	sshrl.u32 s1, $0x1;
	s0 =	sadd.s32 $0x19C00, s0  }
0xd: {  	s7 =	smul.u32 $0x19, s4;
	[dreg:$0x3] =	wrdreg s0;
	s24 =	ssub.s32 s1, s8  }
0xe: {  	s9 =	sor.u32 $0x8, s4;
	s26 =	sor.u32 $0x10, s4;
	s8 =	simm.s32 $0x0  }
0xf: {  	[dreg:$0x5] =	wrdreg s26;
	s0 =	smax.u32 s24, $0x1;
	s24 =	simm.s32 $0x18D80  }
0x10: {  	s26 =	simm.s32 $0x19280;
	s25 =	sadd.s32 s5, s7;
	[dreg:$0x6] =	wrdreg s0  }
0x11: {  	s0 =	simm.s32 $0xD480;
	[dreg:$0x4] =	wrdreg s25;
	s25 =	simm.s32 $0xC30  }
.LBB2_1:
0x12: {  	[dreg:$0x7] =	wrdreg s8  }
0x13: {  	s1 =	rddreg [dreg:$0x3];
	s7 =	simm.s32 $0x19C80  }
0x14: {  	[tilespmem:s7], [sflag:$0x4] =	stream.linear.gather [hbm4b:s1+s3], $0x1900, $0x38;
	[tilespmem:$0x1B580] =	vst v63  }
0x15: {  	_ =	swait.ge [sflag:s13], $0x1900  }
0x16: {  	[sflag:s13] =	ssyncset.done $0x0  }
0x17: {  	s16 =	rddreg [dreg:$0x4];
	[sflag:s13] =	ssyncadd.s32 $0xFFFFE700  }
0x18: {  	[tilespmem:s3], [sflag:$0x4] =	stream.linear.gather [hbm4b:s16+s3], $0x640, $0x38;
	[tilespmem:$0x1B580] =	vst v63  }
0x19: {  	_ =	swait.ge [sflag:s13], $0x640  }
0x1a: {  	[sflag:s13] =	ssyncset.done $0x0  }
0x1b: {  	[sflag:s13] =	ssyncadd.s32 $0xFFFFF9C0  }
0x1c: {  	[tilespmem:s15], [sflag:$0x1] =	stream.indirect.gather [hbm4b:s6+s14], $0x20, s3, s14, $0xb8;
	[tilespmem:$0x1B580] =	vst v63  }
0x1d: {  	s7 =	simm.s32 $0x1180  }
0x1e: {  	[tilespmem:s7], [sflag:$0x1] =	stream.indirect.gather [hbm4b:s6+s14], $0x20, s14, s14, $0xb8;
	[tilespmem:$0x1B580] =	vst v63  }
0x1f: {  	s8 =	simm.s32 $0x50;
	s11 =	simm.s32 $0x1680  }
0x20: {  	[tilespmem:s11], [sflag:$0x1] =	stream.indirect.gather [hbm4b:s6+s14], $0x20, s8, s14, $0xb8;
	[tilespmem:$0x1B580] =	vst v63  }
0x21: {  	s12 =	simm.s32 $0x78;
	s16 =	simm.s32 $0x1B80  }
0x22: {  	[tilespmem:s16], [sflag:$0x1] =	stream.indirect.gather [hbm4b:s6+s14], $0x20, s12, s14, $0xb8;
	[tilespmem:$0x1B580] =	vst v63  }
0x23: {  	s8 =	simm.s32 $0xA0;
	s11 =	simm.s32 $0x2080  }
0x24: {  	[tilespmem:s11], [sflag:$0x1] =	stream.indirect.gather [hbm4b:s6+s14], $0x20, s8, s14, $0xb8;
	[tilespmem:$0x1B580] =	vst v63  }
0x25: {  	s12 =	simm.s32 $0xC8;
	s16 =	simm.s32 $0x2580  }
0x26: {  	[tilespmem:s16], [sflag:$0x1] =	stream.indirect.gather [hbm4b:s6+s14], $0x20, s12, s14, $0xb8;
	[tilespmem:$0x1B580] =	vst v63  }
0x27: {  	s8 =	simm.s32 $0xF0;
	s11 =	simm.s32 $0x2A80  }
0x28: {  	[tilespmem:s11], [sflag:$0x1] =	stream.indirect.gather [hbm4b:s6+s14], $0x20, s8, s14, $0xb8;
	[tilespmem:$0x1B580] =	vst v63  }
0x29: {  	s12 =	simm.s32 $0x118;
	s16 =	simm.s32 $0x2F80  }
0x2a: {  	[tilespmem:s16], [sflag:$0x1] =	stream.indirect.gather [hbm4b:s6+s14], $0x20, s12, s14, $0xb8;
	[tilespmem:$0x1B580] =	vst v63  }
0x2b: {  	s8 =	simm.s32 $0x140;
	s11 =	simm.s32 $0x3480  }
0x2c: {  	[tilespmem:s11], [sflag:$0x1] =	stream.indirect.gather [hbm4b:s6+s14], $0x20, s8, s14, $0xb8;
	[tilespmem:$0x1B580] =	vst v63  }
0x2d: {  	s12 =	simm.s32 $0x168;
	s16 =	simm.s32 $0x3980  }
0x2e: {  	[tilespmem:s16], [sflag:$0x1] =	stream.indirect.gather [hbm4b:s6+s14], $0x20, s12, s14, $0xb8;
	[tilespmem:$0x1B580] =	vst v63  }
0x2f: {  	s8 =	simm.s32 $0x190;
	s11 =	simm.s32 $0x3E80  }
0x30: {  	[tilespmem:s11], [sflag:$0x1] =	stream.indirect.gather [hbm4b:s6+s14], $0x20, s8, s14, $0xb8;
	[tilespmem:$0x1B580] =	vst v63  }
0x31: {  	s12 =	simm.s32 $0x1B8;
	s16 =	simm.s32 $0x4380  }
0x32: {  	[tilespmem:s16], [sflag:$0x1] =	stream.indirect.gather [hbm4b:s6+s14], $0x20, s12, s14, $0xb8;
	[tilespmem:$0x1B580] =	vst v63  }
0x33: {  	s8 =	simm.s32 $0x1E0;
	s11 =	simm.s32 $0x4880  }
0x34: {  	[tilespmem:s11], [sflag:$0x1] =	stream.indirect.gather [hbm4b:s6+s14], $0x20, s8, s14, $0xb8;
	[tilespmem:$0x1B580] =	vst v63  }
0x35: {  	s12 =	simm.s32 $0x208;
	s16 =	simm.s32 $0x4D80  }
0x36: {  	[tilespmem:s16], [sflag:$0x1] =	stream.indirect.gather [hbm4b:s6+s14], $0x20, s12, s14, $0xb8;
	[tilespmem:$0x1B580] =	vst v63  }
0x37: {  	s8 =	simm.s32 $0x230;
	s11 =	simm.s32 $0x5280  }
0x38: {  	[tilespmem:s11], [sflag:$0x1] =	stream.indirect.gather [hbm4b:s6+s14], $0x20, s8, s14, $0xb8;
	[tilespmem:$0x1B580] =	vst v63  }
0x39: {  	s12 =	simm.s32 $0x258;
	s16 =	simm.s32 $0x5780  }
0x3a: {  	[tilespmem:s16], [sflag:$0x1] =	stream.indirect.gather [hbm4b:s6+s14], $0x20, s12, s14, $0xb8;
	[tilespmem:$0x1B580] =	vst v63  }
0x3b: {  	s8 =	simm.s32 $0x280;
	s11 =	simm.s32 $0x5C80  }
0x3c: {  	[tilespmem:s11], [sflag:$0x1] =	stream.indirect.gather [hbm4b:s6+s14], $0x20, s8, s14, $0xb8;
	[tilespmem:$0x1B580] =	vst v63  }
0x3d: {  	s12 =	simm.s32 $0x2A8;
	s16 =	simm.s32 $0x6180  }
0x3e: {  	[tilespmem:s16], [sflag:$0x1] =	stream.indirect.gather [hbm4b:s6+s14], $0x20, s12, s14, $0xb8;
	[tilespmem:$0x1B580] =	vst v63  }
0x3f: {  	s8 =	simm.s32 $0x2D0;
	s11 =	simm.s32 $0x6680  }
0x40: {  	[tilespmem:s11], [sflag:$0x1] =	stream.indirect.gather [hbm4b:s6+s14], $0x20, s8, s14, $0xb8;
	[tilespmem:$0x1B580] =	vst v63  }
0x41: {  	s12 =	simm.s32 $0x2F8;
	s16 =	simm.s32 $0x6B80  }
0x42: {  	[tilespmem:s16], [sflag:$0x1] =	stream.indirect.gather [hbm4b:s6+s14], $0x20, s12, s14, $0xb8;
	[tilespmem:$0x1B580] =	vst v63  }
0x43: {  	s8 =	simm.s32 $0x320;
	s11 =	simm.s32 $0x7080  }
0x44: {  	[tilespmem:s11], [sflag:$0x1] =	stream.indirect.gather [hbm4b:s6+s14], $0x20, s8, s14, $0xb8;
	[tilespmem:$0x1B580] =	vst v63  }
0x45: {  	s12 =	simm.s32 $0x348;
	s16 =	simm.s32 $0x7580  }
0x46: {  	[tilespmem:s16], [sflag:$0x1] =	stream.indirect.gather [hbm4b:s6+s14], $0x20, s12, s14, $0xb8;
	[tilespmem:$0x1B580] =	vst v63  }
0x47: {  	s8 =	simm.s32 $0x370;
	s11 =	simm.s32 $0x7A80  }
0x48: {  	[tilespmem:s11], [sflag:$0x1] =	stream.indirect.gather [hbm4b:s6+s14], $0x20, s8, s14, $0xb8;
	[tilespmem:$0x1B580] =	vst v63  }
0x49: {  	s12 =	simm.s32 $0x398;
	s16 =	simm.s32 $0x7F80  }
0x4a: {  	[tilespmem:s16], [sflag:$0x1] =	stream.indirect.gather [hbm4b:s6+s14], $0x20, s12, s14, $0xb8;
	[tilespmem:$0x1B580] =	vst v63  }
0x4b: {  	s8 =	simm.s32 $0x3C0;
	s11 =	simm.s32 $0x8480  }
0x4c: {  	[tilespmem:s11], [sflag:$0x1] =	stream.indirect.gather [hbm4b:s6+s14], $0x20, s8, s14, $0xb8;
	[tilespmem:$0x1B580] =	vst v63  }
0x4d: {  	s12 =	simm.s32 $0x3E8;
	s16 =	simm.s32 $0x8980  }
0x4e: {  	[tilespmem:s16], [sflag:$0x1] =	stream.indirect.gather [hbm4b:s6+s14], $0x20, s12, s14, $0xb8;
	[tilespmem:$0x1B580] =	vst v63  }
0x4f: {  	s8 =	simm.s32 $0x410;
	s11 =	simm.s32 $0x8E80  }
0x50: {  	[tilespmem:s11], [sflag:$0x1] =	stream.indirect.gather [hbm4b:s6+s14], $0x20, s8, s14, $0xb8;
	[tilespmem:$0x1B580] =	vst v63  }
0x51: {  	s12 =	simm.s32 $0x438;
	s16 =	simm.s32 $0x9380  }
0x52: {  	[tilespmem:s16], [sflag:$0x1] =	stream.indirect.gather [hbm4b:s6+s14], $0x20, s12, s14, $0xb8;
	[tilespmem:$0x1B580] =	vst v63  }
0x53: {  	s8 =	simm.s32 $0x460;
	s11 =	simm.s32 $0x9880  }
0x54: {  	[tilespmem:s11], [sflag:$0x1] =	stream.indirect.gather [hbm4b:s6+s14], $0x20, s8, s14, $0xb8;
	[tilespmem:$0x1B580] =	vst v63  }
0x55: {  	s12 =	simm.s32 $0x488;
	s16 =	simm.s32 $0x9D80  }
0x56: {  	[tilespmem:s16], [sflag:$0x1] =	stream.indirect.gather [hbm4b:s6+s14], $0x20, s12, s14, $0xb8;
	[tilespmem:$0x1B580] =	vst v63  }
0x57: {  	s8 =	simm.s32 $0x4B0;
	s11 =	simm.s32 $0xA280  }
0x58: {  	[tilespmem:s11], [sflag:$0x1] =	stream.indirect.gather [hbm4b:s6+s14], $0x20, s8, s14, $0xb8;
	[tilespmem:$0x1B580] =	vst v63  }
0x59: {  	s12 =	simm.s32 $0x4D8;
	s16 =	simm.s32 $0xA780  }
0x5a: {  	[tilespmem:s16], [sflag:$0x1] =	stream.indirect.gather [hbm4b:s6+s14], $0x20, s12, s14, $0xb8;
	[tilespmem:$0x1B580] =	vst v63  }
0x5b: {  	s8 =	simm.s32 $0x500;
	s11 =	simm.s32 $0xAC80  }
0x5c: {  	[tilespmem:s11], [sflag:$0x1] =	stream.indirect.gather [hbm4b:s6+s14], $0x20, s8, s14, $0xb8;
	[tilespmem:$0x1B580] =	vst v63  }
0x5d: {  	s12 =	simm.s32 $0x528;
	s16 =	simm.s32 $0xB180  }
0x5e: {  	[tilespmem:s16], [sflag:$0x1] =	stream.indirect.gather [hbm4b:s6+s14], $0x20, s12, s14, $0xb8;
	[tilespmem:$0x1B580] =	vst v63  }
0x5f: {  	s8 =	simm.s32 $0x550;
	s11 =	simm.s32 $0xB680  }
0x60: {  	[tilespmem:s11], [sflag:$0x1] =	stream.indirect.gather [hbm4b:s6+s14], $0x20, s8, s14, $0xb8;
	[tilespmem:$0x1B580] =	vst v63  }
0x61: {  	s12 =	simm.s32 $0x578;
	s16 =	simm.s32 $0xBB80  }
0x62: {  	[tilespmem:s16], [sflag:$0x1] =	stream.indirect.gather [hbm4b:s6+s14], $0x20, s12, s14, $0xb8;
	[tilespmem:$0x1B580] =	vst v63  }
0x63: {  	s8 =	simm.s32 $0x5A0;
	s11 =	simm.s32 $0xC080  }
0x64: {  	[tilespmem:s11], [sflag:$0x1] =	stream.indirect.gather [hbm4b:s6+s14], $0x20, s8, s14, $0xb8;
	[tilespmem:$0x1B580] =	vst v63  }
0x65: {  	s12 =	simm.s32 $0x5C8;
	s16 =	simm.s32 $0xC580  }
0x66: {  	[tilespmem:s16], [sflag:$0x1] =	stream.indirect.gather [hbm4b:s6+s14], $0x20, s12, s14, $0xb8;
	[tilespmem:$0x1B580] =	vst v63  }
0x67: {  	s8 =	simm.s32 $0x5F0;
	s11 =	simm.s32 $0xCA80  }
0x68: {  	[tilespmem:s11], [sflag:$0x1] =	stream.indirect.gather [hbm4b:s6+s14], $0x20, s8, s14, $0xb8;
	[tilespmem:$0x1B580] =	vst v63  }
0x69: {  	s1 =	simm.s32 $0x0;
	s12 =	simm.s32 $0x618;
	s16 =	simm.s32 $0xCF80  }
0x6a: {  	[tilespmem:s16], [sflag:$0x1] =	stream.indirect.gather [hbm4b:s6+s14], $0x20, s12, s14, $0xb8;
	[tilespmem:$0x1B580] =	vst v63  }
.LBB2_2:
0x6b: {  	s7 =	sshll.u32 s1, $0x4;
	p0 =	seq.s32 s1, $0x0  }
0x6c: {  	s8 =	simm.s32 @!p0 $0x3;
	s12 =	sadd.s32 s9, s7  }
0x6d: {  	_ =	swait.ge @!p0 [sflag:s8], $0xC800;
	s11 =	smul.u32 $0x19, s12  }
0x6e: {  	[sflag:s8] =	ssyncset.done @!p0 $0x0  }
0x6f: {  	s16 =	simm.s32 $0x0;
	[sflag:s8] =	ssyncadd.s32 @!p0 $0xFFFF3800;
	s11 =	sadd.s32 s5, s11  }
0x70: {  	[tilespmem:s31], [sflag:$0x4] =	stream.linear.gather [hbm4b:s11+s16], $0x640, $0x38;
	[tilespmem:$0x1B580] =	vst v63  }
0x71: {  	_ =	swait.ge [sflag:s13], $0x640  }
0x72: {  	[sflag:s13] =	ssyncset.done $0x0  }
0x73: {  	[sflag:s13] =	ssyncadd.s32 $0xFFFFF9C0  }
0x74: {  	[tilespmem:s0], [sflag:$0x1] =	stream.indirect.gather [hbm4b:s6+s14], $0x20, s31, s14, $0xb8;
	[tilespmem:$0x1B580] =	vst v63  }
0x75: {  	s11 =	simm.s32 $0x668;
	s16 =	simm.s32 $0xD980  }
0x76: {  	[tilespmem:s16], [sflag:$0x1] =	stream.indirect.gather [hbm4b:s6+s14], $0x20, s11, s14, $0xb8;
	[tilespmem:$0x1B580] =	vst v63  }
0x77: {  	s11 =	simm.s32 $0x690;
	s16 =	simm.s32 $0xDE80  }
0x78: {  	[tilespmem:s16], [sflag:$0x1] =	stream.indirect.gather [hbm4b:s6+s14], $0x20, s11, s14, $0xb8;
	[tilespmem:$0x1B580] =	vst v63  }
0x79: {  	s11 =	simm.s32 $0x6B8;
	s16 =	simm.s32 $0xE380  }
0x7a: {  	[tilespmem:s16], [sflag:$0x1] =	stream.indirect.gather [hbm4b:s6+s14], $0x20, s11, s14, $0xb8;
	[tilespmem:$0x1B580] =	vst v63  }
0x7b: {  	s11 =	simm.s32 $0x6E0;
	s16 =	simm.s32 $0xE880  }
0x7c: {  	[tilespmem:s16], [sflag:$0x1] =	stream.indirect.gather [hbm4b:s6+s14], $0x20, s11, s14, $0xb8;
	[tilespmem:$0x1B580] =	vst v63  }
0x7d: {  	s11 =	simm.s32 $0x708;
	s16 =	simm.s32 $0xED80  }
0x7e: {  	[tilespmem:s16], [sflag:$0x1] =	stream.indirect.gather [hbm4b:s6+s14], $0x20, s11, s14, $0xb8;
	[tilespmem:$0x1B580] =	vst v63  }
0x7f: {  	s11 =	simm.s32 $0x730;
	s16 =	simm.s32 $0xF280  }
0x80: {  	[tilespmem:s16], [sflag:$0x1] =	stream.indirect.gather [hbm4b:s6+s14], $0x20, s11, s14, $0xb8;
	[tilespmem:$0x1B580] =	vst v63  }
0x81: {  	s11 =	simm.s32 $0x758;
	s16 =	simm.s32 $0xF780  }
0x82: {  	[tilespmem:s16], [sflag:$0x1] =	stream.indirect.gather [hbm4b:s6+s14], $0x20, s11, s14, $0xb8;
	[tilespmem:$0x1B580] =	vst v63  }
0x83: {  	s11 =	simm.s32 $0x780;
	s16 =	simm.s32 $0xFC80  }
0x84: {  	[tilespmem:s16], [sflag:$0x1] =	stream.indirect.gather [hbm4b:s6+s14], $0x20, s11, s14, $0xb8;
	[tilespmem:$0x1B580] =	vst v63  }
0x85: {  	s11 =	simm.s32 $0x7A8;
	s16 =	simm.s32 $0x10180  }
0x86: {  	[tilespmem:s16], [sflag:$0x1] =	stream.indirect.gather [hbm4b:s6+s14], $0x20, s11, s14, $0xb8;
	[tilespmem:$0x1B580] =	vst v63  }
0x87: {  	s11 =	simm.s32 $0x7D0;
	s16 =	simm.s32 $0x10680  }
0x88: {  	[tilespmem:s16], [sflag:$0x1] =	stream.indirect.gather [hbm4b:s6+s14], $0x20, s11, s14, $0xb8;
	[tilespmem:$0x1B580] =	vst v63  }
0x89: {  	s11 =	simm.s32 $0x7F8;
	s16 =	simm.s32 $0x10B80  }
0x8a: {  	[tilespmem:s16], [sflag:$0x1] =	stream.indirect.gather [hbm4b:s6+s14], $0x20, s11, s14, $0xb8;
	[tilespmem:$0x1B580] =	vst v63  }
0x8b: {  	s11 =	simm.s32 $0x820;
	s16 =	simm.s32 $0x11080  }
0x8c: {  	[tilespmem:s16], [sflag:$0x1] =	stream.indirect.gather [hbm4b:s6+s14], $0x20, s11, s14, $0xb8;
	[tilespmem:$0x1B580] =	vst v63  }
0x8d: {  	s11 =	simm.s32 $0x848;
	s16 =	simm.s32 $0x11580  }
0x8e: {  	[tilespmem:s16], [sflag:$0x1] =	stream.indirect.gather [hbm4b:s6+s14], $0x20, s11, s14, $0xb8;
	[tilespmem:$0x1B580] =	vst v63  }
0x8f: {  	s11 =	simm.s32 $0x870;
	s16 =	simm.s32 $0x11A80  }
0x90: {  	[tilespmem:s16], [sflag:$0x1] =	stream.indirect.gather [hbm4b:s6+s14], $0x20, s11, s14, $0xb8;
	[tilespmem:$0x1B580] =	vst v63  }
0x91: {  	s11 =	simm.s32 $0x898;
	s16 =	simm.s32 $0x11F80  }
0x92: {  	[tilespmem:s16], [sflag:$0x1] =	stream.indirect.gather [hbm4b:s6+s14], $0x20, s11, s14, $0xb8;
	[tilespmem:$0x1B580] =	vst v63  }
0x93: {  	s11 =	simm.s32 $0x8C0;
	s16 =	simm.s32 $0x12480  }
0x94: {  	[tilespmem:s16], [sflag:$0x1] =	stream.indirect.gather [hbm4b:s6+s14], $0x20, s11, s14, $0xb8;
	[tilespmem:$0x1B580] =	vst v63  }
0x95: {  	s11 =	simm.s32 $0x8E8;
	s16 =	simm.s32 $0x12980  }
0x96: {  	[tilespmem:s16], [sflag:$0x1] =	stream.indirect.gather [hbm4b:s6+s14], $0x20, s11, s14, $0xb8;
	[tilespmem:$0x1B580] =	vst v63  }
0x97: {  	s11 =	simm.s32 $0x910;
	s16 =	simm.s32 $0x12E80  }
0x98: {  	[tilespmem:s16], [sflag:$0x1] =	stream.indirect.gather [hbm4b:s6+s14], $0x20, s11, s14, $0xb8;
	[tilespmem:$0x1B580] =	vst v63  }
0x99: {  	s11 =	simm.s32 $0x938;
	s16 =	simm.s32 $0x13380  }
0x9a: {  	[tilespmem:s16], [sflag:$0x1] =	stream.indirect.gather [hbm4b:s6+s14], $0x20, s11, s14, $0xb8;
	[tilespmem:$0x1B580] =	vst v63  }
0x9b: {  	s11 =	simm.s32 $0x960;
	s16 =	simm.s32 $0x13880  }
0x9c: {  	[tilespmem:s16], [sflag:$0x1] =	stream.indirect.gather [hbm4b:s6+s14], $0x20, s11, s14, $0xb8;
	[tilespmem:$0x1B580] =	vst v63  }
0x9d: {  	s11 =	simm.s32 $0x988;
	s16 =	simm.s32 $0x13D80  }
0x9e: {  	[tilespmem:s16], [sflag:$0x1] =	stream.indirect.gather [hbm4b:s6+s14], $0x20, s11, s14, $0xb8;
	[tilespmem:$0x1B580] =	vst v63  }
0x9f: {  	s11 =	simm.s32 $0x9B0;
	s16 =	simm.s32 $0x14280  }
0xa0: {  	[tilespmem:s16], [sflag:$0x1] =	stream.indirect.gather [hbm4b:s6+s14], $0x20, s11, s14, $0xb8;
	[tilespmem:$0x1B580] =	vst v63  }
0xa1: {  	s11 =	simm.s32 $0x9D8;
	s16 =	simm.s32 $0x14780  }
0xa2: {  	[tilespmem:s16], [sflag:$0x1] =	stream.indirect.gather [hbm4b:s6+s14], $0x20, s11, s14, $0xb8;
	[tilespmem:$0x1B580] =	vst v63  }
0xa3: {  	s11 =	simm.s32 $0xA00;
	s16 =	simm.s32 $0x14C80  }
0xa4: {  	[tilespmem:s16], [sflag:$0x1] =	stream.indirect.gather [hbm4b:s6+s14], $0x20, s11, s14, $0xb8;
	[tilespmem:$0x1B580] =	vst v63  }
0xa5: {  	s11 =	simm.s32 $0xA28;
	s16 =	simm.s32 $0x15180  }
0xa6: {  	[tilespmem:s16], [sflag:$0x1] =	stream.indirect.gather [hbm4b:s6+s14], $0x20, s11, s14, $0xb8;
	[tilespmem:$0x1B580] =	vst v63  }
0xa7: {  	s11 =	simm.s32 $0xA50;
	s16 =	simm.s32 $0x15680  }
0xa8: {  	[tilespmem:s16], [sflag:$0x1] =	stream.indirect.gather [hbm4b:s6+s14], $0x20, s11, s14, $0xb8;
	[tilespmem:$0x1B580] =	vst v63  }
0xa9: {  	s11 =	simm.s32 $0xA78;
	s16 =	simm.s32 $0x15B80  }
0xaa: {  	[tilespmem:s16], [sflag:$0x1] =	stream.indirect.gather [hbm4b:s6+s14], $0x20, s11, s14, $0xb8;
	[tilespmem:$0x1B580] =	vst v63  }
0xab: {  	s11 =	simm.s32 $0xAA0;
	s16 =	simm.s32 $0x16080  }
0xac: {  	[tilespmem:s16], [sflag:$0x1] =	stream.indirect.gather [hbm4b:s6+s14], $0x20, s11, s14, $0xb8;
	[tilespmem:$0x1B580] =	vst v63  }
0xad: {  	s11 =	simm.s32 $0xAC8;
	s16 =	simm.s32 $0x16580  }
0xae: {  	[tilespmem:s16], [sflag:$0x1] =	stream.indirect.gather [hbm4b:s6+s14], $0x20, s11, s14, $0xb8;
	[tilespmem:$0x1B580] =	vst v63  }
0xaf: {  	s11 =	simm.s32 $0xAF0;
	s16 =	simm.s32 $0x16A80  }
0xb0: {  	[tilespmem:s16], [sflag:$0x1] =	stream.indirect.gather [hbm4b:s6+s14], $0x20, s11, s14, $0xb8;
	[tilespmem:$0x1B580] =	vst v63  }
0xb1: {  	s11 =	simm.s32 $0xB18;
	s16 =	simm.s32 $0x16F80  }
0xb2: {  	[tilespmem:s16], [sflag:$0x1] =	stream.indirect.gather [hbm4b:s6+s14], $0x20, s11, s14, $0xb8;
	[tilespmem:$0x1B580] =	vst v63  }
0xb3: {  	s11 =	simm.s32 $0xB40;
	s16 =	simm.s32 $0x17480  }
0xb4: {  	[tilespmem:s16], [sflag:$0x1] =	stream.indirect.gather [hbm4b:s6+s14], $0x20, s11, s14, $0xb8;
	[tilespmem:$0x1B580] =	vst v63  }
0xb5: {  	s11 =	simm.s32 $0xB68;
	s16 =	simm.s32 $0x17980  }
0xb6: {  	[tilespmem:s16], [sflag:$0x1] =	stream.indirect.gather [hbm4b:s6+s14], $0x20, s11, s14, $0xb8;
	[tilespmem:$0x1B580] =	vst v63  }
0xb7: {  	_ = 	snop  }
0xb8: {  	[tilespmem:s18], [sflag:$0x1] =	stream.indirect.gather [hbm4b:s6+s14], $0x20, s17, s14, $0xb8;
	[tilespmem:$0x1B580] =	vst v63  }
0xb9: {  	_ = 	snop  }
0xba: {  	[tilespmem:s20], [sflag:$0x1] =	stream.indirect.gather [hbm4b:s6+s14], $0x20, s19, s14, $0xb8;
	[tilespmem:$0x1B580] =	vst v63  }
0xbb: {  	_ = 	snop  }
0xbc: {  	[tilespmem:s22], [sflag:$0x1] =	stream.indirect.gather [hbm4b:s6+s14], $0x20, s21, s14, $0xb8;
	[tilespmem:$0x1B580] =	vst v63  }
0xbd: {  	_ = 	snop  }
0xbe: {  	[tilespmem:s24], [sflag:$0x1] =	stream.indirect.gather [hbm4b:s6+s14], $0x20, s23, s14, $0xb8;
	[tilespmem:$0x1B580] =	vst v63  }
0xbf: {  	_ = 	snop  }
0xc0: {  	[tilespmem:s26], [sflag:$0x1] =	stream.indirect.gather [hbm4b:s6+s14], $0x20, s25, s14, $0xb8;
	[tilespmem:$0x1B580] =	vst v63  }
0xc1: {  	_ = 	snop  }
0xc2: {  	[tilespmem:s29], [sflag:$0x1] =	stream.indirect.gather [hbm4b:s6+s14], $0x20, s28, s14, $0xb8;
	[tilespmem:$0x1B580] =	vst v63  }
0xc3: {  	_ =	swait.ge [sflag:s30], $0x500  }
0xc4: {  	[sflag:s30] =	ssyncset.done $0x0  }
0xc5: {  	[sflag:s30] =	ssyncadd.s32 $0xFFFFFB00  }
0xc6: {  	_ =	swait.ge [sflag:s30], $0x500  }
0xc7: {  	[sflag:s30] =	ssyncset.done $0x0  }
0xc8: {  	[sflag:s30] =	ssyncadd.s32 $0xFFFFFB00  }
0xc9: {  	_ =	swait.ge [sflag:s30], $0x500  }
0xca: {  	[sflag:s30] =	ssyncset.done $0x0  }
0xcb: {  	[sflag:s30] =	ssyncadd.s32 $0xFFFFFB00  }
0xcc: {  	_ =	swait.ge [sflag:s30], $0x500  }
0xcd: {  	[sflag:s30] =	ssyncset.done $0x0  }
0xce: {  	[sflag:s30] =	ssyncadd.s32 $0xFFFFFB00  }
0xcf: {  	_ =	swait.ge [sflag:s30], $0x500  }
0xd0: {  	[sflag:s30] =	ssyncset.done $0x0  }
0xd1: {  	[sflag:s30] =	ssyncadd.s32 $0xFFFFFB00  }
0xd2: {  	_ =	swait.ge [sflag:s30], $0x500  }
0xd3: {  	[sflag:s30] =	ssyncset.done $0x0  }
0xd4: {  	[sflag:s30] =	ssyncadd.s32 $0xFFFFFB00  }
0xd5: {  	_ =	swait.ge [sflag:s30], $0x500  }
0xd6: {  	[sflag:s30] =	ssyncset.done $0x0  }
0xd7: {  	[sflag:s30] =	ssyncadd.s32 $0xFFFFFB00  }
0xd8: {  	_ =	swait.ge [sflag:s30], $0x500  }
0xd9: {  	[sflag:s30] =	ssyncset.done $0x0  }
0xda: {  	[sflag:s30] =	ssyncadd.s32 $0xFFFFFB00  }
0xdb: {  	_ =	swait.ge [sflag:s30], $0x500  }
0xdc: {  	[sflag:s30] =	ssyncset.done $0x0  }
0xdd: {  	[sflag:s30] =	ssyncadd.s32 $0xFFFFFB00  }
0xde: {  	_ =	swait.ge [sflag:s30], $0x500  }
0xdf: {  	[sflag:s30] =	ssyncset.done $0x0  }
0xe0: {  	[sflag:s30] =	ssyncadd.s32 $0xFFFFFB00  }
0xe1: {  	_ =	swait.ge [sflag:s30], $0x500  }
0xe2: {  	[sflag:s30] =	ssyncset.done $0x0  }
0xe3: {  	[sflag:s30] =	ssyncadd.s32 $0xFFFFFB00  }
0xe4: {  	_ =	swait.ge [sflag:s30], $0x500  }
0xe5: {  	[sflag:s30] =	ssyncset.done $0x0  }
0xe6: {  	[sflag:s30] =	ssyncadd.s32 $0xFFFFFB00  }
0xe7: {  	_ =	swait.ge [sflag:s30], $0x500  }
0xe8: {  	[sflag:s30] =	ssyncset.done $0x0  }
0xe9: {  	[sflag:s30] =	ssyncadd.s32 $0xFFFFFB00  }
0xea: {  	_ =	swait.ge [sflag:s30], $0x500  }
0xeb: {  	[sflag:s30] =	ssyncset.done $0x0  }
0xec: {  	[sflag:s30] =	ssyncadd.s32 $0xFFFFFB00  }
0xed: {  	_ =	swait.ge [sflag:s30], $0x500  }
0xee: {  	[sflag:s30] =	ssyncset.done $0x0  }
0xef: {  	[sflag:s30] =	ssyncadd.s32 $0xFFFFFB00  }
0xf0: {  	_ =	swait.ge [sflag:s30], $0x500  }
0xf1: {  	[sflag:s30] =	ssyncset.done $0x0  }
0xf2: {  	[sflag:s30] =	ssyncadd.s32 $0xFFFFFB00  }
0xf3: {  	_ =	swait.ge [sflag:s30], $0x500  }
0xf4: {  	[sflag:s30] =	ssyncset.done $0x0  }
0xf5: {  	[sflag:s30] =	ssyncadd.s32 $0xFFFFFB00  }
0xf6: {  	_ =	swait.ge [sflag:s30], $0x500  }
0xf7: {  	[sflag:s30] =	ssyncset.done $0x0  }
0xf8: {  	[sflag:s30] =	ssyncadd.s32 $0xFFFFFB00  }
0xf9: {  	_ =	swait.ge [sflag:s30], $0x500  }
0xfa: {  	[sflag:s30] =	ssyncset.done $0x0  }
0xfb: {  	[sflag:s30] =	ssyncadd.s32 $0xFFFFFB00  }
0xfc: {  	_ =	swait.ge [sflag:s30], $0x500  }
0xfd: {  	[sflag:s30] =	ssyncset.done $0x0  }
0xfe: {  	[sflag:s30] =	ssyncadd.s32 $0xFFFFFB00  }
0xff: {  	_ =	swait.ge [sflag:s30], $0x500  }
0x100: {  	[sflag:s30] =	ssyncset.done $0x0  }
0x101: {  	[sflag:s30] =	ssyncadd.s32 $0xFFFFFB00  }
0x102: {  	_ =	swait.ge [sflag:s30], $0x500  }
0x103: {  	[sflag:s30] =	ssyncset.done $0x0  }
0x104: {  	[sflag:s30] =	ssyncadd.s32 $0xFFFFFB00  }
0x105: {  	_ =	swait.ge [sflag:s30], $0x500  }
0x106: {  	[sflag:s30] =	ssyncset.done $0x0  }
0x107: {  	[sflag:s30] =	ssyncadd.s32 $0xFFFFFB00  }
0x108: {  	_ =	swait.ge [sflag:s30], $0x500  }
0x109: {  	[sflag:s30] =	ssyncset.done $0x0  }
0x10a: {  	[sflag:s30] =	ssyncadd.s32 $0xFFFFFB00  }
0x10b: {  	_ =	swait.ge [sflag:s30], $0x500  }
0x10c: {  	[sflag:s30] =	ssyncset.done $0x0  }
0x10d: {  	[sflag:s30] =	ssyncadd.s32 $0xFFFFFB00  }
0x10e: {  	_ =	swait.ge [sflag:s30], $0x500  }
0x10f: {  	[sflag:s30] =	ssyncset.done $0x0  }
0x110: {  	[sflag:s30] =	ssyncadd.s32 $0xFFFFFB00  }
0x111: {  	_ =	swait.ge [sflag:s30], $0x500  }
0x112: {  	[sflag:s30] =	ssyncset.done $0x0  }
0x113: {  	[sflag:s30] =	ssyncadd.s32 $0xFFFFFB00  }
0x114: {  	_ =	swait.ge [sflag:s30], $0x500  }
0x115: {  	[sflag:s30] =	ssyncset.done $0x0  }
0x116: {  	[sflag:s30] =	ssyncadd.s32 $0xFFFFFB00  }
0x117: {  	_ =	swait.ge [sflag:s30], $0x500  }
0x118: {  	[sflag:s30] =	ssyncset.done $0x0  }
0x119: {  	[sflag:s30] =	ssyncadd.s32 $0xFFFFFB00  }
0x11a: {  	_ =	swait.ge [sflag:s30], $0x500  }
0x11b: {  	[sflag:s30] =	ssyncset.done $0x0  }
0x11c: {  	[sflag:s30] =	ssyncadd.s32 $0xFFFFFB00  }
0x11d: {  	_ =	swait.ge [sflag:s30], $0x500  }
0x11e: {  	[sflag:s30] =	ssyncset.done $0x0  }
0x11f: {  	[sflag:s30] =	ssyncadd.s32 $0xFFFFFB00  }
0x120: {  	_ =	swait.ge [sflag:s30], $0x500  }
0x121: {  	[sflag:s30] =	ssyncset.done $0x0  }
0x122: {  	[sflag:s30] =	ssyncadd.s32 $0xFFFFFB00  }
0x123: {  	_ =	swait.ge [sflag:s30], $0x500  }
0x124: {  	[sflag:s30] =	ssyncset.done $0x0  }
0x125: {  	[sflag:s30] =	ssyncadd.s32 $0xFFFFFB00  }
0x126: {  	_ =	swait.ge [sflag:s30], $0x500  }
0x127: {  	[sflag:s30] =	ssyncset.done $0x0  }
0x128: {  	[sflag:s30] =	ssyncadd.s32 $0xFFFFFB00  }
0x129: {  	_ =	swait.ge [sflag:s30], $0x500  }
0x12a: {  	[sflag:s30] =	ssyncset.done $0x0  }
0x12b: {  	[sflag:s30] =	ssyncadd.s32 $0xFFFFFB00  }
0x12c: {  	_ =	swait.ge [sflag:s30], $0x500  }
0x12d: {  	[sflag:s30] =	ssyncset.done $0x0  }
0x12e: {  	[sflag:s30] =	ssyncadd.s32 $0xFFFFFB00  }
0x12f: {  	_ =	swait.ge [sflag:s30], $0x500  }
0x130: {  	[sflag:s30] =	ssyncset.done $0x0  }
0x131: {  	[sflag:s30] =	ssyncadd.s32 $0xFFFFFB00  }
0x132: {  	_ =	swait.ge [sflag:s30], $0x500  }
0x133: {  	[sflag:s30] =	ssyncset.done $0x0  }
0x134: {  	[sflag:s30] =	ssyncadd.s32 $0xFFFFFB00  }
0x135: {  	_ =	swait.ge [sflag:s30], $0x500  }
0x136: {  	[sflag:s30] =	ssyncset.done $0x0  }
0x137: {  	[sflag:s30] =	ssyncadd.s32 $0xFFFFFB00  }
0x138: {  	_ =	swait.ge [sflag:s30], $0x500  }
0x139: {  	[sflag:s30] =	ssyncset.done $0x0  }
0x13a: {  	s8 =	simm.s32 $0x0;
	[sflag:s30] =	ssyncadd.s32 $0xFFFFFB00  }
0x13b: {  	v0 =	vld [tilespmem:s8+$0x19C90]  }
0x13c: {  	v1 =	vld [tilespmem:s8+$0x19C80];
	_ =	sdelay $0x3  }
0x13d: {  	[tilespmem:s8+$0xBB90] =	vst.add.f32.msk $0xffff, v0  }
0x13e: {  	[tilespmem:s8+$0xC80] =	vst.add.f32.msk $0xffff, v1  }
0x13f: {  	[tilespmem:s8+$0xC90] =	vst.add.f32.msk $0xffff, v0  }
0x140: {  	[tilespmem:s8+$0x2580] =	vst.add.f32.msk $0xffff, v1  }
0x141: {  	[tilespmem:s8+$0x2590] =	vst.add.f32.msk $0xffff, v0  }
0x142: {  	[tilespmem:s8+$0x3E80] =	vst.add.f32.msk $0xffff, v1  }
0x143: {  	[tilespmem:s8+$0x3E90] =	vst.add.f32.msk $0xffff, v0  }
0x144: {  	[tilespmem:s8+$0x5780] =	vst.add.f32.msk $0xffff, v1  }
0x145: {  	[tilespmem:s8+$0x5790] =	vst.add.f32.msk $0xffff, v0  }
0x146: {  	[tilespmem:s8+$0x7080] =	vst.add.f32.msk $0xffff, v1  }
0x147: {  	[tilespmem:s8+$0x7090] =	vst.add.f32.msk $0xffff, v0  }
0x148: {  	[tilespmem:s8+$0x8980] =	vst.add.f32.msk $0xffff, v1  }
0x149: {  	s16 =	simm.s32 $0x20;
	s11 =	simm.s32 $0x100;
	[tilespmem:s8+$0x8990] =	vst.add.f32.msk $0xffff, v0  }
.LBB2_3:
0x14a: {  	p0 =	sne.s32 s11, $0x6380;
	v2 =	vld [tilespmem:s16+$0x19C90]  }
0x14b: {  	v3 =	vld [tilespmem:s16+$0x19C80]  }
0x14c: {  	[tilespmem:s8+$0xA280] =	vst.add.f32.msk $0xffff, v1  }
0x14d: {  	[tilespmem:s8+$0xA290] =	vst.add.f32.msk $0xffff, v0  }
0x14e: {  	[tilespmem:s8+$0xBB80] =	vst.add.f32.msk $0xffff, v1;
	s8 =	smov.u32 s16  }
0x14f: {  	[tilespmem:s8+$0xBB90] =	vst.add.f32.msk $0xffff, v2;
	v0 =	vmov v2  }
0x150: {  	[tilespmem:s8+$0xC80] =	vst.add.f32.msk $0xffff, v3;
	v1 =	vmov v3  }
0x151: {  	[tilespmem:s8+$0xC90] =	vst.add.f32.msk $0xffff, v0  }
0x152: {  	[tilespmem:s8+$0x2580] =	vst.add.f32.msk $0xffff, v1  }
0x153: {  	[tilespmem:s8+$0x2590] =	vst.add.f32.msk $0xffff, v0  }
0x154: {  	[tilespmem:s8+$0x3E80] =	vst.add.f32.msk $0xffff, v1  }
0x155: {  	[tilespmem:s8+$0x3E90] =	vst.add.f32.msk $0xffff, v0  }
0x156: {  	[tilespmem:s8+$0x5780] =	vst.add.f32.msk $0xffff, v1  }
.Ltmp0:
0x157: {  	[tilespmem:s8+$0x5790] =	vst.add.f32.msk $0xffff, v0;
	(pc) =	sbr.rel @p0 .LBB2_3-.Ltmp0, $4  }
0x158: {  	[tilespmem:s8+$0x7080] =	vst.add.f32.msk $0xffff, v1  }
0x159: {  	[tilespmem:s8+$0x7090] =	vst.add.f32.msk $0xffff, v0  }
0x15a: {  	[tilespmem:s8+$0x8980] =	vst.add.f32.msk $0xffff, v1  }
0x15b: {  	s16 =	sshra.s32 s11, $0x2;
	s11 =	sadd.s32 $0x80, s11;
	[tilespmem:s8+$0x8990] =	vst.add.f32.msk $0xffff, v0  }
0x15c: {  	v2 =	vld [tilespmem:s16+$0x19C90]  }
0x15d: {  	v3 =	vld [tilespmem:s16+$0x19C80]  }
0x15e: {  	[tilespmem:s8+$0xA280] =	vst.add.f32.msk $0xffff, v1  }
0x15f: {  	[tilespmem:s8+$0xA290] =	vst.add.f32.msk $0xffff, v0  }
0x160: {  	[tilespmem:s8+$0xBB80] =	vst.add.f32.msk $0xffff, v1  }
0x161: {  	[tilespmem:s16+$0xBB90] =	vst.add.f32.msk $0xffff, v2  }
0x162: {  	[tilespmem:s16+$0xC80] =	vst.add.f32.msk $0xffff, v3  }
0x163: {  	[tilespmem:s16+$0xC90] =	vst.add.f32.msk $0xffff, v2  }
0x164: {  	[tilespmem:s16+$0x2580] =	vst.add.f32.msk $0xffff, v3  }
0x165: {  	[tilespmem:s16+$0x2590] =	vst.add.f32.msk $0xffff, v2  }
0x166: {  	[tilespmem:s16+$0x3E80] =	vst.add.f32.msk $0xffff, v3  }
0x167: {  	[tilespmem:s16+$0x3E90] =	vst.add.f32.msk $0xffff, v2  }
0x168: {  	[tilespmem:s16+$0x5780] =	vst.add.f32.msk $0xffff, v3  }
0x169: {  	[tilespmem:s16+$0x5790] =	vst.add.f32.msk $0xffff, v2  }
0x16a: {  	[tilespmem:s16+$0x7080] =	vst.add.f32.msk $0xffff, v3  }
0x16b: {  	[tilespmem:s16+$0x7090] =	vst.add.f32.msk $0xffff, v2  }
0x16c: {  	p0 =	seq.s32 s1, $0x7;
	[tilespmem:s16+$0x8980] =	vst.add.f32.msk $0xffff, v3  }
.Ltmp1:
0x16d: {  	s11 =	sadd.s32 s4, s7;
	[tilespmem:s16+$0x8990] =	vst.add.f32.msk $0xffff, v2;
	(pc) =	sbr.rel @p0 .LBB2_6-.Ltmp1, $4  }
0x16e: {  	s8 =	smul.u32 $0x320, s11;
	[tilespmem:s16+$0xA280] =	vst.add.f32.msk $0xffff, v3  }
0x16f: {  	[tilespmem:s16+$0xA290] =	vst.add.f32.msk $0xffff, v2  }
0x170: {  	s8 =	sadd.s32 s2, s8;
	[tilespmem:s16+$0xBB80] =	vst.add.f32.msk $0xffff, v3  }
0x171: {  	[hbm4b:s8+s3] =	stream.linear.scatter [tilespmem:s15], [sflag:$0x2], $0xC800, $0x38;
	[tilespmem:$0x1B580] =	vst v63  }
0x172: {  	s8 =	rddreg [dreg:$0x5]  }
0x173: {  	s7 =	sadd.s32 s7, s8  }
0x174: {  	_ =	swait.ge [sflag:s10], $0xC800;
	s7 =	smul.u32 $0x19, s7  }
0x175: {  	[sflag:s10] =	ssyncset.done $0x0  }
0x176: {  	[sflag:s10] =	ssyncadd.s32 $0xFFFF3800;
	s7 =	sadd.s32 s5, s7  }
0x177: {  	[tilespmem:s3], [sflag:$0x4] =	stream.linear.gather [hbm4b:s7+s3], $0x640, $0x38;
	[tilespmem:$0x1B580] =	vst v63  }
0x178: {  	_ =	swait.ge [sflag:s13], $0x640  }
0x179: {  	[sflag:s13] =	ssyncset.done $0x0  }
0x17a: {  	[sflag:s13] =	ssyncadd.s32 $0xFFFFF9C0  }
0x17b: {  	[tilespmem:s15], [sflag:$0x1] =	stream.indirect.gather [hbm4b:s6+s14], $0x20, s3, s14, $0xb8;
	[tilespmem:$0x1B580] =	vst v63  }
0x17c: {  	s8 =	simm.s32 $0x1180  }
0x17d: {  	[tilespmem:s8], [sflag:$0x1] =	stream.indirect.gather [hbm4b:s6+s14], $0x20, s14, s14, $0xb8;
	[tilespmem:$0x1B580] =	vst v63  }
0x17e: {  	s11 =	simm.s32 $0x50;
	s16 =	simm.s32 $0x1680  }
0x17f: {  	[tilespmem:s16], [sflag:$0x1] =	stream.indirect.gather [hbm4b:s6+s14], $0x20, s11, s14, $0xb8;
	[tilespmem:$0x1B580] =	vst v63  }
0x180: {  	s11 =	simm.s32 $0x78;
	s16 =	simm.s32 $0x1B80  }
0x181: {  	[tilespmem:s16], [sflag:$0x1] =	stream.indirect.gather [hbm4b:s6+s14], $0x20, s11, s14, $0xb8;
	[tilespmem:$0x1B580] =	vst v63  }
0x182: {  	s11 =	simm.s32 $0xA0;
	s16 =	simm.s32 $0x2080  }
0x183: {  	[tilespmem:s16], [sflag:$0x1] =	stream.indirect.gather [hbm4b:s6+s14], $0x20, s11, s14, $0xb8;
	[tilespmem:$0x1B580] =	vst v63  }
0x184: {  	s11 =	simm.s32 $0xC8;
	s16 =	simm.s32 $0x2580  }
0x185: {  	[tilespmem:s16], [sflag:$0x1] =	stream.indirect.gather [hbm4b:s6+s14], $0x20, s11, s14, $0xb8;
	[tilespmem:$0x1B580] =	vst v63  }
0x186: {  	s11 =	simm.s32 $0xF0;
	s16 =	simm.s32 $0x2A80  }
0x187: {  	[tilespmem:s16], [sflag:$0x1] =	stream.indirect.gather [hbm4b:s6+s14], $0x20, s11, s14, $0xb8;
	[tilespmem:$0x1B580] =	vst v63  }
0x188: {  	s11 =	simm.s32 $0x118;
	s16 =	simm.s32 $0x2F80  }
0x189: {  	[tilespmem:s16], [sflag:$0x1] =	stream.indirect.gather [hbm4b:s6+s14], $0x20, s11, s14, $0xb8;
	[tilespmem:$0x1B580] =	vst v63  }
0x18a: {  	s11 =	simm.s32 $0x140;
	s16 =	simm.s32 $0x3480  }
0x18b: {  	[tilespmem:s16], [sflag:$0x1] =	stream.indirect.gather [hbm4b:s6+s14], $0x20, s11, s14, $0xb8;
	[tilespmem:$0x1B580] =	vst v63  }
0x18c: {  	s11 =	simm.s32 $0x168;
	s16 =	simm.s32 $0x3980  }
0x18d: {  	[tilespmem:s16], [sflag:$0x1] =	stream.indirect.gather [hbm4b:s6+s14], $0x20, s11, s14, $0xb8;
	[tilespmem:$0x1B580] =	vst v63  }
0x18e: {  	s11 =	simm.s32 $0x190;
	s16 =	simm.s32 $0x3E80  }
0x18f: {  	[tilespmem:s16], [sflag:$0x1] =	stream.indirect.gather [hbm4b:s6+s14], $0x20, s11, s14, $0xb8;
	[tilespmem:$0x1B580] =	vst v63  }
0x190: {  	s11 =	simm.s32 $0x1B8;
	s16 =	simm.s32 $0x4380  }
0x191: {  	[tilespmem:s16], [sflag:$0x1] =	stream.indirect.gather [hbm4b:s6+s14], $0x20, s11, s14, $0xb8;
	[tilespmem:$0x1B580] =	vst v63  }
0x192: {  	s11 =	simm.s32 $0x1E0;
	s16 =	simm.s32 $0x4880  }
0x193: {  	[tilespmem:s16], [sflag:$0x1] =	stream.indirect.gather [hbm4b:s6+s14], $0x20, s11, s14, $0xb8;
	[tilespmem:$0x1B580] =	vst v63  }
0x194: {  	s11 =	simm.s32 $0x208;
	s16 =	simm.s32 $0x4D80  }
0x195: {  	[tilespmem:s16], [sflag:$0x1] =	stream.indirect.gather [hbm4b:s6+s14], $0x20, s11, s14, $0xb8;
	[tilespmem:$0x1B580] =	vst v63  }
0x196: {  	s11 =	simm.s32 $0x230;
	s16 =	simm.s32 $0x5280  }
0x197: {  	[tilespmem:s16], [sflag:$0x1] =	stream.indirect.gather [hbm4b:s6+s14], $0x20, s11, s14, $0xb8;
	[tilespmem:$0x1B580] =	vst v63  }
0x198: {  	s11 =	simm.s32 $0x258;
	s16 =	simm.s32 $0x5780  }
0x199: {  	[tilespmem:s16], [sflag:$0x1] =	stream.indirect.gather [hbm4b:s6+s14], $0x20, s11, s14, $0xb8;
	[tilespmem:$0x1B580] =	vst v63  }
0x19a: {  	s11 =	simm.s32 $0x280;
	s16 =	simm.s32 $0x5C80  }
0x19b: {  	[tilespmem:s16], [sflag:$0x1] =	stream.indirect.gather [hbm4b:s6+s14], $0x20, s11, s14, $0xb8;
	[tilespmem:$0x1B580] =	vst v63  }
0x19c: {  	s11 =	simm.s32 $0x2A8;
	s16 =	simm.s32 $0x6180  }
0x19d: {  	[tilespmem:s16], [sflag:$0x1] =	stream.indirect.gather [hbm4b:s6+s14], $0x20, s11, s14, $0xb8;
	[tilespmem:$0x1B580] =	vst v63  }
0x19e: {  	s11 =	simm.s32 $0x2D0;
	s16 =	simm.s32 $0x6680  }
0x19f: {  	[tilespmem:s16], [sflag:$0x1] =	stream.indirect.gather [hbm4b:s6+s14], $0x20, s11, s14, $0xb8;
	[tilespmem:$0x1B580] =	vst v63  }
0x1a0: {  	s11 =	simm.s32 $0x2F8;
	s16 =	simm.s32 $0x6B80  }
0x1a1: {  	[tilespmem:s16], [sflag:$0x1] =	stream.indirect.gather [hbm4b:s6+s14], $0x20, s11, s14, $0xb8;
	[tilespmem:$0x1B580] =	vst v63  }
0x1a2: {  	s11 =	simm.s32 $0x320;
	s16 =	simm.s32 $0x7080  }
0x1a3: {  	[tilespmem:s16], [sflag:$0x1] =	stream.indirect.gather [hbm4b:s6+s14], $0x20, s11, s14, $0xb8;
	[tilespmem:$0x1B580] =	vst v63  }
0x1a4: {  	s11 =	simm.s32 $0x348;
	s16 =	simm.s32 $0x7580  }
0x1a5: {  	[tilespmem:s16], [sflag:$0x1] =	stream.indirect.gather [hbm4b:s6+s14], $0x20, s11, s14, $0xb8;
	[tilespmem:$0x1B580] =	vst v63  }
0x1a6: {  	s11 =	simm.s32 $0x370;
	s16 =	simm.s32 $0x7A80  }
0x1a7: {  	[tilespmem:s16], [sflag:$0x1] =	stream.indirect.gather [hbm4b:s6+s14], $0x20, s11, s14, $0xb8;
	[tilespmem:$0x1B580] =	vst v63  }
0x1a8: {  	s11 =	simm.s32 $0x398;
	s16 =	simm.s32 $0x7F80  }
0x1a9: {  	[tilespmem:s16], [sflag:$0x1] =	stream.indirect.gather [hbm4b:s6+s14], $0x20, s11, s14, $0xb8;
	[tilespmem:$0x1B580] =	vst v63  }
0x1aa: {  	s11 =	simm.s32 $0x3C0;
	s16 =	simm.s32 $0x8480  }
0x1ab: {  	[tilespmem:s16], [sflag:$0x1] =	stream.indirect.gather [hbm4b:s6+s14], $0x20, s11, s14, $0xb8;
	[tilespmem:$0x1B580] =	vst v63  }
0x1ac: {  	s11 =	simm.s32 $0x3E8;
	s16 =	simm.s32 $0x8980  }
0x1ad: {  	[tilespmem:s16], [sflag:$0x1] =	stream.indirect.gather [hbm4b:s6+s14], $0x20, s11, s14, $0xb8;
	[tilespmem:$0x1B580] =	vst v63  }
0x1ae: {  	s11 =	simm.s32 $0x410;
	s16 =	simm.s32 $0x8E80  }
0x1af: {  	[tilespmem:s16], [sflag:$0x1] =	stream.indirect.gather [hbm4b:s6+s14], $0x20, s11, s14, $0xb8;
	[tilespmem:$0x1B580] =	vst v63  }
0x1b0: {  	s11 =	simm.s32 $0x438;
	s16 =	simm.s32 $0x9380  }
0x1b1: {  	[tilespmem:s16], [sflag:$0x1] =	stream.indirect.gather [hbm4b:s6+s14], $0x20, s11, s14, $0xb8;
	[tilespmem:$0x1B580] =	vst v63  }
0x1b2: {  	s11 =	simm.s32 $0x460;
	s16 =	simm.s32 $0x9880  }
0x1b3: {  	[tilespmem:s16], [sflag:$0x1] =	stream.indirect.gather [hbm4b:s6+s14], $0x20, s11, s14, $0xb8;
	[tilespmem:$0x1B580] =	vst v63  }
0x1b4: {  	s11 =	simm.s32 $0x488;
	s16 =	simm.s32 $0x9D80  }
0x1b5: {  	[tilespmem:s16], [sflag:$0x1] =	stream.indirect.gather [hbm4b:s6+s14], $0x20, s11, s14, $0xb8;
	[tilespmem:$0x1B580] =	vst v63  }
0x1b6: {  	s11 =	simm.s32 $0x4B0;
	s16 =	simm.s32 $0xA280  }
0x1b7: {  	[tilespmem:s16], [sflag:$0x1] =	stream.indirect.gather [hbm4b:s6+s14], $0x20, s11, s14, $0xb8;
	[tilespmem:$0x1B580] =	vst v63  }
0x1b8: {  	s11 =	simm.s32 $0x4D8;
	s16 =	simm.s32 $0xA780  }
0x1b9: {  	[tilespmem:s16], [sflag:$0x1] =	stream.indirect.gather [hbm4b:s6+s14], $0x20, s11, s14, $0xb8;
	[tilespmem:$0x1B580] =	vst v63  }
0x1ba: {  	s11 =	simm.s32 $0x500;
	s16 =	simm.s32 $0xAC80  }
0x1bb: {  	[tilespmem:s16], [sflag:$0x1] =	stream.indirect.gather [hbm4b:s6+s14], $0x20, s11, s14, $0xb8;
	[tilespmem:$0x1B580] =	vst v63  }
0x1bc: {  	s11 =	simm.s32 $0x528;
	s16 =	simm.s32 $0xB180  }
0x1bd: {  	[tilespmem:s16], [sflag:$0x1] =	stream.indirect.gather [hbm4b:s6+s14], $0x20, s11, s14, $0xb8;
	[tilespmem:$0x1B580] =	vst v63  }
0x1be: {  	s11 =	simm.s32 $0x550;
	s16 =	simm.s32 $0xB680  }
0x1bf: {  	[tilespmem:s16], [sflag:$0x1] =	stream.indirect.gather [hbm4b:s6+s14], $0x20, s11, s14, $0xb8;
	[tilespmem:$0x1B580] =	vst v63  }
0x1c0: {  	s11 =	simm.s32 $0x578;
	s16 =	simm.s32 $0xBB80  }
0x1c1: {  	[tilespmem:s16], [sflag:$0x1] =	stream.indirect.gather [hbm4b:s6+s14], $0x20, s11, s14, $0xb8;
	[tilespmem:$0x1B580] =	vst v63  }
0x1c2: {  	s11 =	simm.s32 $0x5A0;
	s16 =	simm.s32 $0xC080  }
0x1c3: {  	[tilespmem:s16], [sflag:$0x1] =	stream.indirect.gather [hbm4b:s6+s14], $0x20, s11, s14, $0xb8;
	[tilespmem:$0x1B580] =	vst v63  }
0x1c4: {  	s11 =	simm.s32 $0x5C8;
	s16 =	simm.s32 $0xC580  }
0x1c5: {  	[tilespmem:s16], [sflag:$0x1] =	stream.indirect.gather [hbm4b:s6+s14], $0x20, s11, s14, $0xb8;
	[tilespmem:$0x1B580] =	vst v63  }
0x1c6: {  	s11 =	simm.s32 $0x5F0;
	s16 =	simm.s32 $0xCA80  }
0x1c7: {  	[tilespmem:s16], [sflag:$0x1] =	stream.indirect.gather [hbm4b:s6+s14], $0x20, s11, s14, $0xb8;
	[tilespmem:$0x1B580] =	vst v63  }
0x1c8: {  	s11 =	simm.s32 $0x618;
	s16 =	simm.s32 $0xCF80  }
0x1c9: {  	[tilespmem:s16], [sflag:$0x1] =	stream.indirect.gather [hbm4b:s6+s14], $0x20, s11, s14, $0xb8;
	[tilespmem:$0x1B580] =	vst v63  }
.LBB2_6:
0x1ca: {  	_ =	swait.ge [sflag:s30], $0x500  }
0x1cb: {  	[sflag:s30] =	ssyncset.done $0x0  }
0x1cc: {  	[sflag:s30] =	ssyncadd.s32 $0xFFFFFB00  }
0x1cd: {  	_ =	swait.ge [sflag:s30], $0x500  }
0x1ce: {  	[sflag:s30] =	ssyncset.done $0x0  }
0x1cf: {  	[sflag:s30] =	ssyncadd.s32 $0xFFFFFB00  }
0x1d0: {  	_ =	swait.ge [sflag:s30], $0x500  }
0x1d1: {  	[sflag:s30] =	ssyncset.done $0x0  }
0x1d2: {  	[sflag:s30] =	ssyncadd.s32 $0xFFFFFB00  }
0x1d3: {  	_ =	swait.ge [sflag:s30], $0x500  }
0x1d4: {  	[sflag:s30] =	ssyncset.done $0x0  }
0x1d5: {  	[sflag:s30] =	ssyncadd.s32 $0xFFFFFB00  }
0x1d6: {  	_ =	swait.ge [sflag:s30], $0x500  }
0x1d7: {  	[sflag:s30] =	ssyncset.done $0x0  }
0x1d8: {  	[sflag:s30] =	ssyncadd.s32 $0xFFFFFB00  }
0x1d9: {  	_ =	swait.ge [sflag:s30], $0x500  }
0x1da: {  	[sflag:s30] =	ssyncset.done $0x0  }
0x1db: {  	[sflag:s30] =	ssyncadd.s32 $0xFFFFFB00  }
0x1dc: {  	_ =	swait.ge [sflag:s30], $0x500  }
0x1dd: {  	[sflag:s30] =	ssyncset.done $0x0  }
0x1de: {  	[sflag:s30] =	ssyncadd.s32 $0xFFFFFB00  }
0x1df: {  	_ =	swait.ge [sflag:s30], $0x500  }
0x1e0: {  	[sflag:s30] =	ssyncset.done $0x0  }
0x1e1: {  	[sflag:s30] =	ssyncadd.s32 $0xFFFFFB00  }
0x1e2: {  	_ =	swait.ge [sflag:s30], $0x500  }
0x1e3: {  	[sflag:s30] =	ssyncset.done $0x0  }
0x1e4: {  	[sflag:s30] =	ssyncadd.s32 $0xFFFFFB00  }
0x1e5: {  	_ =	swait.ge [sflag:s30], $0x500  }
0x1e6: {  	[sflag:s30] =	ssyncset.done $0x0  }
0x1e7: {  	[sflag:s30] =	ssyncadd.s32 $0xFFFFFB00  }
0x1e8: {  	_ =	swait.ge [sflag:s30], $0x500  }
0x1e9: {  	[sflag:s30] =	ssyncset.done $0x0  }
0x1ea: {  	[sflag:s30] =	ssyncadd.s32 $0xFFFFFB00  }
0x1eb: {  	_ =	swait.ge [sflag:s30], $0x500  }
0x1ec: {  	[sflag:s30] =	ssyncset.done $0x0  }
0x1ed: {  	[sflag:s30] =	ssyncadd.s32 $0xFFFFFB00  }
0x1ee: {  	_ =	swait.ge [sflag:s30], $0x500  }
0x1ef: {  	[sflag:s30] =	ssyncset.done $0x0  }
0x1f0: {  	[sflag:s30] =	ssyncadd.s32 $0xFFFFFB00  }
0x1f1: {  	_ =	swait.ge [sflag:s30], $0x500  }
0x1f2: {  	[sflag:s30] =	ssyncset.done $0x0  }
0x1f3: {  	[sflag:s30] =	ssyncadd.s32 $0xFFFFFB00  }
0x1f4: {  	_ =	swait.ge [sflag:s30], $0x500  }
0x1f5: {  	[sflag:s30] =	ssyncset.done $0x0  }
0x1f6: {  	[sflag:s30] =	ssyncadd.s32 $0xFFFFFB00  }
0x1f7: {  	_ =	swait.ge [sflag:s30], $0x500  }
0x1f8: {  	[sflag:s30] =	ssyncset.done $0x0  }
0x1f9: {  	[sflag:s30] =	ssyncadd.s32 $0xFFFFFB00  }
0x1fa: {  	_ =	swait.ge [sflag:s30], $0x500  }
0x1fb: {  	[sflag:s30] =	ssyncset.done $0x0  }
0x1fc: {  	[sflag:s30] =	ssyncadd.s32 $0xFFFFFB00  }
0x1fd: {  	_ =	swait.ge [sflag:s30], $0x500  }
0x1fe: {  	[sflag:s30] =	ssyncset.done $0x0  }
0x1ff: {  	[sflag:s30] =	ssyncadd.s32 $0xFFFFFB00  }
0x200: {  	_ =	swait.ge [sflag:s30], $0x500  }
0x201: {  	[sflag:s30] =	ssyncset.done $0x0  }
0x202: {  	[sflag:s30] =	ssyncadd.s32 $0xFFFFFB00  }
0x203: {  	_ =	swait.ge [sflag:s30], $0x500  }
0x204: {  	[sflag:s30] =	ssyncset.done $0x0  }
0x205: {  	[sflag:s30] =	ssyncadd.s32 $0xFFFFFB00  }
0x206: {  	_ =	swait.ge [sflag:s30], $0x500  }
0x207: {  	[sflag:s30] =	ssyncset.done $0x0  }
0x208: {  	[sflag:s30] =	ssyncadd.s32 $0xFFFFFB00  }
0x209: {  	_ =	swait.ge [sflag:s30], $0x500  }
0x20a: {  	[sflag:s30] =	ssyncset.done $0x0  }
0x20b: {  	[sflag:s30] =	ssyncadd.s32 $0xFFFFFB00  }
0x20c: {  	_ =	swait.ge [sflag:s30], $0x500  }
0x20d: {  	[sflag:s30] =	ssyncset.done $0x0  }
0x20e: {  	[sflag:s30] =	ssyncadd.s32 $0xFFFFFB00  }
0x20f: {  	_ =	swait.ge [sflag:s30], $0x500  }
0x210: {  	[sflag:s30] =	ssyncset.done $0x0  }
0x211: {  	[sflag:s30] =	ssyncadd.s32 $0xFFFFFB00  }
0x212: {  	_ =	swait.ge [sflag:s30], $0x500  }
0x213: {  	[sflag:s30] =	ssyncset.done $0x0  }
0x214: {  	[sflag:s30] =	ssyncadd.s32 $0xFFFFFB00  }
0x215: {  	_ =	swait.ge [sflag:s30], $0x500  }
0x216: {  	[sflag:s30] =	ssyncset.done $0x0  }
0x217: {  	[sflag:s30] =	ssyncadd.s32 $0xFFFFFB00  }
0x218: {  	_ =	swait.ge [sflag:s30], $0x500  }
0x219: {  	[sflag:s30] =	ssyncset.done $0x0  }
0x21a: {  	[sflag:s30] =	ssyncadd.s32 $0xFFFFFB00  }
0x21b: {  	_ =	swait.ge [sflag:s30], $0x500  }
0x21c: {  	[sflag:s30] =	ssyncset.done $0x0  }
0x21d: {  	[sflag:s30] =	ssyncadd.s32 $0xFFFFFB00  }
0x21e: {  	_ =	swait.ge [sflag:s30], $0x500  }
0x21f: {  	[sflag:s30] =	ssyncset.done $0x0  }
0x220: {  	[sflag:s30] =	ssyncadd.s32 $0xFFFFFB00  }
0x221: {  	_ =	swait.ge [sflag:s30], $0x500  }
0x222: {  	[sflag:s30] =	ssyncset.done $0x0  }
0x223: {  	[sflag:s30] =	ssyncadd.s32 $0xFFFFFB00  }
0x224: {  	_ =	swait.ge [sflag:s30], $0x500  }
0x225: {  	[sflag:s30] =	ssyncset.done $0x0  }
0x226: {  	[sflag:s30] =	ssyncadd.s32 $0xFFFFFB00  }
0x227: {  	_ =	swait.ge [sflag:s30], $0x500  }
0x228: {  	[sflag:s30] =	ssyncset.done $0x0  }
0x229: {  	[sflag:s30] =	ssyncadd.s32 $0xFFFFFB00  }
0x22a: {  	_ =	swait.ge [sflag:s30], $0x500  }
0x22b: {  	[sflag:s30] =	ssyncset.done $0x0  }
0x22c: {  	[sflag:s30] =	ssyncadd.s32 $0xFFFFFB00  }
0x22d: {  	_ =	swait.ge [sflag:s30], $0x500  }
0x22e: {  	[sflag:s30] =	ssyncset.done $0x0  }
0x22f: {  	[sflag:s30] =	ssyncadd.s32 $0xFFFFFB00  }
0x230: {  	_ =	swait.ge [sflag:s30], $0x500  }
0x231: {  	[sflag:s30] =	ssyncset.done $0x0  }
0x232: {  	[sflag:s30] =	ssyncadd.s32 $0xFFFFFB00  }
0x233: {  	_ =	swait.ge [sflag:s30], $0x500  }
0x234: {  	[sflag:s30] =	ssyncset.done $0x0  }
0x235: {  	[sflag:s30] =	ssyncadd.s32 $0xFFFFFB00  }
0x236: {  	_ =	swait.ge [sflag:s30], $0x500  }
0x237: {  	[sflag:s30] =	ssyncset.done $0x0  }
0x238: {  	[sflag:s30] =	ssyncadd.s32 $0xFFFFFB00  }
0x239: {  	_ =	swait.ge [sflag:s30], $0x500  }
0x23a: {  	[sflag:s30] =	ssyncset.done $0x0  }
0x23b: {  	[sflag:s30] =	ssyncadd.s32 $0xFFFFFB00  }
0x23c: {  	_ =	swait.ge [sflag:s30], $0x500  }
0x23d: {  	[sflag:s30] =	ssyncset.done $0x0  }
0x23e: {  	[sflag:s30] =	ssyncadd.s32 $0xFFFFFB00  }
0x23f: {  	_ =	swait.ge [sflag:s30], $0x500  }
0x240: {  	[sflag:s30] =	ssyncset.done $0x0  }
0x241: {  	s7 =	simm.s32 $0x0;
	[sflag:s30] =	ssyncadd.s32 $0xFFFFFB00  }
0x242: {  	v0 =	vld [tilespmem:s7+$0x19C90]  }
0x243: {  	v1 =	vld [tilespmem:s7+$0x19C80];
	_ =	sdelay $0x3  }
0x244: {  	[tilespmem:s7+$0x18390] =	vst.add.f32.msk $0xffff, v0  }
0x245: {  	[tilespmem:s7+$0xD480] =	vst.add.f32.msk $0xffff, v1  }
0x246: {  	[tilespmem:s7+$0xD490] =	vst.add.f32.msk $0xffff, v0  }
0x247: {  	[tilespmem:s7+$0xED80] =	vst.add.f32.msk $0xffff, v1  }
0x248: {  	[tilespmem:s7+$0xED90] =	vst.add.f32.msk $0xffff, v0  }
0x249: {  	[tilespmem:s7+$0x10680] =	vst.add.f32.msk $0xffff, v1  }
0x24a: {  	[tilespmem:s7+$0x10690] =	vst.add.f32.msk $0xffff, v0  }
0x24b: {  	[tilespmem:s7+$0x11F80] =	vst.add.f32.msk $0xffff, v1  }
0x24c: {  	[tilespmem:s7+$0x11F90] =	vst.add.f32.msk $0xffff, v0  }
0x24d: {  	[tilespmem:s7+$0x13880] =	vst.add.f32.msk $0xffff, v1  }
0x24e: {  	[tilespmem:s7+$0x13890] =	vst.add.f32.msk $0xffff, v0  }
0x24f: {  	[tilespmem:s7+$0x15180] =	vst.add.f32.msk $0xffff, v1  }
0x250: {  	s11 =	simm.s32 $0x20;
	s8 =	simm.s32 $0x100;
	[tilespmem:s7+$0x15190] =	vst.add.f32.msk $0xffff, v0  }
.LBB2_7:
0x251: {  	p0 =	sne.s32 s8, $0x6380;
	v2 =	vld [tilespmem:s11+$0x19C90]  }
0x252: {  	v3 =	vld [tilespmem:s11+$0x19C80]  }
0x253: {  	[tilespmem:s7+$0x16A80] =	vst.add.f32.msk $0xffff, v1  }
0x254: {  	[tilespmem:s7+$0x16A90] =	vst.add.f32.msk $0xffff, v0  }
0x255: {  	[tilespmem:s7+$0x18380] =	vst.add.f32.msk $0xffff, v1;
	s7 =	smov.u32 s11  }
0x256: {  	[tilespmem:s7+$0x18390] =	vst.add.f32.msk $0xffff, v2;
	v0 =	vmov v2  }
0x257: {  	[tilespmem:s7+$0xD480] =	vst.add.f32.msk $0xffff, v3;
	v1 =	vmov v3  }
0x258: {  	[tilespmem:s7+$0xD490] =	vst.add.f32.msk $0xffff, v0  }
0x259: {  	[tilespmem:s7+$0xED80] =	vst.add.f32.msk $0xffff, v1  }
0x25a: {  	[tilespmem:s7+$0xED90] =	vst.add.f32.msk $0xffff, v0  }
0x25b: {  	[tilespmem:s7+$0x10680] =	vst.add.f32.msk $0xffff, v1  }
0x25c: {  	[tilespmem:s7+$0x10690] =	vst.add.f32.msk $0xffff, v0  }
0x25d: {  	[tilespmem:s7+$0x11F80] =	vst.add.f32.msk $0xffff, v1  }
.Ltmp2:
0x25e: {  	[tilespmem:s7+$0x11F90] =	vst.add.f32.msk $0xffff, v0;
	(pc) =	sbr.rel @p0 .LBB2_7-.Ltmp2, $4  }
0x25f: {  	[tilespmem:s7+$0x13880] =	vst.add.f32.msk $0xffff, v1  }
0x260: {  	[tilespmem:s7+$0x13890] =	vst.add.f32.msk $0xffff, v0  }
0x261: {  	[tilespmem:s7+$0x15180] =	vst.add.f32.msk $0xffff, v1  }
0x262: {  	s11 =	sshra.s32 s8, $0x2;
	s8 =	sadd.s32 $0x80, s8;
	[tilespmem:s7+$0x15190] =	vst.add.f32.msk $0xffff, v0  }
0x263: {  	v2 =	vld [tilespmem:s11+$0x19C90]  }
0x264: {  	v3 =	vld [tilespmem:s11+$0x19C80]  }
0x265: {  	[tilespmem:s7+$0x16A80] =	vst.add.f32.msk $0xffff, v1  }
0x266: {  	[tilespmem:s7+$0x16A90] =	vst.add.f32.msk $0xffff, v0  }
0x267: {  	[tilespmem:s7+$0x18380] =	vst.add.f32.msk $0xffff, v1  }
0x268: {  	[tilespmem:s11+$0x18390] =	vst.add.f32.msk $0xffff, v2  }
0x269: {  	[tilespmem:s11+$0xD480] =	vst.add.f32.msk $0xffff, v3  }
0x26a: {  	[tilespmem:s11+$0xD490] =	vst.add.f32.msk $0xffff, v2  }
0x26b: {  	[tilespmem:s11+$0xED80] =	vst.add.f32.msk $0xffff, v3  }
0x26c: {  	[tilespmem:s11+$0xED90] =	vst.add.f32.msk $0xffff, v2  }
0x26d: {  	[tilespmem:s11+$0x10680] =	vst.add.f32.msk $0xffff, v3  }
0x26e: {  	[tilespmem:s11+$0x10690] =	vst.add.f32.msk $0xffff, v2  }
0x26f: {  	[tilespmem:s11+$0x11F80] =	vst.add.f32.msk $0xffff, v3  }
0x270: {  	[tilespmem:s11+$0x11F90] =	vst.add.f32.msk $0xffff, v2  }
0x271: {  	[tilespmem:s11+$0x13880] =	vst.add.f32.msk $0xffff, v3  }
0x272: {  	s1 =	sadd.s32 $0x1, s1;
	[tilespmem:s11+$0x13890] =	vst.add.f32.msk $0xffff, v2  }
0x273: {  	p0 =	sne.s32 s1, $0x8;
	[tilespmem:s11+$0x15180] =	vst.add.f32.msk $0xffff, v3  }
.Ltmp3:
0x274: {  	[tilespmem:s11+$0x15190] =	vst.add.f32.msk $0xffff, v2;
	(pc) =	sbr.rel @p0 .LBB2_2-.Ltmp3, $4  }
0x275: {  	s16 =	smul.u32 $0x320, s12;
	[tilespmem:s11+$0x16A80] =	vst.add.f32.msk $0xffff, v3  }
0x276: {  	[tilespmem:s11+$0x16A90] =	vst.add.f32.msk $0xffff, v2  }
0x277: {  	s7 =	sadd.s32 s2, s16;
	[tilespmem:s11+$0x18380] =	vst.add.f32.msk $0xffff, v3  }
0x278: {  	[hbm4b:s7+s3] =	stream.linear.scatter [tilespmem:s0], [sflag:$0x3], $0xC800, $0x38;
	[tilespmem:$0x1B580] =	vst v63  }
0x279: {  	_ =	swait.ge [sflag:s10], $0xC800  }
0x27a: {  	[sflag:s10] =	ssyncset.done $0x0  }
0x27b: {  	s7 =	simm.s32 $0x3;
	[sflag:s10] =	ssyncadd.s32 $0xFFFF3800  }
0x27c: {  	_ =	swait.ge [sflag:s7], $0xC800  }
0x27d: {  	s8 =	rddreg [dreg:$0x7]  }
0x27e: {  	s1 =	rddreg [dreg:$0x6];
	s8 =	sadd.s32 $0x1, s8  }
0x27f: {  	p0 =	sne.s32 s8, s1  }
.Ltmp4:
0x280: {  	_ = 	snop;
	(pc) =	sbr.rel @p0 .LBB2_1-.Ltmp4, $3  }
0x281: {  	_ =	sdelay $0x1  }
0x282: {  	[sflag:s7] =	ssyncset.done $0x0  }
0x283: {  	[sflag:s7] =	ssyncadd.s32 $0xFFFF3800  }
0x284: {  	_ =	sfence.sel $0x180000  }
0x285: {  	[bflag:$0x0] =	sbarrier.arrive $0xFFFF  }
0x286: {  	_ =	strace $0x90000047  }
0x287: {  	s0 =	stileid.u32;
	[bflag:$0x2] =	sbarrier.arrive $0xFFFF  }
0x288: {  	p0 =	sne.s32 s0, $0x0;
	s0 =	rddreg [dreg:$0x2]  }
0x289: {  	s0 =	sadd.s32 @!p0 $0x100000, s0  }
0x28a: {  	[sflag:s0] =	ssyncadd.tile.s32 @!p0 $0x1;
	_ =	shalt  }
.Lfunc_end2:
_tile_overlayer_lowered:
.L_overlay_start_2:
0x28b: {  	(tag) =	ssettag $0x2  }
0x28c: {  	s0 =	rddreg [dreg:$0x0];
	s2 =	stileid.u32  }
0x28d: {  	s1 =	rddreg [dreg:$0x1];
	p0 =	sne.s32 s2, $0x0  }
0x28e: {  	s3 =	rddreg [dreg:$0x2];
	[bflag:$0x3] =	sbarrier.arrive $0xFFFF;
	s2 =	simm.s32 @!p0 $0x1C04  }
0x28f: {  	[timem:s3], [sflag:s2] =	dma.local @!p0 [hbm:s0], s1  }
0x290: {  	s0 =	simm.s32 @!p0 $0x4  }
0x291: {  	_ =	swait.ge @!p0 [sflag:s0], s1  }
0x292: {  	s1 =	ssub.s32 @!p0 $0x0, s1;
	[sflag:s0] =	ssyncset.done @!p0 $0x0  }
0x293: {  	[sflag:s0] =	ssyncadd.s32 @!p0 s1  }
0x294: {  	[bflag:$0x3] =	sbarrier.arrive $0xFFFF  }
0x295: {  	_ =	shalt  }

// kernel: sparse-core-data-format-call.cloned.1.call-start
scs
called_computation_lowered:
.L_overlay_start_0:
0x0: {  	s2 =	sld [smem:$0x3FD9]  }
0x1: {  	s3 =	sld [smem:$0x3FFE];
	_ =	sdelay $0x1  }
0x2: {  	s1 =	srdreg.scid  }
0x3: {  	s0 =	sand.u32 $0x1, s1  }
0x4: {  	s18 =	sshll.u32 s0, $0xA;
	s2 =	sadd.s32 s3, s2  }
0x5: {  	s2 =	sadd.s32 s2, s18  }
0x6: {  	[smem:$0x3FC5] =	sst s2  }
0x7: {  	_ = 	snop  }
0x8: {  	s2 =	sld [smem:$0x3FD0];
	(tm) =	ssettm $0x1  }
0x9: {  	s19 =	sld [smem:$0x3FFB];
	_ =	sdelay $0x3  }
0xa: {  	_ =	strace s19  }
0xb: {  	s3 =	sld [smem:$0x3FFC];
	_ =	sdelay $0x3  }
0xc: {  	_ =	strace s3  }
0xd: {  	s3 =	sld [smem:$0x3FFD];
	_ =	sdelay $0x3  }
0xe: {  	_ =	strace s3  }
0xf: {  	_ =	strace $0x8FFFFFFF  }
0x10: {  	s20 =	sld [smem:$0x3FDB];
	_ =	sdelay $0x1  }
0x11: {  	s4 =	simm.s32 $_scs_section_size  }
0x12: {  	s5 =	simm.s32 $_size__tile_overlayer_lowered;
	s6 =	simm.s32 $_tile_overlayer_lowered  }
0x13: {  	s23 =	simm.s32 $0x1BFF;
	s22 =	sshll.u32 s6, $0x1;
	s3 =	sadd.s32 s4, s20  }
0x14: {  	s7 =	simm.s32 $0x0;
	s21 =	sshll.u32 s5, $0x1;
	s5 =	sadd.s32 s22, s3  }
0x15: {  	[timem:s7], [sflag:s23] =	dma.local [hbm:s5], s21  }
0x16: {  	_ =	swait.ge [sflag:s23], s21  }
0x17: {  	s4 =	ssub.s32 $0x0, s21;
	[sflag:s23] =	ssyncset.done $0x0  }
0x18: {  	[sflag:s23] =	ssyncadd.s32 s4;
	_ =	sdelay $0x1  }
0x19: {  	s24 =	simm.s32 $0x1B8B  }
0x1a: {  	_ =	swait.ge [sflag:s24], $0x1  }
0x1b: {  	[sflag:s24] =	ssyncset.done $0x0  }
0x1c: {  	s26 =	simm.s32 $0x1B8E;
	s25 =	sld [smem:$0x3FFE];
	[sflag:s24] =	ssyncadd.s32 $0xFFFFFFFF  }
0x1d: {  	s27 =	simm.s32 $execute0_lowered;
	[smem:$0x3FD2] =	sst s26  }
0x1e: {  	s5 =	sshll.u32 s27, $0x1;
	_ =	strace $0x80000049;
	[dreg:$0x1] =	wrdreg $0xFFFFFFFF  }
0x1f: {  	s28 =	simm.s32 $_size_execute0_lowered;
	s3 =	sadd.s32 s3, s5;
	[dreg:$0x0] =	wrdreg $0x0  }
0x20: {  	s5 =	sshll.u32 s28, $0x1;
	[dreg:$0x2] =	wrdreg s3  }
0x21: {  	[dreg:$0x3] =	wrdreg s5  }
0x22: {  	[dreg:$0x4] =	wrdreg $0xC0  }
0x23: {  	_ =	task [dreg:s7], $0x5FFFF  }
0x24: {  	[dreg:$0x1] =	wrdreg $0xFFFFFFFF  }
0x25: {  	[dreg:$0x0] =	wrdreg $0x60  }
0x26: {  	[dreg:$0x2] =	wrdreg s25  }
0x27: {  	[dreg:$0x3] =	wrdreg s2  }
0x28: {  	[dreg:$0x4] =	wrdreg $0x9  }
0x29: {  	_ =	task.clear_ibuf [dreg:s7], $0x5FFFF;
	_ =	strace $0x90000049  }
0x2a: {  	s29 =	simm.s32 $0x9;
	_ =	strace $0x8000004B  }
0x2b: {  	_ =	swait.ge [sflag:s29], $0x1  }
0x2c: {  	[sflag:s29] =	ssyncadd.s32 $0xFFFFFFFF  }
0x2d: {  	_ =	strace $0x9000004B  }
0x2e: {  	_ =	sfence  }
0x2f: {  	s30 =	sld [smem:$0x0];
	_ =	sdelay $0x2  }
0x30: {  	s31 =	sshll.u32 s1, $0xD;
	s1 =	sshrl.u32 s1, $0x2  }
0x31: {  	s3 =	sand.u32 $0x4000, s31;
	s1 =	sadd.s32 s1, s30  }
0x32: {  	s0 =	sor.u32 s3, s0;
	s1 =	sshll.u32 s1, $0x11  }
0x33: {  	s0 =	sor.u32 s1, s0  }
0x34: {  	s0 =	sadd.s32 $0x8F2B, s0  }
0x35: {  	[sflag:s0] =	ssyncadd.remote.s32 $0x1  }
0x36: {  	_ =	sfence.sel $0xFFFF  }
0x37: {  	[dreg:$0x0] =	wrdreg $0xFFFFFFFF;
	(pc) =	sbr.abs _section_cstart, $3  }
0x38: {  	[dreg:$0x1] =	wrdreg $0xFFFFFFFF  }
0x39: {  	_ =	task.clear_ibuf [dreg:s7], $0x2FFFF;
	_ =	strace $0x9FFFFFFF  }
0x3a: {  	(tm) =	ssettm $0x7FFFFFFF  }
0x3b: {  	_ =	shalt  }
tec
execute0_lowered:
.L_overlay_start_1:
0x0: {  	(tag) =	ssettag $0x1  }
0x1: {  	s0 =	srdreg.scid  }
0x2: {  	s1 =	sshll.u32 s0, $0x4  }
0x3: {  	s0 =	stileid.u32;
	s1 =	sand.u32 $0x10, s1  }
0x4: {  	s1 =	sor.u32 s0, s1  }
0x5: {  	s6 =	rddreg [dreg:$0x0];
	s4 =	simm.s32 $0x1;
	s2 =	sshll.u32 s1, $0x7  }
0x6: {  	s7 =	simm.s32 $0x2;
	s12 =	simm.s32 $0x0;
	s1 =	ssub.s32 $0x1000, s2  }
0x7: {  	s8 =	simm.s32 $0x8000;
	s13 =	simm.s32 $0x0;
	s3 =	sand.u32 $0xF80, s1  }
0x8: {  	s9 =	simm.s32 $0x0;
	s5 =	sshrl.u32 s1, $0xC;
	p0 =	sne.s32 s3, $0x0  }
.Ltmp0:
0x9: {  	s1 =	rddreg [dreg:$0x2];
	s4 =	simm.s32 @!p0 $0x0;
	(pc) =	sbr.rel .LBB1_1-.Ltmp0, $4  }
0xa: {  	s11 =	simm.s32 $0x0;
	s3 =	rddreg [dreg:$0x1];
	s5 =	sadd.s32 s4, s5  }
0xb: {  	_ =	strace $0x8000004A;
	s4 =	simm.s32 $0x1;
	s5 =	smul.u32 $0xC8, s5  }
0xc: {  	s6 =	sadd.s32 $0xC00, s6;
	s10 =	smov.u32 s2;
	[sflag:s4] =	ssyncpa.u1 $0x0  }
0xd: {  	p0 =	por $0x0, $0x0;
	[sflag:s7] =	ssyncpa.u1 $0x0;
	s7 =	sor.u32 $0x1, s5  }
.LBB1_4:
0xe: {  	s16 =	sshll.u32 s13, $0x3;
	s17 =	sand.u32 $0x78, s13  }
0xf: {  	s30 =	sand.u32 $0x3E00, s13;
	s12 =	sshll.u32 s12, $0xE;
	s16 =	sand.u32 $0xC00, s16  }
0x10: {  	s31 =	sand.u32 $0x7, s13;
	s16 =	sor.u32 s17, s16;
	s17 =	sadd.s32 s3, s30  }
0x11: {  	s13 =	sshll.u32 s31, $0x12;
	s16 =	sshrl.u32 s16, $0x3;
	s12 =	sadd.s32 s12, s17  }
0x12: {  	[tilespmem:s15+$0x0 ss:$0x81] =	vst.msk $0xffff, v0;
	s13 =	sor.u32 $0x400, s13;
	s12 =	sadd.s32 s16, s12  }
0x13: {  	[hbm4b:s12+s13] =	stream.strided.scatter [tilespmem:s14], [sflag:$0x2], $0x1000, s8, s13, $0x20;
	[tilespmem:$0x4040] =	vst v63  }
.LBB1_5:
0x14: {  	s14 =	sadd.s32 $0x1, s9  }
0x15: {  	s12 =	sadd.s32 $0x1000, s10;
	s16 =	smov.u32 s10;
	p2 =	sgt.s32 s14, $0xC7  }
0x16: {  	s16 =	smov.u32 @p2 s12  }
0x17: {  	s14 =	simm.s32 @p2 $0x0;
	p2 =	sgt.s32 s16, $0xFFF  }
0x18: {  	s16 =	smov.u32 @p2 s2;
	p2 =	sne.s32 s11, s7  }
.Ltmp1:
0x19: {  	p1 =	slt.u32 s11, $0x2;
	(pc) =	sbr.rel @!p2 .LBB1_6-.Ltmp1, $4  }
0x1a: {  	s15 =	simm.s32 @!p1 $0x2  }
0x1b: {  	s13 =	smov.u32 s10;
	p0 =	por !p0, !p0;
	_ =	swait.ge @!p1 [sflag:s15], $0x1000  }
0x1c: {  	s12 =	smov.u32 s9;
	[sflag:s15] =	ssyncset.done @!p1 $0x0;
	s9 =	smov.u32 s14  }
0x1d: {  	s11 =	sadd.s32 $0x1, s11;
	[sflag:s15] =	ssyncadd.s32 @!p1 $0xFFFFF000;
	s10 =	smov.u32 s16  }
.LBB1_1:
0x1e: {  	p1 =	sge.u32 s11, s5  }
0x1f: {  	s14 =	sand.u32 @!p1 $0x1FFFFFF, s9  }
0x20: {  	s15 =	smulhi.u32 @!p1 $0x147AE15, s14;
	_ =	sdelay $0x1  }
0x21: {  	s15 =	smul.u32 @!p1 $0xC8, s15  }
0x22: {  	s16 =	sxor.u32 @!p1 $0xFFFFFFFF, s11;
	s17 =	smul.u32 @!p1 $0xC80, s10  }
0x23: {  	s31 =	sadd.s32 $0xFFFFFFFF, s11;
	s16 =	sshll.u32 @!p1 s16, $0xC;
	s14 =	ssub.s32 @!p1 s14, s15  }
0x24: {  	s15 =	sand.u32 @!p1 $0x1000, s16;
	s16 =	sadd.s32 @!p1 s6, s17;
	s14 =	sshll.u32 @!p1 s14, $0x4  }
0x25: {  	s17 =	simm.s32 @!p1 $0x6400;
	s14 =	sadd.s32 @!p1 s14, s16;
	s16 =	simm.s32 @!p1 $0x20  }
0x26: {  	[tilespmem:s15], [sflag:$0x1] =	stream.strided.gather @!p1 [hbm4b:s14+s16], $0x1000, s17, s16, $0x38;
	[tilespmem:$0x4040] =	vst v63  }
0x27: {  	p1 =	sge.u32 s31, s5  }
.Ltmp2:
0x28: {  	_ = 	snop;
	(pc) =	sbr.rel @p1 .LBB1_5-.Ltmp2, $1  }
0x29: {  	_ =	sdelay $0x3  }
0x2a: {  	s14 =	simm.s32 $0x1  }
0x2b: {  	_ =	swait.ge [sflag:s4], $0x1000;
	s14 =	simm.s32 @!p0 $0x0  }
0x2c: {  	[sflag:s4] =	ssyncset.done $0x0;
	s15 =	sshll.u32 s14, $0xC  }
0x2d: {  	[sflag:s4] =	ssyncadd.s32 $0xFFFFF000;
	s18 =	sor.u32 $0x10, s15  }
0x2e: {  	s14 =	smul.u32 $0x4080, s14;
	v1 =	vld [tilespmem:s18+$0x0]  }
0x2f: {  	s30 =	sand.u32 $0x1, s11;
	v0 =	vld [tilespmem:s18+$0xFFFFFFF0]  }
0x30: {  	s15 =	smul.u32 $0x4080, s30;
	s14 =	sshrl.u32 s14, $0x2  }
0x31: {  	s16 =	sor.u32 $0x2000, s14  }
0x32: {  	s31 =	sshrl.u32 s15, $0x2;
	s15 =	sadd.s32 $0x0, s16  }
0x33: {  	s17 =	simm.s32 $0x4;
	s18 =	sadd.s32 $0x20, s18;
	s14 =	sor.u32 $0x2000, s31;
	[tilespmem:s15+$0x810 ss:$0x81] =	vst.msk $0xffff, v1  }
.LBB1_3:
0x34: {  	v1 =	vld [tilespmem:s18+$0x0];
	p1 =	sne.s32 s17, $0x1FC;
	[tilespmem:s15+$0x0 ss:$0x81] =	vst.msk $0xffff, v0;
	s15 =	smov.u32 s17;
	s17 =	sadd.s32 $0x4, s17  }
.Ltmp3:
0x35: {  	v0 =	vld [tilespmem:s18+$0xFFFFFFF0];
	(pc) =	sbr.rel @p1 .LBB1_3-.Ltmp3, $4  }
0x36: {  	_ = 	snop  }
0x37: {  	s15 =	sshra.s32 s15, $0x2  }
0x38: {  	s15 =	sadd.s32 s15, s16  }
0x39: {  	s18 =	sadd.s32 $0x20, s18;
	[tilespmem:s15+$0x810 ss:$0x81] =	vst.msk $0xffff, v1  }
.Ltmp4:
0x3a: {  	_ = 	snop;
	(pc) =	sbr.rel .LBB1_4-.Ltmp4, $1  }
0x3b: {  	_ =	sdelay $0x3  }
.LBB1_6:
0x3c: {  	_ =	sfence.sel $0x180000  }
0x3d: {  	s2 =	simm.s32 $0x1;
	[bflag:$0x0] =	sbarrier.arrive $0xFFFF  }
0x3e: {  	s31 =	simm.s32 $0x2;
	[sflag:s2] =	ssyncpa.u1 $0x1  }
0x3f: {  	[sflag:s31] =	ssyncpa.u1 $0x1  }
0x40: {  	p0 =	sne.s32 s0, $0x0;
	_ =	strace $0x9000004A  }
0x41: {  	s0 =	sadd.s32 @!p0 $0x100000, s1;
	[bflag:$0x2] =	sbarrier.arrive $0xFFFF  }
0x42: {  	[sflag:s0] =	ssyncadd.tile.s32 @!p0 $0x1;
	_ =	shalt  }
.Lfunc_end1:
_tile_overlayer_lowered:
.L_overlay_start_2:
0x43: {  	(tag) =	ssettag $0x2  }
0x44: {  	s0 =	rddreg [dreg:$0x0];
	s2 =	stileid.u32  }
0x45: {  	s1 =	rddreg [dreg:$0x1];
	p0 =	sne.s32 s2, $0x0  }
0x46: {  	s3 =	rddreg [dreg:$0x2];
	[bflag:$0x3] =	sbarrier.arrive $0xFFFF;
	s2 =	simm.s32 @!p0 $0x1C01  }
0x47: {  	[timem:s3], [sflag:s2] =	dma.local @!p0 [hbm:s0], s1  }
0x48: {  	s0 =	simm.s32 @!p0 $0x1  }
0x49: {  	_ =	swait.ge @!p0 [sflag:s0], s1  }
0x4a: {  	s1 =	ssub.s32 @!p0 $0x0, s1;
	[sflag:s0] =	ssyncset.done @!p0 $0x0  }
0x4b: {  	[sflag:s0] =	ssyncadd.s32 @!p0 s1  }
0x4c: {  	[bflag:$0x3] =	sbarrier.arrive $0xFFFF  }
0x4d: {  	_ =	shalt  }

</sc_bundles>
